<compile_context>
chip_gen: v7x
topology: tpu7x:2x2x1
jax: 0.10.2.dev20260603
libtpu: 0.0.44.dev20260713+nightly
codegen_flags: <defaults>
</compile_context>

<pallas_src>
import functools

import jax
import jax.numpy as jnp
from jax import lax
from jax.experimental import pallas as pl
from jax.experimental.pallas import tpu as pltpu
from jax.experimental.pallas import tpu_sc as plsc

B, S, D = 4096, 200, 64
NUM_ROWS = 12
BS = B * S
D2 = 2 * D

NC, NS = 2, 16
NW = NC * NS
ROWS_PER_W = BS // NW
MB = 160
NMB = ROWS_PER_W // MB
G = MB // 16

_mesh = plsc.VectorSubcoreMesh(core_axis_name="c", subcore_axis_name="s")


@functools.partial(
    pl.kernel,
    out_type=jax.ShapeDtypeStruct((BS, D2), jnp.float32),
    mesh=_mesh,
    compiler_params=pltpu.CompilerParams(needs_layout_passes=False),
    scratch_types=[
        pltpu.VMEM((NUM_ROWS * D,), jnp.float32),
        pltpu.VMEM((MB,), jnp.int32),
        pltpu.VMEM((MB,), jnp.int32),
        pltpu.VMEM((MB, D), jnp.float32),
        pltpu.VMEM((MB, D), jnp.float32),
        pltpu.VMEM((MB, D2), jnp.float32),
        pltpu.VMEM((MB, D2), jnp.float32),
        pltpu.SemaphoreType.DMA,
        pltpu.SemaphoreType.DMA,
        pltpu.SemaphoreType.DMA,
        pltpu.SemaphoreType.DMA,
    ],
)
def _sc_interleave(past_hbm, rat_hbm, table_hbm, out_hbm,
                   table_v, rat_v0, rat_v1, past_v0, past_v1, out_v0, out_v1,
                   sem_in0, sem_in1, sem_out0, sem_out1):
    wid = lax.axis_index("s") * NC + lax.axis_index("c")
    wbase = wid * ROWS_PER_W

    pltpu.sync_copy(table_hbm, table_v)
    lane = lax.iota(jnp.int32, 16)

    bufs = ((rat_v0, past_v0, out_v0, sem_in0, sem_out0),
            (rat_v1, past_v1, out_v1, sem_in1, sem_out1))

    def issue_loads(m, bi):
        rat_v, past_v, _, sem_in, _ = bufs[bi]
        base = wbase + m * MB
        pltpu.async_copy(rat_hbm.at[pl.ds(base, MB)], rat_v, sem_in)
        pltpu.async_copy(past_hbm.at[pl.ds(base, MB)], past_v, sem_in)

    def wait_loads(m, bi):
        rat_v, past_v, _, sem_in, _ = bufs[bi]
        base = wbase + m * MB
        pltpu.make_async_copy(rat_hbm.at[pl.ds(base, MB)], rat_v, sem_in).wait()
        pltpu.make_async_copy(past_hbm.at[pl.ds(base, MB)], past_v, sem_in).wait()

    def issue_store(m, bi):
        _, _, out_v, _, sem_out = bufs[bi]
        base = wbase + m * MB
        pltpu.async_copy(out_v, out_hbm.at[pl.ds(base, MB)], sem_out)

    def drain_store(m, bi):
        _, _, out_v, _, sem_out = bufs[bi]
        base = wbase + m * MB
        pltpu.make_async_copy(out_v, out_hbm.at[pl.ds(base, MB)], sem_out).wait()

    def interleave(bi):
        rat_v, past_v, out_v, _, _ = bufs[bi]

        @plsc.parallel_loop(0, G, unroll=2)
        def group(g):
            rvec = rat_v[pl.ds(g * 16, 16)]
            tbase = rvec * D
            rows16 = lane + g * 16
            cbase = lane * 0 + D
            for w0 in range(0, D, 8):
                vals = [plsc.load_gather(table_v, [tbase + (w0 + k)])
                        for k in range(8)]
                for k in range(8):
                    plsc.store_scatter(out_v, [rows16, cbase + (w0 + k)], vals[k])
            for i in range(0, 16, 2):
                r0 = g * 16 + i
                r1 = r0 + 1
                p = [past_v[r0, pl.ds(w, 16)] for w in range(0, D, 16)]
                q = [past_v[r1, pl.ds(w, 16)] for w in range(0, D, 16)]
                for w in range(0, D, 16):
                    out_v[r0, pl.ds(w, 16)] = p[w // 16]
                    out_v[r1, pl.ds(w, 16)] = q[w // 16]

    issue_loads(0, 0)

    def body(i, _):
        m0 = 2 * i

        issue_loads(m0 + 1, 1)

        @pl.when(i >= 1)
        def _():
            drain_store(m0, 0)

        wait_loads(m0, 0)
        interleave(0)
        issue_store(m0, 0)

        @pl.when(i + 1 < NMB // 2)
        def _():
            issue_loads(m0 + 2, 0)

        @pl.when(i >= 1)
        def _():
            drain_store(m0 + 1, 1)

        wait_loads(m0 + 1, 1)
        interleave(1)
        issue_store(m0 + 1, 1)
        return 0

    lax.fori_loop(0, NMB // 2, body, 0)
    drain_store(NMB - 2, 0)
    drain_store(NMB - 1, 1)


def kernel(past_lengths, past_ids, past_embeddings, timestamps, ratings, rating_emb_weight):
    past2d = past_embeddings.reshape(BS, D)
    rat1d = ratings.reshape(BS)
    table1d = rating_emb_weight.reshape(NUM_ROWS * D)
    out = _sc_interleave(past2d, rat1d, table1d)
    return out.reshape(B, 2 * S, D)

# --- scband reference (transcript-rebuilt; emitter-appended) ---
"""Pipeline reference for scband-hstu-44951127720316 (READ-ONLY COPY).

The authoritative reference and input builder live on the scoring server;
editing this copy changes nothing except your own understanding.
"""

import jax, jax.numpy as jnp
import numpy as np

B, S, D = 4096, 200, 64
NUM_RATING_ROWS = 12  # num_ratings + 2

def setup_inputs(seed: int = 0) -> dict:
    key = jax.random.key(seed)
    k1, k2, k3, k4, k5, k6 = jax.random.split(key, 6)
    past_lengths = jax.random.randint(k1, (B,), 0, 200, dtype=jnp.int64) if jax.config.jax_enable_x64 else jax.random.randint(k1, (B,), 0, 200, dtype=jnp.int32)
    past_ids = jax.random.randint(k2, (B, S), 0, 1000000, dtype=jnp.int32)
    past_embeddings = jax.random.normal(k3, (B, S, D), dtype=jnp.float32)
    timestamps = jax.random.randint(k4, (B, S), 0, 100000, dtype=jnp.int32)
    ratings = jax.random.randint(k5, (B, S), 0, NUM_RATING_ROWS, dtype=jnp.int32)
    rating_emb_weight = jax.random.normal(k6, (NUM_RATING_ROWS, D), dtype=jnp.float32)
    return {
        'past_lengths': past_lengths,
        'past_ids': past_ids,
        'past_embeddings': past_embeddings,
        'timestamps': timestamps,
        'ratings': ratings,
        'rating_emb_weight': rating_emb_weight,
    }

def reference(past_lengths, past_ids, past_embeddings, timestamps, ratings, rating_emb_weight):
    # rating_embeddings = self.rating_emb(ratings)
    rating_embeddings = jnp.take(rating_emb_weight, ratings, axis=0)  # [B, S, D]
    b, s, d = past_embeddings.shape
    # interleave item embeddings and rating embeddings along sequence dim
    user_embeddings = jnp.stack([past_embeddings, rating_embeddings], axis=2).reshape(b, s * 2, d)
    return user_embeddings

if __name__ == "__main__":
    import jax
    _d = setup_inputs()
    print(jax.jit(kernel)(*tuple(_d.values())))

</pallas_src>

<mosaic_0001>
#map = affine_map<(d0, d1) -> (0, 0)>
#map1 = affine_map<(d0, d1) -> (0)>
module attributes {stable_mosaic.version = 14 : i64} {
  func.func @_sc_interleave(%arg0: i32, %arg1: i32, %arg2: memref<819200x64xf32, #tpu.memory_space<hbm>>, %arg3: memref<819200xi32, #tpu.memory_space<hbm>>, %arg4: memref<768xf32, #tpu.memory_space<hbm>>, %arg5: memref<819200x128xf32, #tpu.memory_space<hbm>>, %arg6: memref<768xf32, #tpu.memory_space<vmem>>, %arg7: memref<160xi32, #tpu.memory_space<vmem>>, %arg8: memref<160xi32, #tpu.memory_space<vmem>>, %arg9: memref<160x64xf32, #tpu.memory_space<vmem>>, %arg10: memref<160x64xf32, #tpu.memory_space<vmem>>, %arg11: memref<160x128xf32, #tpu.memory_space<vmem>>, %arg12: memref<160x128xf32, #tpu.memory_space<vmem>>, %arg13: memref<!tpu.dma_semaphore, #tpu.memory_space<semaphore_mem>>, %arg14: memref<!tpu.dma_semaphore, #tpu.memory_space<semaphore_mem>>, %arg15: memref<!tpu.dma_semaphore, #tpu.memory_space<semaphore_mem>>, %arg16: memref<!tpu.dma_semaphore, #tpu.memory_space<semaphore_mem>>) attributes {dimension_semantics = [#tpu.dimension_semantics<core_parallel>, #tpu.dimension_semantics<subcore_parallel>], iteration_bounds = array<i64: 2, 16>, scalar_prefetch = 0 : i64, scratch_operands = 11 : i64, tpu.core_type = #tpu.core_type<sc_vector_subcore>, window_params = [{transform_indices = #map}, {transform_indices = #map1}, {transform_indices = #map1}, {transform_indices = #map}]} {
    %mul3A = arith.constant 2 : i32
    %mul3A_0 = arith.muli %arg1, %mul3A : i32
    %add3A = arith.addi %mul3A_0, %arg0 : i32
    %mul3A_1 = arith.constant 25600 : i32
    %mul3A_2 = arith.muli %add3A, %mul3A_1 : i32
    "tpu.region"() ({
      %run_scoped3A = tpu.sem_alloc : memref<!tpu.dma_semaphore, #tpu.memory_space<semaphore_mem>>
      tpu.enqueue_dma source(%arg4 : memref<768xf32, #tpu.memory_space<hbm>>) target(%arg6 : memref<768xf32, #tpu.memory_space<vmem>>) target_semaphore(%run_scoped3A : memref<!tpu.dma_semaphore, #tpu.memory_space<semaphore_mem>>)
      tpu.wait_dma2 semaphore(%run_scoped3A : memref<!tpu.dma_semaphore, #tpu.memory_space<semaphore_mem>>) src(%arg4 : memref<768xf32, #tpu.memory_space<hbm>>) dst(%arg6 : memref<768xf32, #tpu.memory_space<vmem>>)
      tpu.yield
    }) : () -> ()
    %iota3A = tpu.iota {dimensions = array<i32: 0>} : vector<16xi32>
    %add3A_3 = arith.constant 0 : i32
    %add3A_4 = arith.addi %mul3A_2, %add3A_3 : i32
    %dma_start3A = tpu.memref_slice %arg3[%add3A_4] : memref<819200xi32, #tpu.memory_space<hbm>> -> memref<160xi32, #tpu.memory_space<hbm>>
    %dma_start3A_5 = tpu.memref_slice %arg3[%add3A_4] : memref<819200xi32, #tpu.memory_space<hbm>> -> memref<160xi32, #tpu.memory_space<hbm>>
    tpu.enqueue_dma source(%dma_start3A_5 : memref<160xi32, #tpu.memory_space<hbm>>) target(%arg7 : memref<160xi32, #tpu.memory_space<vmem>>) target_semaphore(%arg13 : memref<!tpu.dma_semaphore, #tpu.memory_space<semaphore_mem>>)
    %dma_start3A_6 = arith.constant 0 : i32
    %dma_start3A_7 = tpu.memref_slice %arg2[%add3A_4, %dma_start3A_6] : memref<819200x64xf32, #tpu.memory_space<hbm>> -> memref<160x64xf32, #tpu.memory_space<hbm>>
    %dma_start3A_8 = arith.constant 0 : i32
    %dma_start3A_9 = tpu.memref_slice %arg2[%add3A_4, %dma_start3A_8] : memref<819200x64xf32, #tpu.memory_space<hbm>> -> memref<160x64xf32, #tpu.memory_space<hbm>>
    tpu.enqueue_dma source(%dma_start3A_9 : memref<160x64xf32, #tpu.memory_space<hbm>>) target(%arg9 : memref<160x64xf32, #tpu.memory_space<vmem>>) target_semaphore(%arg13 : memref<!tpu.dma_semaphore, #tpu.memory_space<semaphore_mem>>)
    %scan3A = arith.constant 0 : i32
    %scan3A_10 = arith.constant 0 : i32
    %scan3A_11 = arith.constant 80 : i32
    %scan3A_12 = arith.addi %scan3A_10, %scan3A_11 : i32
    %scan3A_13 = arith.constant 1 : i32
    %scan3A_14 = scf.for %scan3A_27 = %scan3A_10 to %scan3A_12 step %scan3A_13 iter_args(%scan3A_28 = %scan3A) -> (i32)  : i32 {
      %mul3A_29 = arith.constant 2 : i32
      %mul3A_30 = arith.muli %mul3A_29, %scan3A_27 : i32
      %add3A_31 = arith.constant 1 : i32
      %add3A_32 = arith.addi %mul3A_30, %add3A_31 : i32
      %mul3A_33 = arith.constant 160 : i32
      %mul3A_34 = arith.muli %add3A_32, %mul3A_33 : i32
      %add3A_35 = arith.addi %mul3A_2, %mul3A_34 : i32
      %dma_start3A_36 = tpu.memref_slice %arg3[%add3A_35] : memref<819200xi32, #tpu.memory_space<hbm>> -> memref<160xi32, #tpu.memory_space<hbm>>
      %dma_start3A_37 = tpu.memref_slice %arg3[%add3A_35] : memref<819200xi32, #tpu.memory_space<hbm>> -> memref<160xi32, #tpu.memory_space<hbm>>
      tpu.enqueue_dma source(%dma_start3A_37 : memref<160xi32, #tpu.memory_space<hbm>>) target(%arg8 : memref<160xi32, #tpu.memory_space<vmem>>) target_semaphore(%arg14 : memref<!tpu.dma_semaphore, #tpu.memory_space<semaphore_mem>>)
      %dma_start3A_38 = arith.constant 0 : i32
      %dma_start3A_39 = tpu.memref_slice %arg2[%add3A_35, %dma_start3A_38] : memref<819200x64xf32, #tpu.memory_space<hbm>> -> memref<160x64xf32, #tpu.memory_space<hbm>>
      %dma_start3A_40 = arith.constant 0 : i32
      %dma_start3A_41 = tpu.memref_slice %arg2[%add3A_35, %dma_start3A_40] : memref<819200x64xf32, #tpu.memory_space<hbm>> -> memref<160x64xf32, #tpu.memory_space<hbm>>
      tpu.enqueue_dma source(%dma_start3A_41 : memref<160x64xf32, #tpu.memory_space<hbm>>) target(%arg10 : memref<160x64xf32, #tpu.memory_space<vmem>>) target_semaphore(%arg14 : memref<!tpu.dma_semaphore, #tpu.memory_space<semaphore_mem>>)
      %ge3A = arith.constant 1 : i32
      %ge3A_42 = arith.cmpi sge, %scan3A_27, %ge3A : i32
      %convert_element_type3A = arith.extui %ge3A_42 : i1 to i32
      %cond3A = arith.constant 0 : i32
      %cond3A_43 = arith.cmpi ne, %convert_element_type3A, %cond3A : i32
      scf.if %cond3A_43 {
        %mul3A_97 = arith.constant 160 : i32
        %mul3A_98 = arith.muli %mul3A_30, %mul3A_97 : i32
        %add3A_99 = arith.addi %mul3A_2, %mul3A_98 : i32
        %dma_wait3A_100 = arith.constant 0 : i32
        %dma_wait3A_101 = tpu.memref_slice %arg5[%add3A_99, %dma_wait3A_100] : memref<819200x128xf32, #tpu.memory_space<hbm>> -> memref<160x128xf32, #tpu.memory_space<hbm>>
        %dma_wait3A_102 = arith.constant 0 : i32
        %dma_wait3A_103 = tpu.memref_slice %arg5[%add3A_99, %dma_wait3A_102] : memref<819200x128xf32, #tpu.memory_space<hbm>> -> memref<160x128xf32, #tpu.memory_space<hbm>>
        tpu.wait_dma2 semaphore(%arg15 : memref<!tpu.dma_semaphore, #tpu.memory_space<semaphore_mem>>) src(%arg11 : memref<160x128xf32, #tpu.memory_space<vmem>>) dst(%dma_wait3A_103 : memref<160x128xf32, #tpu.memory_space<hbm>>)
      } else {
      }
      %mul3A_44 = arith.constant 160 : i32
      %mul3A_45 = arith.muli %mul3A_30, %mul3A_44 : i32
      %add3A_46 = arith.addi %mul3A_2, %mul3A_45 : i32
      %dma_wait3A_47 = tpu.memref_slice %arg3[%add3A_46] : memref<819200xi32, #tpu.memory_space<hbm>> -> memref<160xi32, #tpu.memory_space<hbm>>
      %dma_wait3A_48 = tpu.memref_slice %arg3[%add3A_46] : memref<819200xi32, #tpu.memory_space<hbm>> -> memref<160xi32, #tpu.memory_space<hbm>>
      tpu.wait_dma2 semaphore(%arg13 : memref<!tpu.dma_semaphore, #tpu.memory_space<semaphore_mem>>) src(%dma_wait3A_48 : memref<160xi32, #tpu.memory_space<hbm>>) dst(%arg7 : memref<160xi32, #tpu.memory_space<vmem>>)
      %dma_wait3A_49 = arith.constant 0 : i32
      %dma_wait3A_50 = tpu.memref_slice %arg2[%add3A_46, %dma_wait3A_49] : memref<819200x64xf32, #tpu.memory_space<hbm>> -> memref<160x64xf32, #tpu.memory_space<hbm>>
      %dma_wait3A_51 = arith.constant 0 : i32
      %dma_wait3A_52 = tpu.memref_slice %arg2[%add3A_46, %dma_wait3A_51] : memref<819200x64xf32, #tpu.memory_space<hbm>> -> memref<160x64xf32, #tpu.memory_space<hbm>>
      tpu.wait_dma2 semaphore(%arg13 : memref<!tpu.dma_semaphore, #tpu.memory_space<semaphore_mem>>) src(%dma_wait3A_52 : memref<160x64xf32, #tpu.memory_space<hbm>>) dst(%arg9 : memref<160x64xf32, #tpu.memory_space<vmem>>)
      %parallel_loop3A = arith.constant 0 : i32
      %parallel_loop3A_53 = arith.constant 10 : i32
      %parallel_loop3A_54 = arith.constant 1 : i32
      scf.for %parallel_loop3A_97 = %parallel_loop3A to %parallel_loop3A_53 step %parallel_loop3A_54  : i32 {
        %parallel_loop3A_98 = arith.constant 16 : i32
        %parallel_loop3A_99 = arith.muli %parallel_loop3A_97, %parallel_loop3A_98 : i32
        %parallel_loop3A_100 = arith.index_cast %parallel_loop3A_99 : i32 to index
        %parallel_loop3A_101 = tpu.vector_load %arg7[%parallel_loop3A_100] {strides = array<i32>} : memref<160xi32, #tpu.memory_space<vmem>>, vector<16xi32>,
        %parallel_loop3A_102 = arith.constant 64 : i32
        %parallel_loop3A_103 = vector.broadcast %parallel_loop3A_102 : i32 to vector<16xi32>
        %parallel_loop3A_104 = arith.muli %parallel_loop3A_101, %parallel_loop3A_103 : vector<16xi32>
        %parallel_loop3A_105 = arith.constant 16 : i32
        %parallel_loop3A_106 = arith.muli %parallel_loop3A_97, %parallel_loop3A_105 : i32
        %parallel_loop3A_107 = vector.broadcast %parallel_loop3A_106 : i32 to vector<16xi32>
        %parallel_loop3A_108 = arith.addi %iota3A, %parallel_loop3A_107 : vector<16xi32>
        %parallel_loop3A_109 = arith.constant 0 : i32
        %parallel_loop3A_110 = vector.broadcast %parallel_loop3A_109 : i32 to vector<16xi32>
        %parallel_loop3A_111 = arith.muli %iota3A, %parallel_loop3A_110 : vector<16xi32>
        %parallel_loop3A_112 = arith.constant 64 : i32
        %parallel_loop3A_113 = vector.broadcast %parallel_loop3A_112 : i32 to vector<16xi32>
        %parallel_loop3A_114 = arith.addi %parallel_loop3A_111, %parallel_loop3A_113 : vector<16xi32>
        %parallel_loop3A_115 = arith.constant 0 : i32
        %parallel_loop3A_116 = vector.broadcast %parallel_loop3A_115 : i32 to vector<16xi32>
        %parallel_loop3A_117 = arith.addi %parallel_loop3A_104, %parallel_loop3A_116 : vector<16xi32>
        %parallel_loop3A_118 = tpu.vector_load_idx %arg6[%parallel_loop3A_117] : memref<768xf32, #tpu.memory_space<vmem>>[vector<16xi32>], vector<16xf32>,
        %parallel_loop3A_119 = arith.constant 1 : i32
        %parallel_loop3A_120 = vector.broadcast %parallel_loop3A_119 : i32 to vector<16xi32>
        %parallel_loop3A_121 = arith.addi %parallel_loop3A_104, %parallel_loop3A_120 : vector<16xi32>
        %parallel_loop3A_122 = tpu.vector_load_idx %arg6[%parallel_loop3A_121] : memref<768xf32, #tpu.memory_space<vmem>>[vector<16xi32>], vector<16xf32>,
        %parallel_loop3A_123 = arith.constant 2 : i32
        %parallel_loop3A_124 = vector.broadcast %parallel_loop3A_123 : i32 to vector<16xi32>
        %parallel_loop3A_125 = arith.addi %parallel_loop3A_104, %parallel_loop3A_124 : vector<16xi32>
        %parallel_loop3A_126 = tpu.vector_load_idx %arg6[%parallel_loop3A_125] : memref<768xf32, #tpu.memory_space<vmem>>[vector<16xi32>], vector<16xf32>,
        %parallel_loop3A_127 = arith.constant 3 : i32
        %parallel_loop3A_128 = vector.broadcast %parallel_loop3A_127 : i32 to vector<16xi32>
        %parallel_loop3A_129 = arith.addi %parallel_loop3A_104, %parallel_loop3A_128 : vector<16xi32>
        %parallel_loop3A_130 = tpu.vector_load_idx %arg6[%parallel_loop3A_129] : memref<768xf32, #tpu.memory_space<vmem>>[vector<16xi32>], vector<16xf32>,
        %parallel_loop3A_131 = arith.constant 4 : i32
        %parallel_loop3A_132 = vector.broadcast %parallel_loop3A_131 : i32 to vector<16xi32>
        %parallel_loop3A_133 = arith.addi %parallel_loop3A_104, %parallel_loop3A_132 : vector<16xi32>
        %parallel_loop3A_134 = tpu.vector_load_idx %arg6[%parallel_loop3A_133] : memref<768xf32, #tpu.memory_space<vmem>>[vector<16xi32>], vector<16xf32>,
        %parallel_loop3A_135 = arith.constant 5 : i32
        %parallel_loop3A_136 = vector.broadcast %parallel_loop3A_135 : i32 to vector<16xi32>
        %parallel_loop3A_137 = arith.addi %parallel_loop3A_104, %parallel_loop3A_136 : vector<16xi32>
        %parallel_loop3A_138 = tpu.vector_load_idx %arg6[%parallel_loop3A_137] : memref<768xf32, #tpu.memory_space<vmem>>[vector<16xi32>], vector<16xf32>,
        %parallel_loop3A_139 = arith.constant 6 : i32
        %parallel_loop3A_140 = vector.broadcast %parallel_loop3A_139 : i32 to vector<16xi32>
        %parallel_loop3A_141 = arith.addi %parallel_loop3A_104, %parallel_loop3A_140 : vector<16xi32>
        %parallel_loop3A_142 = tpu.vector_load_idx %arg6[%parallel_loop3A_141] : memref<768xf32, #tpu.memory_space<vmem>>[vector<16xi32>], vector<16xf32>,
        %parallel_loop3A_143 = arith.constant 7 : i32
        %parallel_loop3A_144 = vector.broadcast %parallel_loop3A_143 : i32 to vector<16xi32>
        %parallel_loop3A_145 = arith.addi %parallel_loop3A_104, %parallel_loop3A_144 : vector<16xi32>
        %parallel_loop3A_146 = tpu.vector_load_idx %arg6[%parallel_loop3A_145] : memref<768xf32, #tpu.memory_space<vmem>>[vector<16xi32>], vector<16xf32>,
        %parallel_loop3A_147 = arith.constant 0 : i32
        %parallel_loop3A_148 = vector.broadcast %parallel_loop3A_147 : i32 to vector<16xi32>
        %parallel_loop3A_149 = arith.addi %parallel_loop3A_114, %parallel_loop3A_148 : vector<16xi32>
        tpu.vector_store_idx %arg11[%parallel_loop3A_108, %parallel_loop3A_149], %parallel_loop3A_118 : memref<160x128xf32, #tpu.memory_space<vmem>>[vector<16xi32>, vector<16xi32>], vector<16xf32>,
        %parallel_loop3A_150 = arith.constant 1 : i32
        %parallel_loop3A_151 = vector.broadcast %parallel_loop3A_150 : i32 to vector<16xi32>
        %parallel_loop3A_152 = arith.addi %parallel_loop3A_114, %parallel_loop3A_151 : vector<16xi32>
        tpu.vector_store_idx %arg11[%parallel_loop3A_108, %parallel_loop3A_152], %parallel_loop3A_122 : memref<160x128xf32, #tpu.memory_space<vmem>>[vector<16xi32>, vector<16xi32>], vector<16xf32>,
        %parallel_loop3A_153 = arith.constant 2 : i32
        %parallel_loop3A_154 = vector.broadcast %parallel_loop3A_153 : i32 to vector<16xi32>
        %parallel_loop3A_155 = arith.addi %parallel_loop3A_114, %parallel_loop3A_154 : vector<16xi32>
        tpu.vector_store_idx %arg11[%parallel_loop3A_108, %parallel_loop3A_155], %parallel_loop3A_126 : memref<160x128xf32, #tpu.memory_space<vmem>>[vector<16xi32>, vector<16xi32>], vector<16xf32>,
        %parallel_loop3A_156 = arith.constant 3 : i32
        %parallel_loop3A_157 = vector.broadcast %parallel_loop3A_156 : i32 to vector<16xi32>
        %parallel_loop3A_158 = arith.addi %parallel_loop3A_114, %parallel_loop3A_157 : vector<16xi32>
        tpu.vector_store_idx %arg11[%parallel_loop3A_108, %parallel_loop3A_158], %parallel_loop3A_130 : memref<160x128xf32, #tpu.memory_space<vmem>>[vector<16xi32>, vector<16xi32>], vector<16xf32>,
        %parallel_loop3A_159 = arith.constant 4 : i32
        %parallel_loop3A_160 = vector.broadcast %parallel_loop3A_159 : i32 to vector<16xi32>
        %parallel_loop3A_161 = arith.addi %parallel_loop3A_114, %parallel_loop3A_160 : vector<16xi32>
        tpu.vector_store_idx %arg11[%parallel_loop3A_108, %parallel_loop3A_161], %parallel_loop3A_134 : memref<160x128xf32, #tpu.memory_space<vmem>>[vector<16xi32>, vector<16xi32>], vector<16xf32>,
        %parallel_loop3A_162 = arith.constant 5 : i32
        %parallel_loop3A_163 = vector.broadcast %parallel_loop3A_162 : i32 to vector<16xi32>
        %parallel_loop3A_164 = arith.addi %parallel_loop3A_114, %parallel_loop3A_163 : vector<16xi32>
        tpu.vector_store_idx %arg11[%parallel_loop3A_108, %parallel_loop3A_164], %parallel_loop3A_138 : memref<160x128xf32, #tpu.memory_space<vmem>>[vector<16xi32>, vector<16xi32>], vector<16xf32>,
        %parallel_loop3A_165 = arith.constant 6 : i32
        %parallel_loop3A_166 = vector.broadcast %parallel_loop3A_165 : i32 to vector<16xi32>
        %parallel_loop3A_167 = arith.addi %parallel_loop3A_114, %parallel_loop3A_166 : vector<16xi32>
        tpu.vector_store_idx %arg11[%parallel_loop3A_108, %parallel_loop3A_167], %parallel_loop3A_142 : memref<160x128xf32, #tpu.memory_space<vmem>>[vector<16xi32>, vector<16xi32>], vector<16xf32>,
        %parallel_loop3A_168 = arith.constant 7 : i32
        %parallel_loop3A_169 = vector.broadcast %parallel_loop3A_168 : i32 to vector<16xi32>
        %parallel_loop3A_170 = arith.addi %parallel_loop3A_114, %parallel_loop3A_169 : vector<16xi32>
        tpu.vector_store_idx %arg11[%parallel_loop3A_108, %parallel_loop3A_170], %parallel_loop3A_146 : memref<160x128xf32, #tpu.memory_space<vmem>>[vector<16xi32>, vector<16xi32>], vector<16xf32>,
        %parallel_loop3A_171 = arith.constant 8 : i32
        %parallel_loop3A_172 = vector.broadcast %parallel_loop3A_171 : i32 to vector<16xi32>
        %parallel_loop3A_173 = arith.addi %parallel_loop3A_104, %parallel_loop3A_172 : vector<16xi32>
        %parallel_loop3A_174 = tpu.vector_load_idx %arg6[%parallel_loop3A_173] : memref<768xf32, #tpu.memory_space<vmem>>[vector<16xi32>], vector<16xf32>,
        %parallel_loop3A_175 = arith.constant 9 : i32
        %parallel_loop3A_176 = vector.broadcast %parallel_loop3A_175 : i32 to vector<16xi32>
        %parallel_loop3A_177 = arith.addi %parallel_loop3A_104, %parallel_loop3A_176 : vector<16xi32>
        %parallel_loop3A_178 = tpu.vector_load_idx %arg6[%parallel_loop3A_177] : memref<768xf32, #tpu.memory_space<vmem>>[vector<16xi32>], vector<16xf32>,
        %parallel_loop3A_179 = arith.constant 10 : i32
        %parallel_loop3A_180 = vector.broadcast %parallel_loop3A_179 : i32 to vector<16xi32>
        %parallel_loop3A_181 = arith.addi %parallel_loop3A_104, %parallel_loop3A_180 : vector<16xi32>
        %parallel_loop3A_182 = tpu.vector_load_idx %arg6[%parallel_loop3A_181] : memref<768xf32, #tpu.memory_space<vmem>>[vector<16xi32>], vector<16xf32>,
        %parallel_loop3A_183 = arith.constant 11 : i32
        %parallel_loop3A_184 = vector.broadcast %parallel_loop3A_183 : i32 to vector<16xi32>
        %parallel_loop3A_185 = arith.addi %parallel_loop3A_104, %parallel_loop3A_184 : vector<16xi32>
        %parallel_loop3A_186 = tpu.vector_load_idx %arg6[%parallel_loop3A_185] : memref<768xf32, #tpu.memory_space<vmem>>[vector<16xi32>], vector<16xf32>,
        %parallel_loop3A_187 = arith.constant 12 : i32
        %parallel_loop3A_188 = vector.broadcast %parallel_loop3A_187 : i32 to vector<16xi32>
        %parallel_loop3A_189 = arith.addi %parallel_loop3A_104, %parallel_loop3A_188 : vector<16xi32>
        %parallel_loop3A_190 = tpu.vector_load_idx %arg6[%parallel_loop3A_189] : memref<768xf32, #tpu.memory_space<vmem>>[vector<16xi32>], vector<16xf32>,
        %parallel_loop3A_191 = arith.constant 13 : i32
        %parallel_loop3A_192 = vector.broadcast %parallel_loop3A_191 : i32 to vector<16xi32>
        %parallel_loop3A_193 = arith.addi %parallel_loop3A_104, %parallel_loop3A_192 : vector<16xi32>
        %parallel_loop3A_194 = tpu.vector_load_idx %arg6[%parallel_loop3A_193] : memref<768xf32, #tpu.memory_space<vmem>>[vector<16xi32>], vector<16xf32>,
        %parallel_loop3A_195 = arith.constant 14 : i32
        %parallel_loop3A_196 = vector.broadcast %parallel_loop3A_195 : i32 to vector<16xi32>
        %parallel_loop3A_197 = arith.addi %parallel_loop3A_104, %parallel_loop3A_196 : vector<16xi32>
        %parallel_loop3A_198 = tpu.vector_load_idx %arg6[%parallel_loop3A_197] : memref<768xf32, #tpu.memory_space<vmem>>[vector<16xi32>], vector<16xf32>,
        %parallel_loop3A_199 = arith.constant 15 : i32
        %parallel_loop3A_200 = vector.broadcast %parallel_loop3A_199 : i32 to vector<16xi32>
        %parallel_loop3A_201 = arith.addi %parallel_loop3A_104, %parallel_loop3A_200 : vector<16xi32>
        %parallel_loop3A_202 = tpu.vector_load_idx %arg6[%parallel_loop3A_201] : memref<768xf32, #tpu.memory_space<vmem>>[vector<16xi32>], vector<16xf32>,
        %parallel_loop3A_203 = arith.constant 8 : i32
        %parallel_loop3A_204 = vector.broadcast %parallel_loop3A_203 : i32 to vector<16xi32>
        %parallel_loop3A_205 = arith.addi %parallel_loop3A_114, %parallel_loop3A_204 : vector<16xi32>
        tpu.vector_store_idx %arg11[%parallel_loop3A_108, %parallel_loop3A_205], %parallel_loop3A_174 : memref<160x128xf32, #tpu.memory_space<vmem>>[vector<16xi32>, vector<16xi32>], vector<16xf32>,
        %parallel_loop3A_206 = arith.constant 9 : i32
        %parallel_loop3A_207 = vector.broadcast %parallel_loop3A_206 : i32 to vector<16xi32>
        %parallel_loop3A_208 = arith.addi %parallel_loop3A_114, %parallel_loop3A_207 : vector<16xi32>
        tpu.vector_store_idx %arg11[%parallel_loop3A_108, %parallel_loop3A_208], %parallel_loop3A_178 : memref<160x128xf32, #tpu.memory_space<vmem>>[vector<16xi32>, vector<16xi32>], vector<16xf32>,
        %parallel_loop3A_209 = arith.constant 10 : i32
        %parallel_loop3A_210 = vector.broadcast %parallel_loop3A_209 : i32 to vector<16xi32>
        %parallel_loop3A_211 = arith.addi %parallel_loop3A_114, %parallel_loop3A_210 : vector<16xi32>
        tpu.vector_store_idx %arg11[%parallel_loop3A_108, %parallel_loop3A_211], %parallel_loop3A_182 : memref<160x128xf32, #tpu.memory_space<vmem>>[vector<16xi32>, vector<16xi32>], vector<16xf32>,
        %parallel_loop3A_212 = arith.constant 11 : i32
        %parallel_loop3A_213 = vector.broadcast %parallel_loop3A_212 : i32 to vector<16xi32>
        %parallel_loop3A_214 = arith.addi %parallel_loop3A_114, %parallel_loop3A_213 : vector<16xi32>
        tpu.vector_store_idx %arg11[%parallel_loop3A_108, %parallel_loop3A_214], %parallel_loop3A_186 : memref<160x128xf32, #tpu.memory_space<vmem>>[vector<16xi32>, vector<16xi32>], vector<16xf32>,
        %parallel_loop3A_215 = arith.constant 12 : i32
        %parallel_loop3A_216 = vector.broadcast %parallel_loop3A_215 : i32 to vector<16xi32>
        %parallel_loop3A_217 = arith.addi %parallel_loop3A_114, %parallel_loop3A_216 : vector<16xi32>
        tpu.vector_store_idx %arg11[%parallel_loop3A_108, %parallel_loop3A_217], %parallel_loop3A_190 : memref<160x128xf32, #tpu.memory_space<vmem>>[vector<16xi32>, vector<16xi32>], vector<16xf32>,
        %parallel_loop3A_218 = arith.constant 13 : i32
        %parallel_loop3A_219 = vector.broadcast %parallel_loop3A_218 : i32 to vector<16xi32>
        %parallel_loop3A_220 = arith.addi %parallel_loop3A_114, %parallel_loop3A_219 : vector<16xi32>
        tpu.vector_store_idx %arg11[%parallel_loop3A_108, %parallel_loop3A_220], %parallel_loop3A_194 : memref<160x128xf32, #tpu.memory_space<vmem>>[vector<16xi32>, vector<16xi32>], vector<16xf32>,
        %parallel_loop3A_221 = arith.constant 14 : i32
        %parallel_loop3A_222 = vector.broadcast %parallel_loop3A_221 : i32 to vector<16xi32>
        %parallel_loop3A_223 = arith.addi %parallel_loop3A_114, %parallel_loop3A_222 : vector<16xi32>
        tpu.vector_store_idx %arg11[%parallel_loop3A_108, %parallel_loop3A_223], %parallel_loop3A_198 : memref<160x128xf32, #tpu.memory_space<vmem>>[vector<16xi32>, vector<16xi32>], vector<16xf32>,
        %parallel_loop3A_224 = arith.constant 15 : i32
        %parallel_loop3A_225 = vector.broadcast %parallel_loop3A_224 : i32 to vector<16xi32>
        %parallel_loop3A_226 = arith.addi %parallel_loop3A_114, %parallel_loop3A_225 : vector<16xi32>
        tpu.vector_store_idx %arg11[%parallel_loop3A_108, %parallel_loop3A_226], %parallel_loop3A_202 : memref<160x128xf32, #tpu.memory_space<vmem>>[vector<16xi32>, vector<16xi32>], vector<16xf32>,
        %parallel_loop3A_227 = arith.constant 16 : i32
        %parallel_loop3A_228 = vector.broadcast %parallel_loop3A_227 : i32 to vector<16xi32>
        %parallel_loop3A_229 = arith.addi %parallel_loop3A_104, %parallel_loop3A_228 : vector<16xi32>
        %parallel_loop3A_230 = tpu.vector_load_idx %arg6[%parallel_loop3A_229] : memref<768xf32, #tpu.memory_space<vmem>>[vector<16xi32>], vector<16xf32>,
        %parallel_loop3A_231 = arith.constant 17 : i32
        %parallel_loop3A_232 = vector.broadcast %parallel_loop3A_231 : i32 to vector<16xi32>
        %parallel_loop3A_233 = arith.addi %parallel_loop3A_104, %parallel_loop3A_232 : vector<16xi32>
        %parallel_loop3A_234 = tpu.vector_load_idx %arg6[%parallel_loop3A_233] : memref<768xf32, #tpu.memory_space<vmem>>[vector<16xi32>], vector<16xf32>,
        %parallel_loop3A_235 = arith.constant 18 : i32
        %parallel_loop3A_236 = vector.broadcast %parallel_loop3A_235 : i32 to vector<16xi32>
        %parallel_loop3A_237 = arith.addi %parallel_loop3A_104, %parallel_loop3A_236 : vector<16xi32>
        %parallel_loop3A_238 = tpu.vector_load_idx %arg6[%parallel_loop3A_237] : memref<768xf32, #tpu.memory_space<vmem>>[vector<16xi32>], vector<16xf32>,
        %parallel_loop3A_239 = arith.constant 19 : i32
        %parallel_loop3A_240 = vector.broadcast %parallel_loop3A_239 : i32 to vector<16xi32>
        %parallel_loop3A_241 = arith.addi %parallel_loop3A_104, %parallel_loop3A_240 : vector<16xi32>
        %parallel_loop3A_242 = tpu.vector_load_idx %arg6[%parallel_loop3A_241] : memref<768xf32, #tpu.memory_space<vmem>>[vector<16xi32>], vector<16xf32>,
        %parallel_loop3A_243 = arith.constant 20 : i32
        %parallel_loop3A_244 = vector.broadcast %parallel_loop3A_243 : i32 to vector<16xi32>
        %parallel_loop3A_245 = arith.addi %parallel_loop3A_104, %parallel_loop3A_244 : vector<16xi32>
        %parallel_loop3A_246 = tpu.vector_load_idx %arg6[%parallel_loop3A_245] : memref<768xf32, #tpu.memory_space<vmem>>[vector<16xi32>], vector<16xf32>,
        %parallel_loop3A_247 = arith.constant 21 : i32
        %parallel_loop3A_248 = vector.broadcast %parallel_loop3A_247 : i32 to vector<16xi32>
        %parallel_loop3A_249 = arith.addi %parallel_loop3A_104, %parallel_loop3A_248 : vector<16xi32>
        %parallel_loop3A_250 = tpu.vector_load_idx %arg6[%parallel_loop3A_249] : memref<768xf32, #tpu.memory_space<vmem>>[vector<16xi32>], vector<16xf32>,
        %parallel_loop3A_251 = arith.constant 22 : i32
        %parallel_loop3A_252 = vector.broadcast %parallel_loop3A_251 : i32 to vector<16xi32>
        %parallel_loop3A_253 = arith.addi %parallel_loop3A_104, %parallel_loop3A_252 : vector<16xi32>
        %parallel_loop3A_254 = tpu.vector_load_idx %arg6[%parallel_loop3A_253] : memref<768xf32, #tpu.memory_space<vmem>>[vector<16xi32>], vector<16xf32>,
        %parallel_loop3A_255 = arith.constant 23 : i32
        %parallel_loop3A_256 = vector.broadcast %parallel_loop3A_255 : i32 to vector<16xi32>
        %parallel_loop3A_257 = arith.addi %parallel_loop3A_104, %parallel_loop3A_256 : vector<16xi32>
        %parallel_loop3A_258 = tpu.vector_load_idx %arg6[%parallel_loop3A_257] : memref<768xf32, #tpu.memory_space<vmem>>[vector<16xi32>], vector<16xf32>,
        %parallel_loop3A_259 = arith.constant 16 : i32
        %parallel_loop3A_260 = vector.broadcast %parallel_loop3A_259 : i32 to vector<16xi32>
        %parallel_loop3A_261 = arith.addi %parallel_loop3A_114, %parallel_loop3A_260 : vector<16xi32>
        tpu.vector_store_idx %arg11[%parallel_loop3A_108, %parallel_loop3A_261], %parallel_loop3A_230 : memref<160x128xf32, #tpu.memory_space<vmem>>[vector<16xi32>, vector<16xi32>], vector<16xf32>,
        %parallel_loop3A_262 = arith.constant 17 : i32
        %parallel_loop3A_263 = vector.broadcast %parallel_loop3A_262 : i32 to vector<16xi32>
        %parallel_loop3A_264 = arith.addi %parallel_loop3A_114, %parallel_loop3A_263 : vector<16xi32>
        tpu.vector_store_idx %arg11[%parallel_loop3A_108, %parallel_loop3A_264], %parallel_loop3A_234 : memref<160x128xf32, #tpu.memory_space<vmem>>[vector<16xi32>, vector<16xi32>], vector<16xf32>,
        %parallel_loop3A_265 = arith.constant 18 : i32
        %parallel_loop3A_266 = vector.broadcast %parallel_loop3A_265 : i32 to vector<16xi32>
        %parallel_loop3A_267 = arith.addi %parallel_loop3A_114, %parallel_loop3A_266 : vector<16xi32>
        tpu.vector_store_idx %arg11[%parallel_loop3A_108, %parallel_loop3A_267], %parallel_loop3A_238 : memref<160x128xf32, #tpu.memory_space<vmem>>[vector<16xi32>, vector<16xi32>], vector<16xf32>,
        %parallel_loop3A_268 = arith.constant 19 : i32
        %parallel_loop3A_269 = vector.broadcast %parallel_loop3A_268 : i32 to vector<16xi32>
        %parallel_loop3A_270 = arith.addi %parallel_loop3A_114, %parallel_loop3A_269 : vector<16xi32>
        tpu.vector_store_idx %arg11[%parallel_loop3A_108, %parallel_loop3A_270], %parallel_loop3A_242 : memref<160x128xf32, #tpu.memory_space<vmem>>[vector<16xi32>, vector<16xi32>], vector<16xf32>,
        %parallel_loop3A_271 = arith.constant 20 : i32
        %parallel_loop3A_272 = vector.broadcast %parallel_loop3A_271 : i32 to vector<16xi32>
        %parallel_loop3A_273 = arith.addi %parallel_loop3A_114, %parallel_loop3A_272 : vector<16xi32>
        tpu.vector_store_idx %arg11[%parallel_loop3A_108, %parallel_loop3A_273], %parallel_loop3A_246 : memref<160x128xf32, #tpu.memory_space<vmem>>[vector<16xi32>, vector<16xi32>], vector<16xf32>,
        %parallel_loop3A_274 = arith.constant 21 : i32
        %parallel_loop3A_275 = vector.broadcast %parallel_loop3A_274 : i32 to vector<16xi32>
        %parallel_loop3A_276 = arith.addi %parallel_loop3A_114, %parallel_loop3A_275 : vector<16xi32>
        tpu.vector_store_idx %arg11[%parallel_loop3A_108, %parallel_loop3A_276], %parallel_loop3A_250 : memref<160x128xf32, #tpu.memory_space<vmem>>[vector<16xi32>, vector<16xi32>], vector<16xf32>,
        %parallel_loop3A_277 = arith.constant 22 : i32
        %parallel_loop3A_278 = vector.broadcast %parallel_loop3A_277 : i32 to vector<16xi32>
        %parallel_loop3A_279 = arith.addi %parallel_loop3A_114, %parallel_loop3A_278 : vector<16xi32>
        tpu.vector_store_idx %arg11[%parallel_loop3A_108, %parallel_loop3A_279], %parallel_loop3A_254 : memref<160x128xf32, #tpu.memory_space<vmem>>[vector<16xi32>, vector<16xi32>], vector<16xf32>,
        %parallel_loop3A_280 = arith.constant 23 : i32
        %parallel_loop3A_281 = vector.broadcast %parallel_loop3A_280 : i32 to vector<16xi32>
        %parallel_loop3A_282 = arith.addi %parallel_loop3A_114, %parallel_loop3A_281 : vector<16xi32>
        tpu.vector_store_idx %arg11[%parallel_loop3A_108, %parallel_loop3A_282], %parallel_loop3A_258 : memref<160x128xf32, #tpu.memory_space<vmem>>[vector<16xi32>, vector<16xi32>], vector<16xf32>,
        %parallel_loop3A_283 = arith.constant 24 : i32
        %parallel_loop3A_284 = vector.broadcast %parallel_loop3A_283 : i32 to vector<16xi32>
        %parallel_loop3A_285 = arith.addi %parallel_loop3A_104, %parallel_loop3A_284 : vector<16xi32>
        %parallel_loop3A_286 = tpu.vector_load_idx %arg6[%parallel_loop3A_285] : memref<768xf32, #tpu.memory_space<vmem>>[vector<16xi32>], vector<16xf32>,
        %parallel_loop3A_287 = arith.constant 25 : i32
        %parallel_loop3A_288 = vector.broadcast %parallel_loop3A_287 : i32 to vector<16xi32>
        %parallel_loop3A_289 = arith.addi %parallel_loop3A_104, %parallel_loop3A_288 : vector<16xi32>
        %parallel_loop3A_290 = tpu.vector_load_idx %arg6[%parallel_loop3A_289] : memref<768xf32, #tpu.memory_space<vmem>>[vector<16xi32>], vector<16xf32>,
        %parallel_loop3A_291 = arith.constant 26 : i32
        %parallel_loop3A_292 = vector.broadcast %parallel_loop3A_291 : i32 to vector<16xi32>
        %parallel_loop3A_293 = arith.addi %parallel_loop3A_104, %parallel_loop3A_292 : vector<16xi32>
        %parallel_loop3A_294 = tpu.vector_load_idx %arg6[%parallel_loop3A_293] : memref<768xf32, #tpu.memory_space<vmem>>[vector<16xi32>], vector<16xf32>,
        %parallel_loop3A_295 = arith.constant 27 : i32
        %parallel_loop3A_296 = vector.broadcast %parallel_loop3A_295 : i32 to vector<16xi32>
        %parallel_loop3A_297 = arith.addi %parallel_loop3A_104, %parallel_loop3A_296 : vector<16xi32>
        %parallel_loop3A_298 = tpu.vector_load_idx %arg6[%parallel_loop3A_297] : memref<768xf32, #tpu.memory_space<vmem>>[vector<16xi32>], vector<16xf32>,
        %parallel_loop3A_299 = arith.constant 28 : i32
        %parallel_loop3A_300 = vector.broadcast %parallel_loop3A_299 : i32 to vector<16xi32>
        %parallel_loop3A_301 = arith.addi %parallel_loop3A_104, %parallel_loop3A_300 : vector<16xi32>
        %parallel_loop3A_302 = tpu.vector_load_idx %arg6[%parallel_loop3A_301] : memref<768xf32, #tpu.memory_space<vmem>>[vector<16xi32>], vector<16xf32>,
        %parallel_loop3A_303 = arith.constant 29 : i32
        %parallel_loop3A_304 = vector.broadcast %parallel_loop3A_303 : i32 to vector<16xi32>
        %parallel_loop3A_305 = arith.addi %parallel_loop3A_104, %parallel_loop3A_304 : vector<16xi32>
        %parallel_loop3A_306 = tpu.vector_load_idx %arg6[%parallel_loop3A_305] : memref<768xf32, #tpu.memory_space<vmem>>[vector<16xi32>], vector<16xf32>,
        %parallel_loop3A_307 = arith.constant 30 : i32
        %parallel_loop3A_308 = vector.broadcast %parallel_loop3A_307 : i32 to vector<16xi32>
        %parallel_loop3A_309 = arith.addi %parallel_loop3A_104, %parallel_loop3A_308 : vector<16xi32>
        %parallel_loop3A_310 = tpu.vector_load_idx %arg6[%parallel_loop3A_309] : memref<768xf32, #tpu.memory_space<vmem>>[vector<16xi32>], vector<16xf32>,
        %parallel_loop3A_311 = arith.constant 31 : i32
        %parallel_loop3A_312 = vector.broadcast %parallel_loop3A_311 : i32 to vector<16xi32>
        %parallel_loop3A_313 = arith.addi %parallel_loop3A_104, %parallel_loop3A_312 : vector<16xi32>
        %parallel_loop3A_314 = tpu.vector_load_idx %arg6[%parallel_loop3A_313] : memref<768xf32, #tpu.memory_space<vmem>>[vector<16xi32>], vector<16xf32>,
        %parallel_loop3A_315 = arith.constant 24 : i32
        %parallel_loop3A_316 = vector.broadcast %parallel_loop3A_315 : i32 to vector<16xi32>
        %parallel_loop3A_317 = arith.addi %parallel_loop3A_114, %parallel_loop3A_316 : vector<16xi32>
        tpu.vector_store_idx %arg11[%parallel_loop3A_108, %parallel_loop3A_317], %parallel_loop3A_286 : memref<160x128xf32, #tpu.memory_space<vmem>>[vector<16xi32>, vector<16xi32>], vector<16xf32>,
        %parallel_loop3A_318 = arith.constant 25 : i32
        %parallel_loop3A_319 = vector.broadcast %parallel_loop3A_318 : i32 to vector<16xi32>
        %parallel_loop3A_320 = arith.addi %parallel_loop3A_114, %parallel_loop3A_319 : vector<16xi32>
        tpu.vector_store_idx %arg11[%parallel_loop3A_108, %parallel_loop3A_320], %parallel_loop3A_290 : memref<160x128xf32, #tpu.memory_space<vmem>>[vector<16xi32>, vector<16xi32>], vector<16xf32>,
        %parallel_loop3A_321 = arith.constant 26 : i32
        %parallel_loop3A_322 = vector.broadcast %parallel_loop3A_321 : i32 to vector<16xi32>
        %parallel_loop3A_323 = arith.addi %parallel_loop3A_114, %parallel_loop3A_322 : vector<16xi32>
        tpu.vector_store_idx %arg11[%parallel_loop3A_108, %parallel_loop3A_323], %parallel_loop3A_294 : memref<160x128xf32, #tpu.memory_space<vmem>>[vector<16xi32>, vector<16xi32>], vector<16xf32>,
        %parallel_loop3A_324 = arith.constant 27 : i32
        %parallel_loop3A_325 = vector.broadcast %parallel_loop3A_324 : i32 to vector<16xi32>
        %parallel_loop3A_326 = arith.addi %parallel_loop3A_114, %parallel_loop3A_325 : vector<16xi32>
        tpu.vector_store_idx %arg11[%parallel_loop3A_108, %parallel_loop3A_326], %parallel_loop3A_298 : memref<160x128xf32, #tpu.memory_space<vmem>>[vector<16xi32>, vector<16xi32>], vector<16xf32>,
        %parallel_loop3A_327 = arith.constant 28 : i32
        %parallel_loop3A_328 = vector.broadcast %parallel_loop3A_327 : i32 to vector<16xi32>
        %parallel_loop3A_329 = arith.addi %parallel_loop3A_114, %parallel_loop3A_328 : vector<16xi32>
        tpu.vector_store_idx %arg11[%parallel_loop3A_108, %parallel_loop3A_329], %parallel_loop3A_302 : memref<160x128xf32, #tpu.memory_space<vmem>>[vector<16xi32>, vector<16xi32>], vector<16xf32>,
        %parallel_loop3A_330 = arith.constant 29 : i32
        %parallel_loop3A_331 = vector.broadcast %parallel_loop3A_330 : i32 to vector<16xi32>
        %parallel_loop3A_332 = arith.addi %parallel_loop3A_114, %parallel_loop3A_331 : vector<16xi32>
        tpu.vector_store_idx %arg11[%parallel_loop3A_108, %parallel_loop3A_332], %parallel_loop3A_306 : memref<160x128xf32, #tpu.memory_space<vmem>>[vector<16xi32>, vector<16xi32>], vector<16xf32>,
        %parallel_loop3A_333 = arith.constant 30 : i32
        %parallel_loop3A_334 = vector.broadcast %parallel_loop3A_333 : i32 to vector<16xi32>
        %parallel_loop3A_335 = arith.addi %parallel_loop3A_114, %parallel_loop3A_334 : vector<16xi32>
        tpu.vector_store_idx %arg11[%parallel_loop3A_108, %parallel_loop3A_335], %parallel_loop3A_310 : memref<160x128xf32, #tpu.memory_space<vmem>>[vector<16xi32>, vector<16xi32>], vector<16xf32>,
        %parallel_loop3A_336 = arith.constant 31 : i32
        %parallel_loop3A_337 = vector.broadcast %parallel_loop3A_336 : i32 to vector<16xi32>
        %parallel_loop3A_338 = arith.addi %parallel_loop3A_114, %parallel_loop3A_337 : vector<16xi32>
        tpu.vector_store_idx %arg11[%parallel_loop3A_108, %parallel_loop3A_338], %parallel_loop3A_314 : memref<160x128xf32, #tpu.memory_space<vmem>>[vector<16xi32>, vector<16xi32>], vector<16xf32>,
        %parallel_loop3A_339 = arith.constant 32 : i32
        %parallel_loop3A_340 = vector.broadcast %parallel_loop3A_339 : i32 to vector<16xi32>
        %parallel_loop3A_341 = arith.addi %parallel_loop3A_104, %parallel_loop3A_340 : vector<16xi32>
        %parallel_loop3A_342 = tpu.vector_load_idx %arg6[%parallel_loop3A_341] : memref<768xf32, #tpu.memory_space<vmem>>[vector<16xi32>], vector<16xf32>,
        %parallel_loop3A_343 = arith.constant 33 : i32
        %parallel_loop3A_344 = vector.broadcast %parallel_loop3A_343 : i32 to vector<16xi32>
        %parallel_loop3A_345 = arith.addi %parallel_loop3A_104, %parallel_loop3A_344 : vector<16xi32>
        %parallel_loop3A_346 = tpu.vector_load_idx %arg6[%parallel_loop3A_345] : memref<768xf32, #tpu.memory_space<vmem>>[vector<16xi32>], vector<16xf32>,
        %parallel_loop3A_347 = arith.constant 34 : i32
        %parallel_loop3A_348 = vector.broadcast %parallel_loop3A_347 : i32 to vector<16xi32>
        %parallel_loop3A_349 = arith.addi %parallel_loop3A_104, %parallel_loop3A_348 : vector<16xi32>
        %parallel_loop3A_350 = tpu.vector_load_idx %arg6[%parallel_loop3A_349] : memref<768xf32, #tpu.memory_space<vmem>>[vector<16xi32>], vector<16xf32>,
        %parallel_loop3A_351 = arith.constant 35 : i32
        %parallel_loop3A_352 = vector.broadcast %parallel_loop3A_351 : i32 to vector<16xi32>
        %parallel_loop3A_353 = arith.addi %parallel_loop3A_104, %parallel_loop3A_352 : vector<16xi32>
        %parallel_loop3A_354 = tpu.vector_load_idx %arg6[%parallel_loop3A_353] : memref<768xf32, #tpu.memory_space<vmem>>[vector<16xi32>], vector<16xf32>,
        %parallel_loop3A_355 = arith.constant 36 : i32
        %parallel_loop3A_356 = vector.broadcast %parallel_loop3A_355 : i32 to vector<16xi32>
        %parallel_loop3A_357 = arith.addi %parallel_loop3A_104, %parallel_loop3A_356 : vector<16xi32>
        %parallel_loop3A_358 = tpu.vector_load_idx %arg6[%parallel_loop3A_357] : memref<768xf32, #tpu.memory_space<vmem>>[vector<16xi32>], vector<16xf32>,
        %parallel_loop3A_359 = arith.constant 37 : i32
        %parallel_loop3A_360 = vector.broadcast %parallel_loop3A_359 : i32 to vector<16xi32>
        %parallel_loop3A_361 = arith.addi %parallel_loop3A_104, %parallel_loop3A_360 : vector<16xi32>
        %parallel_loop3A_362 = tpu.vector_load_idx %arg6[%parallel_loop3A_361] : memref<768xf32, #tpu.memory_space<vmem>>[vector<16xi32>], vector<16xf32>,
        %parallel_loop3A_363 = arith.constant 38 : i32
        %parallel_loop3A_364 = vector.broadcast %parallel_loop3A_363 : i32 to vector<16xi32>
        %parallel_loop3A_365 = arith.addi %parallel_loop3A_104, %parallel_loop3A_364 : vector<16xi32>
        %parallel_loop3A_366 = tpu.vector_load_idx %arg6[%parallel_loop3A_365] : memref<768xf32, #tpu.memory_space<vmem>>[vector<16xi32>], vector<16xf32>,
        %parallel_loop3A_367 = arith.constant 39 : i32
        %parallel_loop3A_368 = vector.broadcast %parallel_loop3A_367 : i32 to vector<16xi32>
        %parallel_loop3A_369 = arith.addi %parallel_loop3A_104, %parallel_loop3A_368 : vector<16xi32>
        %parallel_loop3A_370 = tpu.vector_load_idx %arg6[%parallel_loop3A_369] : memref<768xf32, #tpu.memory_space<vmem>>[vector<16xi32>], vector<16xf32>,
        %parallel_loop3A_371 = arith.constant 32 : i32
        %parallel_loop3A_372 = vector.broadcast %parallel_loop3A_371 : i32 to vector<16xi32>
        %parallel_loop3A_373 = arith.addi %parallel_loop3A_114, %parallel_loop3A_372 : vector<16xi32>
        tpu.vector_store_idx %arg11[%parallel_loop3A_108, %parallel_loop3A_373], %parallel_loop3A_342 : memref<160x128xf32, #tpu.memory_space<vmem>>[vector<16xi32>, vector<16xi32>], vector<16xf32>,
        %parallel_loop3A_374 = arith.constant 33 : i32
        %parallel_loop3A_375 = vector.broadcast %parallel_loop3A_374 : i32 to vector<16xi32>
        %parallel_loop3A_376 = arith.addi %parallel_loop3A_114, %parallel_loop3A_375 : vector<16xi32>
        tpu.vector_store_idx %arg11[%parallel_loop3A_108, %parallel_loop3A_376], %parallel_loop3A_346 : memref<160x128xf32, #tpu.memory_space<vmem>>[vector<16xi32>, vector<16xi32>], vector<16xf32>,
        %parallel_loop3A_377 = arith.constant 34 : i32
        %parallel_loop3A_378 = vector.broadcast %parallel_loop3A_377 : i32 to vector<16xi32>
        %parallel_loop3A_379 = arith.addi %parallel_loop3A_114, %parallel_loop3A_378 : vector<16xi32>
        tpu.vector_store_idx %arg11[%parallel_loop3A_108, %parallel_loop3A_379], %parallel_loop3A_350 : memref<160x128xf32, #tpu.memory_space<vmem>>[vector<16xi32>, vector<16xi32>], vector<16xf32>,
        %parallel_loop3A_380 = arith.constant 35 : i32
        %parallel_loop3A_381 = vector.broadcast %parallel_loop3A_380 : i32 to vector<16xi32>
        %parallel_loop3A_382 = arith.addi %parallel_loop3A_114, %parallel_loop3A_381 : vector<16xi32>
        tpu.vector_store_idx %arg11[%parallel_loop3A_108, %parallel_loop3A_382], %parallel_loop3A_354 : memref<160x128xf32, #tpu.memory_space<vmem>>[vector<16xi32>, vector<16xi32>], vector<16xf32>,
        %parallel_loop3A_383 = arith.constant 36 : i32
        %parallel_loop3A_384 = vector.broadcast %parallel_loop3A_383 : i32 to vector<16xi32>
        %parallel_loop3A_385 = arith.addi %parallel_loop3A_114, %parallel_loop3A_384 : vector<16xi32>
        tpu.vector_store_idx %arg11[%parallel_loop3A_108, %parallel_loop3A_385], %parallel_loop3A_358 : memref<160x128xf32, #tpu.memory_space<vmem>>[vector<16xi32>, vector<16xi32>], vector<16xf32>,
        %parallel_loop3A_386 = arith.constant 37 : i32
        %parallel_loop3A_387 = vector.broadcast %parallel_loop3A_386 : i32 to vector<16xi32>
        %parallel_loop3A_388 = arith.addi %parallel_loop3A_114, %parallel_loop3A_387 : vector<16xi32>
        tpu.vector_store_idx %arg11[%parallel_loop3A_108, %parallel_loop3A_388], %parallel_loop3A_362 : memref<160x128xf32, #tpu.memory_space<vmem>>[vector<16xi32>, vector<16xi32>], vector<16xf32>,
        %parallel_loop3A_389 = arith.constant 38 : i32
        %parallel_loop3A_390 = vector.broadcast %parallel_loop3A_389 : i32 to vector<16xi32>
        %parallel_loop3A_391 = arith.addi %parallel_loop3A_114, %parallel_loop3A_390 : vector<16xi32>
        tpu.vector_store_idx %arg11[%parallel_loop3A_108, %parallel_loop3A_391], %parallel_loop3A_366 : memref<160x128xf32, #tpu.memory_space<vmem>>[vector<16xi32>, vector<16xi32>], vector<16xf32>,
        %parallel_loop3A_392 = arith.constant 39 : i32
        %parallel_loop3A_393 = vector.broadcast %parallel_loop3A_392 : i32 to vector<16xi32>
        %parallel_loop3A_394 = arith.addi %parallel_loop3A_114, %parallel_loop3A_393 : vector<16xi32>
        tpu.vector_store_idx %arg11[%parallel_loop3A_108, %parallel_loop3A_394], %parallel_loop3A_370 : memref<160x128xf32, #tpu.memory_space<vmem>>[vector<16xi32>, vector<16xi32>], vector<16xf32>,
        %parallel_loop3A_395 = arith.constant 40 : i32
        %parallel_loop3A_396 = vector.broadcast %parallel_loop3A_395 : i32 to vector<16xi32>
        %parallel_loop3A_397 = arith.addi %parallel_loop3A_104, %parallel_loop3A_396 : vector<16xi32>
        %parallel_loop3A_398 = tpu.vector_load_idx %arg6[%parallel_loop3A_397] : memref<768xf32, #tpu.memory_space<vmem>>[vector<16xi32>], vector<16xf32>,
        %parallel_loop3A_399 = arith.constant 41 : i32
        %parallel_loop3A_400 = vector.broadcast %parallel_loop3A_399 : i32 to vector<16xi32>
        %parallel_loop3A_401 = arith.addi %parallel_loop3A_104, %parallel_loop3A_400 : vector<16xi32>
        %parallel_loop3A_402 = tpu.vector_load_idx %arg6[%parallel_loop3A_401] : memref<768xf32, #tpu.memory_space<vmem>>[vector<16xi32>], vector<16xf32>,
        %parallel_loop3A_403 = arith.constant 42 : i32
        %parallel_loop3A_404 = vector.broadcast %parallel_loop3A_403 : i32 to vector<16xi32>
        %parallel_loop3A_405 = arith.addi %parallel_loop3A_104, %parallel_loop3A_404 : vector<16xi32>
        %parallel_loop3A_406 = tpu.vector_load_idx %arg6[%parallel_loop3A_405] : memref<768xf32, #tpu.memory_space<vmem>>[vector<16xi32>], vector<16xf32>,
        %parallel_loop3A_407 = arith.constant 43 : i32
        %parallel_loop3A_408 = vector.broadcast %parallel_loop3A_407 : i32 to vector<16xi32>
        %parallel_loop3A_409 = arith.addi %parallel_loop3A_104, %parallel_loop3A_408 : vector<16xi32>
        %parallel_loop3A_410 = tpu.vector_load_idx %arg6[%parallel_loop3A_409] : memref<768xf32, #tpu.memory_space<vmem>>[vector<16xi32>], vector<16xf32>,
        %parallel_loop3A_411 = arith.constant 44 : i32
        %parallel_loop3A_412 = vector.broadcast %parallel_loop3A_411 : i32 to vector<16xi32>
        %parallel_loop3A_413 = arith.addi %parallel_loop3A_104, %parallel_loop3A_412 : vector<16xi32>
        %parallel_loop3A_414 = tpu.vector_load_idx %arg6[%parallel_loop3A_413] : memref<768xf32, #tpu.memory_space<vmem>>[vector<16xi32>], vector<16xf32>,
        %parallel_loop3A_415 = arith.constant 45 : i32
        %parallel_loop3A_416 = vector.broadcast %parallel_loop3A_415 : i32 to vector<16xi32>
        %parallel_loop3A_417 = arith.addi %parallel_loop3A_104, %parallel_loop3A_416 : vector<16xi32>
        %parallel_loop3A_418 = tpu.vector_load_idx %arg6[%parallel_loop3A_417] : memref<768xf32, #tpu.memory_space<vmem>>[vector<16xi32>], vector<16xf32>,
        %parallel_loop3A_419 = arith.constant 46 : i32
        %parallel_loop3A_420 = vector.broadcast %parallel_loop3A_419 : i32 to vector<16xi32>
        %parallel_loop3A_421 = arith.addi %parallel_loop3A_104, %parallel_loop3A_420 : vector<16xi32>
        %parallel_loop3A_422 = tpu.vector_load_idx %arg6[%parallel_loop3A_421] : memref<768xf32, #tpu.memory_space<vmem>>[vector<16xi32>], vector<16xf32>,
        %parallel_loop3A_423 = arith.constant 47 : i32
        %parallel_loop3A_424 = vector.broadcast %parallel_loop3A_423 : i32 to vector<16xi32>
        %parallel_loop3A_425 = arith.addi %parallel_loop3A_104, %parallel_loop3A_424 : vector<16xi32>
        %parallel_loop3A_426 = tpu.vector_load_idx %arg6[%parallel_loop3A_425] : memref<768xf32, #tpu.memory_space<vmem>>[vector<16xi32>], vector<16xf32>,
        %parallel_loop3A_427 = arith.constant 40 : i32
        %parallel_loop3A_428 = vector.broadcast %parallel_loop3A_427 : i32 to vector<16xi32>
        %parallel_loop3A_429 = arith.addi %parallel_loop3A_114, %parallel_loop3A_428 : vector<16xi32>
        tpu.vector_store_idx %arg11[%parallel_loop3A_108, %parallel_loop3A_429], %parallel_loop3A_398 : memref<160x128xf32, #tpu.memory_space<vmem>>[vector<16xi32>, vector<16xi32>], vector<16xf32>,
        %parallel_loop3A_430 = arith.constant 41 : i32
        %parallel_loop3A_431 = vector.broadcast %parallel_loop3A_430 : i32 to vector<16xi32>
        %parallel_loop3A_432 = arith.addi %parallel_loop3A_114, %parallel_loop3A_431 : vector<16xi32>
        tpu.vector_store_idx %arg11[%parallel_loop3A_108, %parallel_loop3A_432], %parallel_loop3A_402 : memref<160x128xf32, #tpu.memory_space<vmem>>[vector<16xi32>, vector<16xi32>], vector<16xf32>,
        %parallel_loop3A_433 = arith.constant 42 : i32
        %parallel_loop3A_434 = vector.broadcast %parallel_loop3A_433 : i32 to vector<16xi32>
        %parallel_loop3A_435 = arith.addi %parallel_loop3A_114, %parallel_loop3A_434 : vector<16xi32>
        tpu.vector_store_idx %arg11[%parallel_loop3A_108, %parallel_loop3A_435], %parallel_loop3A_406 : memref<160x128xf32, #tpu.memory_space<vmem>>[vector<16xi32>, vector<16xi32>], vector<16xf32>,
        %parallel_loop3A_436 = arith.constant 43 : i32
        %parallel_loop3A_437 = vector.broadcast %parallel_loop3A_436 : i32 to vector<16xi32>
        %parallel_loop3A_438 = arith.addi %parallel_loop3A_114, %parallel_loop3A_437 : vector<16xi32>
        tpu.vector_store_idx %arg11[%parallel_loop3A_108, %parallel_loop3A_438], %parallel_loop3A_410 : memref<160x128xf32, #tpu.memory_space<vmem>>[vector<16xi32>, vector<16xi32>], vector<16xf32>,
        %parallel_loop3A_439 = arith.constant 44 : i32
        %parallel_loop3A_440 = vector.broadcast %parallel_loop3A_439 : i32 to vector<16xi32>
        %parallel_loop3A_441 = arith.addi %parallel_loop3A_114, %parallel_loop3A_440 : vector<16xi32>
        tpu.vector_store_idx %arg11[%parallel_loop3A_108, %parallel_loop3A_441], %parallel_loop3A_414 : memref<160x128xf32, #tpu.memory_space<vmem>>[vector<16xi32>, vector<16xi32>], vector<16xf32>,
        %parallel_loop3A_442 = arith.constant 45 : i32
        %parallel_loop3A_443 = vector.broadcast %parallel_loop3A_442 : i32 to vector<16xi32>
        %parallel_loop3A_444 = arith.addi %parallel_loop3A_114, %parallel_loop3A_443 : vector<16xi32>
        tpu.vector_store_idx %arg11[%parallel_loop3A_108, %parallel_loop3A_444], %parallel_loop3A_418 : memref<160x128xf32, #tpu.memory_space<vmem>>[vector<16xi32>, vector<16xi32>], vector<16xf32>,
        %parallel_loop3A_445 = arith.constant 46 : i32
        %parallel_loop3A_446 = vector.broadcast %parallel_loop3A_445 : i32 to vector<16xi32>
        %parallel_loop3A_447 = arith.addi %parallel_loop3A_114, %parallel_loop3A_446 : vector<16xi32>
        tpu.vector_store_idx %arg11[%parallel_loop3A_108, %parallel_loop3A_447], %parallel_loop3A_422 : memref<160x128xf32, #tpu.memory_space<vmem>>[vector<16xi32>, vector<16xi32>], vector<16xf32>,
        %parallel_loop3A_448 = arith.constant 47 : i32
        %parallel_loop3A_449 = vector.broadcast %parallel_loop3A_448 : i32 to vector<16xi32>
        %parallel_loop3A_450 = arith.addi %parallel_loop3A_114, %parallel_loop3A_449 : vector<16xi32>
        tpu.vector_store_idx %arg11[%parallel_loop3A_108, %parallel_loop3A_450], %parallel_loop3A_426 : memref<160x128xf32, #tpu.memory_space<vmem>>[vector<16xi32>, vector<16xi32>], vector<16xf32>,
        %parallel_loop3A_451 = arith.constant 48 : i32
        %parallel_loop3A_452 = vector.broadcast %parallel_loop3A_451 : i32 to vector<16xi32>
        %parallel_loop3A_453 = arith.addi %parallel_loop3A_104, %parallel_loop3A_452 : vector<16xi32>
        %parallel_loop3A_454 = tpu.vector_load_idx %arg6[%parallel_loop3A_453] : memref<768xf32, #tpu.memory_space<vmem>>[vector<16xi32>], vector<16xf32>,
        %parallel_loop3A_455 = arith.constant 49 : i32
        %parallel_loop3A_456 = vector.broadcast %parallel_loop3A_455 : i32 to vector<16xi32>
        %parallel_loop3A_457 = arith.addi %parallel_loop3A_104, %parallel_loop3A_456 : vector<16xi32>
        %parallel_loop3A_458 = tpu.vector_load_idx %arg6[%parallel_loop3A_457] : memref<768xf32, #tpu.memory_space<vmem>>[vector<16xi32>], vector<16xf32>,
        %parallel_loop3A_459 = arith.constant 50 : i32
        %parallel_loop3A_460 = vector.broadcast %parallel_loop3A_459 : i32 to vector<16xi32>
        %parallel_loop3A_461 = arith.addi %parallel_loop3A_104, %parallel_loop3A_460 : vector<16xi32>
        %parallel_loop3A_462 = tpu.vector_load_idx %arg6[%parallel_loop3A_461] : memref<768xf32, #tpu.memory_space<vmem>>[vector<16xi32>], vector<16xf32>,
        %parallel_loop3A_463 = arith.constant 51 : i32
        %parallel_loop3A_464 = vector.broadcast %parallel_loop3A_463 : i32 to vector<16xi32>
        %parallel_loop3A_465 = arith.addi %parallel_loop3A_104, %parallel_loop3A_464 : vector<16xi32>
        %parallel_loop3A_466 = tpu.vector_load_idx %arg6[%parallel_loop3A_465] : memref<768xf32, #tpu.memory_space<vmem>>[vector<16xi32>], vector<16xf32>,
        %parallel_loop3A_467 = arith.constant 52 : i32
        %parallel_loop3A_468 = vector.broadcast %parallel_loop3A_467 : i32 to vector<16xi32>
        %parallel_loop3A_469 = arith.addi %parallel_loop3A_104, %parallel_loop3A_468 : vector<16xi32>
        %parallel_loop3A_470 = tpu.vector_load_idx %arg6[%parallel_loop3A_469] : memref<768xf32, #tpu.memory_space<vmem>>[vector<16xi32>], vector<16xf32>,
        %parallel_loop3A_471 = arith.constant 53 : i32
        %parallel_loop3A_472 = vector.broadcast %parallel_loop3A_471 : i32 to vector<16xi32>
        %parallel_loop3A_473 = arith.addi %parallel_loop3A_104, %parallel_loop3A_472 : vector<16xi32>
        %parallel_loop3A_474 = tpu.vector_load_idx %arg6[%parallel_loop3A_473] : memref<768xf32, #tpu.memory_space<vmem>>[vector<16xi32>], vector<16xf32>,
        %parallel_loop3A_475 = arith.constant 54 : i32
        %parallel_loop3A_476 = vector.broadcast %parallel_loop3A_475 : i32 to vector<16xi32>
        %parallel_loop3A_477 = arith.addi %parallel_loop3A_104, %parallel_loop3A_476 : vector<16xi32>
        %parallel_loop3A_478 = tpu.vector_load_idx %arg6[%parallel_loop3A_477] : memref<768xf32, #tpu.memory_space<vmem>>[vector<16xi32>], vector<16xf32>,
        %parallel_loop3A_479 = arith.constant 55 : i32
        %parallel_loop3A_480 = vector.broadcast %parallel_loop3A_479 : i32 to vector<16xi32>
        %parallel_loop3A_481 = arith.addi %parallel_loop3A_104, %parallel_loop3A_480 : vector<16xi32>
        %parallel_loop3A_482 = tpu.vector_load_idx %arg6[%parallel_loop3A_481] : memref<768xf32, #tpu.memory_space<vmem>>[vector<16xi32>], vector<16xf32>,
        %parallel_loop3A_483 = arith.constant 48 : i32
        %parallel_loop3A_484 = vector.broadcast %parallel_loop3A_483 : i32 to vector<16xi32>
        %parallel_loop3A_485 = arith.addi %parallel_loop3A_114, %parallel_loop3A_484 : vector<16xi32>
        tpu.vector_store_idx %arg11[%parallel_loop3A_108, %parallel_loop3A_485], %parallel_loop3A_454 : memref<160x128xf32, #tpu.memory_space<vmem>>[vector<16xi32>, vector<16xi32>], vector<16xf32>,
        %parallel_loop3A_486 = arith.constant 49 : i32
        %parallel_loop3A_487 = vector.broadcast %parallel_loop3A_486 : i32 to vector<16xi32>
        %parallel_loop3A_488 = arith.addi %parallel_loop3A_114, %parallel_loop3A_487 : vector<16xi32>
        tpu.vector_store_idx %arg11[%parallel_loop3A_108, %parallel_loop3A_488], %parallel_loop3A_458 : memref<160x128xf32, #tpu.memory_space<vmem>>[vector<16xi32>, vector<16xi32>], vector<16xf32>,
        %parallel_loop3A_489 = arith.constant 50 : i32
        %parallel_loop3A_490 = vector.broadcast %parallel_loop3A_489 : i32 to vector<16xi32>
        %parallel_loop3A_491 = arith.addi %parallel_loop3A_114, %parallel_loop3A_490 : vector<16xi32>
        tpu.vector_store_idx %arg11[%parallel_loop3A_108, %parallel_loop3A_491], %parallel_loop3A_462 : memref<160x128xf32, #tpu.memory_space<vmem>>[vector<16xi32>, vector<16xi32>], vector<16xf32>,
        %parallel_loop3A_492 = arith.constant 51 : i32
        %parallel_loop3A_493 = vector.broadcast %parallel_loop3A_492 : i32 to vector<16xi32>
        %parallel_loop3A_494 = arith.addi %parallel_loop3A_114, %parallel_loop3A_493 : vector<16xi32>
        tpu.vector_store_idx %arg11[%parallel_loop3A_108, %parallel_loop3A_494], %parallel_loop3A_466 : memref<160x128xf32, #tpu.memory_space<vmem>>[vector<16xi32>, vector<16xi32>], vector<16xf32>,
        %parallel_loop3A_495 = arith.constant 52 : i32
        %parallel_loop3A_496 = vector.broadcast %parallel_loop3A_495 : i32 to vector<16xi32>
        %parallel_loop3A_497 = arith.addi %parallel_loop3A_114, %parallel_loop3A_496 : vector<16xi32>
        tpu.vector_store_idx %arg11[%parallel_loop3A_108, %parallel_loop3A_497], %parallel_loop3A_470 : memref<160x128xf32, #tpu.memory_space<vmem>>[vector<16xi32>, vector<16xi32>], vector<16xf32>,
        %parallel_loop3A_498 = arith.constant 53 : i32
        %parallel_loop3A_499 = vector.broadcast %parallel_loop3A_498 : i32 to vector<16xi32>
        %parallel_loop3A_500 = arith.addi %parallel_loop3A_114, %parallel_loop3A_499 : vector<16xi32>
        tpu.vector_store_idx %arg11[%parallel_loop3A_108, %parallel_loop3A_500], %parallel_loop3A_474 : memref<160x128xf32, #tpu.memory_space<vmem>>[vector<16xi32>, vector<16xi32>], vector<16xf32>,
        %parallel_loop3A_501 = arith.constant 54 : i32
        %parallel_loop3A_502 = vector.broadcast %parallel_loop3A_501 : i32 to vector<16xi32>
        %parallel_loop3A_503 = arith.addi %parallel_loop3A_114, %parallel_loop3A_502 : vector<16xi32>
        tpu.vector_store_idx %arg11[%parallel_loop3A_108, %parallel_loop3A_503], %parallel_loop3A_478 : memref<160x128xf32, #tpu.memory_space<vmem>>[vector<16xi32>, vector<16xi32>], vector<16xf32>,
        %parallel_loop3A_504 = arith.constant 55 : i32
        %parallel_loop3A_505 = vector.broadcast %parallel_loop3A_504 : i32 to vector<16xi32>
        %parallel_loop3A_506 = arith.addi %parallel_loop3A_114, %parallel_loop3A_505 : vector<16xi32>
        tpu.vector_store_idx %arg11[%parallel_loop3A_108, %parallel_loop3A_506], %parallel_loop3A_482 : memref<160x128xf32, #tpu.memory_space<vmem>>[vector<16xi32>, vector<16xi32>], vector<16xf32>,
        %parallel_loop3A_507 = arith.constant 56 : i32
        %parallel_loop3A_508 = vector.broadcast %parallel_loop3A_507 : i32 to vector<16xi32>
        %parallel_loop3A_509 = arith.addi %parallel_loop3A_104, %parallel_loop3A_508 : vector<16xi32>
        %parallel_loop3A_510 = tpu.vector_load_idx %arg6[%parallel_loop3A_509] : memref<768xf32, #tpu.memory_space<vmem>>[vector<16xi32>], vector<16xf32>,
        %parallel_loop3A_511 = arith.constant 57 : i32
        %parallel_loop3A_512 = vector.broadcast %parallel_loop3A_511 : i32 to vector<16xi32>
        %parallel_loop3A_513 = arith.addi %parallel_loop3A_104, %parallel_loop3A_512 : vector<16xi32>
        %parallel_loop3A_514 = tpu.vector_load_idx %arg6[%parallel_loop3A_513] : memref<768xf32, #tpu.memory_space<vmem>>[vector<16xi32>], vector<16xf32>,
        %parallel_loop3A_515 = arith.constant 58 : i32
        %parallel_loop3A_516 = vector.broadcast %parallel_loop3A_515 : i32 to vector<16xi32>
        %parallel_loop3A_517 = arith.addi %parallel_loop3A_104, %parallel_loop3A_516 : vector<16xi32>
        %parallel_loop3A_518 = tpu.vector_load_idx %arg6[%parallel_loop3A_517] : memref<768xf32, #tpu.memory_space<vmem>>[vector<16xi32>], vector<16xf32>,
        %parallel_loop3A_519 = arith.constant 59 : i32
        %parallel_loop3A_520 = vector.broadcast %parallel_loop3A_519 : i32 to vector<16xi32>
        %parallel_loop3A_521 = arith.addi %parallel_loop3A_104, %parallel_loop3A_520 : vector<16xi32>
        %parallel_loop3A_522 = tpu.vector_load_idx %arg6[%parallel_loop3A_521] : memref<768xf32, #tpu.memory_space<vmem>>[vector<16xi32>], vector<16xf32>,
        %parallel_loop3A_523 = arith.constant 60 : i32
        %parallel_loop3A_524 = vector.broadcast %parallel_loop3A_523 : i32 to vector<16xi32>
        %parallel_loop3A_525 = arith.addi %parallel_loop3A_104, %parallel_loop3A_524 : vector<16xi32>
        %parallel_loop3A_526 = tpu.vector_load_idx %arg6[%parallel_loop3A_525] : memref<768xf32, #tpu.memory_space<vmem>>[vector<16xi32>], vector<16xf32>,
        %parallel_loop3A_527 = arith.constant 61 : i32
        %parallel_loop3A_528 = vector.broadcast %parallel_loop3A_527 : i32 to vector<16xi32>
        %parallel_loop3A_529 = arith.addi %parallel_loop3A_104, %parallel_loop3A_528 : vector<16xi32>
        %parallel_loop3A_530 = tpu.vector_load_idx %arg6[%parallel_loop3A_529] : memref<768xf32, #tpu.memory_space<vmem>>[vector<16xi32>], vector<16xf32>,
        %parallel_loop3A_531 = arith.constant 62 : i32
        %parallel_loop3A_532 = vector.broadcast %parallel_loop3A_531 : i32 to vector<16xi32>
        %parallel_loop3A_533 = arith.addi %parallel_loop3A_104, %parallel_loop3A_532 : vector<16xi32>
        %parallel_loop3A_534 = tpu.vector_load_idx %arg6[%parallel_loop3A_533] : memref<768xf32, #tpu.memory_space<vmem>>[vector<16xi32>], vector<16xf32>,
        %parallel_loop3A_535 = arith.constant 63 : i32
        %parallel_loop3A_536 = vector.broadcast %parallel_loop3A_535 : i32 to vector<16xi32>
        %parallel_loop3A_537 = arith.addi %parallel_loop3A_104, %parallel_loop3A_536 : vector<16xi32>
        %parallel_loop3A_538 = tpu.vector_load_idx %arg6[%parallel_loop3A_537] : memref<768xf32, #tpu.memory_space<vmem>>[vector<16xi32>], vector<16xf32>,
        %parallel_loop3A_539 = arith.constant 56 : i32
        %parallel_loop3A_540 = vector.broadcast %parallel_loop3A_539 : i32 to vector<16xi32>
        %parallel_loop3A_541 = arith.addi %parallel_loop3A_114, %parallel_loop3A_540 : vector<16xi32>
        tpu.vector_store_idx %arg11[%parallel_loop3A_108, %parallel_loop3A_541], %parallel_loop3A_510 : memref<160x128xf32, #tpu.memory_space<vmem>>[vector<16xi32>, vector<16xi32>], vector<16xf32>,
        %parallel_loop3A_542 = arith.constant 57 : i32
        %parallel_loop3A_543 = vector.broadcast %parallel_loop3A_542 : i32 to vector<16xi32>
        %parallel_loop3A_544 = arith.addi %parallel_loop3A_114, %parallel_loop3A_543 : vector<16xi32>
        tpu.vector_store_idx %arg11[%parallel_loop3A_108, %parallel_loop3A_544], %parallel_loop3A_514 : memref<160x128xf32, #tpu.memory_space<vmem>>[vector<16xi32>, vector<16xi32>], vector<16xf32>,
        %parallel_loop3A_545 = arith.constant 58 : i32
        %parallel_loop3A_546 = vector.broadcast %parallel_loop3A_545 : i32 to vector<16xi32>
        %parallel_loop3A_547 = arith.addi %parallel_loop3A_114, %parallel_loop3A_546 : vector<16xi32>
        tpu.vector_store_idx %arg11[%parallel_loop3A_108, %parallel_loop3A_547], %parallel_loop3A_518 : memref<160x128xf32, #tpu.memory_space<vmem>>[vector<16xi32>, vector<16xi32>], vector<16xf32>,
        %parallel_loop3A_548 = arith.constant 59 : i32
        %parallel_loop3A_549 = vector.broadcast %parallel_loop3A_548 : i32 to vector<16xi32>
        %parallel_loop3A_550 = arith.addi %parallel_loop3A_114, %parallel_loop3A_549 : vector<16xi32>
        tpu.vector_store_idx %arg11[%parallel_loop3A_108, %parallel_loop3A_550], %parallel_loop3A_522 : memref<160x128xf32, #tpu.memory_space<vmem>>[vector<16xi32>, vector<16xi32>], vector<16xf32>,
        %parallel_loop3A_551 = arith.constant 60 : i32
        %parallel_loop3A_552 = vector.broadcast %parallel_loop3A_551 : i32 to vector<16xi32>
        %parallel_loop3A_553 = arith.addi %parallel_loop3A_114, %parallel_loop3A_552 : vector<16xi32>
        tpu.vector_store_idx %arg11[%parallel_loop3A_108, %parallel_loop3A_553], %parallel_loop3A_526 : memref<160x128xf32, #tpu.memory_space<vmem>>[vector<16xi32>, vector<16xi32>], vector<16xf32>,
        %parallel_loop3A_554 = arith.constant 61 : i32
        %parallel_loop3A_555 = vector.broadcast %parallel_loop3A_554 : i32 to vector<16xi32>
        %parallel_loop3A_556 = arith.addi %parallel_loop3A_114, %parallel_loop3A_555 : vector<16xi32>
        tpu.vector_store_idx %arg11[%parallel_loop3A_108, %parallel_loop3A_556], %parallel_loop3A_530 : memref<160x128xf32, #tpu.memory_space<vmem>>[vector<16xi32>, vector<16xi32>], vector<16xf32>,
        %parallel_loop3A_557 = arith.constant 62 : i32
        %parallel_loop3A_558 = vector.broadcast %parallel_loop3A_557 : i32 to vector<16xi32>
        %parallel_loop3A_559 = arith.addi %parallel_loop3A_114, %parallel_loop3A_558 : vector<16xi32>
        tpu.vector_store_idx %arg11[%parallel_loop3A_108, %parallel_loop3A_559], %parallel_loop3A_534 : memref<160x128xf32, #tpu.memory_space<vmem>>[vector<16xi32>, vector<16xi32>], vector<16xf32>,
        %parallel_loop3A_560 = arith.constant 63 : i32
        %parallel_loop3A_561 = vector.broadcast %parallel_loop3A_560 : i32 to vector<16xi32>
        %parallel_loop3A_562 = arith.addi %parallel_loop3A_114, %parallel_loop3A_561 : vector<16xi32>
        tpu.vector_store_idx %arg11[%parallel_loop3A_108, %parallel_loop3A_562], %parallel_loop3A_538 : memref<160x128xf32, #tpu.memory_space<vmem>>[vector<16xi32>, vector<16xi32>], vector<16xf32>,
        %parallel_loop3A_563 = arith.constant 16 : i32
        %parallel_loop3A_564 = arith.muli %parallel_loop3A_97, %parallel_loop3A_563 : i32
        %parallel_loop3A_565 = arith.constant 0 : i32
        %parallel_loop3A_566 = arith.addi %parallel_loop3A_564, %parallel_loop3A_565 : i32
        %parallel_loop3A_567 = arith.constant 1 : i32
        %parallel_loop3A_568 = arith.addi %parallel_loop3A_566, %parallel_loop3A_567 : i32
        %parallel_loop3A_569 = arith.index_cast %parallel_loop3A_566 : i32 to index
        %parallel_loop3A_570 = arith.constant 0 : index
        %parallel_loop3A_571 = tpu.vector_load %arg9[%parallel_loop3A_569, %parallel_loop3A_570] {strides = array<i32>} : memref<160x64xf32, #tpu.memory_space<vmem>>, vector<16xf32>,
        %parallel_loop3A_572 = arith.index_cast %parallel_loop3A_566 : i32 to index
        %parallel_loop3A_573 = arith.constant 16 : index
        %parallel_loop3A_574 = tpu.vector_load %arg9[%parallel_loop3A_572, %parallel_loop3A_573] {strides = array<i32>} : memref<160x64xf32, #tpu.memory_space<vmem>>, vector<16xf32>,
        %parallel_loop3A_575 = arith.index_cast %parallel_loop3A_566 : i32 to index
        %parallel_loop3A_576 = arith.constant 32 : index
        %parallel_loop3A_577 = tpu.vector_load %arg9[%parallel_loop3A_575, %parallel_loop3A_576] {strides = array<i32>} : memref<160x64xf32, #tpu.memory_space<vmem>>, vector<16xf32>,
        %parallel_loop3A_578 = arith.index_cast %parallel_loop3A_566 : i32 to index
        %parallel_loop3A_579 = arith.constant 48 : index
        %parallel_loop3A_580 = tpu.vector_load %arg9[%parallel_loop3A_578, %parallel_loop3A_579] {strides = array<i32>} : memref<160x64xf32, #tpu.memory_space<vmem>>, vector<16xf32>,
        %parallel_loop3A_581 = arith.index_cast %parallel_loop3A_568 : i32 to index
        %parallel_loop3A_582 = arith.constant 0 : index
        %parallel_loop3A_583 = tpu.vector_load %arg9[%parallel_loop3A_581, %parallel_loop3A_582] {strides = array<i32>} : memref<160x64xf32, #tpu.memory_space<vmem>>, vector<16xf32>,
        %parallel_loop3A_584 = arith.index_cast %parallel_loop3A_568 : i32 to index
        %parallel_loop3A_585 = arith.constant 16 : index
        %parallel_loop3A_586 = tpu.vector_load %arg9[%parallel_loop3A_584, %parallel_loop3A_585] {strides = array<i32>} : memref<160x64xf32, #tpu.memory_space<vmem>>, vector<16xf32>,
        %parallel_loop3A_587 = arith.index_cast %parallel_loop3A_568 : i32 to index
        %parallel_loop3A_588 = arith.constant 32 : index
        %parallel_loop3A_589 = tpu.vector_load %arg9[%parallel_loop3A_587, %parallel_loop3A_588] {strides = array<i32>} : memref<160x64xf32, #tpu.memory_space<vmem>>, vector<16xf32>,
        %parallel_loop3A_590 = arith.index_cast %parallel_loop3A_568 : i32 to index
        %parallel_loop3A_591 = arith.constant 48 : index
        %parallel_loop3A_592 = tpu.vector_load %arg9[%parallel_loop3A_590, %parallel_loop3A_591] {strides = array<i32>} : memref<160x64xf32, #tpu.memory_space<vmem>>, vector<16xf32>,
        %parallel_loop3A_593 = arith.index_cast %parallel_loop3A_566 : i32 to index
        %parallel_loop3A_594 = arith.constant 0 : index
        %parallel_loop3A_595 = tpu.vector_load %arg11[%parallel_loop3A_593, %parallel_loop3A_594] {strides = array<i32>} : memref<160x128xf32, #tpu.memory_space<vmem>>, vector<16xf32>,
        tpu.vector_store %arg11[%parallel_loop3A_593, %parallel_loop3A_594], %parallel_loop3A_571 {strides = array<i32>} : memref<160x128xf32, #tpu.memory_space<vmem>>, vector<16xf32>,
        %parallel_loop3A_596 = arith.index_cast %parallel_loop3A_568 : i32 to index
        %parallel_loop3A_597 = arith.constant 0 : index
        %parallel_loop3A_598 = tpu.vector_load %arg11[%parallel_loop3A_596, %parallel_loop3A_597] {strides = array<i32>} : memref<160x128xf32, #tpu.memory_space<vmem>>, vector<16xf32>,
        tpu.vector_store %arg11[%parallel_loop3A_596, %parallel_loop3A_597], %parallel_loop3A_583 {strides = array<i32>} : memref<160x128xf32, #tpu.memory_space<vmem>>, vector<16xf32>,
        %parallel_loop3A_599 = arith.index_cast %parallel_loop3A_566 : i32 to index
        %parallel_loop3A_600 = arith.constant 16 : index
        %parallel_loop3A_601 = tpu.vector_load %arg11[%parallel_loop3A_599, %parallel_loop3A_600] {strides = array<i32>} : memref<160x128xf32, #tpu.memory_space<vmem>>, vector<16xf32>,
        tpu.vector_store %arg11[%parallel_loop3A_599, %parallel_loop3A_600], %parallel_loop3A_574 {strides = array<i32>} : memref<160x128xf32, #tpu.memory_space<vmem>>, vector<16xf32>,
        %parallel_loop3A_602 = arith.index_cast %parallel_loop3A_568 : i32 to index
        %parallel_loop3A_603 = arith.constant 16 : index
        %parallel_loop3A_604 = tpu.vector_load %arg11[%parallel_loop3A_602, %parallel_loop3A_603] {strides = array<i32>} : memref<160x128xf32, #tpu.memory_space<vmem>>, vector<16xf32>,
        tpu.vector_store %arg11[%parallel_loop3A_602, %parallel_loop3A_603], %parallel_loop3A_586 {strides = array<i32>} : memref<160x128xf32, #tpu.memory_space<vmem>>, vector<16xf32>,
        %parallel_loop3A_605 = arith.index_cast %parallel_loop3A_566 : i32 to index
        %parallel_loop3A_606 = arith.constant 32 : index
        %parallel_loop3A_607 = tpu.vector_load %arg11[%parallel_loop3A_605, %parallel_loop3A_606] {strides = array<i32>} : memref<160x128xf32, #tpu.memory_space<vmem>>, vector<16xf32>,
        tpu.vector_store %arg11[%parallel_loop3A_605, %parallel_loop3A_606], %parallel_loop3A_577 {strides = array<i32>} : memref<160x128xf32, #tpu.memory_space<vmem>>, vector<16xf32>,
        %parallel_loop3A_608 = arith.index_cast %parallel_loop3A_568 : i32 to index
        %parallel_loop3A_609 = arith.constant 32 : index
        %parallel_loop3A_610 = tpu.vector_load %arg11[%parallel_loop3A_608, %parallel_loop3A_609] {strides = array<i32>} : memref<160x128xf32, #tpu.memory_space<vmem>>, vector<16xf32>,
        tpu.vector_store %arg11[%parallel_loop3A_608, %parallel_loop3A_609], %parallel_loop3A_589 {strides = array<i32>} : memref<160x128xf32, #tpu.memory_space<vmem>>, vector<16xf32>,
        %parallel_loop3A_611 = arith.index_cast %parallel_loop3A_566 : i32 to index
        %parallel_loop3A_612 = arith.constant 48 : index
        %parallel_loop3A_613 = tpu.vector_load %arg11[%parallel_loop3A_611, %parallel_loop3A_612] {strides = array<i32>} : memref<160x128xf32, #tpu.memory_space<vmem>>, vector<16xf32>,
        tpu.vector_store %arg11[%parallel_loop3A_611, %parallel_loop3A_612], %parallel_loop3A_580 {strides = array<i32>} : memref<160x128xf32, #tpu.memory_space<vmem>>, vector<16xf32>,
        %parallel_loop3A_614 = arith.index_cast %parallel_loop3A_568 : i32 to index
        %parallel_loop3A_615 = arith.constant 48 : index
        %parallel_loop3A_616 = tpu.vector_load %arg11[%parallel_loop3A_614, %parallel_loop3A_615] {strides = array<i32>} : memref<160x128xf32, #tpu.memory_space<vmem>>, vector<16xf32>,
        tpu.vector_store %arg11[%parallel_loop3A_614, %parallel_loop3A_615], %parallel_loop3A_592 {strides = array<i32>} : memref<160x128xf32, #tpu.memory_space<vmem>>, vector<16xf32>,
        %parallel_loop3A_617 = arith.constant 16 : i32
        %parallel_loop3A_618 = arith.muli %parallel_loop3A_97, %parallel_loop3A_617 : i32
        %parallel_loop3A_619 = arith.constant 2 : i32
        %parallel_loop3A_620 = arith.addi %parallel_loop3A_618, %parallel_loop3A_619 : i32
        %parallel_loop3A_621 = arith.constant 1 : i32
        %parallel_loop3A_622 = arith.addi %parallel_loop3A_620, %parallel_loop3A_621 : i32
        %parallel_loop3A_623 = arith.index_cast %parallel_loop3A_620 : i32 to index
        %parallel_loop3A_624 = arith.constant 0 : index
        %parallel_loop3A_625 = tpu.vector_load %arg9[%parallel_loop3A_623, %parallel_loop3A_624] {strides = array<i32>} : memref<160x64xf32, #tpu.memory_space<vmem>>, vector<16xf32>,
        %parallel_loop3A_626 = arith.index_cast %parallel_loop3A_620 : i32 to index
        %parallel_loop3A_627 = arith.constant 16 : index
        %parallel_loop3A_628 = tpu.vector_load %arg9[%parallel_loop3A_626, %parallel_loop3A_627] {strides = array<i32>} : memref<160x64xf32, #tpu.memory_space<vmem>>, vector<16xf32>,
        %parallel_loop3A_629 = arith.index_cast %parallel_loop3A_620 : i32 to index
        %parallel_loop3A_630 = arith.constant 32 : index
        %parallel_loop3A_631 = tpu.vector_load %arg9[%parallel_loop3A_629, %parallel_loop3A_630] {strides = array<i32>} : memref<160x64xf32, #tpu.memory_space<vmem>>, vector<16xf32>,
        %parallel_loop3A_632 = arith.index_cast %parallel_loop3A_620 : i32 to index
        %parallel_loop3A_633 = arith.constant 48 : index
        %parallel_loop3A_634 = tpu.vector_load %arg9[%parallel_loop3A_632, %parallel_loop3A_633] {strides = array<i32>} : memref<160x64xf32, #tpu.memory_space<vmem>>, vector<16xf32>,
        %parallel_loop3A_635 = arith.index_cast %parallel_loop3A_622 : i32 to index
        %parallel_loop3A_636 = arith.constant 0 : index
        %parallel_loop3A_637 = tpu.vector_load %arg9[%parallel_loop3A_635, %parallel_loop3A_636] {strides = array<i32>} : memref<160x64xf32, #tpu.memory_space<vmem>>, vector<16xf32>,
        %parallel_loop3A_638 = arith.index_cast %parallel_loop3A_622 : i32 to index
        %parallel_loop3A_639 = arith.constant 16 : index
        %parallel_loop3A_640 = tpu.vector_load %arg9[%parallel_loop3A_638, %parallel_loop3A_639] {strides = array<i32>} : memref<160x64xf32, #tpu.memory_space<vmem>>, vector<16xf32>,
        %parallel_loop3A_641 = arith.index_cast %parallel_loop3A_622 : i32 to index
        %parallel_loop3A_642 = arith.constant 32 : index
        %parallel_loop3A_643 = tpu.vector_load %arg9[%parallel_loop3A_641, %parallel_loop3A_642] {strides = array<i32>} : memref<160x64xf32, #tpu.memory_space<vmem>>, vector<16xf32>,
        %parallel_loop3A_644 = arith.index_cast %parallel_loop3A_622 : i32 to index
        %parallel_loop3A_645 = arith.constant 48 : index
        %parallel_loop3A_646 = tpu.vector_load %arg9[%parallel_loop3A_644, %parallel_loop3A_645] {strides = array<i32>} : memref<160x64xf32, #tpu.memory_space<vmem>>, vector<16xf32>,
        %parallel_loop3A_647 = arith.index_cast %parallel_loop3A_620 : i32 to index
        %parallel_loop3A_648 = arith.constant 0 : index
        %parallel_loop3A_649 = tpu.vector_load %arg11[%parallel_loop3A_647, %parallel_loop3A_648] {strides = array<i32>} : memref<160x128xf32, #tpu.memory_space<vmem>>, vector<16xf32>,
        tpu.vector_store %arg11[%parallel_loop3A_647, %parallel_loop3A_648], %parallel_loop3A_625 {strides = array<i32>} : memref<160x128xf32, #tpu.memory_space<vmem>>, vector<16xf32>,
        %parallel_loop3A_650 = arith.index_cast %parallel_loop3A_622 : i32 to index
        %parallel_loop3A_651 = arith.constant 0 : index
        %parallel_loop3A_652 = tpu.vector_load %arg11[%parallel_loop3A_650, %parallel_loop3A_651] {strides = array<i32>} : memref<160x128xf32, #tpu.memory_space<vmem>>, vector<16xf32>,
        tpu.vector_store %arg11[%parallel_loop3A_650, %parallel_loop3A_651], %parallel_loop3A_637 {strides = array<i32>} : memref<160x128xf32, #tpu.memory_space<vmem>>, vector<16xf32>,
        %parallel_loop3A_653 = arith.index_cast %parallel_loop3A_620 : i32 to index
        %parallel_loop3A_654 = arith.constant 16 : index
        %parallel_loop3A_655 = tpu.vector_load %arg11[%parallel_loop3A_653, %parallel_loop3A_654] {strides = array<i32>} : memref<160x128xf32, #tpu.memory_space<vmem>>, vector<16xf32>,
        tpu.vector_store %arg11[%parallel_loop3A_653, %parallel_loop3A_654], %parallel_loop3A_628 {strides = array<i32>} : memref<160x128xf32, #tpu.memory_space<vmem>>, vector<16xf32>,
        %parallel_loop3A_656 = arith.index_cast %parallel_loop3A_622 : i32 to index
        %parallel_loop3A_657 = arith.constant 16 : index
        %parallel_loop3A_658 = tpu.vector_load %arg11[%parallel_loop3A_656, %parallel_loop3A_657] {strides = array<i32>} : memref<160x128xf32, #tpu.memory_space<vmem>>, vector<16xf32>,
        tpu.vector_store %arg11[%parallel_loop3A_656, %parallel_loop3A_657], %parallel_loop3A_640 {strides = array<i32>} : memref<160x128xf32, #tpu.memory_space<vmem>>, vector<16xf32>,
        %parallel_loop3A_659 = arith.index_cast %parallel_loop3A_620 : i32 to index
        %parallel_loop3A_660 = arith.constant 32 : index
        %parallel_loop3A_661 = tpu.vector_load %arg11[%parallel_loop3A_659, %parallel_loop3A_660] {strides = array<i32>} : memref<160x128xf32, #tpu.memory_space<vmem>>, vector<16xf32>,
        tpu.vector_store %arg11[%parallel_loop3A_659, %parallel_loop3A_660], %parallel_loop3A_631 {strides = array<i32>} : memref<160x128xf32, #tpu.memory_space<vmem>>, vector<16xf32>,
        %parallel_loop3A_662 = arith.index_cast %parallel_loop3A_622 : i32 to index
        %parallel_loop3A_663 = arith.constant 32 : index
        %parallel_loop3A_664 = tpu.vector_load %arg11[%parallel_loop3A_662, %parallel_loop3A_663] {strides = array<i32>} : memref<160x128xf32, #tpu.memory_space<vmem>>, vector<16xf32>,
        tpu.vector_store %arg11[%parallel_loop3A_662, %parallel_loop3A_663], %parallel_loop3A_643 {strides = array<i32>} : memref<160x128xf32, #tpu.memory_space<vmem>>, vector<16xf32>,
        %parallel_loop3A_665 = arith.index_cast %parallel_loop3A_620 : i32 to index
        %parallel_loop3A_666 = arith.constant 48 : index
        %parallel_loop3A_667 = tpu.vector_load %arg11[%parallel_loop3A_665, %parallel_loop3A_666] {strides = array<i32>} : memref<160x128xf32, #tpu.memory_space<vmem>>, vector<16xf32>,
        tpu.vector_store %arg11[%parallel_loop3A_665, %parallel_loop3A_666], %parallel_loop3A_634 {strides = array<i32>} : memref<160x128xf32, #tpu.memory_space<vmem>>, vector<16xf32>,
        %parallel_loop3A_668 = arith.index_cast %parallel_loop3A_622 : i32 to index
        %parallel_loop3A_669 = arith.constant 48 : index
        %parallel_loop3A_670 = tpu.vector_load %arg11[%parallel_loop3A_668, %parallel_loop3A_669] {strides = array<i32>} : memref<160x128xf32, #tpu.memory_space<vmem>>, vector<16xf32>,
        tpu.vector_store %arg11[%parallel_loop3A_668, %parallel_loop3A_669], %parallel_loop3A_646 {strides = array<i32>} : memref<160x128xf32, #tpu.memory_space<vmem>>, vector<16xf32>,
        %parallel_loop3A_671 = arith.constant 16 : i32
        %parallel_loop3A_672 = arith.muli %parallel_loop3A_97, %parallel_loop3A_671 : i32
        %parallel_loop3A_673 = arith.constant 4 : i32
        %parallel_loop3A_674 = arith.addi %parallel_loop3A_672, %parallel_loop3A_673 : i32
        %parallel_loop3A_675 = arith.constant 1 : i32
        %parallel_loop3A_676 = arith.addi %parallel_loop3A_674, %parallel_loop3A_675 : i32
        %parallel_loop3A_677 = arith.index_cast %parallel_loop3A_674 : i32 to index
        %parallel_loop3A_678 = arith.constant 0 : index
        %parallel_loop3A_679 = tpu.vector_load %arg9[%parallel_loop3A_677, %parallel_loop3A_678] {strides = array<i32>} : memref<160x64xf32, #tpu.memory_space<vmem>>, vector<16xf32>,
        %parallel_loop3A_680 = arith.index_cast %parallel_loop3A_674 : i32 to index
        %parallel_loop3A_681 = arith.constant 16 : index
        %parallel_loop3A_682 = tpu.vector_load %arg9[%parallel_loop3A_680, %parallel_loop3A_681] {strides = array<i32>} : memref<160x64xf32, #tpu.memory_space<vmem>>, vector<16xf32>,
        %parallel_loop3A_683 = arith.index_cast %parallel_loop3A_674 : i32 to index
        %parallel_loop3A_684 = arith.constant 32 : index
        %parallel_loop3A_685 = tpu.vector_load %arg9[%parallel_loop3A_683, %parallel_loop3A_684] {strides = array<i32>} : memref<160x64xf32, #tpu.memory_space<vmem>>, vector<16xf32>,
        %parallel_loop3A_686 = arith.index_cast %parallel_loop3A_674 : i32 to index
        %parallel_loop3A_687 = arith.constant 48 : index
        %parallel_loop3A_688 = tpu.vector_load %arg9[%parallel_loop3A_686, %parallel_loop3A_687] {strides = array<i32>} : memref<160x64xf32, #tpu.memory_space<vmem>>, vector<16xf32>,
        %parallel_loop3A_689 = arith.index_cast %parallel_loop3A_676 : i32 to index
        %parallel_loop3A_690 = arith.constant 0 : index
        %parallel_loop3A_691 = tpu.vector_load %arg9[%parallel_loop3A_689, %parallel_loop3A_690] {strides = array<i32>} : memref<160x64xf32, #tpu.memory_space<vmem>>, vector<16xf32>,
        %parallel_loop3A_692 = arith.index_cast %parallel_loop3A_676 : i32 to index
        %parallel_loop3A_693 = arith.constant 16 : index
        %parallel_loop3A_694 = tpu.vector_load %arg9[%parallel_loop3A_692, %parallel_loop3A_693] {strides = array<i32>} : memref<160x64xf32, #tpu.memory_space<vmem>>, vector<16xf32>,
        %parallel_loop3A_695 = arith.index_cast %parallel_loop3A_676 : i32 to index
        %parallel_loop3A_696 = arith.constant 32 : index
        %parallel_loop3A_697 = tpu.vector_load %arg9[%parallel_loop3A_695, %parallel_loop3A_696] {strides = array<i32>} : memref<160x64xf32, #tpu.memory_space<vmem>>, vector<16xf32>,
        %parallel_loop3A_698 = arith.index_cast %parallel_loop3A_676 : i32 to index
        %parallel_loop3A_699 = arith.constant 48 : index
        %parallel_loop3A_700 = tpu.vector_load %arg9[%parallel_loop3A_698, %parallel_loop3A_699] {strides = array<i32>} : memref<160x64xf32, #tpu.memory_space<vmem>>, vector<16xf32>,
        %parallel_loop3A_701 = arith.index_cast %parallel_loop3A_674 : i32 to index
        %parallel_loop3A_702 = arith.constant 0 : index
        %parallel_loop3A_703 = tpu.vector_load %arg11[%parallel_loop3A_701, %parallel_loop3A_702] {strides = array<i32>} : memref<160x128xf32, #tpu.memory_space<vmem>>, vector<16xf32>,
        tpu.vector_store %arg11[%parallel_loop3A_701, %parallel_loop3A_702], %parallel_loop3A_679 {strides = array<i32>} : memref<160x128xf32, #tpu.memory_space<vmem>>, vector<16xf32>,
        %parallel_loop3A_704 = arith.index_cast %parallel_loop3A_676 : i32 to index
        %parallel_loop3A_705 = arith.constant 0 : index
        %parallel_loop3A_706 = tpu.vector_load %arg11[%parallel_loop3A_704, %parallel_loop3A_705] {strides = array<i32>} : memref<160x128xf32, #tpu.memory_space<vmem>>, vector<16xf32>,
        tpu.vector_store %arg11[%parallel_loop3A_704, %parallel_loop3A_705], %parallel_loop3A_691 {strides = array<i32>} : memref<160x128xf32, #tpu.memory_space<vmem>>, vector<16xf32>,
        %parallel_loop3A_707 = arith.index_cast %parallel_loop3A_674 : i32 to index
        %parallel_loop3A_708 = arith.constant 16 : index
        %parallel_loop3A_709 = tpu.vector_load %arg11[%parallel_loop3A_707, %parallel_loop3A_708] {strides = array<i32>} : memref<160x128xf32, #tpu.memory_space<vmem>>, vector<16xf32>,
        tpu.vector_store %arg11[%parallel_loop3A_707, %parallel_loop3A_708], %parallel_loop3A_682 {strides = array<i32>} : memref<160x128xf32, #tpu.memory_space<vmem>>, vector<16xf32>,
        %parallel_loop3A_710 = arith.index_cast %parallel_loop3A_676 : i32 to index
        %parallel_loop3A_711 = arith.constant 16 : index
        %parallel_loop3A_712 = tpu.vector_load %arg11[%parallel_loop3A_710, %parallel_loop3A_711] {strides = array<i32>} : memref<160x128xf32, #tpu.memory_space<vmem>>, vector<16xf32>,
        tpu.vector_store %arg11[%parallel_loop3A_710, %parallel_loop3A_711], %parallel_loop3A_694 {strides = array<i32>} : memref<160x128xf32, #tpu.memory_space<vmem>>, vector<16xf32>,
        %parallel_loop3A_713 = arith.index_cast %parallel_loop3A_674 : i32 to index
        %parallel_loop3A_714 = arith.constant 32 : index
        %parallel_loop3A_715 = tpu.vector_load %arg11[%parallel_loop3A_713, %parallel_loop3A_714] {strides = array<i32>} : memref<160x128xf32, #tpu.memory_space<vmem>>, vector<16xf32>,
        tpu.vector_store %arg11[%parallel_loop3A_713, %parallel_loop3A_714], %parallel_loop3A_685 {strides = array<i32>} : memref<160x128xf32, #tpu.memory_space<vmem>>, vector<16xf32>,
        %parallel_loop3A_716 = arith.index_cast %parallel_loop3A_676 : i32 to index
        %parallel_loop3A_717 = arith.constant 32 : index
        %parallel_loop3A_718 = tpu.vector_load %arg11[%parallel_loop3A_716, %parallel_loop3A_717] {strides = array<i32>} : memref<160x128xf32, #tpu.memory_space<vmem>>, vector<16xf32>,
        tpu.vector_store %arg11[%parallel_loop3A_716, %parallel_loop3A_717], %parallel_loop3A_697 {strides = array<i32>} : memref<160x128xf32, #tpu.memory_space<vmem>>, vector<16xf32>,
        %parallel_loop3A_719 = arith.index_cast %parallel_loop3A_674 : i32 to index
        %parallel_loop3A_720 = arith.constant 48 : index
        %parallel_loop3A_721 = tpu.vector_load %arg11[%parallel_loop3A_719, %parallel_loop3A_720] {strides = array<i32>} : memref<160x128xf32, #tpu.memory_space<vmem>>, vector<16xf32>,
        tpu.vector_store %arg11[%parallel_loop3A_719, %parallel_loop3A_720], %parallel_loop3A_688 {strides = array<i32>} : memref<160x128xf32, #tpu.memory_space<vmem>>, vector<16xf32>,
        %parallel_loop3A_722 = arith.index_cast %parallel_loop3A_676 : i32 to index
        %parallel_loop3A_723 = arith.constant 48 : index
        %parallel_loop3A_724 = tpu.vector_load %arg11[%parallel_loop3A_722, %parallel_loop3A_723] {strides = array<i32>} : memref<160x128xf32, #tpu.memory_space<vmem>>, vector<16xf32>,
        tpu.vector_store %arg11[%parallel_loop3A_722, %parallel_loop3A_723], %parallel_loop3A_700 {strides = array<i32>} : memref<160x128xf32, #tpu.memory_space<vmem>>, vector<16xf32>,
        %parallel_loop3A_725 = arith.constant 16 : i32
        %parallel_loop3A_726 = arith.muli %parallel_loop3A_97, %parallel_loop3A_725 : i32
        %parallel_loop3A_727 = arith.constant 6 : i32
        %parallel_loop3A_728 = arith.addi %parallel_loop3A_726, %parallel_loop3A_727 : i32
        %parallel_loop3A_729 = arith.constant 1 : i32
        %parallel_loop3A_730 = arith.addi %parallel_loop3A_728, %parallel_loop3A_729 : i32
        %parallel_loop3A_731 = arith.index_cast %parallel_loop3A_728 : i32 to index
        %parallel_loop3A_732 = arith.constant 0 : index
        %parallel_loop3A_733 = tpu.vector_load %arg9[%parallel_loop3A_731, %parallel_loop3A_732] {strides = array<i32>} : memref<160x64xf32, #tpu.memory_space<vmem>>, vector<16xf32>,
        %parallel_loop3A_734 = arith.index_cast %parallel_loop3A_728 : i32 to index
        %parallel_loop3A_735 = arith.constant 16 : index
        %parallel_loop3A_736 = tpu.vector_load %arg9[%parallel_loop3A_734, %parallel_loop3A_735] {strides = array<i32>} : memref<160x64xf32, #tpu.memory_space<vmem>>, vector<16xf32>,
        %parallel_loop3A_737 = arith.index_cast %parallel_loop3A_728 : i32 to index
        %parallel_loop3A_738 = arith.constant 32 : index
        %parallel_loop3A_739 = tpu.vector_load %arg9[%parallel_loop3A_737, %parallel_loop3A_738] {strides = array<i32>} : memref<160x64xf32, #tpu.memory_space<vmem>>, vector<16xf32>,
        %parallel_loop3A_740 = arith.index_cast %parallel_loop3A_728 : i32 to index
        %parallel_loop3A_741 = arith.constant 48 : index
        %parallel_loop3A_742 = tpu.vector_load %arg9[%parallel_loop3A_740, %parallel_loop3A_741] {strides = array<i32>} : memref<160x64xf32, #tpu.memory_space<vmem>>, vector<16xf32>,
        %parallel_loop3A_743 = arith.index_cast %parallel_loop3A_730 : i32 to index
        %parallel_loop3A_744 = arith.constant 0 : index
        %parallel_loop3A_745 = tpu.vector_load %arg9[%parallel_loop3A_743, %parallel_loop3A_744] {strides = array<i32>} : memref<160x64xf32, #tpu.memory_space<vmem>>, vector<16xf32>,
        %parallel_loop3A_746 = arith.index_cast %parallel_loop3A_730 : i32 to index
        %parallel_loop3A_747 = arith.constant 16 : index
        %parallel_loop3A_748 = tpu.vector_load %arg9[%parallel_loop3A_746, %parallel_loop3A_747] {strides = array<i32>} : memref<160x64xf32, #tpu.memory_space<vmem>>, vector<16xf32>,
        %parallel_loop3A_749 = arith.index_cast %parallel_loop3A_730 : i32 to index
        %parallel_loop3A_750 = arith.constant 32 : index
        %parallel_loop3A_751 = tpu.vector_load %arg9[%parallel_loop3A_749, %parallel_loop3A_750] {strides = array<i32>} : memref<160x64xf32, #tpu.memory_space<vmem>>, vector<16xf32>,
        %parallel_loop3A_752 = arith.index_cast %parallel_loop3A_730 : i32 to index
        %parallel_loop3A_753 = arith.constant 48 : index
        %parallel_loop3A_754 = tpu.vector_load %arg9[%parallel_loop3A_752, %parallel_loop3A_753] {strides = array<i32>} : memref<160x64xf32, #tpu.memory_space<vmem>>, vector<16xf32>,
        %parallel_loop3A_755 = arith.index_cast %parallel_loop3A_728 : i32 to index
        %parallel_loop3A_756 = arith.constant 0 : index
        %parallel_loop3A_757 = tpu.vector_load %arg11[%parallel_loop3A_755, %parallel_loop3A_756] {strides = array<i32>} : memref<160x128xf32, #tpu.memory_space<vmem>>, vector<16xf32>,
        tpu.vector_store %arg11[%parallel_loop3A_755, %parallel_loop3A_756], %parallel_loop3A_733 {strides = array<i32>} : memref<160x128xf32, #tpu.memory_space<vmem>>, vector<16xf32>,
        %parallel_loop3A_758 = arith.index_cast %parallel_loop3A_730 : i32 to index
        %parallel_loop3A_759 = arith.constant 0 : index
        %parallel_loop3A_760 = tpu.vector_load %arg11[%parallel_loop3A_758, %parallel_loop3A_759] {strides = array<i32>} : memref<160x128xf32, #tpu.memory_space<vmem>>, vector<16xf32>,
        tpu.vector_store %arg11[%parallel_loop3A_758, %parallel_loop3A_759], %parallel_loop3A_745 {strides = array<i32>} : memref<160x128xf32, #tpu.memory_space<vmem>>, vector<16xf32>,
        %parallel_loop3A_761 = arith.index_cast %parallel_loop3A_728 : i32 to index
        %parallel_loop3A_762 = arith.constant 16 : index
        %parallel_loop3A_763 = tpu.vector_load %arg11[%parallel_loop3A_761, %parallel_loop3A_762] {strides = array<i32>} : memref<160x128xf32, #tpu.memory_space<vmem>>, vector<16xf32>,
        tpu.vector_store %arg11[%parallel_loop3A_761, %parallel_loop3A_762], %parallel_loop3A_736 {strides = array<i32>} : memref<160x128xf32, #tpu.memory_space<vmem>>, vector<16xf32>,
        %parallel_loop3A_764 = arith.index_cast %parallel_loop3A_730 : i32 to index
        %parallel_loop3A_765 = arith.constant 16 : index
        %parallel_loop3A_766 = tpu.vector_load %arg11[%parallel_loop3A_764, %parallel_loop3A_765] {strides = array<i32>} : memref<160x128xf32, #tpu.memory_space<vmem>>, vector<16xf32>,
        tpu.vector_store %arg11[%parallel_loop3A_764, %parallel_loop3A_765], %parallel_loop3A_748 {strides = array<i32>} : memref<160x128xf32, #tpu.memory_space<vmem>>, vector<16xf32>,
        %parallel_loop3A_767 = arith.index_cast %parallel_loop3A_728 : i32 to index
        %parallel_loop3A_768 = arith.constant 32 : index
        %parallel_loop3A_769 = tpu.vector_load %arg11[%parallel_loop3A_767, %parallel_loop3A_768] {strides = array<i32>} : memref<160x128xf32, #tpu.memory_space<vmem>>, vector<16xf32>,
        tpu.vector_store %arg11[%parallel_loop3A_767, %parallel_loop3A_768], %parallel_loop3A_739 {strides = array<i32>} : memref<160x128xf32, #tpu.memory_space<vmem>>, vector<16xf32>,
        %parallel_loop3A_770 = arith.index_cast %parallel_loop3A_730 : i32 to index
        %parallel_loop3A_771 = arith.constant 32 : index
        %parallel_loop3A_772 = tpu.vector_load %arg11[%parallel_loop3A_770, %parallel_loop3A_771] {strides = array<i32>} : memref<160x128xf32, #tpu.memory_space<vmem>>, vector<16xf32>,
        tpu.vector_store %arg11[%parallel_loop3A_770, %parallel_loop3A_771], %parallel_loop3A_751 {strides = array<i32>} : memref<160x128xf32, #tpu.memory_space<vmem>>, vector<16xf32>,
        %parallel_loop3A_773 = arith.index_cast %parallel_loop3A_728 : i32 to index
        %parallel_loop3A_774 = arith.constant 48 : index
        %parallel_loop3A_775 = tpu.vector_load %arg11[%parallel_loop3A_773, %parallel_loop3A_774] {strides = array<i32>} : memref<160x128xf32, #tpu.memory_space<vmem>>, vector<16xf32>,
        tpu.vector_store %arg11[%parallel_loop3A_773, %parallel_loop3A_774], %parallel_loop3A_742 {strides = array<i32>} : memref<160x128xf32, #tpu.memory_space<vmem>>, vector<16xf32>,
        %parallel_loop3A_776 = arith.index_cast %parallel_loop3A_730 : i32 to index
        %parallel_loop3A_777 = arith.constant 48 : index
        %parallel_loop3A_778 = tpu.vector_load %arg11[%parallel_loop3A_776, %parallel_loop3A_777] {strides = array<i32>} : memref<160x128xf32, #tpu.memory_space<vmem>>, vector<16xf32>,
        tpu.vector_store %arg11[%parallel_loop3A_776, %parallel_loop3A_777], %parallel_loop3A_754 {strides = array<i32>} : memref<160x128xf32, #tpu.memory_space<vmem>>, vector<16xf32>,
        %parallel_loop3A_779 = arith.constant 16 : i32
        %parallel_loop3A_780 = arith.muli %parallel_loop3A_97, %parallel_loop3A_779 : i32
        %parallel_loop3A_781 = arith.constant 8 : i32
        %parallel_loop3A_782 = arith.addi %parallel_loop3A_780, %parallel_loop3A_781 : i32
        %parallel_loop3A_783 = arith.constant 1 : i32
        %parallel_loop3A_784 = arith.addi %parallel_loop3A_782, %parallel_loop3A_783 : i32
        %parallel_loop3A_785 = arith.index_cast %parallel_loop3A_782 : i32 to index
        %parallel_loop3A_786 = arith.constant 0 : index
        %parallel_loop3A_787 = tpu.vector_load %arg9[%parallel_loop3A_785, %parallel_loop3A_786] {strides = array<i32>} : memref<160x64xf32, #tpu.memory_space<vmem>>, vector<16xf32>,
        %parallel_loop3A_788 = arith.index_cast %parallel_loop3A_782 : i32 to index
        %parallel_loop3A_789 = arith.constant 16 : index
        %parallel_loop3A_790 = tpu.vector_load %arg9[%parallel_loop3A_788, %parallel_loop3A_789] {strides = array<i32>} : memref<160x64xf32, #tpu.memory_space<vmem>>, vector<16xf32>,
        %parallel_loop3A_791 = arith.index_cast %parallel_loop3A_782 : i32 to index
        %parallel_loop3A_792 = arith.constant 32 : index
        %parallel_loop3A_793 = tpu.vector_load %arg9[%parallel_loop3A_791, %parallel_loop3A_792] {strides = array<i32>} : memref<160x64xf32, #tpu.memory_space<vmem>>, vector<16xf32>,
        %parallel_loop3A_794 = arith.index_cast %parallel_loop3A_782 : i32 to index
        %parallel_loop3A_795 = arith.constant 48 : index
        %parallel_loop3A_796 = tpu.vector_load %arg9[%parallel_loop3A_794, %parallel_loop3A_795] {strides = array<i32>} : memref<160x64xf32, #tpu.memory_space<vmem>>, vector<16xf32>,
        %parallel_loop3A_797 = arith.index_cast %parallel_loop3A_784 : i32 to index
        %parallel_loop3A_798 = arith.constant 0 : index
        %parallel_loop3A_799 = tpu.vector_load %arg9[%parallel_loop3A_797, %parallel_loop3A_798] {strides = array<i32>} : memref<160x64xf32, #tpu.memory_space<vmem>>, vector<16xf32>,
        %parallel_loop3A_800 = arith.index_cast %parallel_loop3A_784 : i32 to index
        %parallel_loop3A_801 = arith.constant 16 : index
        %parallel_loop3A_802 = tpu.vector_load %arg9[%parallel_loop3A_800, %parallel_loop3A_801] {strides = array<i32>} : memref<160x64xf32, #tpu.memory_space<vmem>>, vector<16xf32>,
        %parallel_loop3A_803 = arith.index_cast %parallel_loop3A_784 : i32 to index
        %parallel_loop3A_804 = arith.constant 32 : index
        %parallel_loop3A_805 = tpu.vector_load %arg9[%parallel_loop3A_803, %parallel_loop3A_804] {strides = array<i32>} : memref<160x64xf32, #tpu.memory_space<vmem>>, vector<16xf32>,
        %parallel_loop3A_806 = arith.index_cast %parallel_loop3A_784 : i32 to index
        %parallel_loop3A_807 = arith.constant 48 : index
        %parallel_loop3A_808 = tpu.vector_load %arg9[%parallel_loop3A_806, %parallel_loop3A_807] {strides = array<i32>} : memref<160x64xf32, #tpu.memory_space<vmem>>, vector<16xf32>,
        %parallel_loop3A_809 = arith.index_cast %parallel_loop3A_782 : i32 to index
        %parallel_loop3A_810 = arith.constant 0 : index
        %parallel_loop3A_811 = tpu.vector_load %arg11[%parallel_loop3A_809, %parallel_loop3A_810] {strides = array<i32>} : memref<160x128xf32, #tpu.memory_space<vmem>>, vector<16xf32>,
        tpu.vector_store %arg11[%parallel_loop3A_809, %parallel_loop3A_810], %parallel_loop3A_787 {strides = array<i32>} : memref<160x128xf32, #tpu.memory_space<vmem>>, vector<16xf32>,
        %parallel_loop3A_812 = arith.index_cast %parallel_loop3A_784 : i32 to index
        %parallel_loop3A_813 = arith.constant 0 : index
        %parallel_loop3A_814 = tpu.vector_load %arg11[%parallel_loop3A_812, %parallel_loop3A_813] {strides = array<i32>} : memref<160x128xf32, #tpu.memory_space<vmem>>, vector<16xf32>,
        tpu.vector_store %arg11[%parallel_loop3A_812, %parallel_loop3A_813], %parallel_loop3A_799 {strides = array<i32>} : memref<160x128xf32, #tpu.memory_space<vmem>>, vector<16xf32>,
        %parallel_loop3A_815 = arith.index_cast %parallel_loop3A_782 : i32 to index
        %parallel_loop3A_816 = arith.constant 16 : index
        %parallel_loop3A_817 = tpu.vector_load %arg11[%parallel_loop3A_815, %parallel_loop3A_816] {strides = array<i32>} : memref<160x128xf32, #tpu.memory_space<vmem>>, vector<16xf32>,
        tpu.vector_store %arg11[%parallel_loop3A_815, %parallel_loop3A_816], %parallel_loop3A_790 {strides = array<i32>} : memref<160x128xf32, #tpu.memory_space<vmem>>, vector<16xf32>,
        %parallel_loop3A_818 = arith.index_cast %parallel_loop3A_784 : i32 to index
        %parallel_loop3A_819 = arith.constant 16 : index
        %parallel_loop3A_820 = tpu.vector_load %arg11[%parallel_loop3A_818, %parallel_loop3A_819] {strides = array<i32>} : memref<160x128xf32, #tpu.memory_space<vmem>>, vector<16xf32>,
        tpu.vector_store %arg11[%parallel_loop3A_818, %parallel_loop3A_819], %parallel_loop3A_802 {strides = array<i32>} : memref<160x128xf32, #tpu.memory_space<vmem>>, vector<16xf32>,
        %parallel_loop3A_821 = arith.index_cast %parallel_loop3A_782 : i32 to index
        %parallel_loop3A_822 = arith.constant 32 : index
        %parallel_loop3A_823 = tpu.vector_load %arg11[%parallel_loop3A_821, %parallel_loop3A_822] {strides = array<i32>} : memref<160x128xf32, #tpu.memory_space<vmem>>, vector<16xf32>,
        tpu.vector_store %arg11[%parallel_loop3A_821, %parallel_loop3A_822], %parallel_loop3A_793 {strides = array<i32>} : memref<160x128xf32, #tpu.memory_space<vmem>>, vector<16xf32>,
        %parallel_loop3A_824 = arith.index_cast %parallel_loop3A_784 : i32 to index
        %parallel_loop3A_825 = arith.constant 32 : index
        %parallel_loop3A_826 = tpu.vector_load %arg11[%parallel_loop3A_824, %parallel_loop3A_825] {strides = array<i32>} : memref<160x128xf32, #tpu.memory_space<vmem>>, vector<16xf32>,
        tpu.vector_store %arg11[%parallel_loop3A_824, %parallel_loop3A_825], %parallel_loop3A_805 {strides = array<i32>} : memref<160x128xf32, #tpu.memory_space<vmem>>, vector<16xf32>,
        %parallel_loop3A_827 = arith.index_cast %parallel_loop3A_782 : i32 to index
        %parallel_loop3A_828 = arith.constant 48 : index
        %parallel_loop3A_829 = tpu.vector_load %arg11[%parallel_loop3A_827, %parallel_loop3A_828] {strides = array<i32>} : memref<160x128xf32, #tpu.memory_space<vmem>>, vector<16xf32>,
        tpu.vector_store %arg11[%parallel_loop3A_827, %parallel_loop3A_828], %parallel_loop3A_796 {strides = array<i32>} : memref<160x128xf32, #tpu.memory_space<vmem>>, vector<16xf32>,
        %parallel_loop3A_830 = arith.index_cast %parallel_loop3A_784 : i32 to index
        %parallel_loop3A_831 = arith.constant 48 : index
        %parallel_loop3A_832 = tpu.vector_load %arg11[%parallel_loop3A_830, %parallel_loop3A_831] {strides = array<i32>} : memref<160x128xf32, #tpu.memory_space<vmem>>, vector<16xf32>,
        tpu.vector_store %arg11[%parallel_loop3A_830, %parallel_loop3A_831], %parallel_loop3A_808 {strides = array<i32>} : memref<160x128xf32, #tpu.memory_space<vmem>>, vector<16xf32>,
        %parallel_loop3A_833 = arith.constant 16 : i32
        %parallel_loop3A_834 = arith.muli %parallel_loop3A_97, %parallel_loop3A_833 : i32
        %parallel_loop3A_835 = arith.constant 10 : i32
        %parallel_loop3A_836 = arith.addi %parallel_loop3A_834, %parallel_loop3A_835 : i32
        %parallel_loop3A_837 = arith.constant 1 : i32
        %parallel_loop3A_838 = arith.addi %parallel_loop3A_836, %parallel_loop3A_837 : i32
        %parallel_loop3A_839 = arith.index_cast %parallel_loop3A_836 : i32 to index
        %parallel_loop3A_840 = arith.constant 0 : index
        %parallel_loop3A_841 = tpu.vector_load %arg9[%parallel_loop3A_839, %parallel_loop3A_840] {strides = array<i32>} : memref<160x64xf32, #tpu.memory_space<vmem>>, vector<16xf32>,
        %parallel_loop3A_842 = arith.index_cast %parallel_loop3A_836 : i32 to index
        %parallel_loop3A_843 = arith.constant 16 : index
        %parallel_loop3A_844 = tpu.vector_load %arg9[%parallel_loop3A_842, %parallel_loop3A_843] {strides = array<i32>} : memref<160x64xf32, #tpu.memory_space<vmem>>, vector<16xf32>,
        %parallel_loop3A_845 = arith.index_cast %parallel_loop3A_836 : i32 to index
        %parallel_loop3A_846 = arith.constant 32 : index
        %parallel_loop3A_847 = tpu.vector_load %arg9[%parallel_loop3A_845, %parallel_loop3A_846] {strides = array<i32>} : memref<160x64xf32, #tpu.memory_space<vmem>>, vector<16xf32>,
        %parallel_loop3A_848 = arith.index_cast %parallel_loop3A_836 : i32 to index
        %parallel_loop3A_849 = arith.constant 48 : index
        %parallel_loop3A_850 = tpu.vector_load %arg9[%parallel_loop3A_848, %parallel_loop3A_849] {strides = array<i32>} : memref<160x64xf32, #tpu.memory_space<vmem>>, vector<16xf32>,
        %parallel_loop3A_851 = arith.index_cast %parallel_loop3A_838 : i32 to index
        %parallel_loop3A_852 = arith.constant 0 : index
        %parallel_loop3A_853 = tpu.vector_load %arg9[%parallel_loop3A_851, %parallel_loop3A_852] {strides = array<i32>} : memref<160x64xf32, #tpu.memory_space<vmem>>, vector<16xf32>,
        %parallel_loop3A_854 = arith.index_cast %parallel_loop3A_838 : i32 to index
        %parallel_loop3A_855 = arith.constant 16 : index
        %parallel_loop3A_856 = tpu.vector_load %arg9[%parallel_loop3A_854, %parallel_loop3A_855] {strides = array<i32>} : memref<160x64xf32, #tpu.memory_space<vmem>>, vector<16xf32>,
        %parallel_loop3A_857 = arith.index_cast %parallel_loop3A_838 : i32 to index
        %parallel_loop3A_858 = arith.constant 32 : index
        %parallel_loop3A_859 = tpu.vector_load %arg9[%parallel_loop3A_857, %parallel_loop3A_858] {strides = array<i32>} : memref<160x64xf32, #tpu.memory_space<vmem>>, vector<16xf32>,
        %parallel_loop3A_860 = arith.index_cast %parallel_loop3A_838 : i32 to index
        %parallel_loop3A_861 = arith.constant 48 : index
        %parallel_loop3A_862 = tpu.vector_load %arg9[%parallel_loop3A_860, %parallel_loop3A_861] {strides = array<i32>} : memref<160x64xf32, #tpu.memory_space<vmem>>, vector<16xf32>,
        %parallel_loop3A_863 = arith.index_cast %parallel_loop3A_836 : i32 to index
        %parallel_loop3A_864 = arith.constant 0 : index
        %parallel_loop3A_865 = tpu.vector_load %arg11[%parallel_loop3A_863, %parallel_loop3A_864] {strides = array<i32>} : memref<160x128xf32, #tpu.memory_space<vmem>>, vector<16xf32>,
        tpu.vector_store %arg11[%parallel_loop3A_863, %parallel_loop3A_864], %parallel_loop3A_841 {strides = array<i32>} : memref<160x128xf32, #tpu.memory_space<vmem>>, vector<16xf32>,
        %parallel_loop3A_866 = arith.index_cast %parallel_loop3A_838 : i32 to index
        %parallel_loop3A_867 = arith.constant 0 : index
        %parallel_loop3A_868 = tpu.vector_load %arg11[%parallel_loop3A_866, %parallel_loop3A_867] {strides = array<i32>} : memref<160x128xf32, #tpu.memory_space<vmem>>, vector<16xf32>,
        tpu.vector_store %arg11[%parallel_loop3A_866, %parallel_loop3A_867], %parallel_loop3A_853 {strides = array<i32>} : memref<160x128xf32, #tpu.memory_space<vmem>>, vector<16xf32>,
        %parallel_loop3A_869 = arith.index_cast %parallel_loop3A_836 : i32 to index
        %parallel_loop3A_870 = arith.constant 16 : index
        %parallel_loop3A_871 = tpu.vector_load %arg11[%parallel_loop3A_869, %parallel_loop3A_870] {strides = array<i32>} : memref<160x128xf32, #tpu.memory_space<vmem>>, vector<16xf32>,
        tpu.vector_store %arg11[%parallel_loop3A_869, %parallel_loop3A_870], %parallel_loop3A_844 {strides = array<i32>} : memref<160x128xf32, #tpu.memory_space<vmem>>, vector<16xf32>,
        %parallel_loop3A_872 = arith.index_cast %parallel_loop3A_838 : i32 to index
        %parallel_loop3A_873 = arith.constant 16 : index
        %parallel_loop3A_874 = tpu.vector_load %arg11[%parallel_loop3A_872, %parallel_loop3A_873] {strides = array<i32>} : memref<160x128xf32, #tpu.memory_space<vmem>>, vector<16xf32>,
        tpu.vector_store %arg11[%parallel_loop3A_872, %parallel_loop3A_873], %parallel_loop3A_856 {strides = array<i32>} : memref<160x128xf32, #tpu.memory_space<vmem>>, vector<16xf32>,
        %parallel_loop3A_875 = arith.index_cast %parallel_loop3A_836 : i32 to index
        %parallel_loop3A_876 = arith.constant 32 : index
        %parallel_loop3A_877 = tpu.vector_load %arg11[%parallel_loop3A_875, %parallel_loop3A_876] {strides = array<i32>} : memref<160x128xf32, #tpu.memory_space<vmem>>, vector<16xf32>,
        tpu.vector_store %arg11[%parallel_loop3A_875, %parallel_loop3A_876], %parallel_loop3A_847 {strides = array<i32>} : memref<160x128xf32, #tpu.memory_space<vmem>>, vector<16xf32>,
        %parallel_loop3A_878 = arith.index_cast %parallel_loop3A_838 : i32 to index
        %parallel_loop3A_879 = arith.constant 32 : index
        %parallel_loop3A_880 = tpu.vector_load %arg11[%parallel_loop3A_878, %parallel_loop3A_879] {strides = array<i32>} : memref<160x128xf32, #tpu.memory_space<vmem>>, vector<16xf32>,
        tpu.vector_store %arg11[%parallel_loop3A_878, %parallel_loop3A_879], %parallel_loop3A_859 {strides = array<i32>} : memref<160x128xf32, #tpu.memory_space<vmem>>, vector<16xf32>,
        %parallel_loop3A_881 = arith.index_cast %parallel_loop3A_836 : i32 to index
        %parallel_loop3A_882 = arith.constant 48 : index
        %parallel_loop3A_883 = tpu.vector_load %arg11[%parallel_loop3A_881, %parallel_loop3A_882] {strides = array<i32>} : memref<160x128xf32, #tpu.memory_space<vmem>>, vector<16xf32>,
        tpu.vector_store %arg11[%parallel_loop3A_881, %parallel_loop3A_882], %parallel_loop3A_850 {strides = array<i32>} : memref<160x128xf32, #tpu.memory_space<vmem>>, vector<16xf32>,
        %parallel_loop3A_884 = arith.index_cast %parallel_loop3A_838 : i32 to index
        %parallel_loop3A_885 = arith.constant 48 : index
        %parallel_loop3A_886 = tpu.vector_load %arg11[%parallel_loop3A_884, %parallel_loop3A_885] {strides = array<i32>} : memref<160x128xf32, #tpu.memory_space<vmem>>, vector<16xf32>,
        tpu.vector_store %arg11[%parallel_loop3A_884, %parallel_loop3A_885], %parallel_loop3A_862 {strides = array<i32>} : memref<160x128xf32, #tpu.memory_space<vmem>>, vector<16xf32>,
        %parallel_loop3A_887 = arith.constant 16 : i32
        %parallel_loop3A_888 = arith.muli %parallel_loop3A_97, %parallel_loop3A_887 : i32
        %parallel_loop3A_889 = arith.constant 12 : i32
        %parallel_loop3A_890 = arith.addi %parallel_loop3A_888, %parallel_loop3A_889 : i32
        %parallel_loop3A_891 = arith.constant 1 : i32
        %parallel_loop3A_892 = arith.addi %parallel_loop3A_890, %parallel_loop3A_891 : i32
        %parallel_loop3A_893 = arith.index_cast %parallel_loop3A_890 : i32 to index
        %parallel_loop3A_894 = arith.constant 0 : index
        %parallel_loop3A_895 = tpu.vector_load %arg9[%parallel_loop3A_893, %parallel_loop3A_894] {strides = array<i32>} : memref<160x64xf32, #tpu.memory_space<vmem>>, vector<16xf32>,
        %parallel_loop3A_896 = arith.index_cast %parallel_loop3A_890 : i32 to index
        %parallel_loop3A_897 = arith.constant 16 : index
        %parallel_loop3A_898 = tpu.vector_load %arg9[%parallel_loop3A_896, %parallel_loop3A_897] {strides = array<i32>} : memref<160x64xf32, #tpu.memory_space<vmem>>, vector<16xf32>,
        %parallel_loop3A_899 = arith.index_cast %parallel_loop3A_890 : i32 to index
        %parallel_loop3A_900 = arith.constant 32 : index
        %parallel_loop3A_901 = tpu.vector_load %arg9[%parallel_loop3A_899, %parallel_loop3A_900] {strides = array<i32>} : memref<160x64xf32, #tpu.memory_space<vmem>>, vector<16xf32>,
        %parallel_loop3A_902 = arith.index_cast %parallel_loop3A_890 : i32 to index
        %parallel_loop3A_903 = arith.constant 48 : index
        %parallel_loop3A_904 = tpu.vector_load %arg9[%parallel_loop3A_902, %parallel_loop3A_903] {strides = array<i32>} : memref<160x64xf32, #tpu.memory_space<vmem>>, vector<16xf32>,
        %parallel_loop3A_905 = arith.index_cast %parallel_loop3A_892 : i32 to index
        %parallel_loop3A_906 = arith.constant 0 : index
        %parallel_loop3A_907 = tpu.vector_load %arg9[%parallel_loop3A_905, %parallel_loop3A_906] {strides = array<i32>} : memref<160x64xf32, #tpu.memory_space<vmem>>, vector<16xf32>,
        %parallel_loop3A_908 = arith.index_cast %parallel_loop3A_892 : i32 to index
        %parallel_loop3A_909 = arith.constant 16 : index
        %parallel_loop3A_910 = tpu.vector_load %arg9[%parallel_loop3A_908, %parallel_loop3A_909] {strides = array<i32>} : memref<160x64xf32, #tpu.memory_space<vmem>>, vector<16xf32>,
        %parallel_loop3A_911 = arith.index_cast %parallel_loop3A_892 : i32 to index
        %parallel_loop3A_912 = arith.constant 32 : index
        %parallel_loop3A_913 = tpu.vector_load %arg9[%parallel_loop3A_911, %parallel_loop3A_912] {strides = array<i32>} : memref<160x64xf32, #tpu.memory_space<vmem>>, vector<16xf32>,
        %parallel_loop3A_914 = arith.index_cast %parallel_loop3A_892 : i32 to index
        %parallel_loop3A_915 = arith.constant 48 : index
        %parallel_loop3A_916 = tpu.vector_load %arg9[%parallel_loop3A_914, %parallel_loop3A_915] {strides = array<i32>} : memref<160x64xf32, #tpu.memory_space<vmem>>, vector<16xf32>,
        %parallel_loop3A_917 = arith.index_cast %parallel_loop3A_890 : i32 to index
        %parallel_loop3A_918 = arith.constant 0 : index
        %parallel_loop3A_919 = tpu.vector_load %arg11[%parallel_loop3A_917, %parallel_loop3A_918] {strides = array<i32>} : memref<160x128xf32, #tpu.memory_space<vmem>>, vector<16xf32>,
        tpu.vector_store %arg11[%parallel_loop3A_917, %parallel_loop3A_918], %parallel_loop3A_895 {strides = array<i32>} : memref<160x128xf32, #tpu.memory_space<vmem>>, vector<16xf32>,
        %parallel_loop3A_920 = arith.index_cast %parallel_loop3A_892 : i32 to index
        %parallel_loop3A_921 = arith.constant 0 : index
        %parallel_loop3A_922 = tpu.vector_load %arg11[%parallel_loop3A_920, %parallel_loop3A_921] {strides = array<i32>} : memref<160x128xf32, #tpu.memory_space<vmem>>, vector<16xf32>,
        tpu.vector_store %arg11[%parallel_loop3A_920, %parallel_loop3A_921], %parallel_loop3A_907 {strides = array<i32>} : memref<160x128xf32, #tpu.memory_space<vmem>>, vector<16xf32>,
        %parallel_loop3A_923 = arith.index_cast %parallel_loop3A_890 : i32 to index
        %parallel_loop3A_924 = arith.constant 16 : index
        %parallel_loop3A_925 = tpu.vector_load %arg11[%parallel_loop3A_923, %parallel_loop3A_924] {strides = array<i32>} : memref<160x128xf32, #tpu.memory_space<vmem>>, vector<16xf32>,
        tpu.vector_store %arg11[%parallel_loop3A_923, %parallel_loop3A_924], %parallel_loop3A_898 {strides = array<i32>} : memref<160x128xf32, #tpu.memory_space<vmem>>, vector<16xf32>,
        %parallel_loop3A_926 = arith.index_cast %parallel_loop3A_892 : i32 to index
        %parallel_loop3A_927 = arith.constant 16 : index
        %parallel_loop3A_928 = tpu.vector_load %arg11[%parallel_loop3A_926, %parallel_loop3A_927] {strides = array<i32>} : memref<160x128xf32, #tpu.memory_space<vmem>>, vector<16xf32>,
        tpu.vector_store %arg11[%parallel_loop3A_926, %parallel_loop3A_927], %parallel_loop3A_910 {strides = array<i32>} : memref<160x128xf32, #tpu.memory_space<vmem>>, vector<16xf32>,
        %parallel_loop3A_929 = arith.index_cast %parallel_loop3A_890 : i32 to index
        %parallel_loop3A_930 = arith.constant 32 : index
        %parallel_loop3A_931 = tpu.vector_load %arg11[%parallel_loop3A_929, %parallel_loop3A_930] {strides = array<i32>} : memref<160x128xf32, #tpu.memory_space<vmem>>, vector<16xf32>,
        tpu.vector_store %arg11[%parallel_loop3A_929, %parallel_loop3A_930], %parallel_loop3A_901 {strides = array<i32>} : memref<160x128xf32, #tpu.memory_space<vmem>>, vector<16xf32>,
        %parallel_loop3A_932 = arith.index_cast %parallel_loop3A_892 : i32 to index
        %parallel_loop3A_933 = arith.constant 32 : index
        %parallel_loop3A_934 = tpu.vector_load %arg11[%parallel_loop3A_932, %parallel_loop3A_933] {strides = array<i32>} : memref<160x128xf32, #tpu.memory_space<vmem>>, vector<16xf32>,
        tpu.vector_store %arg11[%parallel_loop3A_932, %parallel_loop3A_933], %parallel_loop3A_913 {strides = array<i32>} : memref<160x128xf32, #tpu.memory_space<vmem>>, vector<16xf32>,
        %parallel_loop3A_935 = arith.index_cast %parallel_loop3A_890 : i32 to index
        %parallel_loop3A_936 = arith.constant 48 : index
        %parallel_loop3A_937 = tpu.vector_load %arg11[%parallel_loop3A_935, %parallel_loop3A_936] {strides = array<i32>} : memref<160x128xf32, #tpu.memory_space<vmem>>, vector<16xf32>,
        tpu.vector_store %arg11[%parallel_loop3A_935, %parallel_loop3A_936], %parallel_loop3A_904 {strides = array<i32>} : memref<160x128xf32, #tpu.memory_space<vmem>>, vector<16xf32>,
        %parallel_loop3A_938 = arith.index_cast %parallel_loop3A_892 : i32 to index
        %parallel_loop3A_939 = arith.constant 48 : index
        %parallel_loop3A_940 = tpu.vector_load %arg11[%parallel_loop3A_938, %parallel_loop3A_939] {strides = array<i32>} : memref<160x128xf32, #tpu.memory_space<vmem>>, vector<16xf32>,
        tpu.vector_store %arg11[%parallel_loop3A_938, %parallel_loop3A_939], %parallel_loop3A_916 {strides = array<i32>} : memref<160x128xf32, #tpu.memory_space<vmem>>, vector<16xf32>,
        %parallel_loop3A_941 = arith.constant 16 : i32
        %parallel_loop3A_942 = arith.muli %parallel_loop3A_97, %parallel_loop3A_941 : i32
        %parallel_loop3A_943 = arith.constant 14 : i32
        %parallel_loop3A_944 = arith.addi %parallel_loop3A_942, %parallel_loop3A_943 : i32
        %parallel_loop3A_945 = arith.constant 1 : i32
        %parallel_loop3A_946 = arith.addi %parallel_loop3A_944, %parallel_loop3A_945 : i32
        %parallel_loop3A_947 = arith.index_cast %parallel_loop3A_944 : i32 to index
        %parallel_loop3A_948 = arith.constant 0 : index
        %parallel_loop3A_949 = tpu.vector_load %arg9[%parallel_loop3A_947, %parallel_loop3A_948] {strides = array<i32>} : memref<160x64xf32, #tpu.memory_space<vmem>>, vector<16xf32>,
        %parallel_loop3A_950 = arith.index_cast %parallel_loop3A_944 : i32 to index
        %parallel_loop3A_951 = arith.constant 16 : index
        %parallel_loop3A_952 = tpu.vector_load %arg9[%parallel_loop3A_950, %parallel_loop3A_951] {strides = array<i32>} : memref<160x64xf32, #tpu.memory_space<vmem>>, vector<16xf32>,
        %parallel_loop3A_953 = arith.index_cast %parallel_loop3A_944 : i32 to index
        %parallel_loop3A_954 = arith.constant 32 : index
        %parallel_loop3A_955 = tpu.vector_load %arg9[%parallel_loop3A_953, %parallel_loop3A_954] {strides = array<i32>} : memref<160x64xf32, #tpu.memory_space<vmem>>, vector<16xf32>,
        %parallel_loop3A_956 = arith.index_cast %parallel_loop3A_944 : i32 to index
        %parallel_loop3A_957 = arith.constant 48 : index
        %parallel_loop3A_958 = tpu.vector_load %arg9[%parallel_loop3A_956, %parallel_loop3A_957] {strides = array<i32>} : memref<160x64xf32, #tpu.memory_space<vmem>>, vector<16xf32>,
        %parallel_loop3A_959 = arith.index_cast %parallel_loop3A_946 : i32 to index
        %parallel_loop3A_960 = arith.constant 0 : index
        %parallel_loop3A_961 = tpu.vector_load %arg9[%parallel_loop3A_959, %parallel_loop3A_960] {strides = array<i32>} : memref<160x64xf32, #tpu.memory_space<vmem>>, vector<16xf32>,
        %parallel_loop3A_962 = arith.index_cast %parallel_loop3A_946 : i32 to index
        %parallel_loop3A_963 = arith.constant 16 : index
        %parallel_loop3A_964 = tpu.vector_load %arg9[%parallel_loop3A_962, %parallel_loop3A_963] {strides = array<i32>} : memref<160x64xf32, #tpu.memory_space<vmem>>, vector<16xf32>,
        %parallel_loop3A_965 = arith.index_cast %parallel_loop3A_946 : i32 to index
        %parallel_loop3A_966 = arith.constant 32 : index
        %parallel_loop3A_967 = tpu.vector_load %arg9[%parallel_loop3A_965, %parallel_loop3A_966] {strides = array<i32>} : memref<160x64xf32, #tpu.memory_space<vmem>>, vector<16xf32>,
        %parallel_loop3A_968 = arith.index_cast %parallel_loop3A_946 : i32 to index
        %parallel_loop3A_969 = arith.constant 48 : index
        %parallel_loop3A_970 = tpu.vector_load %arg9[%parallel_loop3A_968, %parallel_loop3A_969] {strides = array<i32>} : memref<160x64xf32, #tpu.memory_space<vmem>>, vector<16xf32>,
        %parallel_loop3A_971 = arith.index_cast %parallel_loop3A_944 : i32 to index
        %parallel_loop3A_972 = arith.constant 0 : index
        %parallel_loop3A_973 = tpu.vector_load %arg11[%parallel_loop3A_971, %parallel_loop3A_972] {strides = array<i32>} : memref<160x128xf32, #tpu.memory_space<vmem>>, vector<16xf32>,
        tpu.vector_store %arg11[%parallel_loop3A_971, %parallel_loop3A_972], %parallel_loop3A_949 {strides = array<i32>} : memref<160x128xf32, #tpu.memory_space<vmem>>, vector<16xf32>,
        %parallel_loop3A_974 = arith.index_cast %parallel_loop3A_946 : i32 to index
        %parallel_loop3A_975 = arith.constant 0 : index
        %parallel_loop3A_976 = tpu.vector_load %arg11[%parallel_loop3A_974, %parallel_loop3A_975] {strides = array<i32>} : memref<160x128xf32, #tpu.memory_space<vmem>>, vector<16xf32>,
        tpu.vector_store %arg11[%parallel_loop3A_974, %parallel_loop3A_975], %parallel_loop3A_961 {strides = array<i32>} : memref<160x128xf32, #tpu.memory_space<vmem>>, vector<16xf32>,
        %parallel_loop3A_977 = arith.index_cast %parallel_loop3A_944 : i32 to index
        %parallel_loop3A_978 = arith.constant 16 : index
        %parallel_loop3A_979 = tpu.vector_load %arg11[%parallel_loop3A_977, %parallel_loop3A_978] {strides = array<i32>} : memref<160x128xf32, #tpu.memory_space<vmem>>, vector<16xf32>,
        tpu.vector_store %arg11[%parallel_loop3A_977, %parallel_loop3A_978], %parallel_loop3A_952 {strides = array<i32>} : memref<160x128xf32, #tpu.memory_space<vmem>>, vector<16xf32>,
        %parallel_loop3A_980 = arith.index_cast %parallel_loop3A_946 : i32 to index
        %parallel_loop3A_981 = arith.constant 16 : index
        %parallel_loop3A_982 = tpu.vector_load %arg11[%parallel_loop3A_980, %parallel_loop3A_981] {strides = array<i32>} : memref<160x128xf32, #tpu.memory_space<vmem>>, vector<16xf32>,
        tpu.vector_store %arg11[%parallel_loop3A_980, %parallel_loop3A_981], %parallel_loop3A_964 {strides = array<i32>} : memref<160x128xf32, #tpu.memory_space<vmem>>, vector<16xf32>,
        %parallel_loop3A_983 = arith.index_cast %parallel_loop3A_944 : i32 to index
        %parallel_loop3A_984 = arith.constant 32 : index
        %parallel_loop3A_985 = tpu.vector_load %arg11[%parallel_loop3A_983, %parallel_loop3A_984] {strides = array<i32>} : memref<160x128xf32, #tpu.memory_space<vmem>>, vector<16xf32>,
        tpu.vector_store %arg11[%parallel_loop3A_983, %parallel_loop3A_984], %parallel_loop3A_955 {strides = array<i32>} : memref<160x128xf32, #tpu.memory_space<vmem>>, vector<16xf32>,
        %parallel_loop3A_986 = arith.index_cast %parallel_loop3A_946 : i32 to index
        %parallel_loop3A_987 = arith.constant 32 : index
        %parallel_loop3A_988 = tpu.vector_load %arg11[%parallel_loop3A_986, %parallel_loop3A_987] {strides = array<i32>} : memref<160x128xf32, #tpu.memory_space<vmem>>, vector<16xf32>,
        tpu.vector_store %arg11[%parallel_loop3A_986, %parallel_loop3A_987], %parallel_loop3A_967 {strides = array<i32>} : memref<160x128xf32, #tpu.memory_space<vmem>>, vector<16xf32>,
        %parallel_loop3A_989 = arith.index_cast %parallel_loop3A_944 : i32 to index
        %parallel_loop3A_990 = arith.constant 48 : index
        %parallel_loop3A_991 = tpu.vector_load %arg11[%parallel_loop3A_989, %parallel_loop3A_990] {strides = array<i32>} : memref<160x128xf32, #tpu.memory_space<vmem>>, vector<16xf32>,
        tpu.vector_store %arg11[%parallel_loop3A_989, %parallel_loop3A_990], %parallel_loop3A_958 {strides = array<i32>} : memref<160x128xf32, #tpu.memory_space<vmem>>, vector<16xf32>,
        %parallel_loop3A_992 = arith.index_cast %parallel_loop3A_946 : i32 to index
        %parallel_loop3A_993 = arith.constant 48 : index
        %parallel_loop3A_994 = tpu.vector_load %arg11[%parallel_loop3A_992, %parallel_loop3A_993] {strides = array<i32>} : memref<160x128xf32, #tpu.memory_space<vmem>>, vector<16xf32>,
        tpu.vector_store %arg11[%parallel_loop3A_992, %parallel_loop3A_993], %parallel_loop3A_970 {strides = array<i32>} : memref<160x128xf32, #tpu.memory_space<vmem>>, vector<16xf32>,
      } {sc.loop_unroll_factor = 2 : i64, sc.parallel_access}
      %mul3A_55 = arith.constant 160 : i32
      %mul3A_56 = arith.muli %mul3A_30, %mul3A_55 : i32
      %add3A_57 = arith.addi %mul3A_2, %mul3A_56 : i32
      %dma_start3A_58 = arith.constant 0 : i32
      %dma_start3A_59 = tpu.memref_slice %arg5[%add3A_57, %dma_start3A_58] : memref<819200x128xf32, #tpu.memory_space<hbm>> -> memref<160x128xf32, #tpu.memory_space<hbm>>
      %dma_start3A_60 = arith.constant 0 : i32
      %dma_start3A_61 = tpu.memref_slice %arg5[%add3A_57, %dma_start3A_60] : memref<819200x128xf32, #tpu.memory_space<hbm>> -> memref<160x128xf32, #tpu.memory_space<hbm>>
      tpu.enqueue_dma source(%arg11 : memref<160x128xf32, #tpu.memory_space<vmem>>) target(%dma_start3A_61 : memref<160x128xf32, #tpu.memory_space<hbm>>) target_semaphore(%arg15 : memref<!tpu.dma_semaphore, #tpu.memory_space<semaphore_mem>>)
      %add3A_62 = arith.constant 1 : i32
      %add3A_63 = arith.addi %scan3A_27, %add3A_62 : i32
      %lt3A = arith.constant 80 : i32
      %lt3A_64 = arith.cmpi slt, %add3A_63, %lt3A : i32
      %convert_element_type3A_65 = arith.extui %lt3A_64 : i1 to i32
      %cond3A_66 = arith.constant 0 : i32
      %cond3A_67 = arith.cmpi ne, %convert_element_type3A_65, %cond3A_66 : i32
      scf.if %cond3A_67 {
        %add3A_97 = arith.constant 2 : i32
        %add3A_98 = arith.addi %mul3A_30, %add3A_97 : i32
        %mul3A_99 = arith.constant 160 : i32
        %mul3A_100 = arith.muli %add3A_98, %mul3A_99 : i32
        %add3A_101 = arith.addi %mul3A_2, %mul3A_100 : i32
        %dma_start3A_102 = tpu.memref_slice %arg3[%add3A_101] : memref<819200xi32, #tpu.memory_space<hbm>> -> memref<160xi32, #tpu.memory_space<hbm>>
        %dma_start3A_103 = tpu.memref_slice %arg3[%add3A_101] : memref<819200xi32, #tpu.memory_space<hbm>> -> memref<160xi32, #tpu.memory_space<hbm>>
        tpu.enqueue_dma source(%dma_start3A_103 : memref<160xi32, #tpu.memory_space<hbm>>) target(%arg7 : memref<160xi32, #tpu.memory_space<vmem>>) target_semaphore(%arg13 : memref<!tpu.dma_semaphore, #tpu.memory_space<semaphore_mem>>)
        %dma_start3A_104 = arith.constant 0 : i32
        %dma_start3A_105 = tpu.memref_slice %arg2[%add3A_101, %dma_start3A_104] : memref<819200x64xf32, #tpu.memory_space<hbm>> -> memref<160x64xf32, #tpu.memory_space<hbm>>
        %dma_start3A_106 = arith.constant 0 : i32
        %dma_start3A_107 = tpu.memref_slice %arg2[%add3A_101, %dma_start3A_106] : memref<819200x64xf32, #tpu.memory_space<hbm>> -> memref<160x64xf32, #tpu.memory_space<hbm>>
        tpu.enqueue_dma source(%dma_start3A_107 : memref<160x64xf32, #tpu.memory_space<hbm>>) target(%arg9 : memref<160x64xf32, #tpu.memory_space<vmem>>) target_semaphore(%arg13 : memref<!tpu.dma_semaphore, #tpu.memory_space<semaphore_mem>>)
      } else {
      }
      %ge3A_68 = arith.constant 1 : i32
      %ge3A_69 = arith.cmpi sge, %scan3A_27, %ge3A_68 : i32
      %convert_element_type3A_70 = arith.extui %ge3A_69 : i1 to i32
      %cond3A_71 = arith.constant 0 : i32
      %cond3A_72 = arith.cmpi ne, %convert_element_type3A_70, %cond3A_71 : i32
      scf.if %cond3A_72 {
        %add3A_97 = arith.constant 1 : i32
        %add3A_98 = arith.addi %mul3A_30, %add3A_97 : i32
        %mul3A_99 = arith.constant 160 : i32
        %mul3A_100 = arith.muli %add3A_98, %mul3A_99 : i32
        %add3A_101 = arith.addi %mul3A_2, %mul3A_100 : i32
        %dma_wait3A_102 = arith.constant 0 : i32
        %dma_wait3A_103 = tpu.memref_slice %arg5[%add3A_101, %dma_wait3A_102] : memref<819200x128xf32, #tpu.memory_space<hbm>> -> memref<160x128xf32, #tpu.memory_space<hbm>>
        %dma_wait3A_104 = arith.constant 0 : i32
        %dma_wait3A_105 = tpu.memref_slice %arg5[%add3A_101, %dma_wait3A_104] : memref<819200x128xf32, #tpu.memory_space<hbm>> -> memref<160x128xf32, #tpu.memory_space<hbm>>
        tpu.wait_dma2 semaphore(%arg16 : memref<!tpu.dma_semaphore, #tpu.memory_space<semaphore_mem>>) src(%arg12 : memref<160x128xf32, #tpu.memory_space<vmem>>) dst(%dma_wait3A_105 : memref<160x128xf32, #tpu.memory_space<hbm>>)
      } else {
      }
      %add3A_73 = arith.constant 1 : i32
      %add3A_74 = arith.addi %mul3A_30, %add3A_73 : i32
      %mul3A_75 = arith.constant 160 : i32
      %mul3A_76 = arith.muli %add3A_74, %mul3A_75 : i32
      %add3A_77 = arith.addi %mul3A_2, %mul3A_76 : i32
      %dma_wait3A_78 = tpu.memref_slice %arg3[%add3A_77] : memref<819200xi32, #tpu.memory_space<hbm>> -> memref<160xi32, #tpu.memory_space<hbm>>
      %dma_wait3A_79 = tpu.memref_slice %arg3[%add3A_77] : memref<819200xi32, #tpu.memory_space<hbm>> -> memref<160xi32, #tpu.memory_space<hbm>>
      tpu.wait_dma2 semaphore(%arg14 : memref<!tpu.dma_semaphore, #tpu.memory_space<semaphore_mem>>) src(%dma_wait3A_79 : memref<160xi32, #tpu.memory_space<hbm>>) dst(%arg8 : memref<160xi32, #tpu.memory_space<vmem>>)
      %dma_wait3A_80 = arith.constant 0 : i32
      %dma_wait3A_81 = tpu.memref_slice %arg2[%add3A_77, %dma_wait3A_80] : memref<819200x64xf32, #tpu.memory_space<hbm>> -> memref<160x64xf32, #tpu.memory_space<hbm>>
      %dma_wait3A_82 = arith.constant 0 : i32
      %dma_wait3A_83 = tpu.memref_slice %arg2[%add3A_77, %dma_wait3A_82] : memref<819200x64xf32, #tpu.memory_space<hbm>> -> memref<160x64xf32, #tpu.memory_space<hbm>>
      tpu.wait_dma2 semaphore(%arg14 : memref<!tpu.dma_semaphore, #tpu.memory_space<semaphore_mem>>) src(%dma_wait3A_83 : memref<160x64xf32, #tpu.memory_space<hbm>>) dst(%arg10 : memref<160x64xf32, #tpu.memory_space<vmem>>)
      %parallel_loop3A_84 = arith.constant 0 : i32
      %parallel_loop3A_85 = arith.constant 10 : i32
      %parallel_loop3A_86 = arith.constant 1 : i32
      scf.for %parallel_loop3A_97 = %parallel_loop3A_84 to %parallel_loop3A_85 step %parallel_loop3A_86  : i32 {
        %parallel_loop3A_98 = arith.constant 16 : i32
        %parallel_loop3A_99 = arith.muli %parallel_loop3A_97, %parallel_loop3A_98 : i32
        %parallel_loop3A_100 = arith.index_cast %parallel_loop3A_99 : i32 to index
        %parallel_loop3A_101 = tpu.vector_load %arg8[%parallel_loop3A_100] {strides = array<i32>} : memref<160xi32, #tpu.memory_space<vmem>>, vector<16xi32>,
        %parallel_loop3A_102 = arith.constant 64 : i32
        %parallel_loop3A_103 = vector.broadcast %parallel_loop3A_102 : i32 to vector<16xi32>
        %parallel_loop3A_104 = arith.muli %parallel_loop3A_101, %parallel_loop3A_103 : vector<16xi32>
        %parallel_loop3A_105 = arith.constant 16 : i32
        %parallel_loop3A_106 = arith.muli %parallel_loop3A_97, %parallel_loop3A_105 : i32
        %parallel_loop3A_107 = vector.broadcast %parallel_loop3A_106 : i32 to vector<16xi32>
        %parallel_loop3A_108 = arith.addi %iota3A, %parallel_loop3A_107 : vector<16xi32>
        %parallel_loop3A_109 = arith.constant 0 : i32
        %parallel_loop3A_110 = vector.broadcast %parallel_loop3A_109 : i32 to vector<16xi32>
        %parallel_loop3A_111 = arith.muli %iota3A, %parallel_loop3A_110 : vector<16xi32>
        %parallel_loop3A_112 = arith.constant 64 : i32
        %parallel_loop3A_113 = vector.broadcast %parallel_loop3A_112 : i32 to vector<16xi32>
        %parallel_loop3A_114 = arith.addi %parallel_loop3A_111, %parallel_loop3A_113 : vector<16xi32>
        %parallel_loop3A_115 = arith.constant 0 : i32
        %parallel_loop3A_116 = vector.broadcast %parallel_loop3A_115 : i32 to vector<16xi32>
        %parallel_loop3A_117 = arith.addi %parallel_loop3A_104, %parallel_loop3A_116 : vector<16xi32>
        %parallel_loop3A_118 = tpu.vector_load_idx %arg6[%parallel_loop3A_117] : memref<768xf32, #tpu.memory_space<vmem>>[vector<16xi32>], vector<16xf32>,
        %parallel_loop3A_119 = arith.constant 1 : i32
        %parallel_loop3A_120 = vector.broadcast %parallel_loop3A_119 : i32 to vector<16xi32>
        %parallel_loop3A_121 = arith.addi %parallel_loop3A_104, %parallel_loop3A_120 : vector<16xi32>
        %parallel_loop3A_122 = tpu.vector_load_idx %arg6[%parallel_loop3A_121] : memref<768xf32, #tpu.memory_space<vmem>>[vector<16xi32>], vector<16xf32>,
        %parallel_loop3A_123 = arith.constant 2 : i32
        %parallel_loop3A_124 = vector.broadcast %parallel_loop3A_123 : i32 to vector<16xi32>
        %parallel_loop3A_125 = arith.addi %parallel_loop3A_104, %parallel_loop3A_124 : vector<16xi32>
        %parallel_loop3A_126 = tpu.vector_load_idx %arg6[%parallel_loop3A_125] : memref<768xf32, #tpu.memory_space<vmem>>[vector<16xi32>], vector<16xf32>,
        %parallel_loop3A_127 = arith.constant 3 : i32
        %parallel_loop3A_128 = vector.broadcast %parallel_loop3A_127 : i32 to vector<16xi32>
        %parallel_loop3A_129 = arith.addi %parallel_loop3A_104, %parallel_loop3A_128 : vector<16xi32>
        %parallel_loop3A_130 = tpu.vector_load_idx %arg6[%parallel_loop3A_129] : memref<768xf32, #tpu.memory_space<vmem>>[vector<16xi32>], vector<16xf32>,
        %parallel_loop3A_131 = arith.constant 4 : i32
        %parallel_loop3A_132 = vector.broadcast %parallel_loop3A_131 : i32 to vector<16xi32>
        %parallel_loop3A_133 = arith.addi %parallel_loop3A_104, %parallel_loop3A_132 : vector<16xi32>
        %parallel_loop3A_134 = tpu.vector_load_idx %arg6[%parallel_loop3A_133] : memref<768xf32, #tpu.memory_space<vmem>>[vector<16xi32>], vector<16xf32>,
        %parallel_loop3A_135 = arith.constant 5 : i32
        %parallel_loop3A_136 = vector.broadcast %parallel_loop3A_135 : i32 to vector<16xi32>
        %parallel_loop3A_137 = arith.addi %parallel_loop3A_104, %parallel_loop3A_136 : vector<16xi32>
        %parallel_loop3A_138 = tpu.vector_load_idx %arg6[%parallel_loop3A_137] : memref<768xf32, #tpu.memory_space<vmem>>[vector<16xi32>], vector<16xf32>,
        %parallel_loop3A_139 = arith.constant 6 : i32
        %parallel_loop3A_140 = vector.broadcast %parallel_loop3A_139 : i32 to vector<16xi32>
        %parallel_loop3A_141 = arith.addi %parallel_loop3A_104, %parallel_loop3A_140 : vector<16xi32>
        %parallel_loop3A_142 = tpu.vector_load_idx %arg6[%parallel_loop3A_141] : memref<768xf32, #tpu.memory_space<vmem>>[vector<16xi32>], vector<16xf32>,
        %parallel_loop3A_143 = arith.constant 7 : i32
        %parallel_loop3A_144 = vector.broadcast %parallel_loop3A_143 : i32 to vector<16xi32>
        %parallel_loop3A_145 = arith.addi %parallel_loop3A_104, %parallel_loop3A_144 : vector<16xi32>
        %parallel_loop3A_146 = tpu.vector_load_idx %arg6[%parallel_loop3A_145] : memref<768xf32, #tpu.memory_space<vmem>>[vector<16xi32>], vector<16xf32>,
        %parallel_loop3A_147 = arith.constant 0 : i32
        %parallel_loop3A_148 = vector.broadcast %parallel_loop3A_147 : i32 to vector<16xi32>
        %parallel_loop3A_149 = arith.addi %parallel_loop3A_114, %parallel_loop3A_148 : vector<16xi32>
        tpu.vector_store_idx %arg12[%parallel_loop3A_108, %parallel_loop3A_149], %parallel_loop3A_118 : memref<160x128xf32, #tpu.memory_space<vmem>>[vector<16xi32>, vector<16xi32>], vector<16xf32>,
        %parallel_loop3A_150 = arith.constant 1 : i32
        %parallel_loop3A_151 = vector.broadcast %parallel_loop3A_150 : i32 to vector<16xi32>
        %parallel_loop3A_152 = arith.addi %parallel_loop3A_114, %parallel_loop3A_151 : vector<16xi32>
        tpu.vector_store_idx %arg12[%parallel_loop3A_108, %parallel_loop3A_152], %parallel_loop3A_122 : memref<160x128xf32, #tpu.memory_space<vmem>>[vector<16xi32>, vector<16xi32>], vector<16xf32>,
        %parallel_loop3A_153 = arith.constant 2 : i32
        %parallel_loop3A_154 = vector.broadcast %parallel_loop3A_153 : i32 to vector<16xi32>
        %parallel_loop3A_155 = arith.addi %parallel_loop3A_114, %parallel_loop3A_154 : vector<16xi32>
        tpu.vector_store_idx %arg12[%parallel_loop3A_108, %parallel_loop3A_155], %parallel_loop3A_126 : memref<160x128xf32, #tpu.memory_space<vmem>>[vector<16xi32>, vector<16xi32>], vector<16xf32>,
        %parallel_loop3A_156 = arith.constant 3 : i32
        %parallel_loop3A_157 = vector.broadcast %parallel_loop3A_156 : i32 to vector<16xi32>
        %parallel_loop3A_158 = arith.addi %parallel_loop3A_114, %parallel_loop3A_157 : vector<16xi32>
        tpu.vector_store_idx %arg12[%parallel_loop3A_108, %parallel_loop3A_158], %parallel_loop3A_130 : memref<160x128xf32, #tpu.memory_space<vmem>>[vector<16xi32>, vector<16xi32>], vector<16xf32>,
        %parallel_loop3A_159 = arith.constant 4 : i32
        %parallel_loop3A_160 = vector.broadcast %parallel_loop3A_159 : i32 to vector<16xi32>
        %parallel_loop3A_161 = arith.addi %parallel_loop3A_114, %parallel_loop3A_160 : vector<16xi32>
        tpu.vector_store_idx %arg12[%parallel_loop3A_108, %parallel_loop3A_161], %parallel_loop3A_134 : memref<160x128xf32, #tpu.memory_space<vmem>>[vector<16xi32>, vector<16xi32>], vector<16xf32>,
        %parallel_loop3A_162 = arith.constant 5 : i32
        %parallel_loop3A_163 = vector.broadcast %parallel_loop3A_162 : i32 to vector<16xi32>
        %parallel_loop3A_164 = arith.addi %parallel_loop3A_114, %parallel_loop3A_163 : vector<16xi32>
        tpu.vector_store_idx %arg12[%parallel_loop3A_108, %parallel_loop3A_164], %parallel_loop3A_138 : memref<160x128xf32, #tpu.memory_space<vmem>>[vector<16xi32>, vector<16xi32>], vector<16xf32>,
        %parallel_loop3A_165 = arith.constant 6 : i32
        %parallel_loop3A_166 = vector.broadcast %parallel_loop3A_165 : i32 to vector<16xi32>
        %parallel_loop3A_167 = arith.addi %parallel_loop3A_114, %parallel_loop3A_166 : vector<16xi32>
        tpu.vector_store_idx %arg12[%parallel_loop3A_108, %parallel_loop3A_167], %parallel_loop3A_142 : memref<160x128xf32, #tpu.memory_space<vmem>>[vector<16xi32>, vector<16xi32>], vector<16xf32>,
        %parallel_loop3A_168 = arith.constant 7 : i32
        %parallel_loop3A_169 = vector.broadcast %parallel_loop3A_168 : i32 to vector<16xi32>
        %parallel_loop3A_170 = arith.addi %parallel_loop3A_114, %parallel_loop3A_169 : vector<16xi32>
        tpu.vector_store_idx %arg12[%parallel_loop3A_108, %parallel_loop3A_170], %parallel_loop3A_146 : memref<160x128xf32, #tpu.memory_space<vmem>>[vector<16xi32>, vector<16xi32>], vector<16xf32>,
        %parallel_loop3A_171 = arith.constant 8 : i32
        %parallel_loop3A_172 = vector.broadcast %parallel_loop3A_171 : i32 to vector<16xi32>
        %parallel_loop3A_173 = arith.addi %parallel_loop3A_104, %parallel_loop3A_172 : vector<16xi32>
        %parallel_loop3A_174 = tpu.vector_load_idx %arg6[%parallel_loop3A_173] : memref<768xf32, #tpu.memory_space<vmem>>[vector<16xi32>], vector<16xf32>,
        %parallel_loop3A_175 = arith.constant 9 : i32
        %parallel_loop3A_176 = vector.broadcast %parallel_loop3A_175 : i32 to vector<16xi32>
        %parallel_loop3A_177 = arith.addi %parallel_loop3A_104, %parallel_loop3A_176 : vector<16xi32>
        %parallel_loop3A_178 = tpu.vector_load_idx %arg6[%parallel_loop3A_177] : memref<768xf32, #tpu.memory_space<vmem>>[vector<16xi32>], vector<16xf32>,
        %parallel_loop3A_179 = arith.constant 10 : i32
        %parallel_loop3A_180 = vector.broadcast %parallel_loop3A_179 : i32 to vector<16xi32>
        %parallel_loop3A_181 = arith.addi %parallel_loop3A_104, %parallel_loop3A_180 : vector<16xi32>
        %parallel_loop3A_182 = tpu.vector_load_idx %arg6[%parallel_loop3A_181] : memref<768xf32, #tpu.memory_space<vmem>>[vector<16xi32>], vector<16xf32>,
        %parallel_loop3A_183 = arith.constant 11 : i32
        %parallel_loop3A_184 = vector.broadcast %parallel_loop3A_183 : i32 to vector<16xi32>
        %parallel_loop3A_185 = arith.addi %parallel_loop3A_104, %parallel_loop3A_184 : vector<16xi32>
        %parallel_loop3A_186 = tpu.vector_load_idx %arg6[%parallel_loop3A_185] : memref<768xf32, #tpu.memory_space<vmem>>[vector<16xi32>], vector<16xf32>,
        %parallel_loop3A_187 = arith.constant 12 : i32
        %parallel_loop3A_188 = vector.broadcast %parallel_loop3A_187 : i32 to vector<16xi32>
        %parallel_loop3A_189 = arith.addi %parallel_loop3A_104, %parallel_loop3A_188 : vector<16xi32>
        %parallel_loop3A_190 = tpu.vector_load_idx %arg6[%parallel_loop3A_189] : memref<768xf32, #tpu.memory_space<vmem>>[vector<16xi32>], vector<16xf32>,
        %parallel_loop3A_191 = arith.constant 13 : i32
        %parallel_loop3A_192 = vector.broadcast %parallel_loop3A_191 : i32 to vector<16xi32>
        %parallel_loop3A_193 = arith.addi %parallel_loop3A_104, %parallel_loop3A_192 : vector<16xi32>
        %parallel_loop3A_194 = tpu.vector_load_idx %arg6[%parallel_loop3A_193] : memref<768xf32, #tpu.memory_space<vmem>>[vector<16xi32>], vector<16xf32>,
        %parallel_loop3A_195 = arith.constant 14 : i32
        %parallel_loop3A_196 = vector.broadcast %parallel_loop3A_195 : i32 to vector<16xi32>
        %parallel_loop3A_197 = arith.addi %parallel_loop3A_104, %parallel_loop3A_196 : vector<16xi32>
        %parallel_loop3A_198 = tpu.vector_load_idx %arg6[%parallel_loop3A_197] : memref<768xf32, #tpu.memory_space<vmem>>[vector<16xi32>], vector<16xf32>,
        %parallel_loop3A_199 = arith.constant 15 : i32
        %parallel_loop3A_200 = vector.broadcast %parallel_loop3A_199 : i32 to vector<16xi32>
        %parallel_loop3A_201 = arith.addi %parallel_loop3A_104, %parallel_loop3A_200 : vector<16xi32>
        %parallel_loop3A_202 = tpu.vector_load_idx %arg6[%parallel_loop3A_201] : memref<768xf32, #tpu.memory_space<vmem>>[vector<16xi32>], vector<16xf32>,
        %parallel_loop3A_203 = arith.constant 8 : i32
        %parallel_loop3A_204 = vector.broadcast %parallel_loop3A_203 : i32 to vector<16xi32>
        %parallel_loop3A_205 = arith.addi %parallel_loop3A_114, %parallel_loop3A_204 : vector<16xi32>
        tpu.vector_store_idx %arg12[%parallel_loop3A_108, %parallel_loop3A_205], %parallel_loop3A_174 : memref<160x128xf32, #tpu.memory_space<vmem>>[vector<16xi32>, vector<16xi32>], vector<16xf32>,
        %parallel_loop3A_206 = arith.constant 9 : i32
        %parallel_loop3A_207 = vector.broadcast %parallel_loop3A_206 : i32 to vector<16xi32>
        %parallel_loop3A_208 = arith.addi %parallel_loop3A_114, %parallel_loop3A_207 : vector<16xi32>
        tpu.vector_store_idx %arg12[%parallel_loop3A_108, %parallel_loop3A_208], %parallel_loop3A_178 : memref<160x128xf32, #tpu.memory_space<vmem>>[vector<16xi32>, vector<16xi32>], vector<16xf32>,
        %parallel_loop3A_209 = arith.constant 10 : i32
        %parallel_loop3A_210 = vector.broadcast %parallel_loop3A_209 : i32 to vector<16xi32>
        %parallel_loop3A_211 = arith.addi %parallel_loop3A_114, %parallel_loop3A_210 : vector<16xi32>
        tpu.vector_store_idx %arg12[%parallel_loop3A_108, %parallel_loop3A_211], %parallel_loop3A_182 : memref<160x128xf32, #tpu.memory_space<vmem>>[vector<16xi32>, vector<16xi32>], vector<16xf32>,
        %parallel_loop3A_212 = arith.constant 11 : i32
        %parallel_loop3A_213 = vector.broadcast %parallel_loop3A_212 : i32 to vector<16xi32>
        %parallel_loop3A_214 = arith.addi %parallel_loop3A_114, %parallel_loop3A_213 : vector<16xi32>
        tpu.vector_store_idx %arg12[%parallel_loop3A_108, %parallel_loop3A_214], %parallel_loop3A_186 : memref<160x128xf32, #tpu.memory_space<vmem>>[vector<16xi32>, vector<16xi32>], vector<16xf32>,
        %parallel_loop3A_215 = arith.constant 12 : i32
        %parallel_loop3A_216 = vector.broadcast %parallel_loop3A_215 : i32 to vector<16xi32>
        %parallel_loop3A_217 = arith.addi %parallel_loop3A_114, %parallel_loop3A_216 : vector<16xi32>
        tpu.vector_store_idx %arg12[%parallel_loop3A_108, %parallel_loop3A_217], %parallel_loop3A_190 : memref<160x128xf32, #tpu.memory_space<vmem>>[vector<16xi32>, vector<16xi32>], vector<16xf32>,
        %parallel_loop3A_218 = arith.constant 13 : i32
        %parallel_loop3A_219 = vector.broadcast %parallel_loop3A_218 : i32 to vector<16xi32>
        %parallel_loop3A_220 = arith.addi %parallel_loop3A_114, %parallel_loop3A_219 : vector<16xi32>
        tpu.vector_store_idx %arg12[%parallel_loop3A_108, %parallel_loop3A_220], %parallel_loop3A_194 : memref<160x128xf32, #tpu.memory_space<vmem>>[vector<16xi32>, vector<16xi32>], vector<16xf32>,
        %parallel_loop3A_221 = arith.constant 14 : i32
        %parallel_loop3A_222 = vector.broadcast %parallel_loop3A_221 : i32 to vector<16xi32>
        %parallel_loop3A_223 = arith.addi %parallel_loop3A_114, %parallel_loop3A_222 : vector<16xi32>
        tpu.vector_store_idx %arg12[%parallel_loop3A_108, %parallel_loop3A_223], %parallel_loop3A_198 : memref<160x128xf32, #tpu.memory_space<vmem>>[vector<16xi32>, vector<16xi32>], vector<16xf32>,
        %parallel_loop3A_224 = arith.constant 15 : i32
        %parallel_loop3A_225 = vector.broadcast %parallel_loop3A_224 : i32 to vector<16xi32>
        %parallel_loop3A_226 = arith.addi %parallel_loop3A_114, %parallel_loop3A_225 : vector<16xi32>
        tpu.vector_store_idx %arg12[%parallel_loop3A_108, %parallel_loop3A_226], %parallel_loop3A_202 : memref<160x128xf32, #tpu.memory_space<vmem>>[vector<16xi32>, vector<16xi32>], vector<16xf32>,
        %parallel_loop3A_227 = arith.constant 16 : i32
        %parallel_loop3A_228 = vector.broadcast %parallel_loop3A_227 : i32 to vector<16xi32>
        %parallel_loop3A_229 = arith.addi %parallel_loop3A_104, %parallel_loop3A_228 : vector<16xi32>
        %parallel_loop3A_230 = tpu.vector_load_idx %arg6[%parallel_loop3A_229] : memref<768xf32, #tpu.memory_space<vmem>>[vector<16xi32>], vector<16xf32>,
        %parallel_loop3A_231 = arith.constant 17 : i32
        %parallel_loop3A_232 = vector.broadcast %parallel_loop3A_231 : i32 to vector<16xi32>
        %parallel_loop3A_233 = arith.addi %parallel_loop3A_104, %parallel_loop3A_232 : vector<16xi32>
        %parallel_loop3A_234 = tpu.vector_load_idx %arg6[%parallel_loop3A_233] : memref<768xf32, #tpu.memory_space<vmem>>[vector<16xi32>], vector<16xf32>,
        %parallel_loop3A_235 = arith.constant 18 : i32
        %parallel_loop3A_236 = vector.broadcast %parallel_loop3A_235 : i32 to vector<16xi32>
        %parallel_loop3A_237 = arith.addi %parallel_loop3A_104, %parallel_loop3A_236 : vector<16xi32>
        %parallel_loop3A_238 = tpu.vector_load_idx %arg6[%parallel_loop3A_237] : memref<768xf32, #tpu.memory_space<vmem>>[vector<16xi32>], vector<16xf32>,
        %parallel_loop3A_239 = arith.constant 19 : i32
        %parallel_loop3A_240 = vector.broadcast %parallel_loop3A_239 : i32 to vector<16xi32>
        %parallel_loop3A_241 = arith.addi %parallel_loop3A_104, %parallel_loop3A_240 : vector<16xi32>
        %parallel_loop3A_242 = tpu.vector_load_idx %arg6[%parallel_loop3A_241] : memref<768xf32, #tpu.memory_space<vmem>>[vector<16xi32>], vector<16xf32>,
        %parallel_loop3A_243 = arith.constant 20 : i32
        %parallel_loop3A_244 = vector.broadcast %parallel_loop3A_243 : i32 to vector<16xi32>
        %parallel_loop3A_245 = arith.addi %parallel_loop3A_104, %parallel_loop3A_244 : vector<16xi32>
        %parallel_loop3A_246 = tpu.vector_load_idx %arg6[%parallel_loop3A_245] : memref<768xf32, #tpu.memory_space<vmem>>[vector<16xi32>], vector<16xf32>,
        %parallel_loop3A_247 = arith.constant 21 : i32
        %parallel_loop3A_248 = vector.broadcast %parallel_loop3A_247 : i32 to vector<16xi32>
        %parallel_loop3A_249 = arith.addi %parallel_loop3A_104, %parallel_loop3A_248 : vector<16xi32>
        %parallel_loop3A_250 = tpu.vector_load_idx %arg6[%parallel_loop3A_249] : memref<768xf32, #tpu.memory_space<vmem>>[vector<16xi32>], vector<16xf32>,
        %parallel_loop3A_251 = arith.constant 22 : i32
        %parallel_loop3A_252 = vector.broadcast %parallel_loop3A_251 : i32 to vector<16xi32>
        %parallel_loop3A_253 = arith.addi %parallel_loop3A_104, %parallel_loop3A_252 : vector<16xi32>
        %parallel_loop3A_254 = tpu.vector_load_idx %arg6[%parallel_loop3A_253] : memref<768xf32, #tpu.memory_space<vmem>>[vector<16xi32>], vector<16xf32>,
        %parallel_loop3A_255 = arith.constant 23 : i32
        %parallel_loop3A_256 = vector.broadcast %parallel_loop3A_255 : i32 to vector<16xi32>
        %parallel_loop3A_257 = arith.addi %parallel_loop3A_104, %parallel_loop3A_256 : vector<16xi32>
        %parallel_loop3A_258 = tpu.vector_load_idx %arg6[%parallel_loop3A_257] : memref<768xf32, #tpu.memory_space<vmem>>[vector<16xi32>], vector<16xf32>,
        %parallel_loop3A_259 = arith.constant 16 : i32
        %parallel_loop3A_260 = vector.broadcast %parallel_loop3A_259 : i32 to vector<16xi32>
        %parallel_loop3A_261 = arith.addi %parallel_loop3A_114, %parallel_loop3A_260 : vector<16xi32>
        tpu.vector_store_idx %arg12[%parallel_loop3A_108, %parallel_loop3A_261], %parallel_loop3A_230 : memref<160x128xf32, #tpu.memory_space<vmem>>[vector<16xi32>, vector<16xi32>], vector<16xf32>,
        %parallel_loop3A_262 = arith.constant 17 : i32
        %parallel_loop3A_263 = vector.broadcast %parallel_loop3A_262 : i32 to vector<16xi32>
        %parallel_loop3A_264 = arith.addi %parallel_loop3A_114, %parallel_loop3A_263 : vector<16xi32>
        tpu.vector_store_idx %arg12[%parallel_loop3A_108, %parallel_loop3A_264], %parallel_loop3A_234 : memref<160x128xf32, #tpu.memory_space<vmem>>[vector<16xi32>, vector<16xi32>], vector<16xf32>,
        %parallel_loop3A_265 = arith.constant 18 : i32
        %parallel_loop3A_266 = vector.broadcast %parallel_loop3A_265 : i32 to vector<16xi32>
        %parallel_loop3A_267 = arith.addi %parallel_loop3A_114, %parallel_loop3A_266 : vector<16xi32>
        tpu.vector_store_idx %arg12[%parallel_loop3A_108, %parallel_loop3A_267], %parallel_loop3A_238 : memref<160x128xf32, #tpu.memory_space<vmem>>[vector<16xi32>, vector<16xi32>], vector<16xf32>,
        %parallel_loop3A_268 = arith.constant 19 : i32
        %parallel_loop3A_269 = vector.broadcast %parallel_loop3A_268 : i32 to vector<16xi32>
        %parallel_loop3A_270 = arith.addi %parallel_loop3A_114, %parallel_loop3A_269 : vector<16xi32>
        tpu.vector_store_idx %arg12[%parallel_loop3A_108, %parallel_loop3A_270], %parallel_loop3A_242 : memref<160x128xf32, #tpu.memory_space<vmem>>[vector<16xi32>, vector<16xi32>], vector<16xf32>,
        %parallel_loop3A_271 = arith.constant 20 : i32
        %parallel_loop3A_272 = vector.broadcast %parallel_loop3A_271 : i32 to vector<16xi32>
        %parallel_loop3A_273 = arith.addi %parallel_loop3A_114, %parallel_loop3A_272 : vector<16xi32>
        tpu.vector_store_idx %arg12[%parallel_loop3A_108, %parallel_loop3A_273], %parallel_loop3A_246 : memref<160x128xf32, #tpu.memory_space<vmem>>[vector<16xi32>, vector<16xi32>], vector<16xf32>,
        %parallel_loop3A_274 = arith.constant 21 : i32
        %parallel_loop3A_275 = vector.broadcast %parallel_loop3A_274 : i32 to vector<16xi32>
        %parallel_loop3A_276 = arith.addi %parallel_loop3A_114, %parallel_loop3A_275 : vector<16xi32>
        tpu.vector_store_idx %arg12[%parallel_loop3A_108, %parallel_loop3A_276], %parallel_loop3A_250 : memref<160x128xf32, #tpu.memory_space<vmem>>[vector<16xi32>, vector<16xi32>], vector<16xf32>,
        %parallel_loop3A_277 = arith.constant 22 : i32
        %parallel_loop3A_278 = vector.broadcast %parallel_loop3A_277 : i32 to vector<16xi32>
        %parallel_loop3A_279 = arith.addi %parallel_loop3A_114, %parallel_loop3A_278 : vector<16xi32>
        tpu.vector_store_idx %arg12[%parallel_loop3A_108, %parallel_loop3A_279], %parallel_loop3A_254 : memref<160x128xf32, #tpu.memory_space<vmem>>[vector<16xi32>, vector<16xi32>], vector<16xf32>,
        %parallel_loop3A_280 = arith.constant 23 : i32
        %parallel_loop3A_281 = vector.broadcast %parallel_loop3A_280 : i32 to vector<16xi32>
        %parallel_loop3A_282 = arith.addi %parallel_loop3A_114, %parallel_loop3A_281 : vector<16xi32>
        tpu.vector_store_idx %arg12[%parallel_loop3A_108, %parallel_loop3A_282], %parallel_loop3A_258 : memref<160x128xf32, #tpu.memory_space<vmem>>[vector<16xi32>, vector<16xi32>], vector<16xf32>,
        %parallel_loop3A_283 = arith.constant 24 : i32
        %parallel_loop3A_284 = vector.broadcast %parallel_loop3A_283 : i32 to vector<16xi32>
        %parallel_loop3A_285 = arith.addi %parallel_loop3A_104, %parallel_loop3A_284 : vector<16xi32>
        %parallel_loop3A_286 = tpu.vector_load_idx %arg6[%parallel_loop3A_285] : memref<768xf32, #tpu.memory_space<vmem>>[vector<16xi32>], vector<16xf32>,
        %parallel_loop3A_287 = arith.constant 25 : i32
        %parallel_loop3A_288 = vector.broadcast %parallel_loop3A_287 : i32 to vector<16xi32>
        %parallel_loop3A_289 = arith.addi %parallel_loop3A_104, %parallel_loop3A_288 : vector<16xi32>
        %parallel_loop3A_290 = tpu.vector_load_idx %arg6[%parallel_loop3A_289] : memref<768xf32, #tpu.memory_space<vmem>>[vector<16xi32>], vector<16xf32>,
        %parallel_loop3A_291 = arith.constant 26 : i32
        %parallel_loop3A_292 = vector.broadcast %parallel_loop3A_291 : i32 to vector<16xi32>
        %parallel_loop3A_293 = arith.addi %parallel_loop3A_104, %parallel_loop3A_292 : vector<16xi32>
        %parallel_loop3A_294 = tpu.vector_load_idx %arg6[%parallel_loop3A_293] : memref<768xf32, #tpu.memory_space<vmem>>[vector<16xi32>], vector<16xf32>,
        %parallel_loop3A_295 = arith.constant 27 : i32
        %parallel_loop3A_296 = vector.broadcast %parallel_loop3A_295 : i32 to vector<16xi32>
        %parallel_loop3A_297 = arith.addi %parallel_loop3A_104, %parallel_loop3A_296 : vector<16xi32>
        %parallel_loop3A_298 = tpu.vector_load_idx %arg6[%parallel_loop3A_297] : memref<768xf32, #tpu.memory_space<vmem>>[vector<16xi32>], vector<16xf32>,
        %parallel_loop3A_299 = arith.constant 28 : i32
        %parallel_loop3A_300 = vector.broadcast %parallel_loop3A_299 : i32 to vector<16xi32>
        %parallel_loop3A_301 = arith.addi %parallel_loop3A_104, %parallel_loop3A_300 : vector<16xi32>
        %parallel_loop3A_302 = tpu.vector_load_idx %arg6[%parallel_loop3A_301] : memref<768xf32, #tpu.memory_space<vmem>>[vector<16xi32>], vector<16xf32>,
        %parallel_loop3A_303 = arith.constant 29 : i32
        %parallel_loop3A_304 = vector.broadcast %parallel_loop3A_303 : i32 to vector<16xi32>
        %parallel_loop3A_305 = arith.addi %parallel_loop3A_104, %parallel_loop3A_304 : vector<16xi32>
        %parallel_loop3A_306 = tpu.vector_load_idx %arg6[%parallel_loop3A_305] : memref<768xf32, #tpu.memory_space<vmem>>[vector<16xi32>], vector<16xf32>,
        %parallel_loop3A_307 = arith.constant 30 : i32
        %parallel_loop3A_308 = vector.broadcast %parallel_loop3A_307 : i32 to vector<16xi32>
        %parallel_loop3A_309 = arith.addi %parallel_loop3A_104, %parallel_loop3A_308 : vector<16xi32>
        %parallel_loop3A_310 = tpu.vector_load_idx %arg6[%parallel_loop3A_309] : memref<768xf32, #tpu.memory_space<vmem>>[vector<16xi32>], vector<16xf32>,
        %parallel_loop3A_311 = arith.constant 31 : i32
        %parallel_loop3A_312 = vector.broadcast %parallel_loop3A_311 : i32 to vector<16xi32>
        %parallel_loop3A_313 = arith.addi %parallel_loop3A_104, %parallel_loop3A_312 : vector<16xi32>
        %parallel_loop3A_314 = tpu.vector_load_idx %arg6[%parallel_loop3A_313] : memref<768xf32, #tpu.memory_space<vmem>>[vector<16xi32>], vector<16xf32>,
        %parallel_loop3A_315 = arith.constant 24 : i32
        %parallel_loop3A_316 = vector.broadcast %parallel_loop3A_315 : i32 to vector<16xi32>
        %parallel_loop3A_317 = arith.addi %parallel_loop3A_114, %parallel_loop3A_316 : vector<16xi32>
        tpu.vector_store_idx %arg12[%parallel_loop3A_108, %parallel_loop3A_317], %parallel_loop3A_286 : memref<160x128xf32, #tpu.memory_space<vmem>>[vector<16xi32>, vector<16xi32>], vector<16xf32>,
        %parallel_loop3A_318 = arith.constant 25 : i32
        %parallel_loop3A_319 = vector.broadcast %parallel_loop3A_318 : i32 to vector<16xi32>
        %parallel_loop3A_320 = arith.addi %parallel_loop3A_114, %parallel_loop3A_319 : vector<16xi32>
        tpu.vector_store_idx %arg12[%parallel_loop3A_108, %parallel_loop3A_320], %parallel_loop3A_290 : memref<160x128xf32, #tpu.memory_space<vmem>>[vector<16xi32>, vector<16xi32>], vector<16xf32>,
        %parallel_loop3A_321 = arith.constant 26 : i32
        %parallel_loop3A_322 = vector.broadcast %parallel_loop3A_321 : i32 to vector<16xi32>
        %parallel_loop3A_323 = arith.addi %parallel_loop3A_114, %parallel_loop3A_322 : vector<16xi32>
        tpu.vector_store_idx %arg12[%parallel_loop3A_108, %parallel_loop3A_323], %parallel_loop3A_294 : memref<160x128xf32, #tpu.memory_space<vmem>>[vector<16xi32>, vector<16xi32>], vector<16xf32>,
        %parallel_loop3A_324 = arith.constant 27 : i32
        %parallel_loop3A_325 = vector.broadcast %parallel_loop3A_324 : i32 to vector<16xi32>
        %parallel_loop3A_326 = arith.addi %parallel_loop3A_114, %parallel_loop3A_325 : vector<16xi32>
        tpu.vector_store_idx %arg12[%parallel_loop3A_108, %parallel_loop3A_326], %parallel_loop3A_298 : memref<160x128xf32, #tpu.memory_space<vmem>>[vector<16xi32>, vector<16xi32>], vector<16xf32>,
        %parallel_loop3A_327 = arith.constant 28 : i32
        %parallel_loop3A_328 = vector.broadcast %parallel_loop3A_327 : i32 to vector<16xi32>
        %parallel_loop3A_329 = arith.addi %parallel_loop3A_114, %parallel_loop3A_328 : vector<16xi32>
        tpu.vector_store_idx %arg12[%parallel_loop3A_108, %parallel_loop3A_329], %parallel_loop3A_302 : memref<160x128xf32, #tpu.memory_space<vmem>>[vector<16xi32>, vector<16xi32>], vector<16xf32>,
        %parallel_loop3A_330 = arith.constant 29 : i32
        %parallel_loop3A_331 = vector.broadcast %parallel_loop3A_330 : i32 to vector<16xi32>
        %parallel_loop3A_332 = arith.addi %parallel_loop3A_114, %parallel_loop3A_331 : vector<16xi32>
        tpu.vector_store_idx %arg12[%parallel_loop3A_108, %parallel_loop3A_332], %parallel_loop3A_306 : memref<160x128xf32, #tpu.memory_space<vmem>>[vector<16xi32>, vector<16xi32>], vector<16xf32>,
        %parallel_loop3A_333 = arith.constant 30 : i32
        %parallel_loop3A_334 = vector.broadcast %parallel_loop3A_333 : i32 to vector<16xi32>
        %parallel_loop3A_335 = arith.addi %parallel_loop3A_114, %parallel_loop3A_334 : vector<16xi32>
        tpu.vector_store_idx %arg12[%parallel_loop3A_108, %parallel_loop3A_335], %parallel_loop3A_310 : memref<160x128xf32, #tpu.memory_space<vmem>>[vector<16xi32>, vector<16xi32>], vector<16xf32>,
        %parallel_loop3A_336 = arith.constant 31 : i32
        %parallel_loop3A_337 = vector.broadcast %parallel_loop3A_336 : i32 to vector<16xi32>
        %parallel_loop3A_338 = arith.addi %parallel_loop3A_114, %parallel_loop3A_337 : vector<16xi32>
        tpu.vector_store_idx %arg12[%parallel_loop3A_108, %parallel_loop3A_338], %parallel_loop3A_314 : memref<160x128xf32, #tpu.memory_space<vmem>>[vector<16xi32>, vector<16xi32>], vector<16xf32>,
        %parallel_loop3A_339 = arith.constant 32 : i32
        %parallel_loop3A_340 = vector.broadcast %parallel_loop3A_339 : i32 to vector<16xi32>
        %parallel_loop3A_341 = arith.addi %parallel_loop3A_104, %parallel_loop3A_340 : vector<16xi32>
        %parallel_loop3A_342 = tpu.vector_load_idx %arg6[%parallel_loop3A_341] : memref<768xf32, #tpu.memory_space<vmem>>[vector<16xi32>], vector<16xf32>,
        %parallel_loop3A_343 = arith.constant 33 : i32
        %parallel_loop3A_344 = vector.broadcast %parallel_loop3A_343 : i32 to vector<16xi32>
        %parallel_loop3A_345 = arith.addi %parallel_loop3A_104, %parallel_loop3A_344 : vector<16xi32>
        %parallel_loop3A_346 = tpu.vector_load_idx %arg6[%parallel_loop3A_345] : memref<768xf32, #tpu.memory_space<vmem>>[vector<16xi32>], vector<16xf32>,
        %parallel_loop3A_347 = arith.constant 34 : i32
        %parallel_loop3A_348 = vector.broadcast %parallel_loop3A_347 : i32 to vector<16xi32>
        %parallel_loop3A_349 = arith.addi %parallel_loop3A_104, %parallel_loop3A_348 : vector<16xi32>
        %parallel_loop3A_350 = tpu.vector_load_idx %arg6[%parallel_loop3A_349] : memref<768xf32, #tpu.memory_space<vmem>>[vector<16xi32>], vector<16xf32>,
        %parallel_loop3A_351 = arith.constant 35 : i32
        %parallel_loop3A_352 = vector.broadcast %parallel_loop3A_351 : i32 to vector<16xi32>
        %parallel_loop3A_353 = arith.addi %parallel_loop3A_104, %parallel_loop3A_352 : vector<16xi32>
        %parallel_loop3A_354 = tpu.vector_load_idx %arg6[%parallel_loop3A_353] : memref<768xf32, #tpu.memory_space<vmem>>[vector<16xi32>], vector<16xf32>,
        %parallel_loop3A_355 = arith.constant 36 : i32
        %parallel_loop3A_356 = vector.broadcast %parallel_loop3A_355 : i32 to vector<16xi32>
        %parallel_loop3A_357 = arith.addi %parallel_loop3A_104, %parallel_loop3A_356 : vector<16xi32>
        %parallel_loop3A_358 = tpu.vector_load_idx %arg6[%parallel_loop3A_357] : memref<768xf32, #tpu.memory_space<vmem>>[vector<16xi32>], vector<16xf32>,
        %parallel_loop3A_359 = arith.constant 37 : i32
        %parallel_loop3A_360 = vector.broadcast %parallel_loop3A_359 : i32 to vector<16xi32>
        %parallel_loop3A_361 = arith.addi %parallel_loop3A_104, %parallel_loop3A_360 : vector<16xi32>
        %parallel_loop3A_362 = tpu.vector_load_idx %arg6[%parallel_loop3A_361] : memref<768xf32, #tpu.memory_space<vmem>>[vector<16xi32>], vector<16xf32>,
        %parallel_loop3A_363 = arith.constant 38 : i32
        %parallel_loop3A_364 = vector.broadcast %parallel_loop3A_363 : i32 to vector<16xi32>
        %parallel_loop3A_365 = arith.addi %parallel_loop3A_104, %parallel_loop3A_364 : vector<16xi32>
        %parallel_loop3A_366 = tpu.vector_load_idx %arg6[%parallel_loop3A_365] : memref<768xf32, #tpu.memory_space<vmem>>[vector<16xi32>], vector<16xf32>,
        %parallel_loop3A_367 = arith.constant 39 : i32
        %parallel_loop3A_368 = vector.broadcast %parallel_loop3A_367 : i32 to vector<16xi32>
        %parallel_loop3A_369 = arith.addi %parallel_loop3A_104, %parallel_loop3A_368 : vector<16xi32>
        %parallel_loop3A_370 = tpu.vector_load_idx %arg6[%parallel_loop3A_369] : memref<768xf32, #tpu.memory_space<vmem>>[vector<16xi32>], vector<16xf32>,
        %parallel_loop3A_371 = arith.constant 32 : i32
        %parallel_loop3A_372 = vector.broadcast %parallel_loop3A_371 : i32 to vector<16xi32>
        %parallel_loop3A_373 = arith.addi %parallel_loop3A_114, %parallel_loop3A_372 : vector<16xi32>
        tpu.vector_store_idx %arg12[%parallel_loop3A_108, %parallel_loop3A_373], %parallel_loop3A_342 : memref<160x128xf32, #tpu.memory_space<vmem>>[vector<16xi32>, vector<16xi32>], vector<16xf32>,
        %parallel_loop3A_374 = arith.constant 33 : i32
        %parallel_loop3A_375 = vector.broadcast %parallel_loop3A_374 : i32 to vector<16xi32>
        %parallel_loop3A_376 = arith.addi %parallel_loop3A_114, %parallel_loop3A_375 : vector<16xi32>
        tpu.vector_store_idx %arg12[%parallel_loop3A_108, %parallel_loop3A_376], %parallel_loop3A_346 : memref<160x128xf32, #tpu.memory_space<vmem>>[vector<16xi32>, vector<16xi32>], vector<16xf32>,
        %parallel_loop3A_377 = arith.constant 34 : i32
        %parallel_loop3A_378 = vector.broadcast %parallel_loop3A_377 : i32 to vector<16xi32>
        %parallel_loop3A_379 = arith.addi %parallel_loop3A_114, %parallel_loop3A_378 : vector<16xi32>
        tpu.vector_store_idx %arg12[%parallel_loop3A_108, %parallel_loop3A_379], %parallel_loop3A_350 : memref<160x128xf32, #tpu.memory_space<vmem>>[vector<16xi32>, vector<16xi32>], vector<16xf32>,
        %parallel_loop3A_380 = arith.constant 35 : i32
        %parallel_loop3A_381 = vector.broadcast %parallel_loop3A_380 : i32 to vector<16xi32>
        %parallel_loop3A_382 = arith.addi %parallel_loop3A_114, %parallel_loop3A_381 : vector<16xi32>
        tpu.vector_store_idx %arg12[%parallel_loop3A_108, %parallel_loop3A_382], %parallel_loop3A_354 : memref<160x128xf32, #tpu.memory_space<vmem>>[vector<16xi32>, vector<16xi32>], vector<16xf32>,
        %parallel_loop3A_383 = arith.constant 36 : i32
        %parallel_loop3A_384 = vector.broadcast %parallel_loop3A_383 : i32 to vector<16xi32>
        %parallel_loop3A_385 = arith.addi %parallel_loop3A_114, %parallel_loop3A_384 : vector<16xi32>
        tpu.vector_store_idx %arg12[%parallel_loop3A_108, %parallel_loop3A_385], %parallel_loop3A_358 : memref<160x128xf32, #tpu.memory_space<vmem>>[vector<16xi32>, vector<16xi32>], vector<16xf32>,
        %parallel_loop3A_386 = arith.constant 37 : i32
        %parallel_loop3A_387 = vector.broadcast %parallel_loop3A_386 : i32 to vector<16xi32>
        %parallel_loop3A_388 = arith.addi %parallel_loop3A_114, %parallel_loop3A_387 : vector<16xi32>
        tpu.vector_store_idx %arg12[%parallel_loop3A_108, %parallel_loop3A_388], %parallel_loop3A_362 : memref<160x128xf32, #tpu.memory_space<vmem>>[vector<16xi32>, vector<16xi32>], vector<16xf32>,
        %parallel_loop3A_389 = arith.constant 38 : i32
        %parallel_loop3A_390 = vector.broadcast %parallel_loop3A_389 : i32 to vector<16xi32>
        %parallel_loop3A_391 = arith.addi %parallel_loop3A_114, %parallel_loop3A_390 : vector<16xi32>
        tpu.vector_store_idx %arg12[%parallel_loop3A_108, %parallel_loop3A_391], %parallel_loop3A_366 : memref<160x128xf32, #tpu.memory_space<vmem>>[vector<16xi32>, vector<16xi32>], vector<16xf32>,
        %parallel_loop3A_392 = arith.constant 39 : i32
        %parallel_loop3A_393 = vector.broadcast %parallel_loop3A_392 : i32 to vector<16xi32>
        %parallel_loop3A_394 = arith.addi %parallel_loop3A_114, %parallel_loop3A_393 : vector<16xi32>
        tpu.vector_store_idx %arg12[%parallel_loop3A_108, %parallel_loop3A_394], %parallel_loop3A_370 : memref<160x128xf32, #tpu.memory_space<vmem>>[vector<16xi32>, vector<16xi32>], vector<16xf32>,
        %parallel_loop3A_395 = arith.constant 40 : i32
        %parallel_loop3A_396 = vector.broadcast %parallel_loop3A_395 : i32 to vector<16xi32>
        %parallel_loop3A_397 = arith.addi %parallel_loop3A_104, %parallel_loop3A_396 : vector<16xi32>
        %parallel_loop3A_398 = tpu.vector_load_idx %arg6[%parallel_loop3A_397] : memref<768xf32, #tpu.memory_space<vmem>>[vector<16xi32>], vector<16xf32>,
        %parallel_loop3A_399 = arith.constant 41 : i32
        %parallel_loop3A_400 = vector.broadcast %parallel_loop3A_399 : i32 to vector<16xi32>
        %parallel_loop3A_401 = arith.addi %parallel_loop3A_104, %parallel_loop3A_400 : vector<16xi32>
        %parallel_loop3A_402 = tpu.vector_load_idx %arg6[%parallel_loop3A_401] : memref<768xf32, #tpu.memory_space<vmem>>[vector<16xi32>], vector<16xf32>,
        %parallel_loop3A_403 = arith.constant 42 : i32
        %parallel_loop3A_404 = vector.broadcast %parallel_loop3A_403 : i32 to vector<16xi32>
        %parallel_loop3A_405 = arith.addi %parallel_loop3A_104, %parallel_loop3A_404 : vector<16xi32>
        %parallel_loop3A_406 = tpu.vector_load_idx %arg6[%parallel_loop3A_405] : memref<768xf32, #tpu.memory_space<vmem>>[vector<16xi32>], vector<16xf32>,
        %parallel_loop3A_407 = arith.constant 43 : i32
        %parallel_loop3A_408 = vector.broadcast %parallel_loop3A_407 : i32 to vector<16xi32>
        %parallel_loop3A_409 = arith.addi %parallel_loop3A_104, %parallel_loop3A_408 : vector<16xi32>
        %parallel_loop3A_410 = tpu.vector_load_idx %arg6[%parallel_loop3A_409] : memref<768xf32, #tpu.memory_space<vmem>>[vector<16xi32>], vector<16xf32>,
        %parallel_loop3A_411 = arith.constant 44 : i32
        %parallel_loop3A_412 = vector.broadcast %parallel_loop3A_411 : i32 to vector<16xi32>
        %parallel_loop3A_413 = arith.addi %parallel_loop3A_104, %parallel_loop3A_412 : vector<16xi32>
        %parallel_loop3A_414 = tpu.vector_load_idx %arg6[%parallel_loop3A_413] : memref<768xf32, #tpu.memory_space<vmem>>[vector<16xi32>], vector<16xf32>,
        %parallel_loop3A_415 = arith.constant 45 : i32
        %parallel_loop3A_416 = vector.broadcast %parallel_loop3A_415 : i32 to vector<16xi32>
        %parallel_loop3A_417 = arith.addi %parallel_loop3A_104, %parallel_loop3A_416 : vector<16xi32>
        %parallel_loop3A_418 = tpu.vector_load_idx %arg6[%parallel_loop3A_417] : memref<768xf32, #tpu.memory_space<vmem>>[vector<16xi32>], vector<16xf32>,
        %parallel_loop3A_419 = arith.constant 46 : i32
        %parallel_loop3A_420 = vector.broadcast %parallel_loop3A_419 : i32 to vector<16xi32>
        %parallel_loop3A_421 = arith.addi %parallel_loop3A_104, %parallel_loop3A_420 : vector<16xi32>
        %parallel_loop3A_422 = tpu.vector_load_idx %arg6[%parallel_loop3A_421] : memref<768xf32, #tpu.memory_space<vmem>>[vector<16xi32>], vector<16xf32>,
        %parallel_loop3A_423 = arith.constant 47 : i32
        %parallel_loop3A_424 = vector.broadcast %parallel_loop3A_423 : i32 to vector<16xi32>
        %parallel_loop3A_425 = arith.addi %parallel_loop3A_104, %parallel_loop3A_424 : vector<16xi32>
        %parallel_loop3A_426 = tpu.vector_load_idx %arg6[%parallel_loop3A_425] : memref<768xf32, #tpu.memory_space<vmem>>[vector<16xi32>], vector<16xf32>,
        %parallel_loop3A_427 = arith.constant 40 : i32
        %parallel_loop3A_428 = vector.broadcast %parallel_loop3A_427 : i32 to vector<16xi32>
        %parallel_loop3A_429 = arith.addi %parallel_loop3A_114, %parallel_loop3A_428 : vector<16xi32>
        tpu.vector_store_idx %arg12[%parallel_loop3A_108, %parallel_loop3A_429], %parallel_loop3A_398 : memref<160x128xf32, #tpu.memory_space<vmem>>[vector<16xi32>, vector<16xi32>], vector<16xf32>,
        %parallel_loop3A_430 = arith.constant 41 : i32
        %parallel_loop3A_431 = vector.broadcast %parallel_loop3A_430 : i32 to vector<16xi32>
        %parallel_loop3A_432 = arith.addi %parallel_loop3A_114, %parallel_loop3A_431 : vector<16xi32>
        tpu.vector_store_idx %arg12[%parallel_loop3A_108, %parallel_loop3A_432], %parallel_loop3A_402 : memref<160x128xf32, #tpu.memory_space<vmem>>[vector<16xi32>, vector<16xi32>], vector<16xf32>,
        %parallel_loop3A_433 = arith.constant 42 : i32
        %parallel_loop3A_434 = vector.broadcast %parallel_loop3A_433 : i32 to vector<16xi32>
        %parallel_loop3A_435 = arith.addi %parallel_loop3A_114, %parallel_loop3A_434 : vector<16xi32>
        tpu.vector_store_idx %arg12[%parallel_loop3A_108, %parallel_loop3A_435], %parallel_loop3A_406 : memref<160x128xf32, #tpu.memory_space<vmem>>[vector<16xi32>, vector<16xi32>], vector<16xf32>,
        %parallel_loop3A_436 = arith.constant 43 : i32
        %parallel_loop3A_437 = vector.broadcast %parallel_loop3A_436 : i32 to vector<16xi32>
        %parallel_loop3A_438 = arith.addi %parallel_loop3A_114, %parallel_loop3A_437 : vector<16xi32>
        tpu.vector_store_idx %arg12[%parallel_loop3A_108, %parallel_loop3A_438], %parallel_loop3A_410 : memref<160x128xf32, #tpu.memory_space<vmem>>[vector<16xi32>, vector<16xi32>], vector<16xf32>,
        %parallel_loop3A_439 = arith.constant 44 : i32
        %parallel_loop3A_440 = vector.broadcast %parallel_loop3A_439 : i32 to vector<16xi32>
        %parallel_loop3A_441 = arith.addi %parallel_loop3A_114, %parallel_loop3A_440 : vector<16xi32>
        tpu.vector_store_idx %arg12[%parallel_loop3A_108, %parallel_loop3A_441], %parallel_loop3A_414 : memref<160x128xf32, #tpu.memory_space<vmem>>[vector<16xi32>, vector<16xi32>], vector<16xf32>,
        %parallel_loop3A_442 = arith.constant 45 : i32
        %parallel_loop3A_443 = vector.broadcast %parallel_loop3A_442 : i32 to vector<16xi32>
        %parallel_loop3A_444 = arith.addi %parallel_loop3A_114, %parallel_loop3A_443 : vector<16xi32>
        tpu.vector_store_idx %arg12[%parallel_loop3A_108, %parallel_loop3A_444], %parallel_loop3A_418 : memref<160x128xf32, #tpu.memory_space<vmem>>[vector<16xi32>, vector<16xi32>], vector<16xf32>,
        %parallel_loop3A_445 = arith.constant 46 : i32
        %parallel_loop3A_446 = vector.broadcast %parallel_loop3A_445 : i32 to vector<16xi32>
        %parallel_loop3A_447 = arith.addi %parallel_loop3A_114, %parallel_loop3A_446 : vector<16xi32>
        tpu.vector_store_idx %arg12[%parallel_loop3A_108, %parallel_loop3A_447], %parallel_loop3A_422 : memref<160x128xf32, #tpu.memory_space<vmem>>[vector<16xi32>, vector<16xi32>], vector<16xf32>,
        %parallel_loop3A_448 = arith.constant 47 : i32
        %parallel_loop3A_449 = vector.broadcast %parallel_loop3A_448 : i32 to vector<16xi32>
        %parallel_loop3A_450 = arith.addi %parallel_loop3A_114, %parallel_loop3A_449 : vector<16xi32>
        tpu.vector_store_idx %arg12[%parallel_loop3A_108, %parallel_loop3A_450], %parallel_loop3A_426 : memref<160x128xf32, #tpu.memory_space<vmem>>[vector<16xi32>, vector<16xi32>], vector<16xf32>,
        %parallel_loop3A_451 = arith.constant 48 : i32
        %parallel_loop3A_452 = vector.broadcast %parallel_loop3A_451 : i32 to vector<16xi32>
        %parallel_loop3A_453 = arith.addi %parallel_loop3A_104, %parallel_loop3A_452 : vector<16xi32>
        %parallel_loop3A_454 = tpu.vector_load_idx %arg6[%parallel_loop3A_453] : memref<768xf32, #tpu.memory_space<vmem>>[vector<16xi32>], vector<16xf32>,
        %parallel_loop3A_455 = arith.constant 49 : i32
        %parallel_loop3A_456 = vector.broadcast %parallel_loop3A_455 : i32 to vector<16xi32>
        %parallel_loop3A_457 = arith.addi %parallel_loop3A_104, %parallel_loop3A_456 : vector<16xi32>
        %parallel_loop3A_458 = tpu.vector_load_idx %arg6[%parallel_loop3A_457] : memref<768xf32, #tpu.memory_space<vmem>>[vector<16xi32>], vector<16xf32>,
        %parallel_loop3A_459 = arith.constant 50 : i32
        %parallel_loop3A_460 = vector.broadcast %parallel_loop3A_459 : i32 to vector<16xi32>
        %parallel_loop3A_461 = arith.addi %parallel_loop3A_104, %parallel_loop3A_460 : vector<16xi32>
        %parallel_loop3A_462 = tpu.vector_load_idx %arg6[%parallel_loop3A_461] : memref<768xf32, #tpu.memory_space<vmem>>[vector<16xi32>], vector<16xf32>,
        %parallel_loop3A_463 = arith.constant 51 : i32
        %parallel_loop3A_464 = vector.broadcast %parallel_loop3A_463 : i32 to vector<16xi32>
        %parallel_loop3A_465 = arith.addi %parallel_loop3A_104, %parallel_loop3A_464 : vector<16xi32>
        %parallel_loop3A_466 = tpu.vector_load_idx %arg6[%parallel_loop3A_465] : memref<768xf32, #tpu.memory_space<vmem>>[vector<16xi32>], vector<16xf32>,
        %parallel_loop3A_467 = arith.constant 52 : i32
        %parallel_loop3A_468 = vector.broadcast %parallel_loop3A_467 : i32 to vector<16xi32>
        %parallel_loop3A_469 = arith.addi %parallel_loop3A_104, %parallel_loop3A_468 : vector<16xi32>
        %parallel_loop3A_470 = tpu.vector_load_idx %arg6[%parallel_loop3A_469] : memref<768xf32, #tpu.memory_space<vmem>>[vector<16xi32>], vector<16xf32>,
        %parallel_loop3A_471 = arith.constant 53 : i32
        %parallel_loop3A_472 = vector.broadcast %parallel_loop3A_471 : i32 to vector<16xi32>
        %parallel_loop3A_473 = arith.addi %parallel_loop3A_104, %parallel_loop3A_472 : vector<16xi32>
        %parallel_loop3A_474 = tpu.vector_load_idx %arg6[%parallel_loop3A_473] : memref<768xf32, #tpu.memory_space<vmem>>[vector<16xi32>], vector<16xf32>,
        %parallel_loop3A_475 = arith.constant 54 : i32
        %parallel_loop3A_476 = vector.broadcast %parallel_loop3A_475 : i32 to vector<16xi32>
        %parallel_loop3A_477 = arith.addi %parallel_loop3A_104, %parallel_loop3A_476 : vector<16xi32>
        %parallel_loop3A_478 = tpu.vector_load_idx %arg6[%parallel_loop3A_477] : memref<768xf32, #tpu.memory_space<vmem>>[vector<16xi32>], vector<16xf32>,
        %parallel_loop3A_479 = arith.constant 55 : i32
        %parallel_loop3A_480 = vector.broadcast %parallel_loop3A_479 : i32 to vector<16xi32>
        %parallel_loop3A_481 = arith.addi %parallel_loop3A_104, %parallel_loop3A_480 : vector<16xi32>
        %parallel_loop3A_482 = tpu.vector_load_idx %arg6[%parallel_loop3A_481] : memref<768xf32, #tpu.memory_space<vmem>>[vector<16xi32>], vector<16xf32>,
        %parallel_loop3A_483 = arith.constant 48 : i32
        %parallel_loop3A_484 = vector.broadcast %parallel_loop3A_483 : i32 to vector<16xi32>
        %parallel_loop3A_485 = arith.addi %parallel_loop3A_114, %parallel_loop3A_484 : vector<16xi32>
        tpu.vector_store_idx %arg12[%parallel_loop3A_108, %parallel_loop3A_485], %parallel_loop3A_454 : memref<160x128xf32, #tpu.memory_space<vmem>>[vector<16xi32>, vector<16xi32>], vector<16xf32>,
        %parallel_loop3A_486 = arith.constant 49 : i32
        %parallel_loop3A_487 = vector.broadcast %parallel_loop3A_486 : i32 to vector<16xi32>
        %parallel_loop3A_488 = arith.addi %parallel_loop3A_114, %parallel_loop3A_487 : vector<16xi32>
        tpu.vector_store_idx %arg12[%parallel_loop3A_108, %parallel_loop3A_488], %parallel_loop3A_458 : memref<160x128xf32, #tpu.memory_space<vmem>>[vector<16xi32>, vector<16xi32>], vector<16xf32>,
        %parallel_loop3A_489 = arith.constant 50 : i32
        %parallel_loop3A_490 = vector.broadcast %parallel_loop3A_489 : i32 to vector<16xi32>
        %parallel_loop3A_491 = arith.addi %parallel_loop3A_114, %parallel_loop3A_490 : vector<16xi32>
        tpu.vector_store_idx %arg12[%parallel_loop3A_108, %parallel_loop3A_491], %parallel_loop3A_462 : memref<160x128xf32, #tpu.memory_space<vmem>>[vector<16xi32>, vector<16xi32>], vector<16xf32>,
        %parallel_loop3A_492 = arith.constant 51 : i32
        %parallel_loop3A_493 = vector.broadcast %parallel_loop3A_492 : i32 to vector<16xi32>
        %parallel_loop3A_494 = arith.addi %parallel_loop3A_114, %parallel_loop3A_493 : vector<16xi32>
        tpu.vector_store_idx %arg12[%parallel_loop3A_108, %parallel_loop3A_494], %parallel_loop3A_466 : memref<160x128xf32, #tpu.memory_space<vmem>>[vector<16xi32>, vector<16xi32>], vector<16xf32>,
        %parallel_loop3A_495 = arith.constant 52 : i32
        %parallel_loop3A_496 = vector.broadcast %parallel_loop3A_495 : i32 to vector<16xi32>
        %parallel_loop3A_497 = arith.addi %parallel_loop3A_114, %parallel_loop3A_496 : vector<16xi32>
        tpu.vector_store_idx %arg12[%parallel_loop3A_108, %parallel_loop3A_497], %parallel_loop3A_470 : memref<160x128xf32, #tpu.memory_space<vmem>>[vector<16xi32>, vector<16xi32>], vector<16xf32>,
        %parallel_loop3A_498 = arith.constant 53 : i32
        %parallel_loop3A_499 = vector.broadcast %parallel_loop3A_498 : i32 to vector<16xi32>
        %parallel_loop3A_500 = arith.addi %parallel_loop3A_114, %parallel_loop3A_499 : vector<16xi32>
        tpu.vector_store_idx %arg12[%parallel_loop3A_108, %parallel_loop3A_500], %parallel_loop3A_474 : memref<160x128xf32, #tpu.memory_space<vmem>>[vector<16xi32>, vector<16xi32>], vector<16xf32>,
        %parallel_loop3A_501 = arith.constant 54 : i32
        %parallel_loop3A_502 = vector.broadcast %parallel_loop3A_501 : i32 to vector<16xi32>
        %parallel_loop3A_503 = arith.addi %parallel_loop3A_114, %parallel_loop3A_502 : vector<16xi32>
        tpu.vector_store_idx %arg12[%parallel_loop3A_108, %parallel_loop3A_503], %parallel_loop3A_478 : memref<160x128xf32, #tpu.memory_space<vmem>>[vector<16xi32>, vector<16xi32>], vector<16xf32>,
        %parallel_loop3A_504 = arith.constant 55 : i32
        %parallel_loop3A_505 = vector.broadcast %parallel_loop3A_504 : i32 to vector<16xi32>
        %parallel_loop3A_506 = arith.addi %parallel_loop3A_114, %parallel_loop3A_505 : vector<16xi32>
        tpu.vector_store_idx %arg12[%parallel_loop3A_108, %parallel_loop3A_506], %parallel_loop3A_482 : memref<160x128xf32, #tpu.memory_space<vmem>>[vector<16xi32>, vector<16xi32>], vector<16xf32>,
        %parallel_loop3A_507 = arith.constant 56 : i32
        %parallel_loop3A_508 = vector.broadcast %parallel_loop3A_507 : i32 to vector<16xi32>
        %parallel_loop3A_509 = arith.addi %parallel_loop3A_104, %parallel_loop3A_508 : vector<16xi32>
        %parallel_loop3A_510 = tpu.vector_load_idx %arg6[%parallel_loop3A_509] : memref<768xf32, #tpu.memory_space<vmem>>[vector<16xi32>], vector<16xf32>,
        %parallel_loop3A_511 = arith.constant 57 : i32
        %parallel_loop3A_512 = vector.broadcast %parallel_loop3A_511 : i32 to vector<16xi32>
        %parallel_loop3A_513 = arith.addi %parallel_loop3A_104, %parallel_loop3A_512 : vector<16xi32>
        %parallel_loop3A_514 = tpu.vector_load_idx %arg6[%parallel_loop3A_513] : memref<768xf32, #tpu.memory_space<vmem>>[vector<16xi32>], vector<16xf32>,
        %parallel_loop3A_515 = arith.constant 58 : i32
        %parallel_loop3A_516 = vector.broadcast %parallel_loop3A_515 : i32 to vector<16xi32>
        %parallel_loop3A_517 = arith.addi %parallel_loop3A_104, %parallel_loop3A_516 : vector<16xi32>
        %parallel_loop3A_518 = tpu.vector_load_idx %arg6[%parallel_loop3A_517] : memref<768xf32, #tpu.memory_space<vmem>>[vector<16xi32>], vector<16xf32>,
        %parallel_loop3A_519 = arith.constant 59 : i32
        %parallel_loop3A_520 = vector.broadcast %parallel_loop3A_519 : i32 to vector<16xi32>
        %parallel_loop3A_521 = arith.addi %parallel_loop3A_104, %parallel_loop3A_520 : vector<16xi32>
        %parallel_loop3A_522 = tpu.vector_load_idx %arg6[%parallel_loop3A_521] : memref<768xf32, #tpu.memory_space<vmem>>[vector<16xi32>], vector<16xf32>,
        %parallel_loop3A_523 = arith.constant 60 : i32
        %parallel_loop3A_524 = vector.broadcast %parallel_loop3A_523 : i32 to vector<16xi32>
        %parallel_loop3A_525 = arith.addi %parallel_loop3A_104, %parallel_loop3A_524 : vector<16xi32>
        %parallel_loop3A_526 = tpu.vector_load_idx %arg6[%parallel_loop3A_525] : memref<768xf32, #tpu.memory_space<vmem>>[vector<16xi32>], vector<16xf32>,
        %parallel_loop3A_527 = arith.constant 61 : i32
        %parallel_loop3A_528 = vector.broadcast %parallel_loop3A_527 : i32 to vector<16xi32>
        %parallel_loop3A_529 = arith.addi %parallel_loop3A_104, %parallel_loop3A_528 : vector<16xi32>
        %parallel_loop3A_530 = tpu.vector_load_idx %arg6[%parallel_loop3A_529] : memref<768xf32, #tpu.memory_space<vmem>>[vector<16xi32>], vector<16xf32>,
        %parallel_loop3A_531 = arith.constant 62 : i32
        %parallel_loop3A_532 = vector.broadcast %parallel_loop3A_531 : i32 to vector<16xi32>
        %parallel_loop3A_533 = arith.addi %parallel_loop3A_104, %parallel_loop3A_532 : vector<16xi32>
        %parallel_loop3A_534 = tpu.vector_load_idx %arg6[%parallel_loop3A_533] : memref<768xf32, #tpu.memory_space<vmem>>[vector<16xi32>], vector<16xf32>,
        %parallel_loop3A_535 = arith.constant 63 : i32
        %parallel_loop3A_536 = vector.broadcast %parallel_loop3A_535 : i32 to vector<16xi32>
        %parallel_loop3A_537 = arith.addi %parallel_loop3A_104, %parallel_loop3A_536 : vector<16xi32>
        %parallel_loop3A_538 = tpu.vector_load_idx %arg6[%parallel_loop3A_537] : memref<768xf32, #tpu.memory_space<vmem>>[vector<16xi32>], vector<16xf32>,
        %parallel_loop3A_539 = arith.constant 56 : i32
        %parallel_loop3A_540 = vector.broadcast %parallel_loop3A_539 : i32 to vector<16xi32>
        %parallel_loop3A_541 = arith.addi %parallel_loop3A_114, %parallel_loop3A_540 : vector<16xi32>
        tpu.vector_store_idx %arg12[%parallel_loop3A_108, %parallel_loop3A_541], %parallel_loop3A_510 : memref<160x128xf32, #tpu.memory_space<vmem>>[vector<16xi32>, vector<16xi32>], vector<16xf32>,
        %parallel_loop3A_542 = arith.constant 57 : i32
        %parallel_loop3A_543 = vector.broadcast %parallel_loop3A_542 : i32 to vector<16xi32>
        %parallel_loop3A_544 = arith.addi %parallel_loop3A_114, %parallel_loop3A_543 : vector<16xi32>
        tpu.vector_store_idx %arg12[%parallel_loop3A_108, %parallel_loop3A_544], %parallel_loop3A_514 : memref<160x128xf32, #tpu.memory_space<vmem>>[vector<16xi32>, vector<16xi32>], vector<16xf32>,
        %parallel_loop3A_545 = arith.constant 58 : i32
        %parallel_loop3A_546 = vector.broadcast %parallel_loop3A_545 : i32 to vector<16xi32>
        %parallel_loop3A_547 = arith.addi %parallel_loop3A_114, %parallel_loop3A_546 : vector<16xi32>
        tpu.vector_store_idx %arg12[%parallel_loop3A_108, %parallel_loop3A_547], %parallel_loop3A_518 : memref<160x128xf32, #tpu.memory_space<vmem>>[vector<16xi32>, vector<16xi32>], vector<16xf32>,
        %parallel_loop3A_548 = arith.constant 59 : i32
        %parallel_loop3A_549 = vector.broadcast %parallel_loop3A_548 : i32 to vector<16xi32>
        %parallel_loop3A_550 = arith.addi %parallel_loop3A_114, %parallel_loop3A_549 : vector<16xi32>
        tpu.vector_store_idx %arg12[%parallel_loop3A_108, %parallel_loop3A_550], %parallel_loop3A_522 : memref<160x128xf32, #tpu.memory_space<vmem>>[vector<16xi32>, vector<16xi32>], vector<16xf32>,
        %parallel_loop3A_551 = arith.constant 60 : i32
        %parallel_loop3A_552 = vector.broadcast %parallel_loop3A_551 : i32 to vector<16xi32>
        %parallel_loop3A_553 = arith.addi %parallel_loop3A_114, %parallel_loop3A_552 : vector<16xi32>
        tpu.vector_store_idx %arg12[%parallel_loop3A_108, %parallel_loop3A_553], %parallel_loop3A_526 : memref<160x128xf32, #tpu.memory_space<vmem>>[vector<16xi32>, vector<16xi32>], vector<16xf32>,
        %parallel_loop3A_554 = arith.constant 61 : i32
        %parallel_loop3A_555 = vector.broadcast %parallel_loop3A_554 : i32 to vector<16xi32>
        %parallel_loop3A_556 = arith.addi %parallel_loop3A_114, %parallel_loop3A_555 : vector<16xi32>
        tpu.vector_store_idx %arg12[%parallel_loop3A_108, %parallel_loop3A_556], %parallel_loop3A_530 : memref<160x128xf32, #tpu.memory_space<vmem>>[vector<16xi32>, vector<16xi32>], vector<16xf32>,
        %parallel_loop3A_557 = arith.constant 62 : i32
        %parallel_loop3A_558 = vector.broadcast %parallel_loop3A_557 : i32 to vector<16xi32>
        %parallel_loop3A_559 = arith.addi %parallel_loop3A_114, %parallel_loop3A_558 : vector<16xi32>
        tpu.vector_store_idx %arg12[%parallel_loop3A_108, %parallel_loop3A_559], %parallel_loop3A_534 : memref<160x128xf32, #tpu.memory_space<vmem>>[vector<16xi32>, vector<16xi32>], vector<16xf32>,
        %parallel_loop3A_560 = arith.constant 63 : i32
        %parallel_loop3A_561 = vector.broadcast %parallel_loop3A_560 : i32 to vector<16xi32>
        %parallel_loop3A_562 = arith.addi %parallel_loop3A_114, %parallel_loop3A_561 : vector<16xi32>
        tpu.vector_store_idx %arg12[%parallel_loop3A_108, %parallel_loop3A_562], %parallel_loop3A_538 : memref<160x128xf32, #tpu.memory_space<vmem>>[vector<16xi32>, vector<16xi32>], vector<16xf32>,
        %parallel_loop3A_563 = arith.constant 16 : i32
        %parallel_loop3A_564 = arith.muli %parallel_loop3A_97, %parallel_loop3A_563 : i32
        %parallel_loop3A_565 = arith.constant 0 : i32
        %parallel_loop3A_566 = arith.addi %parallel_loop3A_564, %parallel_loop3A_565 : i32
        %parallel_loop3A_567 = arith.constant 1 : i32
        %parallel_loop3A_568 = arith.addi %parallel_loop3A_566, %parallel_loop3A_567 : i32
        %parallel_loop3A_569 = arith.index_cast %parallel_loop3A_566 : i32 to index
        %parallel_loop3A_570 = arith.constant 0 : index
        %parallel_loop3A_571 = tpu.vector_load %arg10[%parallel_loop3A_569, %parallel_loop3A_570] {strides = array<i32>} : memref<160x64xf32, #tpu.memory_space<vmem>>, vector<16xf32>,
        %parallel_loop3A_572 = arith.index_cast %parallel_loop3A_566 : i32 to index
        %parallel_loop3A_573 = arith.constant 16 : index
        %parallel_loop3A_574 = tpu.vector_load %arg10[%parallel_loop3A_572, %parallel_loop3A_573] {strides = array<i32>} : memref<160x64xf32, #tpu.memory_space<vmem>>, vector<16xf32>,
        %parallel_loop3A_575 = arith.index_cast %parallel_loop3A_566 : i32 to index
        %parallel_loop3A_576 = arith.constant 32 : index
        %parallel_loop3A_577 = tpu.vector_load %arg10[%parallel_loop3A_575, %parallel_loop3A_576] {strides = array<i32>} : memref<160x64xf32, #tpu.memory_space<vmem>>, vector<16xf32>,
        %parallel_loop3A_578 = arith.index_cast %parallel_loop3A_566 : i32 to index
        %parallel_loop3A_579 = arith.constant 48 : index
        %parallel_loop3A_580 = tpu.vector_load %arg10[%parallel_loop3A_578, %parallel_loop3A_579] {strides = array<i32>} : memref<160x64xf32, #tpu.memory_space<vmem>>, vector<16xf32>,
        %parallel_loop3A_581 = arith.index_cast %parallel_loop3A_568 : i32 to index
        %parallel_loop3A_582 = arith.constant 0 : index
        %parallel_loop3A_583 = tpu.vector_load %arg10[%parallel_loop3A_581, %parallel_loop3A_582] {strides = array<i32>} : memref<160x64xf32, #tpu.memory_space<vmem>>, vector<16xf32>,
        %parallel_loop3A_584 = arith.index_cast %parallel_loop3A_568 : i32 to index
        %parallel_loop3A_585 = arith.constant 16 : index
        %parallel_loop3A_586 = tpu.vector_load %arg10[%parallel_loop3A_584, %parallel_loop3A_585] {strides = array<i32>} : memref<160x64xf32, #tpu.memory_space<vmem>>, vector<16xf32>,
        %parallel_loop3A_587 = arith.index_cast %parallel_loop3A_568 : i32 to index
        %parallel_loop3A_588 = arith.constant 32 : index
        %parallel_loop3A_589 = tpu.vector_load %arg10[%parallel_loop3A_587, %parallel_loop3A_588] {strides = array<i32>} : memref<160x64xf32, #tpu.memory_space<vmem>>, vector<16xf32>,
        %parallel_loop3A_590 = arith.index_cast %parallel_loop3A_568 : i32 to index
        %parallel_loop3A_591 = arith.constant 48 : index
        %parallel_loop3A_592 = tpu.vector_load %arg10[%parallel_loop3A_590, %parallel_loop3A_591] {strides = array<i32>} : memref<160x64xf32, #tpu.memory_space<vmem>>, vector<16xf32>,
        %parallel_loop3A_593 = arith.index_cast %parallel_loop3A_566 : i32 to index
        %parallel_loop3A_594 = arith.constant 0 : index
        %parallel_loop3A_595 = tpu.vector_load %arg12[%parallel_loop3A_593, %parallel_loop3A_594] {strides = array<i32>} : memref<160x128xf32, #tpu.memory_space<vmem>>, vector<16xf32>,
        tpu.vector_store %arg12[%parallel_loop3A_593, %parallel_loop3A_594], %parallel_loop3A_571 {strides = array<i32>} : memref<160x128xf32, #tpu.memory_space<vmem>>, vector<16xf32>,
        %parallel_loop3A_596 = arith.index_cast %parallel_loop3A_568 : i32 to index
        %parallel_loop3A_597 = arith.constant 0 : index
        %parallel_loop3A_598 = tpu.vector_load %arg12[%parallel_loop3A_596, %parallel_loop3A_597] {strides = array<i32>} : memref<160x128xf32, #tpu.memory_space<vmem>>, vector<16xf32>,
        tpu.vector_store %arg12[%parallel_loop3A_596, %parallel_loop3A_597], %parallel_loop3A_583 {strides = array<i32>} : memref<160x128xf32, #tpu.memory_space<vmem>>, vector<16xf32>,
        %parallel_loop3A_599 = arith.index_cast %parallel_loop3A_566 : i32 to index
        %parallel_loop3A_600 = arith.constant 16 : index
        %parallel_loop3A_601 = tpu.vector_load %arg12[%parallel_loop3A_599, %parallel_loop3A_600] {strides = array<i32>} : memref<160x128xf32, #tpu.memory_space<vmem>>, vector<16xf32>,
        tpu.vector_store %arg12[%parallel_loop3A_599, %parallel_loop3A_600], %parallel_loop3A_574 {strides = array<i32>} : memref<160x128xf32, #tpu.memory_space<vmem>>, vector<16xf32>,
        %parallel_loop3A_602 = arith.index_cast %parallel_loop3A_568 : i32 to index
        %parallel_loop3A_603 = arith.constant 16 : index
        %parallel_loop3A_604 = tpu.vector_load %arg12[%parallel_loop3A_602, %parallel_loop3A_603] {strides = array<i32>} : memref<160x128xf32, #tpu.memory_space<vmem>>, vector<16xf32>,
        tpu.vector_store %arg12[%parallel_loop3A_602, %parallel_loop3A_603], %parallel_loop3A_586 {strides = array<i32>} : memref<160x128xf32, #tpu.memory_space<vmem>>, vector<16xf32>,
        %parallel_loop3A_605 = arith.index_cast %parallel_loop3A_566 : i32 to index
        %parallel_loop3A_606 = arith.constant 32 : index
        %parallel_loop3A_607 = tpu.vector_load %arg12[%parallel_loop3A_605, %parallel_loop3A_606] {strides = array<i32>} : memref<160x128xf32, #tpu.memory_space<vmem>>, vector<16xf32>,
        tpu.vector_store %arg12[%parallel_loop3A_605, %parallel_loop3A_606], %parallel_loop3A_577 {strides = array<i32>} : memref<160x128xf32, #tpu.memory_space<vmem>>, vector<16xf32>,
        %parallel_loop3A_608 = arith.index_cast %parallel_loop3A_568 : i32 to index
        %parallel_loop3A_609 = arith.constant 32 : index
        %parallel_loop3A_610 = tpu.vector_load %arg12[%parallel_loop3A_608, %parallel_loop3A_609] {strides = array<i32>} : memref<160x128xf32, #tpu.memory_space<vmem>>, vector<16xf32>,
        tpu.vector_store %arg12[%parallel_loop3A_608, %parallel_loop3A_609], %parallel_loop3A_589 {strides = array<i32>} : memref<160x128xf32, #tpu.memory_space<vmem>>, vector<16xf32>,
        %parallel_loop3A_611 = arith.index_cast %parallel_loop3A_566 : i32 to index
        %parallel_loop3A_612 = arith.constant 48 : index
        %parallel_loop3A_613 = tpu.vector_load %arg12[%parallel_loop3A_611, %parallel_loop3A_612] {strides = array<i32>} : memref<160x128xf32, #tpu.memory_space<vmem>>, vector<16xf32>,
        tpu.vector_store %arg12[%parallel_loop3A_611, %parallel_loop3A_612], %parallel_loop3A_580 {strides = array<i32>} : memref<160x128xf32, #tpu.memory_space<vmem>>, vector<16xf32>,
        %parallel_loop3A_614 = arith.index_cast %parallel_loop3A_568 : i32 to index
        %parallel_loop3A_615 = arith.constant 48 : index
        %parallel_loop3A_616 = tpu.vector_load %arg12[%parallel_loop3A_614, %parallel_loop3A_615] {strides = array<i32>} : memref<160x128xf32, #tpu.memory_space<vmem>>, vector<16xf32>,
        tpu.vector_store %arg12[%parallel_loop3A_614, %parallel_loop3A_615], %parallel_loop3A_592 {strides = array<i32>} : memref<160x128xf32, #tpu.memory_space<vmem>>, vector<16xf32>,
        %parallel_loop3A_617 = arith.constant 16 : i32
        %parallel_loop3A_618 = arith.muli %parallel_loop3A_97, %parallel_loop3A_617 : i32
        %parallel_loop3A_619 = arith.constant 2 : i32
        %parallel_loop3A_620 = arith.addi %parallel_loop3A_618, %parallel_loop3A_619 : i32
        %parallel_loop3A_621 = arith.constant 1 : i32
        %parallel_loop3A_622 = arith.addi %parallel_loop3A_620, %parallel_loop3A_621 : i32
        %parallel_loop3A_623 = arith.index_cast %parallel_loop3A_620 : i32 to index
        %parallel_loop3A_624 = arith.constant 0 : index
        %parallel_loop3A_625 = tpu.vector_load %arg10[%parallel_loop3A_623, %parallel_loop3A_624] {strides = array<i32>} : memref<160x64xf32, #tpu.memory_space<vmem>>, vector<16xf32>,
        %parallel_loop3A_626 = arith.index_cast %parallel_loop3A_620 : i32 to index
        %parallel_loop3A_627 = arith.constant 16 : index
        %parallel_loop3A_628 = tpu.vector_load %arg10[%parallel_loop3A_626, %parallel_loop3A_627] {strides = array<i32>} : memref<160x64xf32, #tpu.memory_space<vmem>>, vector<16xf32>,
        %parallel_loop3A_629 = arith.index_cast %parallel_loop3A_620 : i32 to index
        %parallel_loop3A_630 = arith.constant 32 : index
        %parallel_loop3A_631 = tpu.vector_load %arg10[%parallel_loop3A_629, %parallel_loop3A_630] {strides = array<i32>} : memref<160x64xf32, #tpu.memory_space<vmem>>, vector<16xf32>,
        %parallel_loop3A_632 = arith.index_cast %parallel_loop3A_620 : i32 to index
        %parallel_loop3A_633 = arith.constant 48 : index
        %parallel_loop3A_634 = tpu.vector_load %arg10[%parallel_loop3A_632, %parallel_loop3A_633] {strides = array<i32>} : memref<160x64xf32, #tpu.memory_space<vmem>>, vector<16xf32>,
        %parallel_loop3A_635 = arith.index_cast %parallel_loop3A_622 : i32 to index
        %parallel_loop3A_636 = arith.constant 0 : index
        %parallel_loop3A_637 = tpu.vector_load %arg10[%parallel_loop3A_635, %parallel_loop3A_636] {strides = array<i32>} : memref<160x64xf32, #tpu.memory_space<vmem>>, vector<16xf32>,
        %parallel_loop3A_638 = arith.index_cast %parallel_loop3A_622 : i32 to index
        %parallel_loop3A_639 = arith.constant 16 : index
        %parallel_loop3A_640 = tpu.vector_load %arg10[%parallel_loop3A_638, %parallel_loop3A_639] {strides = array<i32>} : memref<160x64xf32, #tpu.memory_space<vmem>>, vector<16xf32>,
        %parallel_loop3A_641 = arith.index_cast %parallel_loop3A_622 : i32 to index
        %parallel_loop3A_642 = arith.constant 32 : index
        %parallel_loop3A_643 = tpu.vector_load %arg10[%parallel_loop3A_641, %parallel_loop3A_642] {strides = array<i32>} : memref<160x64xf32, #tpu.memory_space<vmem>>, vector<16xf32>,
        %parallel_loop3A_644 = arith.index_cast %parallel_loop3A_622 : i32 to index
        %parallel_loop3A_645 = arith.constant 48 : index
        %parallel_loop3A_646 = tpu.vector_load %arg10[%parallel_loop3A_644, %parallel_loop3A_645] {strides = array<i32>} : memref<160x64xf32, #tpu.memory_space<vmem>>, vector<16xf32>,
        %parallel_loop3A_647 = arith.index_cast %parallel_loop3A_620 : i32 to index
        %parallel_loop3A_648 = arith.constant 0 : index
        %parallel_loop3A_649 = tpu.vector_load %arg12[%parallel_loop3A_647, %parallel_loop3A_648] {strides = array<i32>} : memref<160x128xf32, #tpu.memory_space<vmem>>, vector<16xf32>,
        tpu.vector_store %arg12[%parallel_loop3A_647, %parallel_loop3A_648], %parallel_loop3A_625 {strides = array<i32>} : memref<160x128xf32, #tpu.memory_space<vmem>>, vector<16xf32>,
        %parallel_loop3A_650 = arith.index_cast %parallel_loop3A_622 : i32 to index
        %parallel_loop3A_651 = arith.constant 0 : index
        %parallel_loop3A_652 = tpu.vector_load %arg12[%parallel_loop3A_650, %parallel_loop3A_651] {strides = array<i32>} : memref<160x128xf32, #tpu.memory_space<vmem>>, vector<16xf32>,
        tpu.vector_store %arg12[%parallel_loop3A_650, %parallel_loop3A_651], %parallel_loop3A_637 {strides = array<i32>} : memref<160x128xf32, #tpu.memory_space<vmem>>, vector<16xf32>,
        %parallel_loop3A_653 = arith.index_cast %parallel_loop3A_620 : i32 to index
        %parallel_loop3A_654 = arith.constant 16 : index
        %parallel_loop3A_655 = tpu.vector_load %arg12[%parallel_loop3A_653, %parallel_loop3A_654] {strides = array<i32>} : memref<160x128xf32, #tpu.memory_space<vmem>>, vector<16xf32>,
        tpu.vector_store %arg12[%parallel_loop3A_653, %parallel_loop3A_654], %parallel_loop3A_628 {strides = array<i32>} : memref<160x128xf32, #tpu.memory_space<vmem>>, vector<16xf32>,
        %parallel_loop3A_656 = arith.index_cast %parallel_loop3A_622 : i32 to index
        %parallel_loop3A_657 = arith.constant 16 : index
        %parallel_loop3A_658 = tpu.vector_load %arg12[%parallel_loop3A_656, %parallel_loop3A_657] {strides = array<i32>} : memref<160x128xf32, #tpu.memory_space<vmem>>, vector<16xf32>,
        tpu.vector_store %arg12[%parallel_loop3A_656, %parallel_loop3A_657], %parallel_loop3A_640 {strides = array<i32>} : memref<160x128xf32, #tpu.memory_space<vmem>>, vector<16xf32>,
        %parallel_loop3A_659 = arith.index_cast %parallel_loop3A_620 : i32 to index
        %parallel_loop3A_660 = arith.constant 32 : index
        %parallel_loop3A_661 = tpu.vector_load %arg12[%parallel_loop3A_659, %parallel_loop3A_660] {strides = array<i32>} : memref<160x128xf32, #tpu.memory_space<vmem>>, vector<16xf32>,
        tpu.vector_store %arg12[%parallel_loop3A_659, %parallel_loop3A_660], %parallel_loop3A_631 {strides = array<i32>} : memref<160x128xf32, #tpu.memory_space<vmem>>, vector<16xf32>,
        %parallel_loop3A_662 = arith.index_cast %parallel_loop3A_622 : i32 to index
        %parallel_loop3A_663 = arith.constant 32 : index
        %parallel_loop3A_664 = tpu.vector_load %arg12[%parallel_loop3A_662, %parallel_loop3A_663] {strides = array<i32>} : memref<160x128xf32, #tpu.memory_space<vmem>>, vector<16xf32>,
        tpu.vector_store %arg12[%parallel_loop3A_662, %parallel_loop3A_663], %parallel_loop3A_643 {strides = array<i32>} : memref<160x128xf32, #tpu.memory_space<vmem>>, vector<16xf32>,
        %parallel_loop3A_665 = arith.index_cast %parallel_loop3A_620 : i32 to index
        %parallel_loop3A_666 = arith.constant 48 : index
        %parallel_loop3A_667 = tpu.vector_load %arg12[%parallel_loop3A_665, %parallel_loop3A_666] {strides = array<i32>} : memref<160x128xf32, #tpu.memory_space<vmem>>, vector<16xf32>,
        tpu.vector_store %arg12[%parallel_loop3A_665, %parallel_loop3A_666], %parallel_loop3A_634 {strides = array<i32>} : memref<160x128xf32, #tpu.memory_space<vmem>>, vector<16xf32>,
        %parallel_loop3A_668 = arith.index_cast %parallel_loop3A_622 : i32 to index
        %parallel_loop3A_669 = arith.constant 48 : index
        %parallel_loop3A_670 = tpu.vector_load %arg12[%parallel_loop3A_668, %parallel_loop3A_669] {strides = array<i32>} : memref<160x128xf32, #tpu.memory_space<vmem>>, vector<16xf32>,
        tpu.vector_store %arg12[%parallel_loop3A_668, %parallel_loop3A_669], %parallel_loop3A_646 {strides = array<i32>} : memref<160x128xf32, #tpu.memory_space<vmem>>, vector<16xf32>,
        %parallel_loop3A_671 = arith.constant 16 : i32
        %parallel_loop3A_672 = arith.muli %parallel_loop3A_97, %parallel_loop3A_671 : i32
        %parallel_loop3A_673 = arith.constant 4 : i32
        %parallel_loop3A_674 = arith.addi %parallel_loop3A_672, %parallel_loop3A_673 : i32
        %parallel_loop3A_675 = arith.constant 1 : i32
        %parallel_loop3A_676 = arith.addi %parallel_loop3A_674, %parallel_loop3A_675 : i32
        %parallel_loop3A_677 = arith.index_cast %parallel_loop3A_674 : i32 to index
        %parallel_loop3A_678 = arith.constant 0 : index
        %parallel_loop3A_679 = tpu.vector_load %arg10[%parallel_loop3A_677, %parallel_loop3A_678] {strides = array<i32>} : memref<160x64xf32, #tpu.memory_space<vmem>>, vector<16xf32>,
        %parallel_loop3A_680 = arith.index_cast %parallel_loop3A_674 : i32 to index
        %parallel_loop3A_681 = arith.constant 16 : index
        %parallel_loop3A_682 = tpu.vector_load %arg10[%parallel_loop3A_680, %parallel_loop3A_681] {strides = array<i32>} : memref<160x64xf32, #tpu.memory_space<vmem>>, vector<16xf32>,
        %parallel_loop3A_683 = arith.index_cast %parallel_loop3A_674 : i32 to index
        %parallel_loop3A_684 = arith.constant 32 : index
        %parallel_loop3A_685 = tpu.vector_load %arg10[%parallel_loop3A_683, %parallel_loop3A_684] {strides = array<i32>} : memref<160x64xf32, #tpu.memory_space<vmem>>, vector<16xf32>,
        %parallel_loop3A_686 = arith.index_cast %parallel_loop3A_674 : i32 to index
        %parallel_loop3A_687 = arith.constant 48 : index
        %parallel_loop3A_688 = tpu.vector_load %arg10[%parallel_loop3A_686, %parallel_loop3A_687] {strides = array<i32>} : memref<160x64xf32, #tpu.memory_space<vmem>>, vector<16xf32>,
        %parallel_loop3A_689 = arith.index_cast %parallel_loop3A_676 : i32 to index
        %parallel_loop3A_690 = arith.constant 0 : index
        %parallel_loop3A_691 = tpu.vector_load %arg10[%parallel_loop3A_689, %parallel_loop3A_690] {strides = array<i32>} : memref<160x64xf32, #tpu.memory_space<vmem>>, vector<16xf32>,
        %parallel_loop3A_692 = arith.index_cast %parallel_loop3A_676 : i32 to index
        %parallel_loop3A_693 = arith.constant 16 : index
        %parallel_loop3A_694 = tpu.vector_load %arg10[%parallel_loop3A_692, %parallel_loop3A_693] {strides = array<i32>} : memref<160x64xf32, #tpu.memory_space<vmem>>, vector<16xf32>,
        %parallel_loop3A_695 = arith.index_cast %parallel_loop3A_676 : i32 to index
        %parallel_loop3A_696 = arith.constant 32 : index
        %parallel_loop3A_697 = tpu.vector_load %arg10[%parallel_loop3A_695, %parallel_loop3A_696] {strides = array<i32>} : memref<160x64xf32, #tpu.memory_space<vmem>>, vector<16xf32>,
        %parallel_loop3A_698 = arith.index_cast %parallel_loop3A_676 : i32 to index
        %parallel_loop3A_699 = arith.constant 48 : index
        %parallel_loop3A_700 = tpu.vector_load %arg10[%parallel_loop3A_698, %parallel_loop3A_699] {strides = array<i32>} : memref<160x64xf32, #tpu.memory_space<vmem>>, vector<16xf32>,
        %parallel_loop3A_701 = arith.index_cast %parallel_loop3A_674 : i32 to index
        %parallel_loop3A_702 = arith.constant 0 : index
        %parallel_loop3A_703 = tpu.vector_load %arg12[%parallel_loop3A_701, %parallel_loop3A_702] {strides = array<i32>} : memref<160x128xf32, #tpu.memory_space<vmem>>, vector<16xf32>,
        tpu.vector_store %arg12[%parallel_loop3A_701, %parallel_loop3A_702], %parallel_loop3A_679 {strides = array<i32>} : memref<160x128xf32, #tpu.memory_space<vmem>>, vector<16xf32>,
        %parallel_loop3A_704 = arith.index_cast %parallel_loop3A_676 : i32 to index
        %parallel_loop3A_705 = arith.constant 0 : index
        %parallel_loop3A_706 = tpu.vector_load %arg12[%parallel_loop3A_704, %parallel_loop3A_705] {strides = array<i32>} : memref<160x128xf32, #tpu.memory_space<vmem>>, vector<16xf32>,
        tpu.vector_store %arg12[%parallel_loop3A_704, %parallel_loop3A_705], %parallel_loop3A_691 {strides = array<i32>} : memref<160x128xf32, #tpu.memory_space<vmem>>, vector<16xf32>,
        %parallel_loop3A_707 = arith.index_cast %parallel_loop3A_674 : i32 to index
        %parallel_loop3A_708 = arith.constant 16 : index
        %parallel_loop3A_709 = tpu.vector_load %arg12[%parallel_loop3A_707, %parallel_loop3A_708] {strides = array<i32>} : memref<160x128xf32, #tpu.memory_space<vmem>>, vector<16xf32>,
        tpu.vector_store %arg12[%parallel_loop3A_707, %parallel_loop3A_708], %parallel_loop3A_682 {strides = array<i32>} : memref<160x128xf32, #tpu.memory_space<vmem>>, vector<16xf32>,
        %parallel_loop3A_710 = arith.index_cast %parallel_loop3A_676 : i32 to index
        %parallel_loop3A_711 = arith.constant 16 : index
        %parallel_loop3A_712 = tpu.vector_load %arg12[%parallel_loop3A_710, %parallel_loop3A_711] {strides = array<i32>} : memref<160x128xf32, #tpu.memory_space<vmem>>, vector<16xf32>,
        tpu.vector_store %arg12[%parallel_loop3A_710, %parallel_loop3A_711], %parallel_loop3A_694 {strides = array<i32>} : memref<160x128xf32, #tpu.memory_space<vmem>>, vector<16xf32>,
        %parallel_loop3A_713 = arith.index_cast %parallel_loop3A_674 : i32 to index
        %parallel_loop3A_714 = arith.constant 32 : index
        %parallel_loop3A_715 = tpu.vector_load %arg12[%parallel_loop3A_713, %parallel_loop3A_714] {strides = array<i32>} : memref<160x128xf32, #tpu.memory_space<vmem>>, vector<16xf32>,
        tpu.vector_store %arg12[%parallel_loop3A_713, %parallel_loop3A_714], %parallel_loop3A_685 {strides = array<i32>} : memref<160x128xf32, #tpu.memory_space<vmem>>, vector<16xf32>,
        %parallel_loop3A_716 = arith.index_cast %parallel_loop3A_676 : i32 to index
        %parallel_loop3A_717 = arith.constant 32 : index
        %parallel_loop3A_718 = tpu.vector_load %arg12[%parallel_loop3A_716, %parallel_loop3A_717] {strides = array<i32>} : memref<160x128xf32, #tpu.memory_space<vmem>>, vector<16xf32>,
        tpu.vector_store %arg12[%parallel_loop3A_716, %parallel_loop3A_717], %parallel_loop3A_697 {strides = array<i32>} : memref<160x128xf32, #tpu.memory_space<vmem>>, vector<16xf32>,
        %parallel_loop3A_719 = arith.index_cast %parallel_loop3A_674 : i32 to index
        %parallel_loop3A_720 = arith.constant 48 : index
        %parallel_loop3A_721 = tpu.vector_load %arg12[%parallel_loop3A_719, %parallel_loop3A_720] {strides = array<i32>} : memref<160x128xf32, #tpu.memory_space<vmem>>, vector<16xf32>,
        tpu.vector_store %arg12[%parallel_loop3A_719, %parallel_loop3A_720], %parallel_loop3A_688 {strides = array<i32>} : memref<160x128xf32, #tpu.memory_space<vmem>>, vector<16xf32>,
        %parallel_loop3A_722 = arith.index_cast %parallel_loop3A_676 : i32 to index
        %parallel_loop3A_723 = arith.constant 48 : index
        %parallel_loop3A_724 = tpu.vector_load %arg12[%parallel_loop3A_722, %parallel_loop3A_723] {strides = array<i32>} : memref<160x128xf32, #tpu.memory_space<vmem>>, vector<16xf32>,
        tpu.vector_store %arg12[%parallel_loop3A_722, %parallel_loop3A_723], %parallel_loop3A_700 {strides = array<i32>} : memref<160x128xf32, #tpu.memory_space<vmem>>, vector<16xf32>,
        %parallel_loop3A_725 = arith.constant 16 : i32
        %parallel_loop3A_726 = arith.muli %parallel_loop3A_97, %parallel_loop3A_725 : i32
        %parallel_loop3A_727 = arith.constant 6 : i32
        %parallel_loop3A_728 = arith.addi %parallel_loop3A_726, %parallel_loop3A_727 : i32
        %parallel_loop3A_729 = arith.constant 1 : i32
        %parallel_loop3A_730 = arith.addi %parallel_loop3A_728, %parallel_loop3A_729 : i32
        %parallel_loop3A_731 = arith.index_cast %parallel_loop3A_728 : i32 to index
        %parallel_loop3A_732 = arith.constant 0 : index
        %parallel_loop3A_733 = tpu.vector_load %arg10[%parallel_loop3A_731, %parallel_loop3A_732] {strides = array<i32>} : memref<160x64xf32, #tpu.memory_space<vmem>>, vector<16xf32>,
        %parallel_loop3A_734 = arith.index_cast %parallel_loop3A_728 : i32 to index
        %parallel_loop3A_735 = arith.constant 16 : index
        %parallel_loop3A_736 = tpu.vector_load %arg10[%parallel_loop3A_734, %parallel_loop3A_735] {strides = array<i32>} : memref<160x64xf32, #tpu.memory_space<vmem>>, vector<16xf32>,
        %parallel_loop3A_737 = arith.index_cast %parallel_loop3A_728 : i32 to index
        %parallel_loop3A_738 = arith.constant 32 : index
        %parallel_loop3A_739 = tpu.vector_load %arg10[%parallel_loop3A_737, %parallel_loop3A_738] {strides = array<i32>} : memref<160x64xf32, #tpu.memory_space<vmem>>, vector<16xf32>,
        %parallel_loop3A_740 = arith.index_cast %parallel_loop3A_728 : i32 to index
        %parallel_loop3A_741 = arith.constant 48 : index
        %parallel_loop3A_742 = tpu.vector_load %arg10[%parallel_loop3A_740, %parallel_loop3A_741] {strides = array<i32>} : memref<160x64xf32, #tpu.memory_space<vmem>>, vector<16xf32>,
        %parallel_loop3A_743 = arith.index_cast %parallel_loop3A_730 : i32 to index
        %parallel_loop3A_744 = arith.constant 0 : index
        %parallel_loop3A_745 = tpu.vector_load %arg10[%parallel_loop3A_743, %parallel_loop3A_744] {strides = array<i32>} : memref<160x64xf32, #tpu.memory_space<vmem>>, vector<16xf32>,
        %parallel_loop3A_746 = arith.index_cast %parallel_loop3A_730 : i32 to index
        %parallel_loop3A_747 = arith.constant 16 : index
        %parallel_loop3A_748 = tpu.vector_load %arg10[%parallel_loop3A_746, %parallel_loop3A_747] {strides = array<i32>} : memref<160x64xf32, #tpu.memory_space<vmem>>, vector<16xf32>,
        %parallel_loop3A_749 = arith.index_cast %parallel_loop3A_730 : i32 to index
        %parallel_loop3A_750 = arith.constant 32 : index
        %parallel_loop3A_751 = tpu.vector_load %arg10[%parallel_loop3A_749, %parallel_loop3A_750] {strides = array<i32>} : memref<160x64xf32, #tpu.memory_space<vmem>>, vector<16xf32>,
        %parallel_loop3A_752 = arith.index_cast %parallel_loop3A_730 : i32 to index
        %parallel_loop3A_753 = arith.constant 48 : index
        %parallel_loop3A_754 = tpu.vector_load %arg10[%parallel_loop3A_752, %parallel_loop3A_753] {strides = array<i32>} : memref<160x64xf32, #tpu.memory_space<vmem>>, vector<16xf32>,
        %parallel_loop3A_755 = arith.index_cast %parallel_loop3A_728 : i32 to index
        %parallel_loop3A_756 = arith.constant 0 : index
        %parallel_loop3A_757 = tpu.vector_load %arg12[%parallel_loop3A_755, %parallel_loop3A_756] {strides = array<i32>} : memref<160x128xf32, #tpu.memory_space<vmem>>, vector<16xf32>,
        tpu.vector_store %arg12[%parallel_loop3A_755, %parallel_loop3A_756], %parallel_loop3A_733 {strides = array<i32>} : memref<160x128xf32, #tpu.memory_space<vmem>>, vector<16xf32>,
        %parallel_loop3A_758 = arith.index_cast %parallel_loop3A_730 : i32 to index
        %parallel_loop3A_759 = arith.constant 0 : index
        %parallel_loop3A_760 = tpu.vector_load %arg12[%parallel_loop3A_758, %parallel_loop3A_759] {strides = array<i32>} : memref<160x128xf32, #tpu.memory_space<vmem>>, vector<16xf32>,
        tpu.vector_store %arg12[%parallel_loop3A_758, %parallel_loop3A_759], %parallel_loop3A_745 {strides = array<i32>} : memref<160x128xf32, #tpu.memory_space<vmem>>, vector<16xf32>,
        %parallel_loop3A_761 = arith.index_cast %parallel_loop3A_728 : i32 to index
        %parallel_loop3A_762 = arith.constant 16 : index
        %parallel_loop3A_763 = tpu.vector_load %arg12[%parallel_loop3A_761, %parallel_loop3A_762] {strides = array<i32>} : memref<160x128xf32, #tpu.memory_space<vmem>>, vector<16xf32>,
        tpu.vector_store %arg12[%parallel_loop3A_761, %parallel_loop3A_762], %parallel_loop3A_736 {strides = array<i32>} : memref<160x128xf32, #tpu.memory_space<vmem>>, vector<16xf32>,
        %parallel_loop3A_764 = arith.index_cast %parallel_loop3A_730 : i32 to index
        %parallel_loop3A_765 = arith.constant 16 : index
        %parallel_loop3A_766 = tpu.vector_load %arg12[%parallel_loop3A_764, %parallel_loop3A_765] {strides = array<i32>} : memref<160x128xf32, #tpu.memory_space<vmem>>, vector<16xf32>,
        tpu.vector_store %arg12[%parallel_loop3A_764, %parallel_loop3A_765], %parallel_loop3A_748 {strides = array<i32>} : memref<160x128xf32, #tpu.memory_space<vmem>>, vector<16xf32>,
        %parallel_loop3A_767 = arith.index_cast %parallel_loop3A_728 : i32 to index
        %parallel_loop3A_768 = arith.constant 32 : index
        %parallel_loop3A_769 = tpu.vector_load %arg12[%parallel_loop3A_767, %parallel_loop3A_768] {strides = array<i32>} : memref<160x128xf32, #tpu.memory_space<vmem>>, vector<16xf32>,
        tpu.vector_store %arg12[%parallel_loop3A_767, %parallel_loop3A_768], %parallel_loop3A_739 {strides = array<i32>} : memref<160x128xf32, #tpu.memory_space<vmem>>, vector<16xf32>,
        %parallel_loop3A_770 = arith.index_cast %parallel_loop3A_730 : i32 to index
        %parallel_loop3A_771 = arith.constant 32 : index
        %parallel_loop3A_772 = tpu.vector_load %arg12[%parallel_loop3A_770, %parallel_loop3A_771] {strides = array<i32>} : memref<160x128xf32, #tpu.memory_space<vmem>>, vector<16xf32>,
        tpu.vector_store %arg12[%parallel_loop3A_770, %parallel_loop3A_771], %parallel_loop3A_751 {strides = array<i32>} : memref<160x128xf32, #tpu.memory_space<vmem>>, vector<16xf32>,
        %parallel_loop3A_773 = arith.index_cast %parallel_loop3A_728 : i32 to index
        %parallel_loop3A_774 = arith.constant 48 : index
        %parallel_loop3A_775 = tpu.vector_load %arg12[%parallel_loop3A_773, %parallel_loop3A_774] {strides = array<i32>} : memref<160x128xf32, #tpu.memory_space<vmem>>, vector<16xf32>,
        tpu.vector_store %arg12[%parallel_loop3A_773, %parallel_loop3A_774], %parallel_loop3A_742 {strides = array<i32>} : memref<160x128xf32, #tpu.memory_space<vmem>>, vector<16xf32>,
        %parallel_loop3A_776 = arith.index_cast %parallel_loop3A_730 : i32 to index
        %parallel_loop3A_777 = arith.constant 48 : index
        %parallel_loop3A_778 = tpu.vector_load %arg12[%parallel_loop3A_776, %parallel_loop3A_777] {strides = array<i32>} : memref<160x128xf32, #tpu.memory_space<vmem>>, vector<16xf32>,
        tpu.vector_store %arg12[%parallel_loop3A_776, %parallel_loop3A_777], %parallel_loop3A_754 {strides = array<i32>} : memref<160x128xf32, #tpu.memory_space<vmem>>, vector<16xf32>,
        %parallel_loop3A_779 = arith.constant 16 : i32
        %parallel_loop3A_780 = arith.muli %parallel_loop3A_97, %parallel_loop3A_779 : i32
        %parallel_loop3A_781 = arith.constant 8 : i32
        %parallel_loop3A_782 = arith.addi %parallel_loop3A_780, %parallel_loop3A_781 : i32
        %parallel_loop3A_783 = arith.constant 1 : i32
        %parallel_loop3A_784 = arith.addi %parallel_loop3A_782, %parallel_loop3A_783 : i32
        %parallel_loop3A_785 = arith.index_cast %parallel_loop3A_782 : i32 to index
        %parallel_loop3A_786 = arith.constant 0 : index
        %parallel_loop3A_787 = tpu.vector_load %arg10[%parallel_loop3A_785, %parallel_loop3A_786] {strides = array<i32>} : memref<160x64xf32, #tpu.memory_space<vmem>>, vector<16xf32>,
        %parallel_loop3A_788 = arith.index_cast %parallel_loop3A_782 : i32 to index
        %parallel_loop3A_789 = arith.constant 16 : index
        %parallel_loop3A_790 = tpu.vector_load %arg10[%parallel_loop3A_788, %parallel_loop3A_789] {strides = array<i32>} : memref<160x64xf32, #tpu.memory_space<vmem>>, vector<16xf32>,
        %parallel_loop3A_791 = arith.index_cast %parallel_loop3A_782 : i32 to index
        %parallel_loop3A_792 = arith.constant 32 : index
        %parallel_loop3A_793 = tpu.vector_load %arg10[%parallel_loop3A_791, %parallel_loop3A_792] {strides = array<i32>} : memref<160x64xf32, #tpu.memory_space<vmem>>, vector<16xf32>,
        %parallel_loop3A_794 = arith.index_cast %parallel_loop3A_782 : i32 to index
        %parallel_loop3A_795 = arith.constant 48 : index
        %parallel_loop3A_796 = tpu.vector_load %arg10[%parallel_loop3A_794, %parallel_loop3A_795] {strides = array<i32>} : memref<160x64xf32, #tpu.memory_space<vmem>>, vector<16xf32>,
        %parallel_loop3A_797 = arith.index_cast %parallel_loop3A_784 : i32 to index
        %parallel_loop3A_798 = arith.constant 0 : index
        %parallel_loop3A_799 = tpu.vector_load %arg10[%parallel_loop3A_797, %parallel_loop3A_798] {strides = array<i32>} : memref<160x64xf32, #tpu.memory_space<vmem>>, vector<16xf32>,
        %parallel_loop3A_800 = arith.index_cast %parallel_loop3A_784 : i32 to index
        %parallel_loop3A_801 = arith.constant 16 : index
        %parallel_loop3A_802 = tpu.vector_load %arg10[%parallel_loop3A_800, %parallel_loop3A_801] {strides = array<i32>} : memref<160x64xf32, #tpu.memory_space<vmem>>, vector<16xf32>,
        %parallel_loop3A_803 = arith.index_cast %parallel_loop3A_784 : i32 to index
        %parallel_loop3A_804 = arith.constant 32 : index
        %parallel_loop3A_805 = tpu.vector_load %arg10[%parallel_loop3A_803, %parallel_loop3A_804] {strides = array<i32>} : memref<160x64xf32, #tpu.memory_space<vmem>>, vector<16xf32>,
        %parallel_loop3A_806 = arith.index_cast %parallel_loop3A_784 : i32 to index
        %parallel_loop3A_807 = arith.constant 48 : index
        %parallel_loop3A_808 = tpu.vector_load %arg10[%parallel_loop3A_806, %parallel_loop3A_807] {strides = array<i32>} : memref<160x64xf32, #tpu.memory_space<vmem>>, vector<16xf32>,
        %parallel_loop3A_809 = arith.index_cast %parallel_loop3A_782 : i32 to index
        %parallel_loop3A_810 = arith.constant 0 : index
        %parallel_loop3A_811 = tpu.vector_load %arg12[%parallel_loop3A_809, %parallel_loop3A_810] {strides = array<i32>} : memref<160x128xf32, #tpu.memory_space<vmem>>, vector<16xf32>,
        tpu.vector_store %arg12[%parallel_loop3A_809, %parallel_loop3A_810], %parallel_loop3A_787 {strides = array<i32>} : memref<160x128xf32, #tpu.memory_space<vmem>>, vector<16xf32>,
        %parallel_loop3A_812 = arith.index_cast %parallel_loop3A_784 : i32 to index
        %parallel_loop3A_813 = arith.constant 0 : index
        %parallel_loop3A_814 = tpu.vector_load %arg12[%parallel_loop3A_812, %parallel_loop3A_813] {strides = array<i32>} : memref<160x128xf32, #tpu.memory_space<vmem>>, vector<16xf32>,
        tpu.vector_store %arg12[%parallel_loop3A_812, %parallel_loop3A_813], %parallel_loop3A_799 {strides = array<i32>} : memref<160x128xf32, #tpu.memory_space<vmem>>, vector<16xf32>,
        %parallel_loop3A_815 = arith.index_cast %parallel_loop3A_782 : i32 to index
        %parallel_loop3A_816 = arith.constant 16 : index
        %parallel_loop3A_817 = tpu.vector_load %arg12[%parallel_loop3A_815, %parallel_loop3A_816] {strides = array<i32>} : memref<160x128xf32, #tpu.memory_space<vmem>>, vector<16xf32>,
        tpu.vector_store %arg12[%parallel_loop3A_815, %parallel_loop3A_816], %parallel_loop3A_790 {strides = array<i32>} : memref<160x128xf32, #tpu.memory_space<vmem>>, vector<16xf32>,
        %parallel_loop3A_818 = arith.index_cast %parallel_loop3A_784 : i32 to index
        %parallel_loop3A_819 = arith.constant 16 : index
        %parallel_loop3A_820 = tpu.vector_load %arg12[%parallel_loop3A_818, %parallel_loop3A_819] {strides = array<i32>} : memref<160x128xf32, #tpu.memory_space<vmem>>, vector<16xf32>,
        tpu.vector_store %arg12[%parallel_loop3A_818, %parallel_loop3A_819], %parallel_loop3A_802 {strides = array<i32>} : memref<160x128xf32, #tpu.memory_space<vmem>>, vector<16xf32>,
        %parallel_loop3A_821 = arith.index_cast %parallel_loop3A_782 : i32 to index
        %parallel_loop3A_822 = arith.constant 32 : index
        %parallel_loop3A_823 = tpu.vector_load %arg12[%parallel_loop3A_821, %parallel_loop3A_822] {strides = array<i32>} : memref<160x128xf32, #tpu.memory_space<vmem>>, vector<16xf32>,
        tpu.vector_store %arg12[%parallel_loop3A_821, %parallel_loop3A_822], %parallel_loop3A_793 {strides = array<i32>} : memref<160x128xf32, #tpu.memory_space<vmem>>, vector<16xf32>,
        %parallel_loop3A_824 = arith.index_cast %parallel_loop3A_784 : i32 to index
        %parallel_loop3A_825 = arith.constant 32 : index
        %parallel_loop3A_826 = tpu.vector_load %arg12[%parallel_loop3A_824, %parallel_loop3A_825] {strides = array<i32>} : memref<160x128xf32, #tpu.memory_space<vmem>>, vector<16xf32>,
        tpu.vector_store %arg12[%parallel_loop3A_824, %parallel_loop3A_825], %parallel_loop3A_805 {strides = array<i32>} : memref<160x128xf32, #tpu.memory_space<vmem>>, vector<16xf32>,
        %parallel_loop3A_827 = arith.index_cast %parallel_loop3A_782 : i32 to index
        %parallel_loop3A_828 = arith.constant 48 : index
        %parallel_loop3A_829 = tpu.vector_load %arg12[%parallel_loop3A_827, %parallel_loop3A_828] {strides = array<i32>} : memref<160x128xf32, #tpu.memory_space<vmem>>, vector<16xf32>,
        tpu.vector_store %arg12[%parallel_loop3A_827, %parallel_loop3A_828], %parallel_loop3A_796 {strides = array<i32>} : memref<160x128xf32, #tpu.memory_space<vmem>>, vector<16xf32>,
        %parallel_loop3A_830 = arith.index_cast %parallel_loop3A_784 : i32 to index
        %parallel_loop3A_831 = arith.constant 48 : index
        %parallel_loop3A_832 = tpu.vector_load %arg12[%parallel_loop3A_830, %parallel_loop3A_831] {strides = array<i32>} : memref<160x128xf32, #tpu.memory_space<vmem>>, vector<16xf32>,
        tpu.vector_store %arg12[%parallel_loop3A_830, %parallel_loop3A_831], %parallel_loop3A_808 {strides = array<i32>} : memref<160x128xf32, #tpu.memory_space<vmem>>, vector<16xf32>,
        %parallel_loop3A_833 = arith.constant 16 : i32
        %parallel_loop3A_834 = arith.muli %parallel_loop3A_97, %parallel_loop3A_833 : i32
        %parallel_loop3A_835 = arith.constant 10 : i32
        %parallel_loop3A_836 = arith.addi %parallel_loop3A_834, %parallel_loop3A_835 : i32
        %parallel_loop3A_837 = arith.constant 1 : i32
        %parallel_loop3A_838 = arith.addi %parallel_loop3A_836, %parallel_loop3A_837 : i32
        %parallel_loop3A_839 = arith.index_cast %parallel_loop3A_836 : i32 to index
        %parallel_loop3A_840 = arith.constant 0 : index
        %parallel_loop3A_841 = tpu.vector_load %arg10[%parallel_loop3A_839, %parallel_loop3A_840] {strides = array<i32>} : memref<160x64xf32, #tpu.memory_space<vmem>>, vector<16xf32>,
        %parallel_loop3A_842 = arith.index_cast %parallel_loop3A_836 : i32 to index
        %parallel_loop3A_843 = arith.constant 16 : index
        %parallel_loop3A_844 = tpu.vector_load %arg10[%parallel_loop3A_842, %parallel_loop3A_843] {strides = array<i32>} : memref<160x64xf32, #tpu.memory_space<vmem>>, vector<16xf32>,
        %parallel_loop3A_845 = arith.index_cast %parallel_loop3A_836 : i32 to index
        %parallel_loop3A_846 = arith.constant 32 : index
        %parallel_loop3A_847 = tpu.vector_load %arg10[%parallel_loop3A_845, %parallel_loop3A_846] {strides = array<i32>} : memref<160x64xf32, #tpu.memory_space<vmem>>, vector<16xf32>,
        %parallel_loop3A_848 = arith.index_cast %parallel_loop3A_836 : i32 to index
        %parallel_loop3A_849 = arith.constant 48 : index
        %parallel_loop3A_850 = tpu.vector_load %arg10[%parallel_loop3A_848, %parallel_loop3A_849] {strides = array<i32>} : memref<160x64xf32, #tpu.memory_space<vmem>>, vector<16xf32>,
        %parallel_loop3A_851 = arith.index_cast %parallel_loop3A_838 : i32 to index
        %parallel_loop3A_852 = arith.constant 0 : index
        %parallel_loop3A_853 = tpu.vector_load %arg10[%parallel_loop3A_851, %parallel_loop3A_852] {strides = array<i32>} : memref<160x64xf32, #tpu.memory_space<vmem>>, vector<16xf32>,
        %parallel_loop3A_854 = arith.index_cast %parallel_loop3A_838 : i32 to index
        %parallel_loop3A_855 = arith.constant 16 : index
        %parallel_loop3A_856 = tpu.vector_load %arg10[%parallel_loop3A_854, %parallel_loop3A_855] {strides = array<i32>} : memref<160x64xf32, #tpu.memory_space<vmem>>, vector<16xf32>,
        %parallel_loop3A_857 = arith.index_cast %parallel_loop3A_838 : i32 to index
        %parallel_loop3A_858 = arith.constant 32 : index
        %parallel_loop3A_859 = tpu.vector_load %arg10[%parallel_loop3A_857, %parallel_loop3A_858] {strides = array<i32>} : memref<160x64xf32, #tpu.memory_space<vmem>>, vector<16xf32>,
        %parallel_loop3A_860 = arith.index_cast %parallel_loop3A_838 : i32 to index
        %parallel_loop3A_861 = arith.constant 48 : index
        %parallel_loop3A_862 = tpu.vector_load %arg10[%parallel_loop3A_860, %parallel_loop3A_861] {strides = array<i32>} : memref<160x64xf32, #tpu.memory_space<vmem>>, vector<16xf32>,
        %parallel_loop3A_863 = arith.index_cast %parallel_loop3A_836 : i32 to index
        %parallel_loop3A_864 = arith.constant 0 : index
        %parallel_loop3A_865 = tpu.vector_load %arg12[%parallel_loop3A_863, %parallel_loop3A_864] {strides = array<i32>} : memref<160x128xf32, #tpu.memory_space<vmem>>, vector<16xf32>,
        tpu.vector_store %arg12[%parallel_loop3A_863, %parallel_loop3A_864], %parallel_loop3A_841 {strides = array<i32>} : memref<160x128xf32, #tpu.memory_space<vmem>>, vector<16xf32>,
        %parallel_loop3A_866 = arith.index_cast %parallel_loop3A_838 : i32 to index
        %parallel_loop3A_867 = arith.constant 0 : index
        %parallel_loop3A_868 = tpu.vector_load %arg12[%parallel_loop3A_866, %parallel_loop3A_867] {strides = array<i32>} : memref<160x128xf32, #tpu.memory_space<vmem>>, vector<16xf32>,
        tpu.vector_store %arg12[%parallel_loop3A_866, %parallel_loop3A_867], %parallel_loop3A_853 {strides = array<i32>} : memref<160x128xf32, #tpu.memory_space<vmem>>, vector<16xf32>,
        %parallel_loop3A_869 = arith.index_cast %parallel_loop3A_836 : i32 to index
        %parallel_loop3A_870 = arith.constant 16 : index
        %parallel_loop3A_871 = tpu.vector_load %arg12[%parallel_loop3A_869, %parallel_loop3A_870] {strides = array<i32>} : memref<160x128xf32, #tpu.memory_space<vmem>>, vector<16xf32>,
        tpu.vector_store %arg12[%parallel_loop3A_869, %parallel_loop3A_870], %parallel_loop3A_844 {strides = array<i32>} : memref<160x128xf32, #tpu.memory_space<vmem>>, vector<16xf32>,
        %parallel_loop3A_872 = arith.index_cast %parallel_loop3A_838 : i32 to index
        %parallel_loop3A_873 = arith.constant 16 : index
        %parallel_loop3A_874 = tpu.vector_load %arg12[%parallel_loop3A_872, %parallel_loop3A_873] {strides = array<i32>} : memref<160x128xf32, #tpu.memory_space<vmem>>, vector<16xf32>,
        tpu.vector_store %arg12[%parallel_loop3A_872, %parallel_loop3A_873], %parallel_loop3A_856 {strides = array<i32>} : memref<160x128xf32, #tpu.memory_space<vmem>>, vector<16xf32>,
        %parallel_loop3A_875 = arith.index_cast %parallel_loop3A_836 : i32 to index
        %parallel_loop3A_876 = arith.constant 32 : index
        %parallel_loop3A_877 = tpu.vector_load %arg12[%parallel_loop3A_875, %parallel_loop3A_876] {strides = array<i32>} : memref<160x128xf32, #tpu.memory_space<vmem>>, vector<16xf32>,
        tpu.vector_store %arg12[%parallel_loop3A_875, %parallel_loop3A_876], %parallel_loop3A_847 {strides = array<i32>} : memref<160x128xf32, #tpu.memory_space<vmem>>, vector<16xf32>,
        %parallel_loop3A_878 = arith.index_cast %parallel_loop3A_838 : i32 to index
        %parallel_loop3A_879 = arith.constant 32 : index
        %parallel_loop3A_880 = tpu.vector_load %arg12[%parallel_loop3A_878, %parallel_loop3A_879] {strides = array<i32>} : memref<160x128xf32, #tpu.memory_space<vmem>>, vector<16xf32>,
        tpu.vector_store %arg12[%parallel_loop3A_878, %parallel_loop3A_879], %parallel_loop3A_859 {strides = array<i32>} : memref<160x128xf32, #tpu.memory_space<vmem>>, vector<16xf32>,
        %parallel_loop3A_881 = arith.index_cast %parallel_loop3A_836 : i32 to index
        %parallel_loop3A_882 = arith.constant 48 : index
        %parallel_loop3A_883 = tpu.vector_load %arg12[%parallel_loop3A_881, %parallel_loop3A_882] {strides = array<i32>} : memref<160x128xf32, #tpu.memory_space<vmem>>, vector<16xf32>,
        tpu.vector_store %arg12[%parallel_loop3A_881, %parallel_loop3A_882], %parallel_loop3A_850 {strides = array<i32>} : memref<160x128xf32, #tpu.memory_space<vmem>>, vector<16xf32>,
        %parallel_loop3A_884 = arith.index_cast %parallel_loop3A_838 : i32 to index
        %parallel_loop3A_885 = arith.constant 48 : index
        %parallel_loop3A_886 = tpu.vector_load %arg12[%parallel_loop3A_884, %parallel_loop3A_885] {strides = array<i32>} : memref<160x128xf32, #tpu.memory_space<vmem>>, vector<16xf32>,
        tpu.vector_store %arg12[%parallel_loop3A_884, %parallel_loop3A_885], %parallel_loop3A_862 {strides = array<i32>} : memref<160x128xf32, #tpu.memory_space<vmem>>, vector<16xf32>,
        %parallel_loop3A_887 = arith.constant 16 : i32
        %parallel_loop3A_888 = arith.muli %parallel_loop3A_97, %parallel_loop3A_887 : i32
        %parallel_loop3A_889 = arith.constant 12 : i32
        %parallel_loop3A_890 = arith.addi %parallel_loop3A_888, %parallel_loop3A_889 : i32
        %parallel_loop3A_891 = arith.constant 1 : i32
        %parallel_loop3A_892 = arith.addi %parallel_loop3A_890, %parallel_loop3A_891 : i32
        %parallel_loop3A_893 = arith.index_cast %parallel_loop3A_890 : i32 to index
        %parallel_loop3A_894 = arith.constant 0 : index
        %parallel_loop3A_895 = tpu.vector_load %arg10[%parallel_loop3A_893, %parallel_loop3A_894] {strides = array<i32>} : memref<160x64xf32, #tpu.memory_space<vmem>>, vector<16xf32>,
        %parallel_loop3A_896 = arith.index_cast %parallel_loop3A_890 : i32 to index
        %parallel_loop3A_897 = arith.constant 16 : index
        %parallel_loop3A_898 = tpu.vector_load %arg10[%parallel_loop3A_896, %parallel_loop3A_897] {strides = array<i32>} : memref<160x64xf32, #tpu.memory_space<vmem>>, vector<16xf32>,
        %parallel_loop3A_899 = arith.index_cast %parallel_loop3A_890 : i32 to index
        %parallel_loop3A_900 = arith.constant 32 : index
        %parallel_loop3A_901 = tpu.vector_load %arg10[%parallel_loop3A_899, %parallel_loop3A_900] {strides = array<i32>} : memref<160x64xf32, #tpu.memory_space<vmem>>, vector<16xf32>,
        %parallel_loop3A_902 = arith.index_cast %parallel_loop3A_890 : i32 to index
        %parallel_loop3A_903 = arith.constant 48 : index
        %parallel_loop3A_904 = tpu.vector_load %arg10[%parallel_loop3A_902, %parallel_loop3A_903] {strides = array<i32>} : memref<160x64xf32, #tpu.memory_space<vmem>>, vector<16xf32>,
        %parallel_loop3A_905 = arith.index_cast %parallel_loop3A_892 : i32 to index
        %parallel_loop3A_906 = arith.constant 0 : index
        %parallel_loop3A_907 = tpu.vector_load %arg10[%parallel_loop3A_905, %parallel_loop3A_906] {strides = array<i32>} : memref<160x64xf32, #tpu.memory_space<vmem>>, vector<16xf32>,
        %parallel_loop3A_908 = arith.index_cast %parallel_loop3A_892 : i32 to index
        %parallel_loop3A_909 = arith.constant 16 : index
        %parallel_loop3A_910 = tpu.vector_load %arg10[%parallel_loop3A_908, %parallel_loop3A_909] {strides = array<i32>} : memref<160x64xf32, #tpu.memory_space<vmem>>, vector<16xf32>,
        %parallel_loop3A_911 = arith.index_cast %parallel_loop3A_892 : i32 to index
        %parallel_loop3A_912 = arith.constant 32 : index
        %parallel_loop3A_913 = tpu.vector_load %arg10[%parallel_loop3A_911, %parallel_loop3A_912] {strides = array<i32>} : memref<160x64xf32, #tpu.memory_space<vmem>>, vector<16xf32>,
        %parallel_loop3A_914 = arith.index_cast %parallel_loop3A_892 : i32 to index
        %parallel_loop3A_915 = arith.constant 48 : index
        %parallel_loop3A_916 = tpu.vector_load %arg10[%parallel_loop3A_914, %parallel_loop3A_915] {strides = array<i32>} : memref<160x64xf32, #tpu.memory_space<vmem>>, vector<16xf32>,
        %parallel_loop3A_917 = arith.index_cast %parallel_loop3A_890 : i32 to index
        %parallel_loop3A_918 = arith.constant 0 : index
        %parallel_loop3A_919 = tpu.vector_load %arg12[%parallel_loop3A_917, %parallel_loop3A_918] {strides = array<i32>} : memref<160x128xf32, #tpu.memory_space<vmem>>, vector<16xf32>,
        tpu.vector_store %arg12[%parallel_loop3A_917, %parallel_loop3A_918], %parallel_loop3A_895 {strides = array<i32>} : memref<160x128xf32, #tpu.memory_space<vmem>>, vector<16xf32>,
        %parallel_loop3A_920 = arith.index_cast %parallel_loop3A_892 : i32 to index
        %parallel_loop3A_921 = arith.constant 0 : index
        %parallel_loop3A_922 = tpu.vector_load %arg12[%parallel_loop3A_920, %parallel_loop3A_921] {strides = array<i32>} : memref<160x128xf32, #tpu.memory_space<vmem>>, vector<16xf32>,
        tpu.vector_store %arg12[%parallel_loop3A_920, %parallel_loop3A_921], %parallel_loop3A_907 {strides = array<i32>} : memref<160x128xf32, #tpu.memory_space<vmem>>, vector<16xf32>,
        %parallel_loop3A_923 = arith.index_cast %parallel_loop3A_890 : i32 to index
        %parallel_loop3A_924 = arith.constant 16 : index
        %parallel_loop3A_925 = tpu.vector_load %arg12[%parallel_loop3A_923, %parallel_loop3A_924] {strides = array<i32>} : memref<160x128xf32, #tpu.memory_space<vmem>>, vector<16xf32>,
        tpu.vector_store %arg12[%parallel_loop3A_923, %parallel_loop3A_924], %parallel_loop3A_898 {strides = array<i32>} : memref<160x128xf32, #tpu.memory_space<vmem>>, vector<16xf32>,
        %parallel_loop3A_926 = arith.index_cast %parallel_loop3A_892 : i32 to index
        %parallel_loop3A_927 = arith.constant 16 : index
        %parallel_loop3A_928 = tpu.vector_load %arg12[%parallel_loop3A_926, %parallel_loop3A_927] {strides = array<i32>} : memref<160x128xf32, #tpu.memory_space<vmem>>, vector<16xf32>,
        tpu.vector_store %arg12[%parallel_loop3A_926, %parallel_loop3A_927], %parallel_loop3A_910 {strides = array<i32>} : memref<160x128xf32, #tpu.memory_space<vmem>>, vector<16xf32>,
        %parallel_loop3A_929 = arith.index_cast %parallel_loop3A_890 : i32 to index
        %parallel_loop3A_930 = arith.constant 32 : index
        %parallel_loop3A_931 = tpu.vector_load %arg12[%parallel_loop3A_929, %parallel_loop3A_930] {strides = array<i32>} : memref<160x128xf32, #tpu.memory_space<vmem>>, vector<16xf32>,
        tpu.vector_store %arg12[%parallel_loop3A_929, %parallel_loop3A_930], %parallel_loop3A_901 {strides = array<i32>} : memref<160x128xf32, #tpu.memory_space<vmem>>, vector<16xf32>,
        %parallel_loop3A_932 = arith.index_cast %parallel_loop3A_892 : i32 to index
        %parallel_loop3A_933 = arith.constant 32 : index
        %parallel_loop3A_934 = tpu.vector_load %arg12[%parallel_loop3A_932, %parallel_loop3A_933] {strides = array<i32>} : memref<160x128xf32, #tpu.memory_space<vmem>>, vector<16xf32>,
        tpu.vector_store %arg12[%parallel_loop3A_932, %parallel_loop3A_933], %parallel_loop3A_913 {strides = array<i32>} : memref<160x128xf32, #tpu.memory_space<vmem>>, vector<16xf32>,
        %parallel_loop3A_935 = arith.index_cast %parallel_loop3A_890 : i32 to index
        %parallel_loop3A_936 = arith.constant 48 : index
        %parallel_loop3A_937 = tpu.vector_load %arg12[%parallel_loop3A_935, %parallel_loop3A_936] {strides = array<i32>} : memref<160x128xf32, #tpu.memory_space<vmem>>, vector<16xf32>,
        tpu.vector_store %arg12[%parallel_loop3A_935, %parallel_loop3A_936], %parallel_loop3A_904 {strides = array<i32>} : memref<160x128xf32, #tpu.memory_space<vmem>>, vector<16xf32>,
        %parallel_loop3A_938 = arith.index_cast %parallel_loop3A_892 : i32 to index
        %parallel_loop3A_939 = arith.constant 48 : index
        %parallel_loop3A_940 = tpu.vector_load %arg12[%parallel_loop3A_938, %parallel_loop3A_939] {strides = array<i32>} : memref<160x128xf32, #tpu.memory_space<vmem>>, vector<16xf32>,
        tpu.vector_store %arg12[%parallel_loop3A_938, %parallel_loop3A_939], %parallel_loop3A_916 {strides = array<i32>} : memref<160x128xf32, #tpu.memory_space<vmem>>, vector<16xf32>,
        %parallel_loop3A_941 = arith.constant 16 : i32
        %parallel_loop3A_942 = arith.muli %parallel_loop3A_97, %parallel_loop3A_941 : i32
        %parallel_loop3A_943 = arith.constant 14 : i32
        %parallel_loop3A_944 = arith.addi %parallel_loop3A_942, %parallel_loop3A_943 : i32
        %parallel_loop3A_945 = arith.constant 1 : i32
        %parallel_loop3A_946 = arith.addi %parallel_loop3A_944, %parallel_loop3A_945 : i32
        %parallel_loop3A_947 = arith.index_cast %parallel_loop3A_944 : i32 to index
        %parallel_loop3A_948 = arith.constant 0 : index
        %parallel_loop3A_949 = tpu.vector_load %arg10[%parallel_loop3A_947, %parallel_loop3A_948] {strides = array<i32>} : memref<160x64xf32, #tpu.memory_space<vmem>>, vector<16xf32>,
        %parallel_loop3A_950 = arith.index_cast %parallel_loop3A_944 : i32 to index
        %parallel_loop3A_951 = arith.constant 16 : index
        %parallel_loop3A_952 = tpu.vector_load %arg10[%parallel_loop3A_950, %parallel_loop3A_951] {strides = array<i32>} : memref<160x64xf32, #tpu.memory_space<vmem>>, vector<16xf32>,
        %parallel_loop3A_953 = arith.index_cast %parallel_loop3A_944 : i32 to index
        %parallel_loop3A_954 = arith.constant 32 : index
        %parallel_loop3A_955 = tpu.vector_load %arg10[%parallel_loop3A_953, %parallel_loop3A_954] {strides = array<i32>} : memref<160x64xf32, #tpu.memory_space<vmem>>, vector<16xf32>,
        %parallel_loop3A_956 = arith.index_cast %parallel_loop3A_944 : i32 to index
        %parallel_loop3A_957 = arith.constant 48 : index
        %parallel_loop3A_958 = tpu.vector_load %arg10[%parallel_loop3A_956, %parallel_loop3A_957] {strides = array<i32>} : memref<160x64xf32, #tpu.memory_space<vmem>>, vector<16xf32>,
        %parallel_loop3A_959 = arith.index_cast %parallel_loop3A_946 : i32 to index
        %parallel_loop3A_960 = arith.constant 0 : index
        %parallel_loop3A_961 = tpu.vector_load %arg10[%parallel_loop3A_959, %parallel_loop3A_960] {strides = array<i32>} : memref<160x64xf32, #tpu.memory_space<vmem>>, vector<16xf32>,
        %parallel_loop3A_962 = arith.index_cast %parallel_loop3A_946 : i32 to index
        %parallel_loop3A_963 = arith.constant 16 : index
        %parallel_loop3A_964 = tpu.vector_load %arg10[%parallel_loop3A_962, %parallel_loop3A_963] {strides = array<i32>} : memref<160x64xf32, #tpu.memory_space<vmem>>, vector<16xf32>,
        %parallel_loop3A_965 = arith.index_cast %parallel_loop3A_946 : i32 to index
        %parallel_loop3A_966 = arith.constant 32 : index
        %parallel_loop3A_967 = tpu.vector_load %arg10[%parallel_loop3A_965, %parallel_loop3A_966] {strides = array<i32>} : memref<160x64xf32, #tpu.memory_space<vmem>>, vector<16xf32>,
        %parallel_loop3A_968 = arith.index_cast %parallel_loop3A_946 : i32 to index
        %parallel_loop3A_969 = arith.constant 48 : index
        %parallel_loop3A_970 = tpu.vector_load %arg10[%parallel_loop3A_968, %parallel_loop3A_969] {strides = array<i32>} : memref<160x64xf32, #tpu.memory_space<vmem>>, vector<16xf32>,
        %parallel_loop3A_971 = arith.index_cast %parallel_loop3A_944 : i32 to index
        %parallel_loop3A_972 = arith.constant 0 : index
        %parallel_loop3A_973 = tpu.vector_load %arg12[%parallel_loop3A_971, %parallel_loop3A_972] {strides = array<i32>} : memref<160x128xf32, #tpu.memory_space<vmem>>, vector<16xf32>,
        tpu.vector_store %arg12[%parallel_loop3A_971, %parallel_loop3A_972], %parallel_loop3A_949 {strides = array<i32>} : memref<160x128xf32, #tpu.memory_space<vmem>>, vector<16xf32>,
        %parallel_loop3A_974 = arith.index_cast %parallel_loop3A_946 : i32 to index
        %parallel_loop3A_975 = arith.constant 0 : index
        %parallel_loop3A_976 = tpu.vector_load %arg12[%parallel_loop3A_974, %parallel_loop3A_975] {strides = array<i32>} : memref<160x128xf32, #tpu.memory_space<vmem>>, vector<16xf32>,
        tpu.vector_store %arg12[%parallel_loop3A_974, %parallel_loop3A_975], %parallel_loop3A_961 {strides = array<i32>} : memref<160x128xf32, #tpu.memory_space<vmem>>, vector<16xf32>,
        %parallel_loop3A_977 = arith.index_cast %parallel_loop3A_944 : i32 to index
        %parallel_loop3A_978 = arith.constant 16 : index
        %parallel_loop3A_979 = tpu.vector_load %arg12[%parallel_loop3A_977, %parallel_loop3A_978] {strides = array<i32>} : memref<160x128xf32, #tpu.memory_space<vmem>>, vector<16xf32>,
        tpu.vector_store %arg12[%parallel_loop3A_977, %parallel_loop3A_978], %parallel_loop3A_952 {strides = array<i32>} : memref<160x128xf32, #tpu.memory_space<vmem>>, vector<16xf32>,
        %parallel_loop3A_980 = arith.index_cast %parallel_loop3A_946 : i32 to index
        %parallel_loop3A_981 = arith.constant 16 : index
        %parallel_loop3A_982 = tpu.vector_load %arg12[%parallel_loop3A_980, %parallel_loop3A_981] {strides = array<i32>} : memref<160x128xf32, #tpu.memory_space<vmem>>, vector<16xf32>,
        tpu.vector_store %arg12[%parallel_loop3A_980, %parallel_loop3A_981], %parallel_loop3A_964 {strides = array<i32>} : memref<160x128xf32, #tpu.memory_space<vmem>>, vector<16xf32>,
        %parallel_loop3A_983 = arith.index_cast %parallel_loop3A_944 : i32 to index
        %parallel_loop3A_984 = arith.constant 32 : index
        %parallel_loop3A_985 = tpu.vector_load %arg12[%parallel_loop3A_983, %parallel_loop3A_984] {strides = array<i32>} : memref<160x128xf32, #tpu.memory_space<vmem>>, vector<16xf32>,
        tpu.vector_store %arg12[%parallel_loop3A_983, %parallel_loop3A_984], %parallel_loop3A_955 {strides = array<i32>} : memref<160x128xf32, #tpu.memory_space<vmem>>, vector<16xf32>,
        %parallel_loop3A_986 = arith.index_cast %parallel_loop3A_946 : i32 to index
        %parallel_loop3A_987 = arith.constant 32 : index
        %parallel_loop3A_988 = tpu.vector_load %arg12[%parallel_loop3A_986, %parallel_loop3A_987] {strides = array<i32>} : memref<160x128xf32, #tpu.memory_space<vmem>>, vector<16xf32>,
        tpu.vector_store %arg12[%parallel_loop3A_986, %parallel_loop3A_987], %parallel_loop3A_967 {strides = array<i32>} : memref<160x128xf32, #tpu.memory_space<vmem>>, vector<16xf32>,
        %parallel_loop3A_989 = arith.index_cast %parallel_loop3A_944 : i32 to index
        %parallel_loop3A_990 = arith.constant 48 : index
        %parallel_loop3A_991 = tpu.vector_load %arg12[%parallel_loop3A_989, %parallel_loop3A_990] {strides = array<i32>} : memref<160x128xf32, #tpu.memory_space<vmem>>, vector<16xf32>,
        tpu.vector_store %arg12[%parallel_loop3A_989, %parallel_loop3A_990], %parallel_loop3A_958 {strides = array<i32>} : memref<160x128xf32, #tpu.memory_space<vmem>>, vector<16xf32>,
        %parallel_loop3A_992 = arith.index_cast %parallel_loop3A_946 : i32 to index
        %parallel_loop3A_993 = arith.constant 48 : index
        %parallel_loop3A_994 = tpu.vector_load %arg12[%parallel_loop3A_992, %parallel_loop3A_993] {strides = array<i32>} : memref<160x128xf32, #tpu.memory_space<vmem>>, vector<16xf32>,
        tpu.vector_store %arg12[%parallel_loop3A_992, %parallel_loop3A_993], %parallel_loop3A_970 {strides = array<i32>} : memref<160x128xf32, #tpu.memory_space<vmem>>, vector<16xf32>,
      } {sc.loop_unroll_factor = 2 : i64, sc.parallel_access}
      %add3A_87 = arith.constant 1 : i32
      %add3A_88 = arith.addi %mul3A_30, %add3A_87 : i32
      %mul3A_89 = arith.constant 160 : i32
      %mul3A_90 = arith.muli %add3A_88, %mul3A_89 : i32
      %add3A_91 = arith.addi %mul3A_2, %mul3A_90 : i32
      %dma_start3A_92 = arith.constant 0 : i32
      %dma_start3A_93 = tpu.memref_slice %arg5[%add3A_91, %dma_start3A_92] : memref<819200x128xf32, #tpu.memory_space<hbm>> -> memref<160x128xf32, #tpu.memory_space<hbm>>
      %dma_start3A_94 = arith.constant 0 : i32
      %dma_start3A_95 = tpu.memref_slice %arg5[%add3A_91, %dma_start3A_94] : memref<819200x128xf32, #tpu.memory_space<hbm>> -> memref<160x128xf32, #tpu.memory_space<hbm>>
      tpu.enqueue_dma source(%arg12 : memref<160x128xf32, #tpu.memory_space<vmem>>) target(%dma_start3A_95 : memref<160x128xf32, #tpu.memory_space<hbm>>) target_semaphore(%arg16 : memref<!tpu.dma_semaphore, #tpu.memory_space<semaphore_mem>>)
      %scan3A_96 = arith.constant 0 : i32
      scf.yield %scan3A_96 : i32
    }
    %scan3A_15 = arith.constant 80 : i32
    %add3A_16 = arith.constant 25280 : i32
    %add3A_17 = arith.addi %mul3A_2, %add3A_16 : i32
    %dma_wait3A = arith.constant 0 : i32
    %dma_wait3A_18 = tpu.memref_slice %arg5[%add3A_17, %dma_wait3A] : memref<819200x128xf32, #tpu.memory_space<hbm>> -> memref<160x128xf32, #tpu.memory_space<hbm>>
    %dma_wait3A_19 = arith.constant 0 : i32
    %dma_wait3A_20 = tpu.memref_slice %arg5[%add3A_17, %dma_wait3A_19] : memref<819200x128xf32, #tpu.memory_space<hbm>> -> memref<160x128xf32, #tpu.memory_space<hbm>>
    tpu.wait_dma2 semaphore(%arg15 : memref<!tpu.dma_semaphore, #tpu.memory_space<semaphore_mem>>) src(%arg11 : memref<160x128xf32, #tpu.memory_space<vmem>>) dst(%dma_wait3A_20 : memref<160x128xf32, #tpu.memory_space<hbm>>)
    %add3A_21 = arith.constant 25440 : i32
    %add3A_22 = arith.addi %mul3A_2, %add3A_21 : i32
    %dma_wait3A_23 = arith.constant 0 : i32
    %dma_wait3A_24 = tpu.memref_slice %arg5[%add3A_22, %dma_wait3A_23] : memref<819200x128xf32, #tpu.memory_space<hbm>> -> memref<160x128xf32, #tpu.memory_space<hbm>>
    %dma_wait3A_25 = arith.constant 0 : i32
    %dma_wait3A_26 = tpu.memref_slice %arg5[%add3A_22, %dma_wait3A_25] : memref<819200x128xf32, #tpu.memory_space<hbm>> -> memref<160x128xf32, #tpu.memory_space<hbm>>
    tpu.wait_dma2 semaphore(%arg16 : memref<!tpu.dma_semaphore, #tpu.memory_space<semaphore_mem>>) src(%arg12 : memref<160x128xf32, #tpu.memory_space<vmem>>) dst(%dma_wait3A_26 : memref<160x128xf32, #tpu.memory_space<hbm>>)
    return
  }
}

</mosaic_0001>

<sc_bundles>
// kernel: kernel.3.cloned.1.call-start
scs
__scs_entry_jumppad:
0x0: {  	(pc) =	sbr.rel $0x88, $3  }
0x1: {  	(tag) =	ssettag $0x0;
	lr =	simm.s32 $0x1  }
0x2: {  	[smem:$0x3F9E] =	sst lr;
	_ =	strace $0xD0000000  }
0x3: {  	_ = 	snop  }
0x4: {  	_ = 	snop  }
0x5: {  	_ = 	snop  }
0x6: {  	_ = 	snop  }
0x7: {  	_ = 	snop  }
__scs_overlays_trampoline_lowered:
0x8: {  	[smem:$0x3FAD] =	sst s0  }
0x9: {  	[smem:$0x3FAE] =	sst s1  }
0xa: {  	[smem:$0x3FAF] =	sst s2  }
0xb: {  	[smem:$0x3FB0] =	sst s3  }
0xc: {  	[smem:$0x3FB1] =	sst s4  }
0xd: {  	[smem:$0x3FB2] =	sst s5  }
0xe: {  	[smem:$0x3FB3] =	sst s6  }
0xf: {  	[smem:$0x3FB4] =	sst s7  }
0x10: {  	[smem:$0x3FB5] =	sst s8  }
0x11: {  	[smem:$0x3FB6] =	sst s9;
	s0 =	simm.s32 @!p0 $0x0  }
0x12: {  	s1 =	sld [smem:$0x3F9C];
	s0 =	simm.s32 @p0 $0x1  }
0x13: {  	[smem:$0x3FB7] =	sst s0;
	s0 =	simm.s32 @!p1 $0x0  }
0x14: {  	s2 =	sld [smem:$0x3F9B];
	s0 =	simm.s32 @p1 $0x1  }
0x15: {  	[smem:$0x3FB8] =	sst s0;
	s0 =	simm.s32 @!p2 $0x0  }
0x16: {  	s3 =	sld [smem:$0x3FDB];
	s0 =	simm.s32 @p2 $0x1  }
0x17: {  	s4 =	simm.s32 $0x1BF5;
	[smem:$0x3FBA] =	sst s0  }
0x18: {  	s0 =	sld [smem:$0x3F9D];
	_ =	swait.ge [sflag:s4], $0x0  }
0x19: {  	s7 =	sld [smem:$0x3F9E]  }
0x1a: {  	s8 =	sadd.s32 $0xFFFFE003, lr  }
0x1b: {  	s9 =	sadd.s32 $0xFFFFFEF7, lr;
	s5 =	simm.s32 $0xFFFFFFFF;
	p2 =	slt.u32 s8, $0xFFFFF086  }
0x1c: {  	p1 =	slt.u32 s9, $0xF7A;
	s5 =	simm.s32 @!p2 $0x0  }
0x1d: {  	s5 =	simm.s32 @p1 $0x1;
	p0 =	seq.s32 s7, s2  }
0x1e: {  	s7 =	smul.u32 @!p0 $0xF7A, s2;
	p2 =	seq.s32 @!p0 s5, $0x0  }
0x1f: {  	s9 =	smul.u32 $0xF7A, s1;
	s8 =	simm.s32 @!p0 $0x1BF5;
	p2 =	por !p2, p0  }
0x20: {  	[sflag:s8] =	ssyncset.s32 @!p0 $0xFFFFF086;
	s6 =	sadd.s32 @!p0 s3, s7;
	s7 =	simm.s32 @!p0 $0x108  }
0x21: {  	s3 =	sadd.s32 s3, s9;
	s6 =	sadd.s32 @!p0 $0x88, s6;
	s7 =	simm.s32 @p2 $0x1082  }
0x22: {  	[simem:s7], [sflag:s8] =	dma.local @!p0 [hbm:s6], $0xF7A  }
0x23: {  	s9 =	sor.u32 $0xD0000000, s2;
	s6 =	simm.s32 $0x108;
	_ =	swait.ge @!p0 [sflag:s8], $0x0  }
0x24: {  	s3 =	sadd.s32 $0x88, s3;
	s6 =	simm.s32 @!p1 $0x1082;
	[sflag:s4] =	ssyncset.s32 $0xFFFFF086  }
0x25: {  	[simem:s6], [sflag:s4] =	dma.local [hbm:s3], $0xF7A  }
0x26: {  	[smem:$0x3F9E] =	sst s1;
	(tag) =	ssettag s2;
	_ =	strace s9  }
0x27: {  	s1 =	sld [smem:$0x3FAE]  }
0x28: {  	s2 =	sld [smem:$0x3FAF]  }
0x29: {  	s4 =	sld [smem:$0x3FB1]  }
0x2a: {  	p0 =	seq.s32 s5, $0x0;
	s5 =	sld [smem:$0x3FB2]  }
0x2b: {  	s6 =	sld [smem:$0x3FB3]  }
0x2c: {  	s7 =	sld [smem:$0x3FB4]  }
0x2d: {  	s3 =	simm.s32 $0x108;
	s8 =	sld [smem:$0x3FB5]  }
0x2e: {  	s3 =	simm.s32 @!p0 $0x1082;
	s9 =	sld [smem:$0x3FB6]  }
0x2f: {  	lr =	sadd.s32 s0, s3;
	s0 =	sld [smem:$0x3FAD]  }
0x30: {  	s3 =	sld [smem:$0x3FB0]  }
0x31: {  	[smem:$0x3FB9] =	sst s10  }
0x32: {  	s10 =	sld [smem:$0x3FB7];
	_ =	sdelay $0x3  }
0x33: {  	p0 =	seq.s32 s10, $0x1;
	s10 =	sld [smem:$0x3FB9];
	_ =	sdelay $0x3  }
0x34: {  	[smem:$0x3FB9] =	sst s10  }
0x35: {  	s10 =	sld [smem:$0x3FB8];
	_ =	sdelay $0x3  }
0x36: {  	p1 =	seq.s32 s10, $0x1;
	s10 =	sld [smem:$0x3FB9];
	_ =	sdelay $0x3  }
0x37: {  	[smem:$0x3FB9] =	sst s10  }
0x38: {  	s10 =	sld [smem:$0x3FBA]  }
0x39: {  	_ = 	snop;
	(pc) =	sbr.ind lr, $3  }
0x3a: {  	_ = 	snop  }
0x3b: {  	_ = 	snop  }
0x3c: {  	p2 =	seq.s32 s10, $0x1;
	s10 =	sld [smem:$0x3FB9]  }
0x3d: {  	_ =	shalt  }
0x3e: {  	_ =	shalt  }
0x3f: {  	_ =	shalt  }
0x40: {  	_ =	shalt  }
0x41: {  	_ =	shalt  }
0x42: {  	_ =	shalt  }
0x43: {  	_ =	shalt  }
0x44: {  	_ =	shalt  }
0x45: {  	_ =	shalt  }
0x46: {  	_ =	shalt  }
0x47: {  	_ =	shalt  }
0x48: {  	_ =	shalt  }
0x49: {  	_ =	shalt  }
0x4a: {  	_ =	shalt  }
0x4b: {  	_ =	shalt  }
0x4c: {  	_ =	shalt  }
0x4d: {  	_ =	shalt  }
0x4e: {  	_ =	shalt  }
0x4f: {  	_ =	shalt  }
0x50: {  	_ =	shalt  }
0x51: {  	_ =	shalt  }
0x52: {  	_ =	shalt  }
0x53: {  	_ =	shalt  }
0x54: {  	_ =	shalt  }
0x55: {  	_ =	shalt  }
0x56: {  	_ =	shalt  }
0x57: {  	_ =	shalt  }
0x58: {  	_ =	shalt  }
0x59: {  	_ =	shalt  }
0x5a: {  	_ =	shalt  }
0x5b: {  	_ =	shalt  }
0x5c: {  	_ =	shalt  }
0x5d: {  	_ =	shalt  }
0x5e: {  	_ =	shalt  }
0x5f: {  	_ =	shalt  }
0x60: {  	_ =	shalt  }
0x61: {  	_ =	shalt  }
0x62: {  	_ =	shalt  }
0x63: {  	_ =	shalt  }
0x64: {  	_ =	shalt  }
0x65: {  	_ =	shalt  }
0x66: {  	_ =	shalt  }
0x67: {  	_ =	shalt  }
0x68: {  	_ =	shalt  }
0x69: {  	_ =	shalt  }
0x6a: {  	_ =	shalt  }
0x6b: {  	_ =	shalt  }
0x6c: {  	_ =	shalt  }
0x6d: {  	_ =	shalt  }
0x6e: {  	_ =	shalt  }
0x6f: {  	_ =	shalt  }
0x70: {  	_ =	shalt  }
0x71: {  	_ =	shalt  }
0x72: {  	_ =	shalt  }
0x73: {  	_ =	shalt  }
0x74: {  	_ =	shalt  }
0x75: {  	_ =	shalt  }
0x76: {  	_ =	shalt  }
0x77: {  	_ =	shalt  }
0x78: {  	_ =	shalt  }
0x79: {  	_ =	shalt  }
0x7a: {  	_ =	shalt  }
0x7b: {  	_ =	shalt  }
0x7c: {  	_ =	shalt  }
0x7d: {  	_ =	shalt  }
0x7e: {  	_ =	shalt  }
0x7f: {  	_ =	shalt  }
0x80: {  	_ =	shalt  }
0x81: {  	_ =	shalt  }
0x82: {  	_ =	shalt  }
0x83: {  	_ =	shalt  }
0x84: {  	_ =	shalt  }
0x85: {  	_ =	shalt  }
0x86: {  	_ =	shalt  }
0x87: {  	_ =	shalt  }
.Lfunc_end0:
.L_simem_size_0:
called_computation.1_lowered:
.L_overlay_start_0:
0x88: {  	s2 =	sld [smem:$0x3FD9]  }
0x89: {  	s3 =	sld [smem:$0x3FFE];
	_ =	sdelay $0x1  }
0x8a: {  	s1 =	srdreg.scid  }
0x8b: {  	s0 =	sand.u32 $0x1, s1  }
0x8c: {  	s17 =	sshll.u32 s0, $0xA;
	s2 =	sadd.s32 s3, s2  }
0x8d: {  	s2 =	sadd.s32 s2, s17  }
0x8e: {  	[smem:$0x3FC5] =	sst s2  }
0x8f: {  	_ = 	snop  }
0x90: {  	s2 =	sld [smem:$0x3FD0];
	(tm) =	ssettm $0x1  }
0x91: {  	s18 =	sld [smem:$0x3FFB];
	_ =	sdelay $0x3  }
0x92: {  	_ =	strace s18  }
0x93: {  	s3 =	sld [smem:$0x3FFC];
	_ =	sdelay $0x3  }
0x94: {  	_ =	strace s3  }
0x95: {  	s3 =	sld [smem:$0x3FFD];
	_ =	sdelay $0x3  }
0x96: {  	_ =	strace s3  }
0x97: {  	_ =	strace $0x8FFFFFFF  }
0x98: {  	s19 =	sld [smem:$0x3FDB];
	_ =	sdelay $0x1  }
0x99: {  	s4 =	simm.s32 $_scs_section_size  }
0x9a: {  	s5 =	simm.s32 $_size__tile_overlayer_lowered;
	s6 =	simm.s32 $_tile_overlayer_lowered  }
0x9b: {  	s22 =	simm.s32 $0x1BFF;
	s21 =	sshll.u32 s6, $0x1;
	s3 =	sadd.s32 s4, s19  }
0x9c: {  	s7 =	simm.s32 $0x0;
	s20 =	sshll.u32 s5, $0x1;
	s5 =	sadd.s32 s21, s3  }
0x9d: {  	[timem:s7], [sflag:s22] =	dma.local [hbm:s5], s20  }
0x9e: {  	_ =	swait.ge [sflag:s22], s20  }
0x9f: {  	s4 =	ssub.s32 $0x0, s20;
	[sflag:s22] =	ssyncset.done $0x0  }
0xa0: {  	[sflag:s22] =	ssyncadd.s32 s4;
	_ =	sdelay $0x1  }
0xa1: {  	s23 =	simm.s32 $0x1B8B  }
0xa2: {  	_ =	swait.ge [sflag:s23], $0x1  }
0xa3: {  	[sflag:s23] =	ssyncset.done $0x0  }
0xa4: {  	s25 =	simm.s32 $0x1B8E;
	s24 =	sld [smem:$0x3FFE];
	[sflag:s23] =	ssyncadd.s32 $0xFFFFFFFF  }
0xa5: {  	s26 =	simm.s32 $execute0_lowered;
	[smem:$0x3FD2] =	sst s25  }
0xa6: {  	s5 =	sshll.u32 s26, $0x1;
	_ =	strace $0x80000046;
	[dreg:$0x1] =	wrdreg $0xFFFFFFFF  }
0xa7: {  	s28 =	simm.s32 $_size_execute0_lowered;
	s3 =	sadd.s32 s3, s5;
	[dreg:$0x0] =	wrdreg $0x0  }
0xa8: {  	s5 =	sshll.u32 s28, $0x1;
	[dreg:$0x2] =	wrdreg s3  }
0xa9: {  	[dreg:$0x3] =	wrdreg s5  }
0xaa: {  	[dreg:$0x4] =	wrdreg $0xC0  }
0xab: {  	_ =	task [dreg:s7], $0x5FFFF  }
0xac: {  	[dreg:$0x1] =	wrdreg $0xFFFFFFFF  }
0xad: {  	[dreg:$0x0] =	wrdreg $0x60  }
0xae: {  	[dreg:$0x2] =	wrdreg s2  }
0xaf: {  	[dreg:$0x3] =	wrdreg s24  }
0xb0: {  	[dreg:$0x4] =	wrdreg $0x9  }
0xb1: {  	_ =	task.clear_ibuf [dreg:s7], $0x5FFFF;
	_ =	strace $0x90000046  }
0xb2: {  	s29 =	simm.s32 $0x9;
	_ =	strace $0x80000048  }
0xb3: {  	_ =	swait.ge [sflag:s29], $0x1  }
0xb4: {  	[sflag:s29] =	ssyncadd.s32 $0xFFFFFFFF  }
0xb5: {  	_ =	strace $0x90000048  }
0xb6: {  	_ =	sfence  }
0xb7: {  	s30 =	sld [smem:$0x0];
	_ =	sdelay $0x2  }
0xb8: {  	s31 =	sshll.u32 s1, $0xD;
	s1 =	sshrl.u32 s1, $0x2  }
0xb9: {  	s3 =	sand.u32 $0x4000, s31;
	s1 =	sadd.s32 s1, s30  }
0xba: {  	s0 =	sor.u32 s3, s0;
	s1 =	sshll.u32 s1, $0x11  }
0xbb: {  	s0 =	sor.u32 s1, s0  }
0xbc: {  	s0 =	sadd.s32 $0x8F2B, s0  }
0xbd: {  	[sflag:s0] =	ssyncadd.remote.s32 $0x1  }
0xbe: {  	_ =	sfence.sel $0xFFFF  }
0xbf: {  	[dreg:$0x0] =	wrdreg $0xFFFFFFFF;
	(pc) =	sbr.abs _section_cstart, $3  }
0xc0: {  	[dreg:$0x1] =	wrdreg $0xFFFFFFFF  }
0xc1: {  	_ =	task.clear_ibuf [dreg:s7], $0x2FFFF;
	_ =	strace $0x9FFFFFFF  }
0xc2: {  	(tm) =	ssettm $0x7FFFFFFF  }
0xc3: {  	_ =	shalt  }
tec
execute0_lowered:
.L_overlay_start_1:
0x0: {  	(tag) =	ssettag $0x1  }
0x1: {  	s2 =	rddreg [dreg:$0x0]  }
0x2: {  	s7 =	rddreg [dreg:$0x1];
	s4 =	srdreg.scid  }
0x3: {  	s1 =	stileid.u32;
	s3 =	simm.s32 $0x0;
	s13 =	simm.s32 $0x5  }
0x4: {  	s14 =	simm.s32 $0x300;
	s15 =	simm.s32 $0x500;
	s16 =	simm.s32 $0x400  }
0x5: {  	s17 =	simm.s32 $0x5500;
	s18 =	simm.s32 $0x1;
	s19 =	simm.s32 $0xA500  }
0x6: {  	s20 =	simm.s32 $0x2;
	s21 =	simm.s32 $0xF500;
	s22 =	simm.s32 $0x3  }
0x7: {  	s23 =	simm.s32 $0x4;
	s8 =	sand.u32 $0x1, s4;
	s31 =	sshll.u32 s1, $0x1  }
0x8: {  	s24 =	simm.s32 $0x0;
	[smem:$0x7FF] =	sst s3;
	s9 =	sor.u32 s8, s31  }
0x9: {  	s4 =	sadd.s32 $0xA00, s7;
	s8 =	ssub.s32 $0x2, s8;
	s5 =	smul.u32 $0x6400, s9  }
0xa: {  	s6 =	sadd.s32 $0x800, s7;
	s9 =	smul.u32 $0x64000, s9;
	s10 =	sshrl.u32 s8, $0x1  }
0xb: {  	s7 =	sadd.s32 $0x19A00, s7;
	_ =	strace $0x80000047;
	s12 =	ssub.s32 s8, s10  }
0xc: {  	v0 =	vlaneseq.u32;
	s11 =	sshrl.u32 s5, $0x3;
	s9 =	sadd.s32 s2, s9;
	s10 =	sor.u32 $0xA0, s5  }
0xd: {  	v0 =	vmul.u32 $0x80, v0;
	s12 =	smax.u32 s12, $0x1;
	s8 =	sadd.s32 s4, s11;
	s11 =	sor.u32 $0x140, s5  }
.LBB2_1:
0xe: {  	[tilespmem:s3], [sflag:$0x5] =	stream.linear.gather [hbm4b:s6+s3], $0x300, $0x38;
	[tilespmem:$0x14500] =	vst v63  }
0xf: {  	_ =	swait.ge [sflag:s13], $0x300  }
0x10: {  	[sflag:s13] =	ssyncset.done $0x0  }
0x11: {  	[sflag:s13] =	ssyncadd.s32 $0xFFFFFD00  }
0x12: {  	[tilespmem:s14], [sflag:$0x1] =	stream.linear.gather [hbm4b:s8+s3], $0xA0, $0x38;
	[tilespmem:$0x14500] =	vst v63  }
0x13: {  	s25 =	simm.s32 $0x0  }
0x14: {  	[tilespmem:s15], [sflag:$0x1] =	stream.linear.gather [hbm4b:s9+s3], $0x5000, $0x38;
	[tilespmem:$0x14500] =	vst v63  }
.LBB2_2:
0x15: {  	s28 =	smul.u32 $0x140, s25;
	_ =	sdelay $0x1  }
0x16: {  	s26 =	sadd.s32 s28, s10  }
0x17: {  	s29 =	sshrl.u32 s26, $0x3  }
0x18: {  	s26 =	sshll.u32 s26, $0x4;
	s29 =	sadd.s32 s4, s29  }
0x19: {  	[tilespmem:s16], [sflag:$0x2] =	stream.linear.gather [hbm4b:s29+s3], $0xA0, $0x38;
	[tilespmem:$0x14500] =	vst v63  }
0x1a: {  	p0 =	seq.s32 s25, $0x0;
	s29 =	sadd.s32 s2, s26  }
0x1b: {  	[tilespmem:s17], [sflag:$0x2] =	stream.linear.gather [hbm4b:s29+s3], $0x5000, $0x38;
	[tilespmem:$0x14500] =	vst v63  }
0x1c: {  	s29 =	simm.s32 @!p0 $0x3  }
0x1d: {  	_ =	swait.ge @!p0 [sflag:s29], $0x5000  }
0x1e: {  	[sflag:s29] =	ssyncset.done @!p0 $0x0  }
0x1f: {  	[sflag:s29] =	ssyncadd.s32 @!p0 $0xFFFFB000  }
0x20: {  	_ =	swait.ge [sflag:s18], $0xA0  }
0x21: {  	[sflag:s18] =	ssyncset.done $0x0  }
0x22: {  	[sflag:s18] =	ssyncadd.s32 $0xFFFFFF60  }
0x23: {  	_ =	swait.ge [sflag:s18], $0x5000  }
0x24: {  	[sflag:s18] =	ssyncset.done $0x0  }
0x25: {  	s29 =	simm.s32 $0x0;
	[sflag:s18] =	ssyncadd.s32 $0xFFFFB000  }
.LBB2_3:
0x26: {  	s30 =	sshll.u32 s29, $0x4  }
0x27: {  	v1 =	vld [tilespmem:s30+$0x300];
	_ =	sdelay $0x4  }
0x28: {  	v4 =	vshll.u32 v1, $0x6  }
0x29: {  	v1 =	vor.u32 $0x1, v4  }
0x2a: {  	v2 =	vor.u32 $0x2, v4  }
0x2b: {  	v5 =	vor.u32 $0x3, v4  }
0x2c: {  	v3 =	vmov s30;
	v6 =	vor.u32 $0x4, v4  }
0x2d: {  	v3 =	vshll.u32 v3, $0x7;
	v8 =	vor.u32 $0x5, v4;
	v7 =	vld.idx.msk [tilespmem:v4+s3+$0x0], $0xffff  }
0x2e: {  	v3 =	vor.u32 v0, v3;
	v9 =	vor.u32 $0x6, v4;
	v1 =	vld.idx.msk [tilespmem:v1+s3+$0x0], $0xffff  }
0x2f: {  	v11 =	vor.u32 $0x40, v3;
	v10 =	vor.u32 $0x7, v4;
	v2 =	vld.idx.msk [tilespmem:v2+s3+$0x0], $0xffff  }
0x30: {  	v12 =	vor.u32 $0x41, v3;
	v5 =	vld.idx.msk [tilespmem:v5+s3+$0x0], $0xffff  }
0x31: {  	v13 =	vor.u32 $0x42, v3;
	v6 =	vld.idx.msk [tilespmem:v6+s3+$0x0], $0xffff  }
0x32: {  	v14 =	vor.u32 $0x43, v3;
	v8 =	vld.idx.msk [tilespmem:v8+s3+$0x0], $0xffff  }
0x33: {  	v15 =	vor.u32 $0x44, v3;
	v9 =	vld.idx.msk [tilespmem:v9+s3+$0x0], $0xffff  }
0x34: {  	v31 =	vor.u32 $0x45, v3;
	v10 =	vld.idx.msk [tilespmem:v10+s3+$0x0], $0xffff;
	[tilespmem:v11+s19+$0x0] =	vst.idx.msk $0xffff, v7  }
0x35: {  	[tilespmem:v12+s19+$0x0] =	vst.idx.msk $0xffff, v1;
	v1 =	vor.u32 $0x46, v3  }
0x36: {  	[tilespmem:v13+s19+$0x0] =	vst.idx.msk $0xffff, v2;
	v2 =	vor.u32 $0x47, v3  }
0x37: {  	v32 =	vor.u32 $0x8, v4;
	[tilespmem:v14+s19+$0x0] =	vst.idx.msk $0xffff, v5  }
0x38: {  	v33 =	vor.u32 $0x9, v4;
	[tilespmem:v15+s19+$0x0] =	vst.idx.msk $0xffff, v6  }
0x39: {  	v34 =	vor.u32 $0xA, v4;
	[tilespmem:v31+s19+$0x0] =	vst.idx.msk $0xffff, v8  }
0x3a: {  	v8 =	vld [tilespmem:s30+$0x310];
	[tilespmem:v1+s19+$0x0] =	vst.idx.msk $0xffff, v9;
	v1 =	vor.u32 $0xB, v4  }
0x3b: {  	v35 =	vor.u32 $0xC, v4;
	[tilespmem:v2+s19+$0x0] =	vst.idx.msk $0xffff, v10  }
0x3c: {  	v36 =	vor.u32 $0xD, v4;
	v5 =	vld.idx.msk [tilespmem:v32+s3+$0x0], $0xffff  }
0x3d: {  	v37 =	vor.u32 $0xE, v4;
	v6 =	vld.idx.msk [tilespmem:v33+s3+$0x0], $0xffff  }
0x3e: {  	v38 =	vor.u32 $0xF, v4;
	v7 =	vld.idx.msk [tilespmem:v34+s3+$0x0], $0xffff  }
0x3f: {  	v2 =	vshll.u32 v8, $0x6;
	v39 =	vld.idx.msk [tilespmem:v1+s3+$0x0], $0xffff;
	v1 =	vor.u32 $0x48, v3  }
0x40: {  	v41 =	vor.u32 $0x49, v3;
	v40 =	vld.idx.msk [tilespmem:v35+s3+$0x0], $0xffff;
	v42 =	vor.u32 $0x1, v2  }
0x41: {  	v43 =	vor.u32 $0x4A, v3;
	v10 =	vld.idx.msk [tilespmem:v36+s3+$0x0], $0xffff;
	v16 =	vor.u32 $0x2, v2  }
0x42: {  	v17 =	vor.u32 $0x4B, v3;
	v11 =	vld.idx.msk [tilespmem:v37+s3+$0x0], $0xffff;
	v18 =	vor.u32 $0x3, v2  }
0x43: {  	v19 =	vor.u32 $0x4C, v3;
	s30 =	sor.u32 $0x10, s30;
	v12 =	vld.idx.msk [tilespmem:v38+s3+$0x0], $0xffff;
	v20 =	vor.u32 $0x4, v2  }
0x44: {  	v44 =	vor.u32 $0x4D, v3;
	v22 =	vor.u32 $0x5, v2;
	v21 =	vld.idx.msk [tilespmem:v2+s3+$0x0], $0xffff;
	[tilespmem:v1+s19+$0x0] =	vst.idx.msk $0xffff, v5;
	v1 =	vmov s30  }
0x45: {  	v45 =	vor.u32 $0x4E, v3;
	v47 =	vor.u32 $0x6, v2;
	v46 =	vld.idx.msk [tilespmem:v42+s3+$0x0], $0xffff;
	[tilespmem:v41+s19+$0x0] =	vst.idx.msk $0xffff, v6;
	v1 =	vshll.u32 v1, $0x7  }
0x46: {  	v48 =	vor.u32 $0x4F, v3;
	v50 =	vor.u32 $0x7, v2;
	v49 =	vld.idx.msk [tilespmem:v16+s3+$0x0], $0xffff;
	[tilespmem:v43+s19+$0x0] =	vst.idx.msk $0xffff, v7;
	v1 =	vor.u32 v0, v1  }
0x47: {  	v51 =	vor.u32 $0x10, v4;
	v52 =	vld.idx.msk [tilespmem:v18+s3+$0x0], $0xffff;
	[tilespmem:v17+s19+$0x0] =	vst.idx.msk $0xffff, v39;
	v53 =	vor.u32 $0x40, v1  }
0x48: {  	v54 =	vor.u32 $0x11, v4;
	v55 =	vld.idx.msk [tilespmem:v20+s3+$0x0], $0xffff;
	v56 =	vor.u32 $0x41, v1;
	[tilespmem:v19+s19+$0x0] =	vst.idx.msk $0xffff, v40  }
0x49: {  	v57 =	vor.u32 $0x12, v4;
	v58 =	vld.idx.msk [tilespmem:v22+s3+$0x0], $0xffff;
	v59 =	vor.u32 $0x42, v1;
	[tilespmem:v44+s19+$0x0] =	vst.idx.msk $0xffff, v10  }
0x4a: {  	v60 =	vor.u32 $0x13, v4;
	v61 =	vld.idx.msk [tilespmem:v47+s3+$0x0], $0xffff;
	v62 =	vor.u32 $0x43, v1;
	[tilespmem:v45+s19+$0x0] =	vst.idx.msk $0xffff, v11  }
0x4b: {  	v63 =	vor.u32 $0x14, v4;
	v24 =	vld.idx.msk [tilespmem:v50+s3+$0x0], $0xffff;
	v25 =	vor.u32 $0x44, v1;
	[tilespmem:v48+s19+$0x0] =	vst.idx.msk $0xffff, v12  }
0x4c: {  	v26 =	vor.u32 $0x15, v4;
	v27 =	vor.u32 $0x45, v1;
	v13 =	vld.idx.msk [tilespmem:v51+s3+$0x0], $0xffff;
	[tilespmem:v53+s19+$0x0] =	vst.idx.msk $0xffff, v21  }
0x4d: {  	v28 =	vor.u32 $0x16, v4;
	v29 =	vor.u32 $0x46, v1;
	v8 =	vld.idx.msk [tilespmem:v54+s3+$0x0], $0xffff;
	[tilespmem:v56+s19+$0x0] =	vst.idx.msk $0xffff, v46  }
0x4e: {  	v30 =	vor.u32 $0x17, v4;
	v31 =	vor.u32 $0x47, v1;
	v5 =	vld.idx.msk [tilespmem:v57+s3+$0x0], $0xffff;
	[tilespmem:v59+s19+$0x0] =	vst.idx.msk $0xffff, v49  }
0x4f: {  	v32 =	vor.u32 $0x50, v3;
	v33 =	vor.u32 $0x8, v2;
	v6 =	vld.idx.msk [tilespmem:v60+s3+$0x0], $0xffff;
	[tilespmem:v62+s19+$0x0] =	vst.idx.msk $0xffff, v52  }
0x50: {  	v34 =	vor.u32 $0x51, v3;
	v35 =	vor.u32 $0x9, v2;
	v7 =	vld.idx.msk [tilespmem:v63+s3+$0x0], $0xffff;
	[tilespmem:v25+s19+$0x0] =	vst.idx.msk $0xffff, v55  }
0x51: {  	v36 =	vor.u32 $0x52, v3;
	v37 =	vor.u32 $0xA, v2;
	v18 =	vld.idx.msk [tilespmem:v26+s3+$0x0], $0xffff;
	[tilespmem:v27+s19+$0x0] =	vst.idx.msk $0xffff, v58  }
0x52: {  	v38 =	vor.u32 $0x53, v3;
	v39 =	vor.u32 $0xB, v2;
	v9 =	vld.idx.msk [tilespmem:v28+s3+$0x0], $0xffff;
	[tilespmem:v29+s19+$0x0] =	vst.idx.msk $0xffff, v61  }
0x53: {  	v41 =	vor.u32 $0xC, v2;
	v40 =	vor.u32 $0x54, v3;
	v15 =	vld.idx.msk [tilespmem:v30+s3+$0x0], $0xffff;
	[tilespmem:v31+s19+$0x0] =	vst.idx.msk $0xffff, v24  }
0x54: {  	v42 =	vor.u32 $0x55, v3;
	v44 =	vor.u32 $0xD, v2;
	[tilespmem:v32+s19+$0x0] =	vst.idx.msk $0xffff, v13;
	v43 =	vld.idx.msk [tilespmem:v33+s3+$0x0], $0xffff  }
0x55: {  	v47 =	vor.u32 $0xE, v2;
	v45 =	vor.u32 $0x56, v3;
	[tilespmem:v34+s19+$0x0] =	vst.idx.msk $0xffff, v8;
	v46 =	vld.idx.msk [tilespmem:v35+s3+$0x0], $0xffff  }
0x56: {  	v50 =	vor.u32 $0xF, v2;
	v48 =	vor.u32 $0x57, v3;
	[tilespmem:v36+s19+$0x0] =	vst.idx.msk $0xffff, v5;
	v49 =	vld.idx.msk [tilespmem:v37+s3+$0x0], $0xffff  }
0x57: {  	v51 =	vor.u32 $0x18, v4;
	v53 =	vor.u32 $0x48, v1;
	[tilespmem:v38+s19+$0x0] =	vst.idx.msk $0xffff, v6;
	v52 =	vld.idx.msk [tilespmem:v39+s3+$0x0], $0xffff  }
0x58: {  	v54 =	vor.u32 $0x19, v4;
	v56 =	vor.u32 $0x49, v1;
	v55 =	vld.idx.msk [tilespmem:v41+s3+$0x0], $0xffff;
	[tilespmem:v40+s19+$0x0] =	vst.idx.msk $0xffff, v7  }
0x59: {  	v57 =	vor.u32 $0x1A, v4;
	v58 =	vor.u32 $0x4A, v1;
	v17 =	vld.idx.msk [tilespmem:v44+s3+$0x0], $0xffff;
	[tilespmem:v42+s19+$0x0] =	vst.idx.msk $0xffff, v18  }
0x5a: {  	v59 =	vor.u32 $0x1B, v4;
	v61 =	vor.u32 $0x4B, v1;
	v60 =	vld.idx.msk [tilespmem:v47+s3+$0x0], $0xffff;
	[tilespmem:v45+s19+$0x0] =	vst.idx.msk $0xffff, v9  }
0x5b: {  	v62 =	vor.u32 $0x1C, v4;
	v24 =	vor.u32 $0x4C, v1;
	v63 =	vld.idx.msk [tilespmem:v50+s3+$0x0], $0xffff;
	[tilespmem:v48+s19+$0x0] =	vst.idx.msk $0xffff, v15  }
0x5c: {  	v26 =	vor.u32 $0x4D, v1;
	v25 =	vor.u32 $0x1D, v4;
	v6 =	vld.idx.msk [tilespmem:v51+s3+$0x0], $0xffff;
	[tilespmem:v53+s19+$0x0] =	vst.idx.msk $0xffff, v43  }
0x5d: {  	v28 =	vor.u32 $0x4E, v1;
	v27 =	vor.u32 $0x1E, v4;
	v7 =	vld.idx.msk [tilespmem:v54+s3+$0x0], $0xffff;
	[tilespmem:v56+s19+$0x0] =	vst.idx.msk $0xffff, v46  }
0x5e: {  	v30 =	vor.u32 $0x4F, v1;
	v29 =	vor.u32 $0x1F, v4;
	v13 =	vld.idx.msk [tilespmem:v57+s3+$0x0], $0xffff;
	[tilespmem:v58+s19+$0x0] =	vst.idx.msk $0xffff, v49  }
0x5f: {  	v32 =	vor.u32 $0x10, v2;
	v31 =	vor.u32 $0x58, v3;
	v8 =	vld.idx.msk [tilespmem:v59+s3+$0x0], $0xffff;
	[tilespmem:v61+s19+$0x0] =	vst.idx.msk $0xffff, v52  }
0x60: {  	v34 =	vor.u32 $0x11, v2;
	v33 =	vor.u32 $0x59, v3;
	v5 =	vld.idx.msk [tilespmem:v62+s3+$0x0], $0xffff;
	[tilespmem:v24+s19+$0x0] =	vst.idx.msk $0xffff, v55  }
0x61: {  	v36 =	vor.u32 $0x12, v2;
	v35 =	vor.u32 $0x5A, v3;
	v14 =	vld.idx.msk [tilespmem:v25+s3+$0x0], $0xffff;
	[tilespmem:v26+s19+$0x0] =	vst.idx.msk $0xffff, v17  }
0x62: {  	v37 =	vor.u32 $0x5B, v3;
	v38 =	vor.u32 $0x13, v2;
	v16 =	vld.idx.msk [tilespmem:v27+s3+$0x0], $0xffff;
	[tilespmem:v28+s19+$0x0] =	vst.idx.msk $0xffff, v60  }
0x63: {  	v39 =	vor.u32 $0x5C, v3;
	v40 =	vor.u32 $0x14, v2;
	v10 =	vld.idx.msk [tilespmem:v29+s3+$0x0], $0xffff;
	[tilespmem:v30+s19+$0x0] =	vst.idx.msk $0xffff, v63  }
0x64: {  	v41 =	vor.u32 $0x5D, v3;
	v43 =	vor.u32 $0x15, v2;
	[tilespmem:v31+s19+$0x0] =	vst.idx.msk $0xffff, v6;
	v42 =	vld.idx.msk [tilespmem:v32+s3+$0x0], $0xffff  }
0x65: {  	v44 =	vor.u32 $0x5E, v3;
	v46 =	vor.u32 $0x16, v2;
	[tilespmem:v33+s19+$0x0] =	vst.idx.msk $0xffff, v7;
	v45 =	vld.idx.msk [tilespmem:v34+s3+$0x0], $0xffff  }
0x66: {  	v47 =	vor.u32 $0x5F, v3;
	v49 =	vor.u32 $0x17, v2;
	[tilespmem:v35+s19+$0x0] =	vst.idx.msk $0xffff, v13;
	v48 =	vld.idx.msk [tilespmem:v36+s3+$0x0], $0xffff  }
0x67: {  	v50 =	vor.u32 $0x20, v4;
	v52 =	vor.u32 $0x50, v1;
	[tilespmem:v37+s19+$0x0] =	vst.idx.msk $0xffff, v8;
	v51 =	vld.idx.msk [tilespmem:v38+s3+$0x0], $0xffff  }
0x68: {  	v53 =	vor.u32 $0x21, v4;
	v55 =	vor.u32 $0x51, v1;
	v54 =	vld.idx.msk [tilespmem:v40+s3+$0x0], $0xffff;
	[tilespmem:v39+s19+$0x0] =	vst.idx.msk $0xffff, v5  }
0x69: {  	v56 =	vor.u32 $0x22, v4;
	v58 =	vor.u32 $0x52, v1;
	v57 =	vld.idx.msk [tilespmem:v43+s3+$0x0], $0xffff;
	[tilespmem:v41+s19+$0x0] =	vst.idx.msk $0xffff, v14  }
0x6a: {  	v59 =	vor.u32 $0x23, v4;
	v61 =	vor.u32 $0x53, v1;
	v60 =	vld.idx.msk [tilespmem:v46+s3+$0x0], $0xffff;
	[tilespmem:v44+s19+$0x0] =	vst.idx.msk $0xffff, v16  }
0x6b: {  	v62 =	vor.u32 $0x24, v4;
	v24 =	vor.u32 $0x54, v1;
	v63 =	vld.idx.msk [tilespmem:v49+s3+$0x0], $0xffff;
	[tilespmem:v47+s19+$0x0] =	vst.idx.msk $0xffff, v10  }
0x6c: {  	v25 =	vor.u32 $0x25, v4;
	v26 =	vor.u32 $0x55, v1;
	v8 =	vld.idx.msk [tilespmem:v50+s3+$0x0], $0xffff;
	[tilespmem:v52+s19+$0x0] =	vst.idx.msk $0xffff, v42  }
0x6d: {  	v27 =	vor.u32 $0x26, v4;
	v28 =	vor.u32 $0x56, v1;
	v5 =	vld.idx.msk [tilespmem:v53+s3+$0x0], $0xffff;
	[tilespmem:v55+s19+$0x0] =	vst.idx.msk $0xffff, v45  }
0x6e: {  	v29 =	vor.u32 $0x27, v4;
	v30 =	vor.u32 $0x57, v1;
	v6 =	vld.idx.msk [tilespmem:v56+s3+$0x0], $0xffff;
	[tilespmem:v58+s19+$0x0] =	vst.idx.msk $0xffff, v48  }
0x6f: {  	v31 =	vor.u32 $0x60, v3;
	v32 =	vor.u32 $0x18, v2;
	v7 =	vld.idx.msk [tilespmem:v59+s3+$0x0], $0xffff;
	[tilespmem:v61+s19+$0x0] =	vst.idx.msk $0xffff, v51  }
0x70: {  	v33 =	vor.u32 $0x61, v3;
	v34 =	vor.u32 $0x19, v2;
	v10 =	vld.idx.msk [tilespmem:v62+s3+$0x0], $0xffff;
	[tilespmem:v24+s19+$0x0] =	vst.idx.msk $0xffff, v54  }
0x71: {  	v35 =	vor.u32 $0x62, v3;
	v36 =	vor.u32 $0x1A, v2;
	v11 =	vld.idx.msk [tilespmem:v25+s3+$0x0], $0xffff;
	[tilespmem:v26+s19+$0x0] =	vst.idx.msk $0xffff, v57  }
0x72: {  	v37 =	vor.u32 $0x63, v3;
	v38 =	vor.u32 $0x1B, v2;
	v12 =	vld.idx.msk [tilespmem:v27+s3+$0x0], $0xffff;
	[tilespmem:v28+s19+$0x0] =	vst.idx.msk $0xffff, v60  }
0x73: {  	v40 =	vor.u32 $0x1C, v2;
	v39 =	vor.u32 $0x64, v3;
	v17 =	vld.idx.msk [tilespmem:v29+s3+$0x0], $0xffff;
	[tilespmem:v30+s19+$0x0] =	vst.idx.msk $0xffff, v63  }
0x74: {  	v43 =	vor.u32 $0x1D, v2;
	v41 =	vor.u32 $0x65, v3;
	[tilespmem:v31+s19+$0x0] =	vst.idx.msk $0xffff, v8;
	v42 =	vld.idx.msk [tilespmem:v32+s3+$0x0], $0xffff  }
0x75: {  	v46 =	vor.u32 $0x1E, v2;
	v44 =	vor.u32 $0x66, v3;
	[tilespmem:v33+s19+$0x0] =	vst.idx.msk $0xffff, v5;
	v45 =	vld.idx.msk [tilespmem:v34+s3+$0x0], $0xffff  }
0x76: {  	v49 =	vor.u32 $0x1F, v2;
	v47 =	vor.u32 $0x67, v3;
	[tilespmem:v35+s19+$0x0] =	vst.idx.msk $0xffff, v6;
	v48 =	vld.idx.msk [tilespmem:v36+s3+$0x0], $0xffff  }
0x77: {  	v50 =	vor.u32 $0x28, v4;
	v52 =	vor.u32 $0x58, v1;
	[tilespmem:v37+s19+$0x0] =	vst.idx.msk $0xffff, v7;
	v51 =	vld.idx.msk [tilespmem:v38+s3+$0x0], $0xffff  }
0x78: {  	v53 =	vor.u32 $0x29, v4;
	v55 =	vor.u32 $0x59, v1;
	v54 =	vld.idx.msk [tilespmem:v40+s3+$0x0], $0xffff;
	[tilespmem:v39+s19+$0x0] =	vst.idx.msk $0xffff, v10  }
0x79: {  	v56 =	vor.u32 $0x2A, v4;
	v58 =	vor.u32 $0x5A, v1;
	v57 =	vld.idx.msk [tilespmem:v43+s3+$0x0], $0xffff;
	[tilespmem:v41+s19+$0x0] =	vst.idx.msk $0xffff, v11  }
0x7a: {  	v59 =	vor.u32 $0x2B, v4;
	v61 =	vor.u32 $0x5B, v1;
	v60 =	vld.idx.msk [tilespmem:v46+s3+$0x0], $0xffff;
	[tilespmem:v44+s19+$0x0] =	vst.idx.msk $0xffff, v12  }
0x7b: {  	v62 =	vor.u32 $0x2C, v4;
	v24 =	vor.u32 $0x5C, v1;
	v63 =	vld.idx.msk [tilespmem:v49+s3+$0x0], $0xffff;
	[tilespmem:v47+s19+$0x0] =	vst.idx.msk $0xffff, v17  }
0x7c: {  	v25 =	vor.u32 $0x2D, v4;
	v26 =	vor.u32 $0x5D, v1;
	v7 =	vld.idx.msk [tilespmem:v50+s3+$0x0], $0xffff;
	[tilespmem:v52+s19+$0x0] =	vst.idx.msk $0xffff, v42  }
0x7d: {  	v27 =	vor.u32 $0x2E, v4;
	v28 =	vor.u32 $0x5E, v1;
	v10 =	vld.idx.msk [tilespmem:v53+s3+$0x0], $0xffff;
	[tilespmem:v55+s19+$0x0] =	vst.idx.msk $0xffff, v45  }
0x7e: {  	v29 =	vor.u32 $0x2F, v4;
	v30 =	vor.u32 $0x5F, v1;
	v8 =	vld.idx.msk [tilespmem:v56+s3+$0x0], $0xffff;
	[tilespmem:v58+s19+$0x0] =	vst.idx.msk $0xffff, v48  }
0x7f: {  	v31 =	vor.u32 $0x68, v3;
	v32 =	vor.u32 $0x20, v2;
	v5 =	vld.idx.msk [tilespmem:v59+s3+$0x0], $0xffff;
	[tilespmem:v61+s19+$0x0] =	vst.idx.msk $0xffff, v51  }
0x80: {  	v33 =	vor.u32 $0x69, v3;
	v34 =	vor.u32 $0x21, v2;
	v6 =	vld.idx.msk [tilespmem:v62+s3+$0x0], $0xffff;
	[tilespmem:v24+s19+$0x0] =	vst.idx.msk $0xffff, v54  }
0x81: {  	v35 =	vor.u32 $0x6A, v3;
	v36 =	vor.u32 $0x22, v2;
	v9 =	vld.idx.msk [tilespmem:v25+s3+$0x0], $0xffff;
	[tilespmem:v26+s19+$0x0] =	vst.idx.msk $0xffff, v57  }
0x82: {  	v37 =	vor.u32 $0x6B, v3;
	v38 =	vor.u32 $0x23, v2;
	v15 =	vld.idx.msk [tilespmem:v27+s3+$0x0], $0xffff;
	[tilespmem:v28+s19+$0x0] =	vst.idx.msk $0xffff, v60  }
0x83: {  	v40 =	vor.u32 $0x24, v2;
	v39 =	vor.u32 $0x6C, v3;
	v14 =	vld.idx.msk [tilespmem:v29+s3+$0x0], $0xffff;
	[tilespmem:v30+s19+$0x0] =	vst.idx.msk $0xffff, v63  }
0x84: {  	v43 =	vor.u32 $0x25, v2;
	v41 =	vor.u32 $0x6D, v3;
	[tilespmem:v31+s19+$0x0] =	vst.idx.msk $0xffff, v7;
	v42 =	vld.idx.msk [tilespmem:v32+s3+$0x0], $0xffff  }
0x85: {  	v46 =	vor.u32 $0x26, v2;
	v44 =	vor.u32 $0x6E, v3;
	[tilespmem:v33+s19+$0x0] =	vst.idx.msk $0xffff, v10;
	v45 =	vld.idx.msk [tilespmem:v34+s3+$0x0], $0xffff  }
0x86: {  	v49 =	vor.u32 $0x27, v2;
	v47 =	vor.u32 $0x6F, v3;
	[tilespmem:v35+s19+$0x0] =	vst.idx.msk $0xffff, v8;
	v48 =	vld.idx.msk [tilespmem:v36+s3+$0x0], $0xffff  }
0x87: {  	v50 =	vor.u32 $0x30, v4;
	v52 =	vor.u32 $0x60, v1;
	[tilespmem:v37+s19+$0x0] =	vst.idx.msk $0xffff, v5;
	v51 =	vld.idx.msk [tilespmem:v38+s3+$0x0], $0xffff  }
0x88: {  	v53 =	vor.u32 $0x31, v4;
	v55 =	vor.u32 $0x61, v1;
	v54 =	vld.idx.msk [tilespmem:v40+s3+$0x0], $0xffff;
	[tilespmem:v39+s19+$0x0] =	vst.idx.msk $0xffff, v6  }
0x89: {  	v56 =	vor.u32 $0x32, v4;
	v58 =	vor.u32 $0x62, v1;
	v57 =	vld.idx.msk [tilespmem:v43+s3+$0x0], $0xffff;
	[tilespmem:v41+s19+$0x0] =	vst.idx.msk $0xffff, v9  }
0x8a: {  	v59 =	vor.u32 $0x33, v4;
	v61 =	vor.u32 $0x63, v1;
	v60 =	vld.idx.msk [tilespmem:v46+s3+$0x0], $0xffff;
	[tilespmem:v44+s19+$0x0] =	vst.idx.msk $0xffff, v15  }
0x8b: {  	v62 =	vor.u32 $0x34, v4;
	v24 =	vor.u32 $0x64, v1;
	v63 =	vld.idx.msk [tilespmem:v49+s3+$0x0], $0xffff;
	[tilespmem:v47+s19+$0x0] =	vst.idx.msk $0xffff, v14  }
0x8c: {  	v25 =	vor.u32 $0x35, v4;
	v26 =	vor.u32 $0x65, v1;
	v5 =	vld.idx.msk [tilespmem:v50+s3+$0x0], $0xffff;
	[tilespmem:v52+s19+$0x0] =	vst.idx.msk $0xffff, v42  }
0x8d: {  	v27 =	vor.u32 $0x36, v4;
	v28 =	vor.u32 $0x66, v1;
	v6 =	vld.idx.msk [tilespmem:v53+s3+$0x0], $0xffff;
	[tilespmem:v55+s19+$0x0] =	vst.idx.msk $0xffff, v45  }
0x8e: {  	v29 =	vor.u32 $0x37, v4;
	v30 =	vor.u32 $0x67, v1;
	v7 =	vld.idx.msk [tilespmem:v56+s3+$0x0], $0xffff;
	[tilespmem:v58+s19+$0x0] =	vst.idx.msk $0xffff, v48  }
0x8f: {  	v31 =	vor.u32 $0x70, v3;
	v32 =	vor.u32 $0x28, v2;
	v10 =	vld.idx.msk [tilespmem:v59+s3+$0x0], $0xffff;
	[tilespmem:v61+s19+$0x0] =	vst.idx.msk $0xffff, v51  }
0x90: {  	v33 =	vor.u32 $0x71, v3;
	v34 =	vor.u32 $0x29, v2;
	v8 =	vld.idx.msk [tilespmem:v62+s3+$0x0], $0xffff;
	[tilespmem:v24+s19+$0x0] =	vst.idx.msk $0xffff, v54  }
0x91: {  	v35 =	vor.u32 $0x72, v3;
	v36 =	vor.u32 $0x2A, v2;
	v16 =	vld.idx.msk [tilespmem:v25+s3+$0x0], $0xffff;
	[tilespmem:v26+s19+$0x0] =	vst.idx.msk $0xffff, v57  }
0x92: {  	v37 =	vor.u32 $0x73, v3;
	v38 =	vor.u32 $0x2B, v2;
	v13 =	vld.idx.msk [tilespmem:v27+s3+$0x0], $0xffff;
	[tilespmem:v28+s19+$0x0] =	vst.idx.msk $0xffff, v60  }
0x93: {  	v40 =	vor.u32 $0x2C, v2;
	v39 =	vor.u32 $0x74, v3;
	v11 =	vld.idx.msk [tilespmem:v29+s3+$0x0], $0xffff;
	[tilespmem:v30+s19+$0x0] =	vst.idx.msk $0xffff, v63  }
0x94: {  	v43 =	vor.u32 $0x2D, v2;
	v41 =	vor.u32 $0x75, v3;
	[tilespmem:v31+s19+$0x0] =	vst.idx.msk $0xffff, v5;
	v42 =	vld.idx.msk [tilespmem:v32+s3+$0x0], $0xffff  }
0x95: {  	v46 =	vor.u32 $0x2E, v2;
	v44 =	vor.u32 $0x76, v3;
	[tilespmem:v33+s19+$0x0] =	vst.idx.msk $0xffff, v6;
	v45 =	vld.idx.msk [tilespmem:v34+s3+$0x0], $0xffff  }
0x96: {  	v49 =	vor.u32 $0x2F, v2;
	v47 =	vor.u32 $0x77, v3;
	[tilespmem:v35+s19+$0x0] =	vst.idx.msk $0xffff, v7;
	v48 =	vld.idx.msk [tilespmem:v36+s3+$0x0], $0xffff  }
0x97: {  	v50 =	vor.u32 $0x38, v4;
	v52 =	vor.u32 $0x68, v1;
	[tilespmem:v37+s19+$0x0] =	vst.idx.msk $0xffff, v10;
	v51 =	vld.idx.msk [tilespmem:v38+s3+$0x0], $0xffff  }
0x98: {  	v53 =	vor.u32 $0x39, v4;
	v55 =	vor.u32 $0x69, v1;
	v54 =	vld.idx.msk [tilespmem:v40+s3+$0x0], $0xffff;
	[tilespmem:v39+s19+$0x0] =	vst.idx.msk $0xffff, v8  }
0x99: {  	v56 =	vor.u32 $0x3A, v4;
	v58 =	vor.u32 $0x6A, v1;
	v57 =	vld.idx.msk [tilespmem:v43+s3+$0x0], $0xffff;
	[tilespmem:v41+s19+$0x0] =	vst.idx.msk $0xffff, v16  }
0x9a: {  	v59 =	vor.u32 $0x3B, v4;
	v61 =	vor.u32 $0x6B, v1;
	v60 =	vld.idx.msk [tilespmem:v46+s3+$0x0], $0xffff;
	[tilespmem:v44+s19+$0x0] =	vst.idx.msk $0xffff, v13  }
0x9b: {  	v62 =	vor.u32 $0x3C, v4;
	v24 =	vor.u32 $0x6C, v1;
	v63 =	vld.idx.msk [tilespmem:v49+s3+$0x0], $0xffff;
	[tilespmem:v47+s19+$0x0] =	vst.idx.msk $0xffff, v11  }
0x9c: {  	v25 =	vor.u32 $0x3D, v4;
	v26 =	vor.u32 $0x6D, v1;
	v10 =	vld.idx.msk [tilespmem:v50+s3+$0x0], $0xffff;
	[tilespmem:v52+s19+$0x0] =	vst.idx.msk $0xffff, v42  }
0x9d: {  	v27 =	vor.u32 $0x3E, v4;
	v28 =	vor.u32 $0x6E, v1;
	v8 =	vld.idx.msk [tilespmem:v53+s3+$0x0], $0xffff;
	[tilespmem:v55+s19+$0x0] =	vst.idx.msk $0xffff, v45  }
0x9e: {  	v4 =	vor.u32 $0x3F, v4;
	v29 =	vor.u32 $0x6F, v1;
	v5 =	vld.idx.msk [tilespmem:v56+s3+$0x0], $0xffff;
	[tilespmem:v58+s19+$0x0] =	vst.idx.msk $0xffff, v48  }
0x9f: {  	v31 =	vor.u32 $0x30, v2;
	v30 =	vor.u32 $0x78, v3;
	v6 =	vld.idx.msk [tilespmem:v59+s3+$0x0], $0xffff;
	[tilespmem:v61+s19+$0x0] =	vst.idx.msk $0xffff, v51  }
0xa0: {  	v33 =	vor.u32 $0x31, v2;
	v32 =	vor.u32 $0x79, v3;
	v7 =	vld.idx.msk [tilespmem:v62+s3+$0x0], $0xffff;
	[tilespmem:v24+s19+$0x0] =	vst.idx.msk $0xffff, v54  }
0xa1: {  	v35 =	vor.u32 $0x32, v2;
	v34 =	vor.u32 $0x7A, v3;
	v12 =	vld.idx.msk [tilespmem:v25+s3+$0x0], $0xffff;
	[tilespmem:v26+s19+$0x0] =	vst.idx.msk $0xffff, v57  }
0xa2: {  	v36 =	vor.u32 $0x7B, v3;
	v37 =	vor.u32 $0x33, v2;
	v17 =	vld.idx.msk [tilespmem:v27+s3+$0x0], $0xffff;
	[tilespmem:v28+s19+$0x0] =	vst.idx.msk $0xffff, v60  }
0xa3: {  	v38 =	vor.u32 $0x7C, v3;
	v39 =	vor.u32 $0x34, v2;
	v4 =	vld.idx.msk [tilespmem:v4+s3+$0x0], $0xffff;
	[tilespmem:v29+s19+$0x0] =	vst.idx.msk $0xffff, v63  }
0xa4: {  	v40 =	vor.u32 $0x7D, v3;
	v42 =	vor.u32 $0x35, v2;
	[tilespmem:v30+s19+$0x0] =	vst.idx.msk $0xffff, v10;
	v41 =	vld.idx.msk [tilespmem:v31+s3+$0x0], $0xffff  }
0xa5: {  	v43 =	vor.u32 $0x7E, v3;
	v45 =	vor.u32 $0x36, v2;
	[tilespmem:v32+s19+$0x0] =	vst.idx.msk $0xffff, v8;
	v44 =	vld.idx.msk [tilespmem:v33+s3+$0x0], $0xffff  }
0xa6: {  	v3 =	vor.u32 $0x7F, v3;
	v47 =	vor.u32 $0x37, v2;
	[tilespmem:v34+s19+$0x0] =	vst.idx.msk $0xffff, v5;
	v46 =	vld.idx.msk [tilespmem:v35+s3+$0x0], $0xffff  }
0xa7: {  	[tilespmem:v36+s19+$0x0] =	vst.idx.msk $0xffff, v6;
	v48 =	vld.idx.msk [tilespmem:v37+s3+$0x0], $0xffff  }
0xa8: {  	v50 =	vld.idx.msk [tilespmem:v39+s3+$0x0], $0xffff;
	[tilespmem:v38+s19+$0x0] =	vst.idx.msk $0xffff, v7  }
0xa9: {  	v49 =	vor.u32 $0x70, v1;
	v52 =	vld.idx.msk [tilespmem:v42+s3+$0x0], $0xffff;
	[tilespmem:v40+s19+$0x0] =	vst.idx.msk $0xffff, v12  }
0xaa: {  	v51 =	vor.u32 $0x71, v1;
	v54 =	vld.idx.msk [tilespmem:v45+s3+$0x0], $0xffff;
	[tilespmem:v43+s19+$0x0] =	vst.idx.msk $0xffff, v17  }
0xab: {  	s31 =	sshll.u32 s29, $0xB;
	v53 =	vor.u32 $0x72, v1;
	[tilespmem:v3+s19+$0x0] =	vst.idx.msk $0xffff, v4;
	v3 =	vld.idx.msk [tilespmem:v47+s3+$0x0], $0xffff  }
0xac: {  	v55 =	vor.u32 $0x73, v1;
	v63 =	vld [tilespmem:s31+$0x500]  }
0xad: {  	v56 =	vor.u32 $0x74, v1;
	v16 =	vld [tilespmem:s31+$0x580]  }
0xae: {  	v57 =	vor.u32 $0x75, v1;
	[tilespmem:v49+s19+$0x0] =	vst.idx.msk $0xffff, v41;
	v22 =	vld [tilespmem:s31+$0x510]  }
0xaf: {  	v23 =	vld [tilespmem:s31+$0x590];
	[tilespmem:v51+s19+$0x0] =	vst.idx.msk $0xffff, v44  }
0xb0: {  	v24 =	vld [tilespmem:s31+$0x520];
	[tilespmem:v53+s19+$0x0] =	vst.idx.msk $0xffff, v46  }
0xb1: {  	v25 =	vld [tilespmem:s31+$0x5A0];
	[tilespmem:v55+s19+$0x0] =	vst.idx.msk $0xffff, v48  }
0xb2: {  	v26 =	vld [tilespmem:s31+$0x530];
	[tilespmem:v56+s19+$0x0] =	vst.idx.msk $0xffff, v50  }
0xb3: {  	v27 =	vld [tilespmem:s31+$0x5B0];
	[tilespmem:v57+s19+$0x0] =	vst.idx.msk $0xffff, v52  }
0xb4: {  	v28 =	vld [tilespmem:s31+$0x600];
	[tilespmem:s31+$0xA500] =	vst v63  }
0xb5: {  	v29 =	vld [tilespmem:s31+$0x680];
	[tilespmem:s31+$0xA580] =	vst v16  }
0xb6: {  	v30 =	vld [tilespmem:s31+$0x610];
	[tilespmem:s31+$0xA510] =	vst v22  }
0xb7: {  	v31 =	vld [tilespmem:s31+$0x690];
	[tilespmem:s31+$0xA590] =	vst v23  }
0xb8: {  	v32 =	vld [tilespmem:s31+$0x620];
	[tilespmem:s31+$0xA520] =	vst v24  }
0xb9: {  	v33 =	vld [tilespmem:s31+$0x6A0];
	[tilespmem:s31+$0xA5A0] =	vst v25  }
0xba: {  	v34 =	vld [tilespmem:s31+$0x630];
	[tilespmem:s31+$0xA530] =	vst v26  }
0xbb: {  	v35 =	vld [tilespmem:s31+$0x6B0];
	[tilespmem:s31+$0xA5B0] =	vst v27  }
0xbc: {  	v36 =	vld [tilespmem:s31+$0x700];
	[tilespmem:s31+$0xA600] =	vst v28  }
0xbd: {  	v37 =	vld [tilespmem:s31+$0x780];
	[tilespmem:s31+$0xA680] =	vst v29  }
0xbe: {  	v38 =	vld [tilespmem:s31+$0x710];
	[tilespmem:s31+$0xA610] =	vst v30  }
0xbf: {  	v39 =	vld [tilespmem:s31+$0x790];
	[tilespmem:s31+$0xA690] =	vst v31  }
0xc0: {  	v40 =	vld [tilespmem:s31+$0x720];
	[tilespmem:s31+$0xA620] =	vst v32  }
0xc1: {  	v41 =	vld [tilespmem:s31+$0x7A0];
	[tilespmem:s31+$0xA6A0] =	vst v33  }
0xc2: {  	v42 =	vld [tilespmem:s31+$0x730];
	[tilespmem:s31+$0xA630] =	vst v34  }
0xc3: {  	v43 =	vld [tilespmem:s31+$0x7B0];
	[tilespmem:s31+$0xA6B0] =	vst v35  }
0xc4: {  	v45 =	vld [tilespmem:s31+$0x880];
	[tilespmem:s31+$0xA700] =	vst v36  }
0xc5: {  	v47 =	vld [tilespmem:s31+$0x890];
	[tilespmem:s31+$0xA780] =	vst v37  }
0xc6: {  	v49 =	vld [tilespmem:s31+$0x8A0];
	[tilespmem:s31+$0xA710] =	vst v38  }
0xc7: {  	v12 =	vld [tilespmem:s31+$0xA80];
	[tilespmem:s31+$0xA790] =	vst v39  }
0xc8: {  	v13 =	vld [tilespmem:s31+$0xA20];
	[tilespmem:s31+$0xA720] =	vst v40  }
0xc9: {  	v44 =	vld [tilespmem:s31+$0x800];
	[tilespmem:s31+$0xA7A0] =	vst v41  }
0xca: {  	v51 =	vld [tilespmem:s31+$0x8B0];
	[tilespmem:s31+$0xA730] =	vst v42  }
0xcb: {  	v46 =	vld [tilespmem:s31+$0x810];
	[tilespmem:s31+$0xA7B0] =	vst v43  }
0xcc: {  	v58 =	vor.u32 $0x76, v1;
	v53 =	vld [tilespmem:s31+$0x900];
	[tilespmem:s31+$0xA880] =	vst v45  }
0xcd: {  	v48 =	vld [tilespmem:s31+$0x820];
	[tilespmem:s31+$0xA890] =	vst v47  }
0xce: {  	v55 =	vld [tilespmem:s31+$0x910];
	[tilespmem:s31+$0xA8A0] =	vst v49  }
0xcf: {  	v59 =	vor.u32 $0x77, v1;
	v50 =	vld [tilespmem:s31+$0x830];
	[tilespmem:s31+$0xAA80] =	vst v12  }
0xd0: {  	v56 =	vld [tilespmem:s31+$0x990];
	[tilespmem:s31+$0xAA20] =	vst v13  }
0xd1: {  	v57 =	vld [tilespmem:s31+$0x920];
	[tilespmem:v58+s19+$0x0] =	vst.idx.msk $0xffff, v54  }
0xd2: {  	v63 =	vld [tilespmem:s31+$0xA10];
	[tilespmem:s31+$0xA800] =	vst v44  }
0xd3: {  	v16 =	vld [tilespmem:s31+$0xAA0];
	[tilespmem:s31+$0xA8B0] =	vst v51  }
0xd4: {  	v22 =	vld [tilespmem:s31+$0xB30];
	[tilespmem:v59+s19+$0x0] =	vst.idx.msk $0xffff, v3  }
0xd5: {  	v23 =	vld [tilespmem:s31+$0xB80];
	[tilespmem:s31+$0xA810] =	vst v46  }
0xd6: {  	v24 =	vld [tilespmem:s31+$0xBA0];
	[tilespmem:s31+$0xA900] =	vst v53  }
0xd7: {  	v25 =	vld [tilespmem:s31+$0xBB0];
	[tilespmem:s31+$0xA820] =	vst v48  }
0xd8: {  	v31 =	vld [tilespmem:s31+$0xC20];
	[tilespmem:s31+$0xA910] =	vst v55  }
0xd9: {  	v60 =	vor.u32 $0x38, v2;
	v37 =	vld [tilespmem:s31+$0xC30];
	[tilespmem:s31+$0xA830] =	vst v50  }
0xda: {  	v61 =	vor.u32 $0x39, v2;
	v38 =	vld [tilespmem:s31+$0xC80];
	[tilespmem:s31+$0xA990] =	vst v56  }
0xdb: {  	v62 =	vor.u32 $0x3A, v2;
	v39 =	vld [tilespmem:s31+$0xC90];
	[tilespmem:s31+$0xA920] =	vst v57  }
0xdc: {  	v15 =	vor.u32 $0x3B, v2;
	v40 =	vld [tilespmem:s31+$0xCA0];
	[tilespmem:s31+$0xAA10] =	vst v63  }
0xdd: {  	v17 =	vor.u32 $0x3D, v2;
	v41 =	vld [tilespmem:s31+$0xCB0];
	[tilespmem:s31+$0xAAA0] =	vst v16  }
0xde: {  	v18 =	vor.u32 $0x3E, v2;
	v5 =	vld.idx.msk [tilespmem:v60+s3+$0x0], $0xffff;
	[tilespmem:s31+$0xAB80] =	vst v23  }
0xdf: {  	v3 =	vor.u32 $0x3C, v2;
	v4 =	vld.idx.msk [tilespmem:v61+s3+$0x0], $0xffff;
	[tilespmem:s31+$0xABA0] =	vst v24  }
0xe0: {  	v19 =	vor.u32 $0x78, v1;
	v2 =	vor.u32 $0x3F, v2;
	v7 =	vld.idx.msk [tilespmem:v62+s3+$0x0], $0xffff;
	[tilespmem:s31+$0xAB30] =	vst v22  }
0xe1: {  	v20 =	vor.u32 $0x79, v1;
	v8 =	vld.idx.msk [tilespmem:v15+s3+$0x0], $0xffff;
	[tilespmem:s31+$0xABB0] =	vst v25  }
0xe2: {  	v21 =	vor.u32 $0x7A, v1;
	v6 =	vld.idx.msk [tilespmem:v17+s3+$0x0], $0xffff;
	[tilespmem:s31+$0xAC80] =	vst v38  }
0xe3: {  	v52 =	vor.u32 $0x7B, v1;
	v11 =	vld.idx.msk [tilespmem:v18+s3+$0x0], $0xffff;
	[tilespmem:s31+$0xAC90] =	vst v39  }
0xe4: {  	v61 =	vor.u32 $0x7C, v1;
	[tilespmem:s31+$0xAC20] =	vst v31;
	v3 =	vld.idx.msk [tilespmem:v3+s3+$0x0], $0xffff  }
0xe5: {  	v2 =	vld.idx.msk [tilespmem:v2+s3+$0x0], $0xffff;
	[tilespmem:v19+s19+$0x0] =	vst.idx.msk $0xffff, v5  }
0xe6: {  	v14 =	vor.u32 $0x7D, v1;
	v54 =	vld [tilespmem:s31+$0x980];
	[tilespmem:v20+s19+$0x0] =	vst.idx.msk $0xffff, v4  }
0xe7: {  	v58 =	vld [tilespmem:s31+$0x9A0];
	v20 =	vor.u32 $0x7E, v1;
	[tilespmem:v21+s19+$0x0] =	vst.idx.msk $0xffff, v7  }
0xe8: {  	v59 =	vld [tilespmem:s31+$0x930];
	v1 =	vor.u32 $0x7F, v1;
	[tilespmem:v52+s19+$0x0] =	vst.idx.msk $0xffff, v8  }
0xe9: {  	[tilespmem:v61+s19+$0x0] =	vst.idx.msk $0xffff, v3;
	v3 =	vld [tilespmem:s31+$0xA30]  }
0xea: {  	v60 =	vld [tilespmem:s31+$0x9B0];
	[tilespmem:s31+$0xACA0] =	vst v40  }
0xeb: {  	v62 =	vld [tilespmem:s31+$0xA00];
	[tilespmem:v14+s19+$0x0] =	vst.idx.msk $0xffff, v6  }
0xec: {  	v15 =	vld [tilespmem:s31+$0xA90];
	[tilespmem:v20+s19+$0x0] =	vst.idx.msk $0xffff, v11  }
0xed: {  	v17 =	vld [tilespmem:s31+$0xAB0];
	[tilespmem:v1+s19+$0x0] =	vst.idx.msk $0xffff, v2  }
0xee: {  	s30 =	sshll.u32 s30, $0x7;
	[tilespmem:s31+$0xAA30] =	vst v3;
	v3 =	vld [tilespmem:s31+$0xB90]  }
0xef: {  	[tilespmem:s31+$0xAC30] =	vst v37;
	v1 =	vld [tilespmem:s30+$0x500]  }
0xf0: {  	[tilespmem:s31+$0xACB0] =	vst v41;
	v2 =	vld [tilespmem:s30+$0x510]  }
0xf1: {  	[tilespmem:s31+$0xA980] =	vst v54;
	v26 =	vld [tilespmem:s30+$0x520]  }
0xf2: {  	s0 =	sor.u32 $0xD80, s31;
	[tilespmem:s31+$0xA9A0] =	vst v58;
	v27 =	vld [tilespmem:s30+$0x530]  }
0xf3: {  	[tilespmem:s31+$0xAB90] =	vst v3;
	v3 =	vld [tilespmem:s0+$0x0];
	s0 =	sor.u32 $0xD90, s31  }
0xf4: {  	[tilespmem:s31+$0xA930] =	vst v59;
	v28 =	vld [tilespmem:s0+$0x0];
	s0 =	sor.u32 $0xDA0, s31  }
0xf5: {  	[tilespmem:s31+$0xA9B0] =	vst v60;
	v29 =	vld [tilespmem:s0+$0x0];
	s0 =	sor.u32 $0xDB0, s31  }
0xf6: {  	v30 =	vld [tilespmem:s0+$0x0];
	[tilespmem:s30+$0xA500] =	vst v1  }
0xf7: {  	v18 =	vld [tilespmem:s31+$0xB00];
	[tilespmem:s30+$0xA510] =	vst v2  }
0xf8: {  	v19 =	vld [tilespmem:s31+$0xB10];
	[tilespmem:s30+$0xA520] =	vst v26  }
0xf9: {  	v21 =	vld [tilespmem:s31+$0xB20];
	[tilespmem:s30+$0xA530] =	vst v27  }
0xfa: {  	[tilespmem:s31+$0xAA00] =	vst v62;
	v6 =	vld [tilespmem:s31+$0xE00]  }
0xfb: {  	v32 =	vld [tilespmem:s31+$0xE10];
	[tilespmem:s31+$0xAD80] =	vst v3  }
0xfc: {  	v3 =	vld [tilespmem:s31+$0xE80];
	[tilespmem:s31+$0xAD90] =	vst v28  }
0xfd: {  	v33 =	vld [tilespmem:s31+$0xE90];
	[tilespmem:s31+$0xADA0] =	vst v29  }
0xfe: {  	v34 =	vld [tilespmem:s31+$0xE20];
	[tilespmem:s31+$0xADB0] =	vst v30  }
0xff: {  	v35 =	vld [tilespmem:s31+$0xEA0];
	[tilespmem:s31+$0xAE00] =	vst v6  }
0x100: {  	v36 =	vld [tilespmem:s31+$0xE30];
	[tilespmem:s31+$0xAE10] =	vst v32  }
0x101: {  	[tilespmem:s31+$0xAE80] =	vst v3;
	v3 =	vld [tilespmem:s31+$0xEB0]  }
0x102: {  	v1 =	vld [tilespmem:s31+$0xC00];
	[tilespmem:s31+$0xAE90] =	vst v33  }
0x103: {  	v2 =	vld [tilespmem:s31+$0xC10];
	[tilespmem:s31+$0xAE20] =	vst v34  }
0x104: {  	v47 =	vld [tilespmem:s31+$0x1090];
	[tilespmem:s31+$0xAEA0] =	vst v35  }
0x105: {  	v48 =	vld [tilespmem:s31+$0x1020];
	[tilespmem:s31+$0xAE30] =	vst v36  }
0x106: {  	s30 =	sor.u32 $0xF00, s31;
	v49 =	vld [tilespmem:s31+$0x10A0];
	[tilespmem:s31+$0xAEB0] =	vst v3  }
0x107: {  	[tilespmem:s31+$0xAC00] =	vst v1;
	v1 =	vld [tilespmem:s30+$0x0];
	s30 =	sor.u32 $0xF10, s31  }
0x108: {  	[tilespmem:s31+$0xAA90] =	vst v15;
	v3 =	vld [tilespmem:s30+$0x0];
	s30 =	sor.u32 $0xF20, s31  }
0x109: {  	[tilespmem:s31+$0xAC10] =	vst v2;
	v2 =	vld [tilespmem:s30+$0x0];
	s30 =	sor.u32 $0xF30, s31  }
0x10a: {  	[tilespmem:s31+$0xAAB0] =	vst v17;
	v42 =	vld [tilespmem:s30+$0x0];
	s30 =	sor.u32 $0xF80, s31  }
0x10b: {  	[tilespmem:s31+$0xAB00] =	vst v18;
	v43 =	vld [tilespmem:s30+$0x0];
	s30 =	sor.u32 $0xF90, s31  }
0x10c: {  	[tilespmem:s31+$0xAB10] =	vst v19;
	v44 =	vld [tilespmem:s30+$0x0];
	s30 =	sor.u32 $0xFA0, s31  }
0x10d: {  	[tilespmem:s31+$0xAB20] =	vst v21;
	v45 =	vld [tilespmem:s30+$0x0];
	s30 =	sor.u32 $0xFB0, s31  }
0x10e: {  	v46 =	vld [tilespmem:s30+$0x0];
	[tilespmem:s31+$0xAF00] =	vst v1  }
0x10f: {  	v50 =	vld [tilespmem:s31+$0x1180];
	[tilespmem:s31+$0xAF10] =	vst v3  }
0x110: {  	v51 =	vld [tilespmem:s31+$0x1110];
	[tilespmem:s31+$0xAF20] =	vst v2  }
0x111: {  	v52 =	vld [tilespmem:s31+$0x11A0];
	[tilespmem:s31+$0xB090] =	vst v47  }
0x112: {  	v53 =	vld [tilespmem:s31+$0x11B0];
	[tilespmem:s31+$0xB020] =	vst v48  }
0x113: {  	v54 =	vld [tilespmem:s31+$0x1210];
	[tilespmem:s31+$0xB0A0] =	vst v49  }
0x114: {  	v1 =	vld [tilespmem:s31+$0x1000];
	[tilespmem:s31+$0xB180] =	vst v50  }
0x115: {  	v2 =	vld [tilespmem:s31+$0x1080];
	[tilespmem:s31+$0xB110] =	vst v51  }
0x116: {  	v55 =	vld [tilespmem:s31+$0x1220];
	[tilespmem:s31+$0xB1A0] =	vst v52  }
0x117: {  	v56 =	vld [tilespmem:s31+$0x12A0];
	[tilespmem:s31+$0xB1B0] =	vst v53  }
0x118: {  	v3 =	vld [tilespmem:s31+$0x1010];
	[tilespmem:s31+$0xB210] =	vst v54  }
0x119: {  	[tilespmem:s31+$0xB000] =	vst v1;
	v1 =	vld [tilespmem:s31+$0x1030]  }
0x11a: {  	[tilespmem:s31+$0xB080] =	vst v2;
	v2 =	vld [tilespmem:s31+$0x10B0]  }
0x11b: {  	v57 =	vld [tilespmem:s31+$0x1380];
	[tilespmem:s31+$0xB220] =	vst v55  }
0x11c: {  	v58 =	vld [tilespmem:s31+$0x1310];
	[tilespmem:s31+$0xB2A0] =	vst v56  }
0x11d: {  	[tilespmem:s31+$0xB010] =	vst v3;
	v3 =	vld [tilespmem:s31+$0x1100]  }
0x11e: {  	[tilespmem:s31+$0xB030] =	vst v1;
	v1 =	vld [tilespmem:s31+$0x1190]  }
0x11f: {  	[tilespmem:s31+$0xB0B0] =	vst v2;
	v2 =	vld [tilespmem:s31+$0x1120]  }
0x120: {  	v59 =	vld [tilespmem:s31+$0x13A0];
	[tilespmem:s31+$0xB380] =	vst v57  }
0x121: {  	v60 =	vld [tilespmem:s31+$0x13B0];
	[tilespmem:s31+$0xB310] =	vst v58  }
0x122: {  	[tilespmem:s31+$0xB100] =	vst v3;
	v3 =	vld [tilespmem:s31+$0x1130]  }
0x123: {  	[tilespmem:s31+$0xB190] =	vst v1;
	v1 =	vld [tilespmem:s31+$0x1200]  }
0x124: {  	[tilespmem:s31+$0xB120] =	vst v2;
	v2 =	vld [tilespmem:s31+$0x1280]  }
0x125: {  	v61 =	vld [tilespmem:s31+$0x1410];
	[tilespmem:s31+$0xB3A0] =	vst v59  }
0x126: {  	v62 =	vld [tilespmem:s31+$0x1420];
	[tilespmem:s31+$0xB3B0] =	vst v60  }
0x127: {  	[tilespmem:s31+$0xB130] =	vst v3;
	v3 =	vld [tilespmem:s31+$0x1290]  }
0x128: {  	[tilespmem:s31+$0xB200] =	vst v1;
	v1 =	vld [tilespmem:s31+$0x1230]  }
0x129: {  	[tilespmem:s31+$0xB280] =	vst v2;
	v2 =	vld [tilespmem:s31+$0x12B0]  }
0x12a: {  	v63 =	vld [tilespmem:s31+$0x14A0];
	[tilespmem:s31+$0xB410] =	vst v61  }
0x12b: {  	[tilespmem:s31+$0xB420] =	vst v62  }
0x12c: {  	[tilespmem:s31+$0xB290] =	vst v3;
	v3 =	vld [tilespmem:s31+$0x1300]  }
0x12d: {  	[tilespmem:s31+$0xB230] =	vst v1;
	v1 =	vld [tilespmem:s31+$0x1390]  }
0x12e: {  	[tilespmem:s31+$0xB2B0] =	vst v2;
	v2 =	vld [tilespmem:s31+$0x1320]  }
0x12f: {  	[tilespmem:s31+$0xB4A0] =	vst v63  }
0x130: {  	[tilespmem:s31+$0xAF30] =	vst v42  }
0x131: {  	[tilespmem:s31+$0xB300] =	vst v3;
	v3 =	vld [tilespmem:s31+$0x1330]  }
0x132: {  	[tilespmem:s31+$0xB390] =	vst v1;
	v1 =	vld [tilespmem:s31+$0x1400]  }
0x133: {  	[tilespmem:s31+$0xB320] =	vst v2;
	v2 =	vld [tilespmem:s31+$0x1480]  }
0x134: {  	[tilespmem:s31+$0xAF80] =	vst v43  }
0x135: {  	[tilespmem:s31+$0xAF90] =	vst v44  }
0x136: {  	[tilespmem:s31+$0xB330] =	vst v3;
	v3 =	vld [tilespmem:s31+$0x1490]  }
0x137: {  	[tilespmem:s31+$0xB400] =	vst v1;
	v1 =	vld [tilespmem:s31+$0x1430]  }
0x138: {  	p0 =	slt.u32 s29, $0x8;
	[tilespmem:s31+$0xB480] =	vst v2;
	v2 =	vld [tilespmem:s31+$0x14B0]  }
.Ltmp0:
0x139: {  	[tilespmem:s31+$0xAFA0] =	vst v45;
	(pc) =	sbr.rel @p0 .LBB2_3-.Ltmp0, $4  }
0x13a: {  	[tilespmem:s31+$0xAFB0] =	vst v46  }
0x13b: {  	[tilespmem:s31+$0xB490] =	vst v3  }
0x13c: {  	s30 =	sadd.s32 $0x2, s29;
	[tilespmem:s31+$0xB430] =	vst v1  }
0x13d: {  	s29 =	smov.u32 s30;
	[tilespmem:s31+$0xB4B0] =	vst v2  }
0x13e: {  	s0 =	sadd.s32 s5, s28  }
0x13f: {  	s0 =	sshll.u32 s0, $0x4  }
0x140: {  	p0 =	seq.s32 s25, $0x4F;
	s0 =	sadd.s32 s7, s0  }
0x141: {  	[hbm4b:s0+s3] =	stream.linear.scatter [tilespmem:s19], [sflag:$0x3], $0x5000, $0x38;
	[tilespmem:$0x14500] =	vst v63  }
0x142: {  	s0 =	sadd.s32 @!p0 s28, s11  }
0x143: {  	s29 =	simm.s32 @!p0 $0x0;
	s28 =	sshrl.u32 @!p0 s0, $0x3  }
0x144: {  	s30 =	simm.s32 @!p0 $0x300;
	s0 =	sshll.u32 @!p0 s0, $0x4;
	s28 =	sadd.s32 @!p0 s4, s28  }
0x145: {  	[tilespmem:s30], [sflag:$0x1] =	stream.linear.gather @!p0 [hbm4b:s28+s29], $0xA0, $0x38;
	[tilespmem:$0x14500] =	vst v63  }
0x146: {  	p1 =	seq.s32 @!p0 s25, $0x0;
	s0 =	sadd.s32 @!p0 s2, s0;
	s28 =	simm.s32 @!p0 $0x500  }
0x147: {  	[tilespmem:s28], [sflag:$0x1] =	stream.linear.gather @!p0 [hbm4b:s0+s29], $0x5000, $0x38;
	[tilespmem:$0x14500] =	vst v63  }
0x148: {  	p0 =	por p0, !p1  }
0x149: {  	_ =	swait.ge @p0 [sflag:s23], $0x5000  }
0x14a: {  	[sflag:s23] =	ssyncset.done @p0 $0x0  }
0x14b: {  	[sflag:s23] =	ssyncadd.s32 @p0 $0xFFFFB000  }
0x14c: {  	_ =	swait.ge [sflag:s20], $0xA0  }
0x14d: {  	[sflag:s20] =	ssyncset.done $0x0  }
0x14e: {  	[sflag:s20] =	ssyncadd.s32 $0xFFFFFF60  }
0x14f: {  	_ =	swait.ge [sflag:s20], $0x5000  }
0x150: {  	[sflag:s20] =	ssyncset.done $0x0  }
0x151: {  	s25 =	sadd.s32 $0x1, s25;
	s28 =	simm.s32 $0x0;
	[sflag:s20] =	ssyncadd.s32 $0xFFFFB000  }
.LBB2_5:
0x152: {  	s29 =	sshll.u32 s28, $0x4  }
0x153: {  	v1 =	vld [tilespmem:s29+$0x400];
	_ =	sdelay $0x4  }
0x154: {  	v4 =	vshll.u32 v1, $0x6  }
0x155: {  	v1 =	vor.u32 $0x1, v4  }
0x156: {  	v2 =	vor.u32 $0x2, v4  }
0x157: {  	v5 =	vor.u32 $0x3, v4  }
0x158: {  	v3 =	vmov s29;
	v6 =	vor.u32 $0x4, v4  }
0x159: {  	v3 =	vshll.u32 v3, $0x7;
	v8 =	vor.u32 $0x5, v4;
	v7 =	vld.idx.msk [tilespmem:v4+s3+$0x0], $0xffff  }
0x15a: {  	v3 =	vor.u32 v0, v3;
	v9 =	vor.u32 $0x6, v4;
	v1 =	vld.idx.msk [tilespmem:v1+s3+$0x0], $0xffff  }
0x15b: {  	v11 =	vor.u32 $0x40, v3;
	v10 =	vor.u32 $0x7, v4;
	v2 =	vld.idx.msk [tilespmem:v2+s3+$0x0], $0xffff  }
0x15c: {  	v12 =	vor.u32 $0x41, v3;
	v5 =	vld.idx.msk [tilespmem:v5+s3+$0x0], $0xffff  }
0x15d: {  	v13 =	vor.u32 $0x42, v3;
	v6 =	vld.idx.msk [tilespmem:v6+s3+$0x0], $0xffff  }
0x15e: {  	v14 =	vor.u32 $0x43, v3;
	v8 =	vld.idx.msk [tilespmem:v8+s3+$0x0], $0xffff  }
0x15f: {  	v15 =	vor.u32 $0x44, v3;
	v9 =	vld.idx.msk [tilespmem:v9+s3+$0x0], $0xffff  }
0x160: {  	v35 =	vor.u32 $0x45, v3;
	v10 =	vld.idx.msk [tilespmem:v10+s3+$0x0], $0xffff;
	[tilespmem:v11+s21+$0x0] =	vst.idx.msk $0xffff, v7  }
0x161: {  	[tilespmem:v12+s21+$0x0] =	vst.idx.msk $0xffff, v1;
	v1 =	vor.u32 $0x46, v3  }
0x162: {  	[tilespmem:v13+s21+$0x0] =	vst.idx.msk $0xffff, v2;
	v2 =	vor.u32 $0x47, v3  }
0x163: {  	v36 =	vor.u32 $0x8, v4;
	[tilespmem:v14+s21+$0x0] =	vst.idx.msk $0xffff, v5  }
0x164: {  	v37 =	vor.u32 $0x9, v4;
	[tilespmem:v15+s21+$0x0] =	vst.idx.msk $0xffff, v6  }
0x165: {  	v38 =	vor.u32 $0xA, v4;
	[tilespmem:v35+s21+$0x0] =	vst.idx.msk $0xffff, v8  }
0x166: {  	v8 =	vld [tilespmem:s29+$0x410];
	[tilespmem:v1+s21+$0x0] =	vst.idx.msk $0xffff, v9;
	v1 =	vor.u32 $0xB, v4  }
0x167: {  	v39 =	vor.u32 $0xC, v4;
	[tilespmem:v2+s21+$0x0] =	vst.idx.msk $0xffff, v10  }
0x168: {  	v40 =	vor.u32 $0xD, v4;
	v5 =	vld.idx.msk [tilespmem:v36+s3+$0x0], $0xffff  }
0x169: {  	v41 =	vor.u32 $0xE, v4;
	v6 =	vld.idx.msk [tilespmem:v37+s3+$0x0], $0xffff  }
0x16a: {  	v42 =	vor.u32 $0xF, v4;
	v7 =	vld.idx.msk [tilespmem:v38+s3+$0x0], $0xffff  }
0x16b: {  	v2 =	vshll.u32 v8, $0x6;
	v43 =	vld.idx.msk [tilespmem:v1+s3+$0x0], $0xffff;
	v1 =	vor.u32 $0x48, v3  }
0x16c: {  	v45 =	vor.u32 $0x49, v3;
	v44 =	vld.idx.msk [tilespmem:v39+s3+$0x0], $0xffff;
	v46 =	vor.u32 $0x1, v2  }
0x16d: {  	v47 =	vor.u32 $0x4A, v3;
	v10 =	vld.idx.msk [tilespmem:v40+s3+$0x0], $0xffff;
	v16 =	vor.u32 $0x2, v2  }
0x16e: {  	v17 =	vor.u32 $0x4B, v3;
	v11 =	vld.idx.msk [tilespmem:v41+s3+$0x0], $0xffff;
	v18 =	vor.u32 $0x3, v2  }
0x16f: {  	v19 =	vor.u32 $0x4C, v3;
	s29 =	sor.u32 $0x10, s29;
	v12 =	vld.idx.msk [tilespmem:v42+s3+$0x0], $0xffff;
	v20 =	vor.u32 $0x4, v2  }
0x170: {  	v48 =	vor.u32 $0x4D, v3;
	v22 =	vor.u32 $0x5, v2;
	v21 =	vld.idx.msk [tilespmem:v2+s3+$0x0], $0xffff;
	[tilespmem:v1+s21+$0x0] =	vst.idx.msk $0xffff, v5;
	v1 =	vmov s29  }
0x171: {  	v49 =	vor.u32 $0x4E, v3;
	v51 =	vor.u32 $0x6, v2;
	v50 =	vld.idx.msk [tilespmem:v46+s3+$0x0], $0xffff;
	[tilespmem:v45+s21+$0x0] =	vst.idx.msk $0xffff, v6;
	v1 =	vshll.u32 v1, $0x7  }
0x172: {  	v52 =	vor.u32 $0x4F, v3;
	v54 =	vor.u32 $0x7, v2;
	v53 =	vld.idx.msk [tilespmem:v16+s3+$0x0], $0xffff;
	[tilespmem:v47+s21+$0x0] =	vst.idx.msk $0xffff, v7;
	v1 =	vor.u32 v0, v1  }
0x173: {  	v55 =	vor.u32 $0x10, v4;
	v56 =	vld.idx.msk [tilespmem:v18+s3+$0x0], $0xffff;
	[tilespmem:v17+s21+$0x0] =	vst.idx.msk $0xffff, v43;
	v57 =	vor.u32 $0x40, v1  }
0x174: {  	v58 =	vor.u32 $0x11, v4;
	v59 =	vld.idx.msk [tilespmem:v20+s3+$0x0], $0xffff;
	v60 =	vor.u32 $0x41, v1;
	[tilespmem:v19+s21+$0x0] =	vst.idx.msk $0xffff, v44  }
0x175: {  	v61 =	vor.u32 $0x12, v4;
	v62 =	vld.idx.msk [tilespmem:v22+s3+$0x0], $0xffff;
	v63 =	vor.u32 $0x42, v1;
	[tilespmem:v48+s21+$0x0] =	vst.idx.msk $0xffff, v10  }
0x176: {  	v24 =	vor.u32 $0x13, v4;
	v25 =	vld.idx.msk [tilespmem:v51+s3+$0x0], $0xffff;
	v26 =	vor.u32 $0x43, v1;
	[tilespmem:v49+s21+$0x0] =	vst.idx.msk $0xffff, v11  }
0x177: {  	v27 =	vor.u32 $0x14, v4;
	v28 =	vld.idx.msk [tilespmem:v54+s3+$0x0], $0xffff;
	v29 =	vor.u32 $0x44, v1;
	[tilespmem:v52+s21+$0x0] =	vst.idx.msk $0xffff, v12  }
0x178: {  	v30 =	vor.u32 $0x15, v4;
	v31 =	vor.u32 $0x45, v1;
	v13 =	vld.idx.msk [tilespmem:v55+s3+$0x0], $0xffff;
	[tilespmem:v57+s21+$0x0] =	vst.idx.msk $0xffff, v21  }
0x179: {  	v32 =	vor.u32 $0x16, v4;
	v33 =	vor.u32 $0x46, v1;
	v8 =	vld.idx.msk [tilespmem:v58+s3+$0x0], $0xffff;
	[tilespmem:v60+s21+$0x0] =	vst.idx.msk $0xffff, v50  }
0x17a: {  	v34 =	vor.u32 $0x17, v4;
	v35 =	vor.u32 $0x47, v1;
	v5 =	vld.idx.msk [tilespmem:v61+s3+$0x0], $0xffff;
	[tilespmem:v63+s21+$0x0] =	vst.idx.msk $0xffff, v53  }
0x17b: {  	v36 =	vor.u32 $0x50, v3;
	v37 =	vor.u32 $0x8, v2;
	v6 =	vld.idx.msk [tilespmem:v24+s3+$0x0], $0xffff;
	[tilespmem:v26+s21+$0x0] =	vst.idx.msk $0xffff, v56  }
0x17c: {  	v38 =	vor.u32 $0x51, v3;
	v39 =	vor.u32 $0x9, v2;
	v7 =	vld.idx.msk [tilespmem:v27+s3+$0x0], $0xffff;
	[tilespmem:v29+s21+$0x0] =	vst.idx.msk $0xffff, v59  }
0x17d: {  	v40 =	vor.u32 $0x52, v3;
	v41 =	vor.u32 $0xA, v2;
	v18 =	vld.idx.msk [tilespmem:v30+s3+$0x0], $0xffff;
	[tilespmem:v31+s21+$0x0] =	vst.idx.msk $0xffff, v62  }
0x17e: {  	v42 =	vor.u32 $0x53, v3;
	v43 =	vor.u32 $0xB, v2;
	v9 =	vld.idx.msk [tilespmem:v32+s3+$0x0], $0xffff;
	[tilespmem:v33+s21+$0x0] =	vst.idx.msk $0xffff, v25  }
0x17f: {  	v45 =	vor.u32 $0xC, v2;
	v44 =	vor.u32 $0x54, v3;
	v15 =	vld.idx.msk [tilespmem:v34+s3+$0x0], $0xffff;
	[tilespmem:v35+s21+$0x0] =	vst.idx.msk $0xffff, v28  }
0x180: {  	v46 =	vor.u32 $0x55, v3;
	v48 =	vor.u32 $0xD, v2;
	[tilespmem:v36+s21+$0x0] =	vst.idx.msk $0xffff, v13;
	v47 =	vld.idx.msk [tilespmem:v37+s3+$0x0], $0xffff  }
0x181: {  	v51 =	vor.u32 $0xE, v2;
	v49 =	vor.u32 $0x56, v3;
	[tilespmem:v38+s21+$0x0] =	vst.idx.msk $0xffff, v8;
	v50 =	vld.idx.msk [tilespmem:v39+s3+$0x0], $0xffff  }
0x182: {  	v54 =	vor.u32 $0xF, v2;
	v52 =	vor.u32 $0x57, v3;
	[tilespmem:v40+s21+$0x0] =	vst.idx.msk $0xffff, v5;
	v53 =	vld.idx.msk [tilespmem:v41+s3+$0x0], $0xffff  }
0x183: {  	v55 =	vor.u32 $0x18, v4;
	v57 =	vor.u32 $0x48, v1;
	[tilespmem:v42+s21+$0x0] =	vst.idx.msk $0xffff, v6;
	v56 =	vld.idx.msk [tilespmem:v43+s3+$0x0], $0xffff  }
0x184: {  	v58 =	vor.u32 $0x19, v4;
	v60 =	vor.u32 $0x49, v1;
	v59 =	vld.idx.msk [tilespmem:v45+s3+$0x0], $0xffff;
	[tilespmem:v44+s21+$0x0] =	vst.idx.msk $0xffff, v7  }
0x185: {  	v61 =	vor.u32 $0x1A, v4;
	v62 =	vor.u32 $0x4A, v1;
	v17 =	vld.idx.msk [tilespmem:v48+s3+$0x0], $0xffff;
	[tilespmem:v46+s21+$0x0] =	vst.idx.msk $0xffff, v18  }
0x186: {  	v63 =	vor.u32 $0x1B, v4;
	v25 =	vor.u32 $0x4B, v1;
	v24 =	vld.idx.msk [tilespmem:v51+s3+$0x0], $0xffff;
	[tilespmem:v49+s21+$0x0] =	vst.idx.msk $0xffff, v9  }
0x187: {  	v26 =	vor.u32 $0x1C, v4;
	v28 =	vor.u32 $0x4C, v1;
	v27 =	vld.idx.msk [tilespmem:v54+s3+$0x0], $0xffff;
	[tilespmem:v52+s21+$0x0] =	vst.idx.msk $0xffff, v15  }
0x188: {  	v30 =	vor.u32 $0x4D, v1;
	v29 =	vor.u32 $0x1D, v4;
	v6 =	vld.idx.msk [tilespmem:v55+s3+$0x0], $0xffff;
	[tilespmem:v57+s21+$0x0] =	vst.idx.msk $0xffff, v47  }
0x189: {  	v32 =	vor.u32 $0x4E, v1;
	v31 =	vor.u32 $0x1E, v4;
	v7 =	vld.idx.msk [tilespmem:v58+s3+$0x0], $0xffff;
	[tilespmem:v60+s21+$0x0] =	vst.idx.msk $0xffff, v50  }
0x18a: {  	v34 =	vor.u32 $0x4F, v1;
	v33 =	vor.u32 $0x1F, v4;
	v13 =	vld.idx.msk [tilespmem:v61+s3+$0x0], $0xffff;
	[tilespmem:v62+s21+$0x0] =	vst.idx.msk $0xffff, v53  }
0x18b: {  	v36 =	vor.u32 $0x10, v2;
	v35 =	vor.u32 $0x58, v3;
	v8 =	vld.idx.msk [tilespmem:v63+s3+$0x0], $0xffff;
	[tilespmem:v25+s21+$0x0] =	vst.idx.msk $0xffff, v56  }
0x18c: {  	v38 =	vor.u32 $0x11, v2;
	v37 =	vor.u32 $0x59, v3;
	v5 =	vld.idx.msk [tilespmem:v26+s3+$0x0], $0xffff;
	[tilespmem:v28+s21+$0x0] =	vst.idx.msk $0xffff, v59  }
0x18d: {  	v40 =	vor.u32 $0x12, v2;
	v39 =	vor.u32 $0x5A, v3;
	v14 =	vld.idx.msk [tilespmem:v29+s3+$0x0], $0xffff;
	[tilespmem:v30+s21+$0x0] =	vst.idx.msk $0xffff, v17  }
0x18e: {  	v41 =	vor.u32 $0x5B, v3;
	v42 =	vor.u32 $0x13, v2;
	v16 =	vld.idx.msk [tilespmem:v31+s3+$0x0], $0xffff;
	[tilespmem:v32+s21+$0x0] =	vst.idx.msk $0xffff, v24  }
0x18f: {  	v43 =	vor.u32 $0x5C, v3;
	v44 =	vor.u32 $0x14, v2;
	v10 =	vld.idx.msk [tilespmem:v33+s3+$0x0], $0xffff;
	[tilespmem:v34+s21+$0x0] =	vst.idx.msk $0xffff, v27  }
0x190: {  	v45 =	vor.u32 $0x5D, v3;
	v47 =	vor.u32 $0x15, v2;
	[tilespmem:v35+s21+$0x0] =	vst.idx.msk $0xffff, v6;
	v46 =	vld.idx.msk [tilespmem:v36+s3+$0x0], $0xffff  }
0x191: {  	v48 =	vor.u32 $0x5E, v3;
	v50 =	vor.u32 $0x16, v2;
	[tilespmem:v37+s21+$0x0] =	vst.idx.msk $0xffff, v7;
	v49 =	vld.idx.msk [tilespmem:v38+s3+$0x0], $0xffff  }
0x192: {  	v51 =	vor.u32 $0x5F, v3;
	v53 =	vor.u32 $0x17, v2;
	[tilespmem:v39+s21+$0x0] =	vst.idx.msk $0xffff, v13;
	v52 =	vld.idx.msk [tilespmem:v40+s3+$0x0], $0xffff  }
0x193: {  	v54 =	vor.u32 $0x20, v4;
	v56 =	vor.u32 $0x50, v1;
	[tilespmem:v41+s21+$0x0] =	vst.idx.msk $0xffff, v8;
	v55 =	vld.idx.msk [tilespmem:v42+s3+$0x0], $0xffff  }
0x194: {  	v57 =	vor.u32 $0x21, v4;
	v59 =	vor.u32 $0x51, v1;
	v58 =	vld.idx.msk [tilespmem:v44+s3+$0x0], $0xffff;
	[tilespmem:v43+s21+$0x0] =	vst.idx.msk $0xffff, v5  }
0x195: {  	v60 =	vor.u32 $0x22, v4;
	v62 =	vor.u32 $0x52, v1;
	v61 =	vld.idx.msk [tilespmem:v47+s3+$0x0], $0xffff;
	[tilespmem:v45+s21+$0x0] =	vst.idx.msk $0xffff, v14  }
0x196: {  	v63 =	vor.u32 $0x23, v4;
	v25 =	vor.u32 $0x53, v1;
	v24 =	vld.idx.msk [tilespmem:v50+s3+$0x0], $0xffff;
	[tilespmem:v48+s21+$0x0] =	vst.idx.msk $0xffff, v16  }
0x197: {  	v26 =	vor.u32 $0x24, v4;
	v28 =	vor.u32 $0x54, v1;
	v27 =	vld.idx.msk [tilespmem:v53+s3+$0x0], $0xffff;
	[tilespmem:v51+s21+$0x0] =	vst.idx.msk $0xffff, v10  }
0x198: {  	v29 =	vor.u32 $0x25, v4;
	v30 =	vor.u32 $0x55, v1;
	v8 =	vld.idx.msk [tilespmem:v54+s3+$0x0], $0xffff;
	[tilespmem:v56+s21+$0x0] =	vst.idx.msk $0xffff, v46  }
0x199: {  	v31 =	vor.u32 $0x26, v4;
	v32 =	vor.u32 $0x56, v1;
	v5 =	vld.idx.msk [tilespmem:v57+s3+$0x0], $0xffff;
	[tilespmem:v59+s21+$0x0] =	vst.idx.msk $0xffff, v49  }
0x19a: {  	v33 =	vor.u32 $0x27, v4;
	v34 =	vor.u32 $0x57, v1;
	v6 =	vld.idx.msk [tilespmem:v60+s3+$0x0], $0xffff;
	[tilespmem:v62+s21+$0x0] =	vst.idx.msk $0xffff, v52  }
0x19b: {  	v35 =	vor.u32 $0x60, v3;
	v36 =	vor.u32 $0x18, v2;
	v7 =	vld.idx.msk [tilespmem:v63+s3+$0x0], $0xffff;
	[tilespmem:v25+s21+$0x0] =	vst.idx.msk $0xffff, v55  }
0x19c: {  	v37 =	vor.u32 $0x61, v3;
	v38 =	vor.u32 $0x19, v2;
	v10 =	vld.idx.msk [tilespmem:v26+s3+$0x0], $0xffff;
	[tilespmem:v28+s21+$0x0] =	vst.idx.msk $0xffff, v58  }
0x19d: {  	v39 =	vor.u32 $0x62, v3;
	v40 =	vor.u32 $0x1A, v2;
	v11 =	vld.idx.msk [tilespmem:v29+s3+$0x0], $0xffff;
	[tilespmem:v30+s21+$0x0] =	vst.idx.msk $0xffff, v61  }
0x19e: {  	v41 =	vor.u32 $0x63, v3;
	v42 =	vor.u32 $0x1B, v2;
	v12 =	vld.idx.msk [tilespmem:v31+s3+$0x0], $0xffff;
	[tilespmem:v32+s21+$0x0] =	vst.idx.msk $0xffff, v24  }
0x19f: {  	v44 =	vor.u32 $0x1C, v2;
	v43 =	vor.u32 $0x64, v3;
	v17 =	vld.idx.msk [tilespmem:v33+s3+$0x0], $0xffff;
	[tilespmem:v34+s21+$0x0] =	vst.idx.msk $0xffff, v27  }
0x1a0: {  	v47 =	vor.u32 $0x1D, v2;
	v45 =	vor.u32 $0x65, v3;
	[tilespmem:v35+s21+$0x0] =	vst.idx.msk $0xffff, v8;
	v46 =	vld.idx.msk [tilespmem:v36+s3+$0x0], $0xffff  }
0x1a1: {  	v50 =	vor.u32 $0x1E, v2;
	v48 =	vor.u32 $0x66, v3;
	[tilespmem:v37+s21+$0x0] =	vst.idx.msk $0xffff, v5;
	v49 =	vld.idx.msk [tilespmem:v38+s3+$0x0], $0xffff  }
0x1a2: {  	v53 =	vor.u32 $0x1F, v2;
	v51 =	vor.u32 $0x67, v3;
	[tilespmem:v39+s21+$0x0] =	vst.idx.msk $0xffff, v6;
	v52 =	vld.idx.msk [tilespmem:v40+s3+$0x0], $0xffff  }
0x1a3: {  	v54 =	vor.u32 $0x28, v4;
	v56 =	vor.u32 $0x58, v1;
	[tilespmem:v41+s21+$0x0] =	vst.idx.msk $0xffff, v7;
	v55 =	vld.idx.msk [tilespmem:v42+s3+$0x0], $0xffff  }
0x1a4: {  	v57 =	vor.u32 $0x29, v4;
	v59 =	vor.u32 $0x59, v1;
	v58 =	vld.idx.msk [tilespmem:v44+s3+$0x0], $0xffff;
	[tilespmem:v43+s21+$0x0] =	vst.idx.msk $0xffff, v10  }
0x1a5: {  	v60 =	vor.u32 $0x2A, v4;
	v62 =	vor.u32 $0x5A, v1;
	v61 =	vld.idx.msk [tilespmem:v47+s3+$0x0], $0xffff;
	[tilespmem:v45+s21+$0x0] =	vst.idx.msk $0xffff, v11  }
0x1a6: {  	v63 =	vor.u32 $0x2B, v4;
	v25 =	vor.u32 $0x5B, v1;
	v24 =	vld.idx.msk [tilespmem:v50+s3+$0x0], $0xffff;
	[tilespmem:v48+s21+$0x0] =	vst.idx.msk $0xffff, v12  }
0x1a7: {  	v26 =	vor.u32 $0x2C, v4;
	v28 =	vor.u32 $0x5C, v1;
	v27 =	vld.idx.msk [tilespmem:v53+s3+$0x0], $0xffff;
	[tilespmem:v51+s21+$0x0] =	vst.idx.msk $0xffff, v17  }
0x1a8: {  	v29 =	vor.u32 $0x2D, v4;
	v30 =	vor.u32 $0x5D, v1;
	v7 =	vld.idx.msk [tilespmem:v54+s3+$0x0], $0xffff;
	[tilespmem:v56+s21+$0x0] =	vst.idx.msk $0xffff, v46  }
0x1a9: {  	v31 =	vor.u32 $0x2E, v4;
	v32 =	vor.u32 $0x5E, v1;
	v10 =	vld.idx.msk [tilespmem:v57+s3+$0x0], $0xffff;
	[tilespmem:v59+s21+$0x0] =	vst.idx.msk $0xffff, v49  }
0x1aa: {  	v33 =	vor.u32 $0x2F, v4;
	v34 =	vor.u32 $0x5F, v1;
	v8 =	vld.idx.msk [tilespmem:v60+s3+$0x0], $0xffff;
	[tilespmem:v62+s21+$0x0] =	vst.idx.msk $0xffff, v52  }
0x1ab: {  	v35 =	vor.u32 $0x68, v3;
	v36 =	vor.u32 $0x20, v2;
	v5 =	vld.idx.msk [tilespmem:v63+s3+$0x0], $0xffff;
	[tilespmem:v25+s21+$0x0] =	vst.idx.msk $0xffff, v55  }
0x1ac: {  	v37 =	vor.u32 $0x69, v3;
	v38 =	vor.u32 $0x21, v2;
	v6 =	vld.idx.msk [tilespmem:v26+s3+$0x0], $0xffff;
	[tilespmem:v28+s21+$0x0] =	vst.idx.msk $0xffff, v58  }
0x1ad: {  	v39 =	vor.u32 $0x6A, v3;
	v40 =	vor.u32 $0x22, v2;
	v9 =	vld.idx.msk [tilespmem:v29+s3+$0x0], $0xffff;
	[tilespmem:v30+s21+$0x0] =	vst.idx.msk $0xffff, v61  }
0x1ae: {  	v41 =	vor.u32 $0x6B, v3;
	v42 =	vor.u32 $0x23, v2;
	v15 =	vld.idx.msk [tilespmem:v31+s3+$0x0], $0xffff;
	[tilespmem:v32+s21+$0x0] =	vst.idx.msk $0xffff, v24  }
0x1af: {  	v44 =	vor.u32 $0x24, v2;
	v43 =	vor.u32 $0x6C, v3;
	v14 =	vld.idx.msk [tilespmem:v33+s3+$0x0], $0xffff;
	[tilespmem:v34+s21+$0x0] =	vst.idx.msk $0xffff, v27  }
0x1b0: {  	v47 =	vor.u32 $0x25, v2;
	v45 =	vor.u32 $0x6D, v3;
	[tilespmem:v35+s21+$0x0] =	vst.idx.msk $0xffff, v7;
	v46 =	vld.idx.msk [tilespmem:v36+s3+$0x0], $0xffff  }
0x1b1: {  	v50 =	vor.u32 $0x26, v2;
	v48 =	vor.u32 $0x6E, v3;
	[tilespmem:v37+s21+$0x0] =	vst.idx.msk $0xffff, v10;
	v49 =	vld.idx.msk [tilespmem:v38+s3+$0x0], $0xffff  }
0x1b2: {  	v53 =	vor.u32 $0x27, v2;
	v51 =	vor.u32 $0x6F, v3;
	[tilespmem:v39+s21+$0x0] =	vst.idx.msk $0xffff, v8;
	v52 =	vld.idx.msk [tilespmem:v40+s3+$0x0], $0xffff  }
0x1b3: {  	v54 =	vor.u32 $0x30, v4;
	v56 =	vor.u32 $0x60, v1;
	[tilespmem:v41+s21+$0x0] =	vst.idx.msk $0xffff, v5;
	v55 =	vld.idx.msk [tilespmem:v42+s3+$0x0], $0xffff  }
0x1b4: {  	v57 =	vor.u32 $0x31, v4;
	v59 =	vor.u32 $0x61, v1;
	v58 =	vld.idx.msk [tilespmem:v44+s3+$0x0], $0xffff;
	[tilespmem:v43+s21+$0x0] =	vst.idx.msk $0xffff, v6  }
0x1b5: {  	v60 =	vor.u32 $0x32, v4;
	v62 =	vor.u32 $0x62, v1;
	v61 =	vld.idx.msk [tilespmem:v47+s3+$0x0], $0xffff;
	[tilespmem:v45+s21+$0x0] =	vst.idx.msk $0xffff, v9  }
0x1b6: {  	v63 =	vor.u32 $0x33, v4;
	v25 =	vor.u32 $0x63, v1;
	v24 =	vld.idx.msk [tilespmem:v50+s3+$0x0], $0xffff;
	[tilespmem:v48+s21+$0x0] =	vst.idx.msk $0xffff, v15  }
0x1b7: {  	v26 =	vor.u32 $0x34, v4;
	v28 =	vor.u32 $0x64, v1;
	v27 =	vld.idx.msk [tilespmem:v53+s3+$0x0], $0xffff;
	[tilespmem:v51+s21+$0x0] =	vst.idx.msk $0xffff, v14  }
0x1b8: {  	v29 =	vor.u32 $0x35, v4;
	v30 =	vor.u32 $0x65, v1;
	v5 =	vld.idx.msk [tilespmem:v54+s3+$0x0], $0xffff;
	[tilespmem:v56+s21+$0x0] =	vst.idx.msk $0xffff, v46  }
0x1b9: {  	v31 =	vor.u32 $0x36, v4;
	v32 =	vor.u32 $0x66, v1;
	v6 =	vld.idx.msk [tilespmem:v57+s3+$0x0], $0xffff;
	[tilespmem:v59+s21+$0x0] =	vst.idx.msk $0xffff, v49  }
0x1ba: {  	v33 =	vor.u32 $0x37, v4;
	v34 =	vor.u32 $0x67, v1;
	v7 =	vld.idx.msk [tilespmem:v60+s3+$0x0], $0xffff;
	[tilespmem:v62+s21+$0x0] =	vst.idx.msk $0xffff, v52  }
0x1bb: {  	v35 =	vor.u32 $0x70, v3;
	v36 =	vor.u32 $0x28, v2;
	v10 =	vld.idx.msk [tilespmem:v63+s3+$0x0], $0xffff;
	[tilespmem:v25+s21+$0x0] =	vst.idx.msk $0xffff, v55  }
0x1bc: {  	v37 =	vor.u32 $0x71, v3;
	v38 =	vor.u32 $0x29, v2;
	v8 =	vld.idx.msk [tilespmem:v26+s3+$0x0], $0xffff;
	[tilespmem:v28+s21+$0x0] =	vst.idx.msk $0xffff, v58  }
0x1bd: {  	v39 =	vor.u32 $0x72, v3;
	v40 =	vor.u32 $0x2A, v2;
	v16 =	vld.idx.msk [tilespmem:v29+s3+$0x0], $0xffff;
	[tilespmem:v30+s21+$0x0] =	vst.idx.msk $0xffff, v61  }
0x1be: {  	v41 =	vor.u32 $0x73, v3;
	v42 =	vor.u32 $0x2B, v2;
	v13 =	vld.idx.msk [tilespmem:v31+s3+$0x0], $0xffff;
	[tilespmem:v32+s21+$0x0] =	vst.idx.msk $0xffff, v24  }
0x1bf: {  	v44 =	vor.u32 $0x2C, v2;
	v43 =	vor.u32 $0x74, v3;
	v11 =	vld.idx.msk [tilespmem:v33+s3+$0x0], $0xffff;
	[tilespmem:v34+s21+$0x0] =	vst.idx.msk $0xffff, v27  }
0x1c0: {  	v47 =	vor.u32 $0x2D, v2;
	v45 =	vor.u32 $0x75, v3;
	[tilespmem:v35+s21+$0x0] =	vst.idx.msk $0xffff, v5;
	v46 =	vld.idx.msk [tilespmem:v36+s3+$0x0], $0xffff  }
0x1c1: {  	v50 =	vor.u32 $0x2E, v2;
	v48 =	vor.u32 $0x76, v3;
	[tilespmem:v37+s21+$0x0] =	vst.idx.msk $0xffff, v6;
	v49 =	vld.idx.msk [tilespmem:v38+s3+$0x0], $0xffff  }
0x1c2: {  	v53 =	vor.u32 $0x2F, v2;
	v51 =	vor.u32 $0x77, v3;
	[tilespmem:v39+s21+$0x0] =	vst.idx.msk $0xffff, v7;
	v52 =	vld.idx.msk [tilespmem:v40+s3+$0x0], $0xffff  }
0x1c3: {  	v54 =	vor.u32 $0x38, v4;
	v56 =	vor.u32 $0x68, v1;
	[tilespmem:v41+s21+$0x0] =	vst.idx.msk $0xffff, v10;
	v55 =	vld.idx.msk [tilespmem:v42+s3+$0x0], $0xffff  }
0x1c4: {  	v57 =	vor.u32 $0x39, v4;
	v59 =	vor.u32 $0x69, v1;
	v58 =	vld.idx.msk [tilespmem:v44+s3+$0x0], $0xffff;
	[tilespmem:v43+s21+$0x0] =	vst.idx.msk $0xffff, v8  }
0x1c5: {  	v60 =	vor.u32 $0x3A, v4;
	v62 =	vor.u32 $0x6A, v1;
	v61 =	vld.idx.msk [tilespmem:v47+s3+$0x0], $0xffff;
	[tilespmem:v45+s21+$0x0] =	vst.idx.msk $0xffff, v16  }
0x1c6: {  	v63 =	vor.u32 $0x3B, v4;
	v25 =	vor.u32 $0x6B, v1;
	v24 =	vld.idx.msk [tilespmem:v50+s3+$0x0], $0xffff;
	[tilespmem:v48+s21+$0x0] =	vst.idx.msk $0xffff, v13  }
0x1c7: {  	v26 =	vor.u32 $0x3C, v4;
	v28 =	vor.u32 $0x6C, v1;
	v27 =	vld.idx.msk [tilespmem:v53+s3+$0x0], $0xffff;
	[tilespmem:v51+s21+$0x0] =	vst.idx.msk $0xffff, v11  }
0x1c8: {  	v29 =	vor.u32 $0x3D, v4;
	v30 =	vor.u32 $0x6D, v1;
	v10 =	vld.idx.msk [tilespmem:v54+s3+$0x0], $0xffff;
	[tilespmem:v56+s21+$0x0] =	vst.idx.msk $0xffff, v46  }
0x1c9: {  	v31 =	vor.u32 $0x3E, v4;
	v32 =	vor.u32 $0x6E, v1;
	v8 =	vld.idx.msk [tilespmem:v57+s3+$0x0], $0xffff;
	[tilespmem:v59+s21+$0x0] =	vst.idx.msk $0xffff, v49  }
0x1ca: {  	v4 =	vor.u32 $0x3F, v4;
	v33 =	vor.u32 $0x6F, v1;
	v5 =	vld.idx.msk [tilespmem:v60+s3+$0x0], $0xffff;
	[tilespmem:v62+s21+$0x0] =	vst.idx.msk $0xffff, v52  }
0x1cb: {  	v35 =	vor.u32 $0x30, v2;
	v34 =	vor.u32 $0x78, v3;
	v6 =	vld.idx.msk [tilespmem:v63+s3+$0x0], $0xffff;
	[tilespmem:v25+s21+$0x0] =	vst.idx.msk $0xffff, v55  }
0x1cc: {  	v37 =	vor.u32 $0x31, v2;
	v36 =	vor.u32 $0x79, v3;
	v7 =	vld.idx.msk [tilespmem:v26+s3+$0x0], $0xffff;
	[tilespmem:v28+s21+$0x0] =	vst.idx.msk $0xffff, v58  }
0x1cd: {  	v39 =	vor.u32 $0x32, v2;
	v38 =	vor.u32 $0x7A, v3;
	v12 =	vld.idx.msk [tilespmem:v29+s3+$0x0], $0xffff;
	[tilespmem:v30+s21+$0x0] =	vst.idx.msk $0xffff, v61  }
0x1ce: {  	v40 =	vor.u32 $0x7B, v3;
	v41 =	vor.u32 $0x33, v2;
	v17 =	vld.idx.msk [tilespmem:v31+s3+$0x0], $0xffff;
	[tilespmem:v32+s21+$0x0] =	vst.idx.msk $0xffff, v24  }
0x1cf: {  	v42 =	vor.u32 $0x7C, v3;
	v43 =	vor.u32 $0x34, v2;
	v4 =	vld.idx.msk [tilespmem:v4+s3+$0x0], $0xffff;
	[tilespmem:v33+s21+$0x0] =	vst.idx.msk $0xffff, v27  }
0x1d0: {  	v44 =	vor.u32 $0x7D, v3;
	v46 =	vor.u32 $0x35, v2;
	[tilespmem:v34+s21+$0x0] =	vst.idx.msk $0xffff, v10;
	v45 =	vld.idx.msk [tilespmem:v35+s3+$0x0], $0xffff  }
0x1d1: {  	v47 =	vor.u32 $0x7E, v3;
	v49 =	vor.u32 $0x36, v2;
	[tilespmem:v36+s21+$0x0] =	vst.idx.msk $0xffff, v8;
	v48 =	vld.idx.msk [tilespmem:v37+s3+$0x0], $0xffff  }
0x1d2: {  	v3 =	vor.u32 $0x7F, v3;
	v51 =	vor.u32 $0x37, v2;
	[tilespmem:v38+s21+$0x0] =	vst.idx.msk $0xffff, v5;
	v50 =	vld.idx.msk [tilespmem:v39+s3+$0x0], $0xffff  }
0x1d3: {  	v53 =	vor.u32 $0x70, v1;
	[tilespmem:v40+s21+$0x0] =	vst.idx.msk $0xffff, v6;
	v52 =	vld.idx.msk [tilespmem:v41+s3+$0x0], $0xffff  }
0x1d4: {  	v55 =	vor.u32 $0x71, v1;
	v54 =	vld.idx.msk [tilespmem:v43+s3+$0x0], $0xffff;
	[tilespmem:v42+s21+$0x0] =	vst.idx.msk $0xffff, v7  }
0x1d5: {  	v57 =	vor.u32 $0x72, v1;
	v56 =	vld.idx.msk [tilespmem:v46+s3+$0x0], $0xffff;
	[tilespmem:v44+s21+$0x0] =	vst.idx.msk $0xffff, v12  }
0x1d6: {  	v59 =	vor.u32 $0x73, v1;
	v58 =	vld.idx.msk [tilespmem:v49+s3+$0x0], $0xffff;
	[tilespmem:v47+s21+$0x0] =	vst.idx.msk $0xffff, v17  }
0x1d7: {  	s30 =	sshll.u32 s28, $0xB;
	v60 =	vor.u32 $0x74, v1;
	[tilespmem:v3+s21+$0x0] =	vst.idx.msk $0xffff, v4;
	v3 =	vld.idx.msk [tilespmem:v51+s3+$0x0], $0xffff  }
0x1d8: {  	v61 =	vor.u32 $0x75, v1;
	[tilespmem:v53+s21+$0x0] =	vst.idx.msk $0xffff, v45;
	v16 =	vld [tilespmem:s30+$0x5500]  }
0x1d9: {  	v18 =	vld [tilespmem:s30+$0x5580];
	[tilespmem:v55+s21+$0x0] =	vst.idx.msk $0xffff, v48  }
0x1da: {  	v24 =	vld [tilespmem:s30+$0x5510];
	[tilespmem:v57+s21+$0x0] =	vst.idx.msk $0xffff, v50  }
0x1db: {  	v25 =	vld [tilespmem:s30+$0x5590];
	[tilespmem:v59+s21+$0x0] =	vst.idx.msk $0xffff, v52  }
0x1dc: {  	v26 =	vld [tilespmem:s30+$0x5520];
	[tilespmem:v60+s21+$0x0] =	vst.idx.msk $0xffff, v54  }
0x1dd: {  	v27 =	vld [tilespmem:s30+$0x55A0];
	[tilespmem:v61+s21+$0x0] =	vst.idx.msk $0xffff, v56  }
0x1de: {  	v28 =	vld [tilespmem:s30+$0x5530];
	[tilespmem:s30+$0xF500] =	vst v16  }
0x1df: {  	v29 =	vld [tilespmem:s30+$0x55B0];
	[tilespmem:s30+$0xF580] =	vst v18  }
0x1e0: {  	v30 =	vld [tilespmem:s30+$0x5600];
	[tilespmem:s30+$0xF510] =	vst v24  }
0x1e1: {  	v31 =	vld [tilespmem:s30+$0x5680];
	[tilespmem:s30+$0xF590] =	vst v25  }
0x1e2: {  	v32 =	vld [tilespmem:s30+$0x5610];
	[tilespmem:s30+$0xF520] =	vst v26  }
0x1e3: {  	v33 =	vld [tilespmem:s30+$0x5690];
	[tilespmem:s30+$0xF5A0] =	vst v27  }
0x1e4: {  	v34 =	vld [tilespmem:s30+$0x5620];
	[tilespmem:s30+$0xF530] =	vst v28  }
0x1e5: {  	v35 =	vld [tilespmem:s30+$0x56A0];
	[tilespmem:s30+$0xF5B0] =	vst v29  }
0x1e6: {  	v36 =	vld [tilespmem:s30+$0x5630];
	[tilespmem:s30+$0xF600] =	vst v30  }
0x1e7: {  	v37 =	vld [tilespmem:s30+$0x56B0];
	[tilespmem:s30+$0xF680] =	vst v31  }
0x1e8: {  	v38 =	vld [tilespmem:s30+$0x5700];
	[tilespmem:s30+$0xF610] =	vst v32  }
0x1e9: {  	v39 =	vld [tilespmem:s30+$0x5780];
	[tilespmem:s30+$0xF690] =	vst v33  }
0x1ea: {  	v40 =	vld [tilespmem:s30+$0x5710];
	[tilespmem:s30+$0xF620] =	vst v34  }
0x1eb: {  	v41 =	vld [tilespmem:s30+$0x5790];
	[tilespmem:s30+$0xF6A0] =	vst v35  }
0x1ec: {  	v42 =	vld [tilespmem:s30+$0x5720];
	[tilespmem:s30+$0xF630] =	vst v36  }
0x1ed: {  	v43 =	vld [tilespmem:s30+$0x57A0];
	[tilespmem:s30+$0xF6B0] =	vst v37  }
0x1ee: {  	v44 =	vld [tilespmem:s30+$0x5730];
	[tilespmem:s30+$0xF700] =	vst v38  }
0x1ef: {  	v45 =	vld [tilespmem:s30+$0x57B0];
	[tilespmem:s30+$0xF780] =	vst v39  }
0x1f0: {  	v46 =	vld [tilespmem:s30+$0x5800];
	[tilespmem:s30+$0xF710] =	vst v40  }
0x1f1: {  	v47 =	vld [tilespmem:s30+$0x5880];
	[tilespmem:s30+$0xF790] =	vst v41  }
0x1f2: {  	v49 =	vld [tilespmem:s30+$0x5890];
	[tilespmem:s30+$0xF720] =	vst v42  }
0x1f3: {  	v51 =	vld [tilespmem:s30+$0x58A0];
	[tilespmem:s30+$0xF7A0] =	vst v43  }
0x1f4: {  	v53 =	vld [tilespmem:s30+$0x58B0];
	[tilespmem:s30+$0xF730] =	vst v44  }
0x1f5: {  	v13 =	vld [tilespmem:s30+$0x5A10];
	[tilespmem:s30+$0xF7B0] =	vst v45  }
0x1f6: {  	v48 =	vld [tilespmem:s30+$0x5810];
	[tilespmem:s30+$0xF800] =	vst v46  }
0x1f7: {  	v62 =	vor.u32 $0x76, v1;
	v55 =	vld [tilespmem:s30+$0x5980];
	[tilespmem:s30+$0xF880] =	vst v47  }
0x1f8: {  	v50 =	vld [tilespmem:s30+$0x5820];
	[tilespmem:s30+$0xF890] =	vst v49  }
0x1f9: {  	v57 =	vld [tilespmem:s30+$0x5990];
	[tilespmem:s30+$0xF8A0] =	vst v51  }
0x1fa: {  	v63 =	vor.u32 $0x77, v1;
	v52 =	vld [tilespmem:s30+$0x5830];
	[tilespmem:s30+$0xF8B0] =	vst v53  }
0x1fb: {  	v59 =	vld [tilespmem:s30+$0x59A0];
	[tilespmem:s30+$0xFA10] =	vst v13  }
0x1fc: {  	v54 =	vld [tilespmem:s30+$0x5900];
	[tilespmem:v62+s21+$0x0] =	vst.idx.msk $0xffff, v58  }
0x1fd: {  	v60 =	vld [tilespmem:s30+$0x5930];
	[tilespmem:s30+$0xF810] =	vst v48  }
0x1fe: {  	v56 =	vld [tilespmem:s30+$0x5910];
	[tilespmem:s30+$0xF980] =	vst v55  }
0x1ff: {  	v61 =	vld [tilespmem:s30+$0x59B0];
	[tilespmem:v63+s21+$0x0] =	vst.idx.msk $0xffff, v3  }
0x200: {  	v16 =	vld [tilespmem:s30+$0x5AA0];
	[tilespmem:s30+$0xF820] =	vst v50  }
0x201: {  	v18 =	vld [tilespmem:s30+$0x5AB0];
	[tilespmem:s30+$0xF990] =	vst v57  }
0x202: {  	v25 =	vld [tilespmem:s30+$0x5B90];
	[tilespmem:s30+$0xF830] =	vst v52  }
0x203: {  	v26 =	vld [tilespmem:s30+$0x5BA0];
	[tilespmem:s30+$0xF9A0] =	vst v59  }
0x204: {  	v27 =	vld [tilespmem:s30+$0x5BB0];
	[tilespmem:s30+$0xF900] =	vst v54  }
0x205: {  	v28 =	vld [tilespmem:s30+$0x5C00];
	[tilespmem:s30+$0xF930] =	vst v60  }
0x206: {  	v29 =	vld [tilespmem:s30+$0x5C10];
	[tilespmem:s30+$0xF910] =	vst v56  }
0x207: {  	v31 =	vld [tilespmem:s30+$0x5C20];
	[tilespmem:s30+$0xF9B0] =	vst v61  }
0x208: {  	v32 =	vld [tilespmem:s30+$0x5C30];
	[tilespmem:s30+$0xFAA0] =	vst v16  }
0x209: {  	v12 =	vor.u32 $0x38, v2;
	v33 =	vld [tilespmem:s30+$0x5C80];
	[tilespmem:s30+$0xFAB0] =	vst v18  }
0x20a: {  	v14 =	vor.u32 $0x39, v2;
	v34 =	vld [tilespmem:s30+$0x5CA0];
	[tilespmem:s30+$0xFB90] =	vst v25  }
0x20b: {  	v15 =	vor.u32 $0x3A, v2;
	v35 =	vld [tilespmem:s30+$0x5CB0];
	[tilespmem:s30+$0xFBA0] =	vst v26  }
0x20c: {  	v17 =	vor.u32 $0x3B, v2;
	v58 =	vld [tilespmem:s30+$0x5920];
	[tilespmem:s30+$0xFBB0] =	vst v27  }
0x20d: {  	v63 =	vld [tilespmem:s30+$0x5A00];
	[tilespmem:s30+$0xFC00] =	vst v28  }
0x20e: {  	v19 =	vor.u32 $0x3D, v2;
	v5 =	vld.idx.msk [tilespmem:v12+s3+$0x0], $0xffff;
	[tilespmem:s30+$0xFC80] =	vst v33  }
0x20f: {  	v20 =	vor.u32 $0x3E, v2;
	v4 =	vld.idx.msk [tilespmem:v14+s3+$0x0], $0xffff;
	[tilespmem:s30+$0xFC10] =	vst v29  }
0x210: {  	v3 =	vor.u32 $0x3C, v2;
	v7 =	vld.idx.msk [tilespmem:v15+s3+$0x0], $0xffff;
	[tilespmem:s30+$0xFC20] =	vst v31  }
0x211: {  	v21 =	vor.u32 $0x78, v1;
	v2 =	vor.u32 $0x3F, v2;
	v8 =	vld.idx.msk [tilespmem:v17+s3+$0x0], $0xffff;
	[tilespmem:s30+$0xFCA0] =	vst v34  }
0x212: {  	v12 =	vld [tilespmem:s30+$0x5A80];
	[tilespmem:s30+$0xFC30] =	vst v32  }
0x213: {  	v22 =	vor.u32 $0x79, v1;
	v6 =	vld.idx.msk [tilespmem:v19+s3+$0x0], $0xffff;
	[tilespmem:s30+$0xFCB0] =	vst v35  }
0x214: {  	v23 =	vor.u32 $0x7A, v1;
	v11 =	vld.idx.msk [tilespmem:v20+s3+$0x0], $0xffff;
	[tilespmem:s30+$0xF920] =	vst v58  }
0x215: {  	v62 =	vor.u32 $0x7B, v1;
	v3 =	vld.idx.msk [tilespmem:v3+s3+$0x0], $0xffff;
	[tilespmem:s30+$0xFA00] =	vst v63  }
0x216: {  	v19 =	vor.u32 $0x7C, v1;
	v2 =	vld.idx.msk [tilespmem:v2+s3+$0x0], $0xffff;
	[tilespmem:v21+s21+$0x0] =	vst.idx.msk $0xffff, v5  }
0x217: {  	v24 =	vor.u32 $0x7D, v1;
	v14 =	vld [tilespmem:s30+$0x5A90];
	[tilespmem:s30+$0xFA80] =	vst v12  }
0x218: {  	v30 =	vor.u32 $0x7E, v1;
	v15 =	vld [tilespmem:s30+$0x5A20];
	[tilespmem:v22+s21+$0x0] =	vst.idx.msk $0xffff, v4  }
0x219: {  	v17 =	vld [tilespmem:s30+$0x5A30];
	v1 =	vor.u32 $0x7F, v1;
	[tilespmem:v23+s21+$0x0] =	vst.idx.msk $0xffff, v7  }
0x21a: {  	v20 =	vld [tilespmem:s30+$0x5B00];
	[tilespmem:v62+s21+$0x0] =	vst.idx.msk $0xffff, v8  }
0x21b: {  	v21 =	vld [tilespmem:s30+$0x5B10];
	[tilespmem:v19+s21+$0x0] =	vst.idx.msk $0xffff, v3  }
0x21c: {  	v3 =	vld [tilespmem:s30+$0x5B30];
	[tilespmem:v24+s21+$0x0] =	vst.idx.msk $0xffff, v6  }
0x21d: {  	v22 =	vld [tilespmem:s30+$0x5B80];
	[tilespmem:v30+s21+$0x0] =	vst.idx.msk $0xffff, v11  }
0x21e: {  	s0 =	sshll.u32 s29, $0x7;
	v23 =	vld [tilespmem:s30+$0x5B20];
	[tilespmem:v1+s21+$0x0] =	vst.idx.msk $0xffff, v2  }
0x21f: {  	[tilespmem:s30+$0xFA90] =	vst v14;
	v1 =	vld [tilespmem:s0+$0x5500]  }
0x220: {  	[tilespmem:s30+$0xFA20] =	vst v15;
	v2 =	vld [tilespmem:s0+$0x5510]  }
0x221: {  	[tilespmem:s30+$0xFB30] =	vst v3;
	v3 =	vld [tilespmem:s30+$0x5C90]  }
0x222: {  	[tilespmem:s30+$0xFA30] =	vst v17;
	v36 =	vld [tilespmem:s0+$0x5520]  }
0x223: {  	[tilespmem:s30+$0xFB00] =	vst v20;
	v37 =	vld [tilespmem:s0+$0x5530]  }
0x224: {  	[tilespmem:s30+$0xFB10] =	vst v21;
	v38 =	vld [tilespmem:s30+$0x5D90]  }
0x225: {  	[tilespmem:s30+$0xFB80] =	vst v22;
	v39 =	vld [tilespmem:s30+$0x5DA0]  }
0x226: {  	v40 =	vld [tilespmem:s30+$0x5DB0];
	[tilespmem:s30+$0xFC90] =	vst v3  }
0x227: {  	v3 =	vld [tilespmem:s30+$0x5D80];
	[tilespmem:s0+$0xF500] =	vst v1  }
0x228: {  	[tilespmem:s0+$0xF510] =	vst v2  }
0x229: {  	[tilespmem:s0+$0xF520] =	vst v36  }
0x22a: {  	[tilespmem:s0+$0xF530] =	vst v37  }
0x22b: {  	[tilespmem:s30+$0xFB20] =	vst v23;
	v1 =	vld [tilespmem:s30+$0x5E00]  }
0x22c: {  	[tilespmem:s30+$0xFD90] =	vst v38;
	v2 =	vld [tilespmem:s30+$0x5E80]  }
0x22d: {  	[tilespmem:s30+$0xFDA0] =	vst v39;
	v4 =	vld [tilespmem:s30+$0x5E90]  }
0x22e: {  	[tilespmem:s30+$0xFDB0] =	vst v40;
	v41 =	vld [tilespmem:s30+$0x5E20]  }
0x22f: {  	v42 =	vld [tilespmem:s30+$0x5EA0];
	[tilespmem:s30+$0xFD80] =	vst v3  }
0x230: {  	v43 =	vld [tilespmem:s30+$0x5F80];
	[tilespmem:s30+$0xFE00] =	vst v1  }
0x231: {  	v44 =	vld [tilespmem:s30+$0x5F10];
	[tilespmem:s30+$0xFE80] =	vst v2  }
0x232: {  	v45 =	vld [tilespmem:s30+$0x5FA0];
	[tilespmem:s30+$0xFE90] =	vst v4  }
0x233: {  	v3 =	vld [tilespmem:s30+$0x5E10];
	[tilespmem:s30+$0xFE20] =	vst v41  }
0x234: {  	v1 =	vld [tilespmem:s30+$0x5E30];
	[tilespmem:s30+$0xFEA0] =	vst v42  }
0x235: {  	v2 =	vld [tilespmem:s30+$0x5EB0];
	[tilespmem:s30+$0xFF80] =	vst v43  }
0x236: {  	v46 =	vld [tilespmem:s30+$0x5FB0];
	[tilespmem:s30+$0xFF10] =	vst v44  }
0x237: {  	v47 =	vld [tilespmem:s30+$0x6010];
	[tilespmem:s30+$0xFFA0] =	vst v45  }
0x238: {  	[tilespmem:s30+$0xFE10] =	vst v3;
	v3 =	vld [tilespmem:s30+$0x5F00]  }
0x239: {  	[tilespmem:s30+$0xFE30] =	vst v1;
	v1 =	vld [tilespmem:s30+$0x5F90]  }
0x23a: {  	[tilespmem:s30+$0xFEB0] =	vst v2;
	v2 =	vld [tilespmem:s30+$0x5F20]  }
0x23b: {  	v48 =	vld [tilespmem:s30+$0x6020];
	[tilespmem:s30+$0xFFB0] =	vst v46  }
0x23c: {  	v49 =	vld [tilespmem:s30+$0x60A0];
	[tilespmem:s30+$0x10010] =	vst v47  }
0x23d: {  	[tilespmem:s30+$0xFF00] =	vst v3;
	v3 =	vld [tilespmem:s30+$0x5F30]  }
0x23e: {  	[tilespmem:s30+$0xFF90] =	vst v1;
	v1 =	vld [tilespmem:s30+$0x6000]  }
0x23f: {  	[tilespmem:s30+$0xFF20] =	vst v2;
	v2 =	vld [tilespmem:s30+$0x6080]  }
0x240: {  	v50 =	vld [tilespmem:s30+$0x6180];
	[tilespmem:s30+$0x10020] =	vst v48  }
0x241: {  	v51 =	vld [tilespmem:s30+$0x6110];
	[tilespmem:s30+$0x100A0] =	vst v49  }
0x242: {  	[tilespmem:s30+$0xFF30] =	vst v3;
	v3 =	vld [tilespmem:s30+$0x6090]  }
0x243: {  	[tilespmem:s30+$0x10000] =	vst v1;
	v1 =	vld [tilespmem:s30+$0x6030]  }
0x244: {  	[tilespmem:s30+$0x10080] =	vst v2;
	v2 =	vld [tilespmem:s30+$0x60B0]  }
0x245: {  	v52 =	vld [tilespmem:s30+$0x61A0];
	[tilespmem:s30+$0x10180] =	vst v50  }
0x246: {  	v53 =	vld [tilespmem:s30+$0x61B0];
	[tilespmem:s30+$0x10110] =	vst v51  }
0x247: {  	[tilespmem:s30+$0x10090] =	vst v3;
	v3 =	vld [tilespmem:s30+$0x6100]  }
0x248: {  	[tilespmem:s30+$0x10030] =	vst v1;
	v1 =	vld [tilespmem:s30+$0x6190]  }
0x249: {  	[tilespmem:s30+$0x100B0] =	vst v2;
	v2 =	vld [tilespmem:s30+$0x6120]  }
0x24a: {  	v54 =	vld [tilespmem:s30+$0x6210];
	[tilespmem:s30+$0x101A0] =	vst v52  }
0x24b: {  	v55 =	vld [tilespmem:s30+$0x6220];
	[tilespmem:s30+$0x101B0] =	vst v53  }
0x24c: {  	[tilespmem:s30+$0x10100] =	vst v3;
	v3 =	vld [tilespmem:s30+$0x6130]  }
0x24d: {  	[tilespmem:s30+$0x10190] =	vst v1;
	v1 =	vld [tilespmem:s30+$0x6200]  }
0x24e: {  	[tilespmem:s30+$0x10120] =	vst v2;
	v2 =	vld [tilespmem:s30+$0x6280]  }
0x24f: {  	v56 =	vld [tilespmem:s30+$0x62A0];
	[tilespmem:s30+$0x10210] =	vst v54  }
0x250: {  	v57 =	vld [tilespmem:s30+$0x6380];
	[tilespmem:s30+$0x10220] =	vst v55  }
0x251: {  	[tilespmem:s30+$0x10130] =	vst v3;
	v3 =	vld [tilespmem:s30+$0x6290]  }
0x252: {  	[tilespmem:s30+$0x10200] =	vst v1;
	v1 =	vld [tilespmem:s30+$0x6230]  }
0x253: {  	[tilespmem:s30+$0x10280] =	vst v2;
	v2 =	vld [tilespmem:s30+$0x62B0]  }
0x254: {  	v58 =	vld [tilespmem:s30+$0x6310];
	[tilespmem:s30+$0x102A0] =	vst v56  }
0x255: {  	v59 =	vld [tilespmem:s30+$0x63A0];
	[tilespmem:s30+$0x10380] =	vst v57  }
0x256: {  	[tilespmem:s30+$0x10290] =	vst v3;
	v3 =	vld [tilespmem:s30+$0x6300]  }
0x257: {  	[tilespmem:s30+$0x10230] =	vst v1;
	v1 =	vld [tilespmem:s30+$0x6390]  }
0x258: {  	[tilespmem:s30+$0x102B0] =	vst v2;
	v2 =	vld [tilespmem:s30+$0x6320]  }
0x259: {  	v60 =	vld [tilespmem:s30+$0x63B0];
	[tilespmem:s30+$0x10310] =	vst v58  }
0x25a: {  	v61 =	vld [tilespmem:s30+$0x6410];
	[tilespmem:s30+$0x103A0] =	vst v59  }
0x25b: {  	[tilespmem:s30+$0x10300] =	vst v3;
	v3 =	vld [tilespmem:s30+$0x6330]  }
0x25c: {  	[tilespmem:s30+$0x10390] =	vst v1;
	v1 =	vld [tilespmem:s30+$0x6400]  }
0x25d: {  	[tilespmem:s30+$0x10320] =	vst v2;
	v2 =	vld [tilespmem:s30+$0x6480]  }
0x25e: {  	v62 =	vld [tilespmem:s30+$0x6420];
	[tilespmem:s30+$0x103B0] =	vst v60  }
0x25f: {  	v63 =	vld [tilespmem:s30+$0x64A0];
	[tilespmem:s30+$0x10410] =	vst v61  }
0x260: {  	[tilespmem:s30+$0x10330] =	vst v3;
	v3 =	vld [tilespmem:s30+$0x6490]  }
0x261: {  	[tilespmem:s30+$0x10400] =	vst v1;
	v1 =	vld [tilespmem:s30+$0x6430]  }
0x262: {  	p0 =	slt.u32 s28, $0x8;
	[tilespmem:s30+$0x10480] =	vst v2;
	v2 =	vld [tilespmem:s30+$0x64B0]  }
.Ltmp1:
0x263: {  	[tilespmem:s30+$0x10420] =	vst v62;
	(pc) =	sbr.rel @p0 .LBB2_5-.Ltmp1, $4  }
0x264: {  	[tilespmem:s30+$0x104A0] =	vst v63  }
0x265: {  	[tilespmem:s30+$0x10490] =	vst v3  }
0x266: {  	s31 =	sadd.s32 $0x2, s28;
	[tilespmem:s30+$0x10430] =	vst v1  }
0x267: {  	s28 =	smov.u32 s31;
	[tilespmem:s30+$0x104B0] =	vst v2  }
0x268: {  	p0 =	sne.s32 s25, $0x50  }
.Ltmp2:
0x269: {  	_ = 	snop;
	(pc) =	sbr.rel @p0 .LBB2_2-.Ltmp2, $3  }
0x26a: {  	_ =	sdelay $0x1  }
0x26b: {  	s0 =	sadd.s32 s7, s26  }
0x26c: {  	[hbm4b:s0+s3] =	stream.linear.scatter [tilespmem:s21], [sflag:$0x4], $0x5000, $0x38;
	[tilespmem:$0x14500] =	vst v63  }
0x26d: {  	s24 =	sadd.s32 $0x1, s24  }
0x26e: {  	_ =	swait.ge [sflag:s22], $0x5000;
	p0 =	sne.s32 s24, s12  }
.Ltmp3:
0x26f: {  	[sflag:s22] =	ssyncset.done $0x0;
	(pc) =	sbr.rel @p0 .LBB2_1-.Ltmp3, $4  }
0x270: {  	[sflag:s22] =	ssyncadd.s32 $0xFFFFB000  }
0x271: {  	_ =	swait.ge [sflag:s23], $0x5000  }
0x272: {  	[sflag:s23] =	ssyncset.done $0x0  }
0x273: {  	[sflag:s23] =	ssyncadd.s32 $0xFFFFB000  }
0x274: {  	_ =	sfence.sel $0x180000  }
0x275: {  	[bflag:$0x0] =	sbarrier.arrive $0xFFFF  }
0x276: {  	_ =	strace $0x90000047  }
0x277: {  	[bflag:$0x2] =	sbarrier.arrive $0xFFFF  }
0x278: {  	p0 =	sne.s32 s1, $0x0;
	s0 =	rddreg [dreg:$0x2]  }
0x279: {  	s0 =	sadd.s32 @!p0 $0x100000, s0  }
0x27a: {  	[sflag:s0] =	ssyncadd.tile.s32 @!p0 $0x1;
	_ =	shalt  }
.Lfunc_end2:
_tile_overlayer_lowered:
.L_overlay_start_2:
0x27b: {  	(tag) =	ssettag $0x2  }
0x27c: {  	s0 =	rddreg [dreg:$0x0];
	s2 =	stileid.u32  }
0x27d: {  	s1 =	rddreg [dreg:$0x1];
	p0 =	sne.s32 s2, $0x0  }
0x27e: {  	s3 =	rddreg [dreg:$0x2];
	[bflag:$0x3] =	sbarrier.arrive $0xFFFF;
	s2 =	simm.s32 @!p0 $0x1C05  }
0x27f: {  	[timem:s3], [sflag:s2] =	dma.local @!p0 [hbm:s0], s1  }
0x280: {  	s0 =	simm.s32 @!p0 $0x5  }
0x281: {  	_ =	swait.ge @!p0 [sflag:s0], s1  }
0x282: {  	s1 =	ssub.s32 @!p0 $0x0, s1;
	[sflag:s0] =	ssyncset.done @!p0 $0x0  }
0x283: {  	[sflag:s0] =	ssyncadd.s32 @!p0 s1  }
0x284: {  	[bflag:$0x3] =	sbarrier.arrive $0xFFFF  }
0x285: {  	_ =	shalt  }

// kernel: sparse-core-data-format-call.cloned.1.call-start
scs
called_computation_lowered:
.L_overlay_start_0:
0x0: {  	s2 =	sld [smem:$0x3FD9]  }
0x1: {  	s3 =	sld [smem:$0x3FFE];
	_ =	sdelay $0x1  }
0x2: {  	s1 =	srdreg.scid  }
0x3: {  	s0 =	sand.u32 $0x1, s1  }
0x4: {  	s18 =	sshll.u32 s0, $0xA;
	s2 =	sadd.s32 s3, s2  }
0x5: {  	s2 =	sadd.s32 s2, s18  }
0x6: {  	[smem:$0x3FC5] =	sst s2  }
0x7: {  	_ = 	snop  }
0x8: {  	s2 =	sld [smem:$0x3FD0];
	(tm) =	ssettm $0x1  }
0x9: {  	s19 =	sld [smem:$0x3FFB];
	_ =	sdelay $0x3  }
0xa: {  	_ =	strace s19  }
0xb: {  	s3 =	sld [smem:$0x3FFC];
	_ =	sdelay $0x3  }
0xc: {  	_ =	strace s3  }
0xd: {  	s3 =	sld [smem:$0x3FFD];
	_ =	sdelay $0x3  }
0xe: {  	_ =	strace s3  }
0xf: {  	_ =	strace $0x8FFFFFFF  }
0x10: {  	s20 =	sld [smem:$0x3FDB];
	_ =	sdelay $0x1  }
0x11: {  	s4 =	simm.s32 $_scs_section_size  }
0x12: {  	s5 =	simm.s32 $_size__tile_overlayer_lowered;
	s6 =	simm.s32 $_tile_overlayer_lowered  }
0x13: {  	s23 =	simm.s32 $0x1BFF;
	s22 =	sshll.u32 s6, $0x1;
	s3 =	sadd.s32 s4, s20  }
0x14: {  	s7 =	simm.s32 $0x0;
	s21 =	sshll.u32 s5, $0x1;
	s5 =	sadd.s32 s22, s3  }
0x15: {  	[timem:s7], [sflag:s23] =	dma.local [hbm:s5], s21  }
0x16: {  	_ =	swait.ge [sflag:s23], s21  }
0x17: {  	s4 =	ssub.s32 $0x0, s21;
	[sflag:s23] =	ssyncset.done $0x0  }
0x18: {  	[sflag:s23] =	ssyncadd.s32 s4;
	_ =	sdelay $0x1  }
0x19: {  	s24 =	simm.s32 $0x1B8B  }
0x1a: {  	_ =	swait.ge [sflag:s24], $0x1  }
0x1b: {  	[sflag:s24] =	ssyncset.done $0x0  }
0x1c: {  	s26 =	simm.s32 $0x1B8E;
	s25 =	sld [smem:$0x3FFE];
	[sflag:s24] =	ssyncadd.s32 $0xFFFFFFFF  }
0x1d: {  	s27 =	simm.s32 $execute0_lowered;
	[smem:$0x3FD2] =	sst s26  }
0x1e: {  	s5 =	sshll.u32 s27, $0x1;
	_ =	strace $0x80000049;
	[dreg:$0x1] =	wrdreg $0xFFFFFFFF  }
0x1f: {  	s28 =	simm.s32 $_size_execute0_lowered;
	s3 =	sadd.s32 s3, s5;
	[dreg:$0x0] =	wrdreg $0x0  }
0x20: {  	s5 =	sshll.u32 s28, $0x1;
	[dreg:$0x2] =	wrdreg s3  }
0x21: {  	[dreg:$0x3] =	wrdreg s5  }
0x22: {  	[dreg:$0x4] =	wrdreg $0xC0  }
0x23: {  	_ =	task [dreg:s7], $0x5FFFF  }
0x24: {  	[dreg:$0x1] =	wrdreg $0xFFFFFFFF  }
0x25: {  	[dreg:$0x0] =	wrdreg $0x60  }
0x26: {  	[dreg:$0x2] =	wrdreg s25  }
0x27: {  	[dreg:$0x3] =	wrdreg s2  }
0x28: {  	[dreg:$0x4] =	wrdreg $0x9  }
0x29: {  	_ =	task.clear_ibuf [dreg:s7], $0x5FFFF;
	_ =	strace $0x90000049  }
0x2a: {  	s29 =	simm.s32 $0x9;
	_ =	strace $0x8000004B  }
0x2b: {  	_ =	swait.ge [sflag:s29], $0x1  }
0x2c: {  	[sflag:s29] =	ssyncadd.s32 $0xFFFFFFFF  }
0x2d: {  	_ =	strace $0x9000004B  }
0x2e: {  	_ =	sfence  }
0x2f: {  	s30 =	sld [smem:$0x0];
	_ =	sdelay $0x2  }
0x30: {  	s31 =	sshll.u32 s1, $0xD;
	s1 =	sshrl.u32 s1, $0x2  }
0x31: {  	s3 =	sand.u32 $0x4000, s31;
	s1 =	sadd.s32 s1, s30  }
0x32: {  	s0 =	sor.u32 s3, s0;
	s1 =	sshll.u32 s1, $0x11  }
0x33: {  	s0 =	sor.u32 s1, s0  }
0x34: {  	s0 =	sadd.s32 $0x8F2B, s0  }
0x35: {  	[sflag:s0] =	ssyncadd.remote.s32 $0x1  }
0x36: {  	_ =	sfence.sel $0xFFFF  }
0x37: {  	[dreg:$0x0] =	wrdreg $0xFFFFFFFF;
	(pc) =	sbr.abs _section_cstart, $3  }
0x38: {  	[dreg:$0x1] =	wrdreg $0xFFFFFFFF  }
0x39: {  	_ =	task.clear_ibuf [dreg:s7], $0x2FFFF;
	_ =	strace $0x9FFFFFFF  }
0x3a: {  	(tm) =	ssettm $0x7FFFFFFF  }
0x3b: {  	_ =	shalt  }
tec
execute0_lowered:
.L_overlay_start_1:
0x0: {  	(tag) =	ssettag $0x1  }
0x1: {  	s0 =	srdreg.scid  }
0x2: {  	s1 =	sshll.u32 s0, $0x4  }
0x3: {  	s0 =	stileid.u32;
	s1 =	sand.u32 $0x10, s1  }
0x4: {  	s1 =	sor.u32 s0, s1  }
0x5: {  	s6 =	rddreg [dreg:$0x0];
	s4 =	simm.s32 $0x1;
	s2 =	sshll.u32 s1, $0x7  }
0x6: {  	s7 =	simm.s32 $0x2;
	s12 =	simm.s32 $0x0;
	s1 =	ssub.s32 $0x1000, s2  }
0x7: {  	s8 =	simm.s32 $0x8000;
	s13 =	simm.s32 $0x0;
	s3 =	sand.u32 $0xF80, s1  }
0x8: {  	s9 =	simm.s32 $0x0;
	s5 =	sshrl.u32 s1, $0xC;
	p0 =	sne.s32 s3, $0x0  }
.Ltmp0:
0x9: {  	s1 =	rddreg [dreg:$0x2];
	s4 =	simm.s32 @!p0 $0x0;
	(pc) =	sbr.rel .LBB1_1-.Ltmp0, $4  }
0xa: {  	s11 =	simm.s32 $0x0;
	s3 =	rddreg [dreg:$0x1];
	s5 =	sadd.s32 s4, s5  }
0xb: {  	_ =	strace $0x8000004A;
	s4 =	simm.s32 $0x1;
	s5 =	smul.u32 $0x190, s5  }
0xc: {  	s6 =	sadd.s32 $0xC99A00, s6;
	s10 =	smov.u32 s2;
	[sflag:s4] =	ssyncpa.u1 $0x0  }
0xd: {  	p0 =	por $0x0, $0x0;
	[sflag:s7] =	ssyncpa.u1 $0x0;
	s7 =	sor.u32 $0x1, s5  }
.LBB1_4:
0xe: {  	s16 =	sshll.u32 s13, $0x3;
	s17 =	sand.u32 $0x78, s13  }
0xf: {  	s30 =	sand.u32 $0x7E00, s13;
	s12 =	sshll.u32 s12, $0xF;
	s16 =	sand.u32 $0xC00, s16  }
0x10: {  	[tilespmem:s15+$0x810 ss:$0x81] =	vst.msk $0xffff, v2;
	s31 =	sand.u32 $0x7, s13;
	s16 =	sor.u32 s17, s16;
	s17 =	sadd.s32 s3, s30  }
0x11: {  	[tilespmem:s15+$0x1020 ss:$0x81] =	vst.msk $0xffff, v0;
	s13 =	sshll.u32 s31, $0x12;
	s12 =	sadd.s32 s12, s17;
	s16 =	sshrl.u32 s16, $0x3  }
0x12: {  	[tilespmem:s15+$0x0 ss:$0x81] =	vst.msk $0xffff, v1;
	s13 =	sor.u32 $0x400, s13;
	s12 =	sadd.s32 s16, s12  }
0x13: {  	[hbm4b:s12+s13] =	stream.strided.scatter [tilespmem:s14], [sflag:$0x2], $0x2000, s8, s13, $0x20;
	[tilespmem:$0x8080] =	vst v63  }
.LBB1_5:
0x14: {  	s14 =	sadd.s32 $0x1, s9  }
0x15: {  	s12 =	sadd.s32 $0x1000, s10;
	s16 =	smov.u32 s10;
	p2 =	sgt.s32 s14, $0x18F  }
0x16: {  	s16 =	smov.u32 @p2 s12  }
0x17: {  	s14 =	simm.s32 @p2 $0x0;
	p2 =	sgt.s32 s16, $0xFFF  }
0x18: {  	s16 =	smov.u32 @p2 s2;
	p2 =	sne.s32 s11, s7  }
.Ltmp1:
0x19: {  	p1 =	slt.u32 s11, $0x2;
	(pc) =	sbr.rel @!p2 .LBB1_6-.Ltmp1, $4  }
0x1a: {  	s15 =	simm.s32 @!p1 $0x2  }
0x1b: {  	s13 =	smov.u32 s10;
	p0 =	por !p0, !p0;
	_ =	swait.ge @!p1 [sflag:s15], $0x2000  }
0x1c: {  	s12 =	smov.u32 s9;
	[sflag:s15] =	ssyncset.done @!p1 $0x0;
	s9 =	smov.u32 s14  }
0x1d: {  	s11 =	sadd.s32 $0x1, s11;
	[sflag:s15] =	ssyncadd.s32 @!p1 $0xFFFFE000;
	s10 =	smov.u32 s16  }
.LBB1_1:
0x1e: {  	p1 =	sge.u32 s11, s5  }
0x1f: {  	s14 =	sand.u32 @!p1 $0x1FFFFFF, s9  }
0x20: {  	s15 =	smulhi.u32 @!p1 $0x147AE15, s14;
	_ =	sdelay $0x1  }
0x21: {  	s15 =	sshrl.u32 @!p1 s15, $0x1  }
0x22: {  	s15 =	smul.u32 @!p1 $0x190, s15  }
0x23: {  	s16 =	sxor.u32 @!p1 $0xFFFFFFFF, s11;
	s17 =	smul.u32 @!p1 $0x1900, s10  }
0x24: {  	s31 =	sadd.s32 $0xFFFFFFFF, s11;
	s16 =	sshll.u32 @!p1 s16, $0xD;
	s14 =	ssub.s32 @!p1 s14, s15  }
0x25: {  	s15 =	sand.u32 @!p1 $0x2000, s16;
	s16 =	sadd.s32 @!p1 s6, s17;
	s14 =	sshll.u32 @!p1 s14, $0x4  }
0x26: {  	s17 =	simm.s32 @!p1 $0xC800;
	s14 =	sadd.s32 @!p1 s14, s16;
	s16 =	simm.s32 @!p1 $0x40  }
0x27: {  	[tilespmem:s15], [sflag:$0x1] =	stream.strided.gather @!p1 [hbm4b:s14+s16], $0x2000, s17, s16, $0x38;
	[tilespmem:$0x8080] =	vst v63  }
0x28: {  	p1 =	sge.u32 s31, s5  }
.Ltmp2:
0x29: {  	_ = 	snop;
	(pc) =	sbr.rel @p1 .LBB1_5-.Ltmp2, $1  }
0x2a: {  	_ =	sdelay $0x3  }
0x2b: {  	s14 =	simm.s32 $0x1  }
0x2c: {  	_ =	swait.ge [sflag:s4], $0x2000;
	s14 =	simm.s32 @!p0 $0x0  }
0x2d: {  	[sflag:s4] =	ssyncset.done $0x0;
	s15 =	sshll.u32 s14, $0xD  }
0x2e: {  	[sflag:s4] =	ssyncadd.s32 $0xFFFFE000;
	s18 =	sor.u32 $0x20, s15  }
0x2f: {  	s14 =	smul.u32 $0x8100, s14;
	v3 =	vld [tilespmem:s18+$0x10]  }
0x30: {  	s30 =	sand.u32 $0x1, s11;
	v2 =	vld [tilespmem:s18+$0xFFFFFFF0]  }
0x31: {  	s15 =	smul.u32 $0x8100, s30;
	s14 =	sshrl.u32 s14, $0x2;
	v0 =	vld [tilespmem:s18+$0x0]  }
0x32: {  	v1 =	vld [tilespmem:s18+$0xFFFFFFE0];
	s16 =	sor.u32 $0x4000, s14  }
0x33: {  	s31 =	sshrl.u32 s15, $0x2;
	s15 =	sadd.s32 $0x0, s16  }
0x34: {  	s17 =	simm.s32 $0x4;
	s18 =	sadd.s32 $0x40, s18;
	s14 =	sor.u32 $0x4000, s31;
	[tilespmem:s15+$0x1830 ss:$0x81] =	vst.msk $0xffff, v3  }
.LBB1_3:
0x35: {  	v3 =	vld [tilespmem:s18+$0x10];
	p1 =	sne.s32 s17, $0x1FC;
	[tilespmem:s15+$0x810 ss:$0x81] =	vst.msk $0xffff, v2;
	s19 =	smov.u32 s17;
	s17 =	sadd.s32 $0x4, s17  }
.Ltmp3:
0x36: {  	v2 =	vld [tilespmem:s18+$0xFFFFFFF0];
	[tilespmem:s15+$0x1020 ss:$0x81] =	vst.msk $0xffff, v0;
	(pc) =	sbr.rel @p1 .LBB1_3-.Ltmp3, $4  }
0x37: {  	v0 =	vld [tilespmem:s18+$0x0];
	[tilespmem:s15+$0x0 ss:$0x81] =	vst.msk $0xffff, v1  }
0x38: {  	s15 =	sshra.s32 s19, $0x2;
	v1 =	vld [tilespmem:s18+$0xFFFFFFE0]  }
0x39: {  	s15 =	sadd.s32 s15, s16  }
0x3a: {  	s18 =	sadd.s32 $0x40, s18;
	[tilespmem:s15+$0x1830 ss:$0x81] =	vst.msk $0xffff, v3  }
.Ltmp4:
0x3b: {  	_ = 	snop;
	(pc) =	sbr.rel .LBB1_4-.Ltmp4, $1  }
0x3c: {  	_ =	sdelay $0x3  }
.LBB1_6:
0x3d: {  	_ =	sfence.sel $0x180000  }
0x3e: {  	s2 =	simm.s32 $0x1;
	[bflag:$0x0] =	sbarrier.arrive $0xFFFF  }
0x3f: {  	s31 =	simm.s32 $0x2;
	[sflag:s2] =	ssyncpa.u1 $0x1  }
0x40: {  	[sflag:s31] =	ssyncpa.u1 $0x1  }
0x41: {  	p0 =	sne.s32 s0, $0x0;
	_ =	strace $0x9000004A  }
0x42: {  	s0 =	sadd.s32 @!p0 $0x100000, s1;
	[bflag:$0x2] =	sbarrier.arrive $0xFFFF  }
0x43: {  	[sflag:s0] =	ssyncadd.tile.s32 @!p0 $0x1;
	_ =	shalt  }
.Lfunc_end1:
_tile_overlayer_lowered:
.L_overlay_start_2:
0x44: {  	(tag) =	ssettag $0x2  }
0x45: {  	s0 =	rddreg [dreg:$0x0];
	s2 =	stileid.u32  }
0x46: {  	s1 =	rddreg [dreg:$0x1];
	p0 =	sne.s32 s2, $0x0  }
0x47: {  	s3 =	rddreg [dreg:$0x2];
	[bflag:$0x3] =	sbarrier.arrive $0xFFFF;
	s2 =	simm.s32 @!p0 $0x1C01  }
0x48: {  	[timem:s3], [sflag:s2] =	dma.local @!p0 [hbm:s0], s1  }
0x49: {  	s0 =	simm.s32 @!p0 $0x1  }
0x4a: {  	_ =	swait.ge @!p0 [sflag:s0], s1  }
0x4b: {  	s1 =	ssub.s32 @!p0 $0x0, s1;
	[sflag:s0] =	ssyncset.done @!p0 $0x0  }
0x4c: {  	[sflag:s0] =	ssyncadd.s32 @!p0 s1  }
0x4d: {  	[bflag:$0x3] =	sbarrier.arrive $0xFFFF  }
0x4e: {  	_ =	shalt  }

</sc_bundles>
